<compile_context>
chip_gen: v7x
topology: tpu7x:2x2x1
jax: 0.10.2.dev20260603
libtpu: 0.0.44.dev20260713+nightly
codegen_flags: <defaults>
</compile_context>

<pallas_src>
import functools

import jax
import jax.numpy as jnp
from jax import lax
from jax.experimental import pallas as pl
from jax.experimental.pallas import tpu as pltpu
from jax.experimental.pallas import tpu_sc as plsc

NP = 10240
D_FEAT = 256
D_OUT = 16
WIN = 128
NC = 2
NS = 16
NW = NC * NS
WPS = 40
E_TILE = NW * WPS * WIN
ROWS_PER_SUB = NP // NS

_mesh = plsc.VectorSubcoreMesh(core_axis_name="c", subcore_axis_name="s")
_sc_params = pltpu.CompilerParams(use_tc_tiling_on_sc=False)


_MM_BLK = 1280


def _mm_scale_body(n, x_ref, w_ref, degt_ref, g_ref, dinv_ref):
    i = pl.program_id(0)
    h = lax.dot_general(
        x_ref[:, :], w_ref[:, :], (((1,), (0,)), ((), ())),
        precision=lax.Precision.HIGHEST, preferred_element_type=jnp.float32)
    row = i * _MM_BLK + lax.broadcasted_iota(jnp.int32, (_MM_BLK, 1), 0)
    h = jnp.where(row < n, h, 0.0)
    deg = degt_ref[:, 0:1] + degt_ref[:, 1:2] + 1.0
    dinv = lax.rsqrt(deg)
    dinv_ref[:, :] = dinv
    g_ref[:, :] = h * dinv


def _mm_scale(n, x, W, degt):
    return pl.pallas_call(
        functools.partial(_mm_scale_body, n),
        grid=(NP // _MM_BLK,),
        in_specs=[
            pl.BlockSpec((_MM_BLK, D_FEAT), lambda i: (i, 0)),
            pl.BlockSpec((D_FEAT, D_OUT), lambda i: (0, 0)),
            pl.BlockSpec((_MM_BLK, 2), lambda i: (i, 0)),
        ],
        out_specs=[
            pl.BlockSpec((_MM_BLK, D_OUT), lambda i: (i, 0)),
            pl.BlockSpec((_MM_BLK, 1), lambda i: (i, 0)),
        ],
        out_shape=[
            jax.ShapeDtypeStruct((NP, D_OUT), jnp.float32),
            jax.ShapeDtypeStruct((NP, 1), jnp.float32),
        ],
    )(x, W, degt)


def _deg_body(nwps, dst_hbm, degp_hbm, deg_sh, idx_v, ones_v, zero_v,
              sem_i, sem_w):
    cid = lax.axis_index("c")
    sid = lax.axis_index("s")
    wid = cid * NS + sid

    fetch = pltpu.async_copy(dst_hbm.at[pl.ds(wid * nwps, nwps), :], idx_v,
                             sem_i)

    @pl.loop(0, ROWS_PER_SUB, step=16)
    def _(i):
        zero_v[pl.ds(i, 16)] = jnp.zeros((16,), jnp.float32)

    @pl.loop(0, WIN, step=16)
    def _(i):
        ones_v[pl.ds(i, 16)] = jnp.ones((16,), jnp.float32)

    pltpu.sync_copy(zero_v, deg_sh.at[pl.ds(sid * ROWS_PER_SUB, ROWS_PER_SUB)])
    fetch.wait()
    plsc.subcore_barrier()

    for grp in range(0, nwps, 4):
        whs = [
            pltpu.async_copy(ones_v, deg_sh.at[idx_v.at[grp + k]], sem_w,
                             add=True)
            for k in range(min(4, nwps - grp))
        ]
        for hnd in whs:
            hnd.wait()

    plsc.subcore_barrier()
    sl = pl.ds(sid * ROWS_PER_SUB, ROWS_PER_SUB)
    pltpu.sync_copy(deg_sh.at[sl], degp_hbm.at[cid, sl])


def _degrees(dst2d):
    nwps = dst2d.shape[0] // NW
    kern = pl.kernel(
        functools.partial(_deg_body, nwps),
        out_type=jax.ShapeDtypeStruct((NC, NP), jnp.float32),
        mesh=_mesh,
        scratch_types=[
            pltpu.VMEM_SHARED((NP,), jnp.float32),
            pltpu.VMEM((nwps, WIN), jnp.int32),
            pltpu.VMEM((WIN,), jnp.float32),
            pltpu.VMEM((ROWS_PER_SUB,), jnp.float32),
            pltpu.SemaphoreType.DMA,
            pltpu.SemaphoreType.DMA,
        ],
        compiler_params=_sc_params,
    )
    return kern(dst2d)


def _agg_body(nwps, src_hbm, dst_hbm, g_hbm, accp_hbm,
              acc_sh, sidx_v, didx_v, rbuf, zb_v,
              sem_i, sem_j, sem_g0, sem_s0):
    cid = lax.axis_index("c")
    sid = lax.axis_index("s")
    wid = cid * NS + sid

    fs = pltpu.async_copy(src_hbm.at[pl.ds(wid * nwps, nwps), :], sidx_v, sem_i)
    fd = pltpu.async_copy(dst_hbm.at[pl.ds(wid * nwps, nwps), :], didx_v, sem_j)

    @pl.loop(0, WIN)
    def _(i):
        zb_v[i, :] = jnp.zeros((16,), jnp.float32)

    for k in range(ROWS_PER_SUB // WIN):
        pltpu.sync_copy(zb_v, acc_sh.at[pl.ds(sid * ROWS_PER_SUB + k * WIN, WIN)])
    fs.wait()
    fd.wait()
    plsc.subcore_barrier()

    for grp in range(0, nwps, 8):
        cnt = min(8, nwps - grp)
        ghs = [
            pltpu.async_copy(g_hbm.at[sidx_v.at[grp + k]], rbuf.at[k], sem_g0)
            for k in range(cnt)
        ]
        for hnd in ghs:
            hnd.wait()
        for sg in range(0, cnt, 4):
            shs = [
                pltpu.async_copy(rbuf.at[sg + k], acc_sh.at[didx_v.at[grp + sg + k]],
                                 sem_s0, add=True)
                for k in range(min(4, cnt - sg))
            ]
            for hnd in shs:
                hnd.wait()

    plsc.subcore_barrier()
    sl = pl.ds(sid * ROWS_PER_SUB, ROWS_PER_SUB)
    pltpu.sync_copy(acc_sh.at[sl], accp_hbm.at[cid, sl])


def _aggregate(src2d, dst2d, g):
    nwps = src2d.shape[0] // NW
    kern = pl.kernel(
        functools.partial(_agg_body, nwps),
        out_type=jax.ShapeDtypeStruct((NC, NP, D_OUT), jnp.float32),
        mesh=_mesh,
        scratch_types=[
            pltpu.VMEM_SHARED((NP, D_OUT), jnp.float32),
            pltpu.VMEM((nwps, WIN), jnp.int32),
            pltpu.VMEM((nwps, WIN), jnp.int32),
            pltpu.VMEM((8, WIN, D_OUT), jnp.float32),
            pltpu.VMEM((WIN, D_OUT), jnp.float32),
        ] + [pltpu.SemaphoreType.DMA] * 4,
        compiler_params=_sc_params,
    )
    return kern(src2d, dst2d, g)


def _epilogue_body(n, dinv_ref, g_ref, a0_ref, a1_ref, b_ref, out_ref):
    acc = g_ref[:, :] + a0_ref[:, :] + a1_ref[:, :]
    out = dinv_ref[:, :] * acc + b_ref[:, :]
    out_ref[:, :] = out[:n]


def _epilogue(n, dinv, g, accp, b2):
    full = lambda: (0, 0)
    return pl.pallas_call(
        functools.partial(_epilogue_body, n),
        in_specs=[
            pl.BlockSpec((NP, 1), full),
            pl.BlockSpec((NP, D_OUT), full),
            pl.BlockSpec((NP, D_OUT), full),
            pl.BlockSpec((NP, D_OUT), full),
            pl.BlockSpec((1, D_OUT), full),
        ],
        out_specs=pl.BlockSpec((n, D_OUT), full),
        out_shape=jax.ShapeDtypeStruct((n, D_OUT), jnp.float32),
    )(dinv, g, accp[0], accp[1], b2)


def kernel(x, edge_index, W, b):
    n, e = x.shape[0], edge_index.shape[1]
    src = edge_index[0].astype(jnp.int32)
    dst = edge_index[1].astype(jnp.int32)
    ep = -(-e // E_TILE) * E_TILE
    if ep != e:
        sent = jnp.full((ep - e,), NP - 1, jnp.int32)
        src = jnp.concatenate([src, sent])
        dst = jnp.concatenate([dst, sent])
    src2d = src.reshape(ep // WIN, WIN)
    dst2d = dst.reshape(ep // WIN, WIN)

    degp = _degrees(dst2d)
    degt = jnp.transpose(degp)
    g, dinv = _mm_scale(n, x, W, degt)
    accp = _aggregate(src2d, dst2d, g)
    return _epilogue(n, dinv, g, accp, jnp.reshape(b, (1, D_OUT)))

# --- scband reference (transcript-rebuilt; emitter-appended) ---
"""Pipeline reference for scband-gnn-171798692116 (READ-ONLY COPY).

The authoritative reference and input builder live on the scoring server;
editing this copy changes nothing except your own understanding.
"""

import jax, jax.numpy as jnp
import numpy as np

N_NODES = 10000
D_FEAT = 256
D_OUT = 16
N_EDGES = 160000

def setup_inputs(seed: int = 0) -> dict:
    key = jax.random.key(seed)
    k_x, k_ei, k_w, k_b = jax.random.split(key, 4)
    x = jax.random.normal(k_x, (N_NODES, D_FEAT), dtype=jnp.float32)
    edge_index = jax.random.randint(k_ei, (2, N_EDGES), 0, N_NODES, dtype=jnp.int64)
    # Glorot init for GCNConv weight, zeros for bias (PyG defaults)
    scale = jnp.sqrt(6.0 / (D_FEAT + D_OUT))
    W = jax.random.uniform(k_w, (D_FEAT, D_OUT), dtype=jnp.float32, minval=-scale, maxval=scale)
    b = jnp.zeros((D_OUT,), dtype=jnp.float32)
    return {"x": x, "edge_index": edge_index, "W": W, "b": b}

def reference(x, edge_index, W, b):
    # Faithful GCNConv (PyG semantics): add self-loops, symmetric normalization,
    # linear transform, gather-message, scatter-add aggregate, add bias.
    N = x.shape[0]
    loop = jnp.arange(N, dtype=edge_index.dtype)
    src = jnp.concatenate([edge_index[0], loop])
    dst = jnp.concatenate([edge_index[1], loop])
    # degree computed on destination (col) with unit edge weights
    deg = jnp.zeros((N,), dtype=jnp.float32).at[dst].add(1.0)
    deg_inv_sqrt = jnp.where(deg > 0, jax.lax.rsqrt(deg), 0.0)
    norm = deg_inv_sqrt[src] * deg_inv_sqrt[dst]
    h = x @ W  # dense transform to out_channels=16
    msg = jnp.take(h, src, axis=0) * norm[:, None]
    out = jnp.zeros((N, h.shape[1]), dtype=h.dtype).at[dst].add(msg)
    out = out + b
    return out

if __name__ == "__main__":
    import jax
    _d = setup_inputs()
    print(jax.jit(kernel)(*tuple(_d.values())))

</pallas_src>

<mosaic_0001>
#map = affine_map<(d0, d1) -> (0, 0)>
#map1 = affine_map<(d0, d1) -> (0, 0, 0)>
module attributes {stable_mosaic.version = 14 : i64} {
  func.func @_agg_body(%arg0: i32, %arg1: i32, %arg2: memref<1280x128xi32, #tpu.memory_space<hbm>>, %arg3: memref<1280x128xi32, #tpu.memory_space<hbm>>, %arg4: memref<10240x16xf32, #tpu.memory_space<hbm>>, %arg5: memref<2x10240x16xf32, #tpu.memory_space<hbm>>, %arg6: memref<10240x16xf32, #tpu.memory_space<vmem_shared>>, %arg7: memref<40x128xi32, #tpu.memory_space<vmem>>, %arg8: memref<40x128xi32, #tpu.memory_space<vmem>>, %arg9: memref<8x128x16xf32, #tpu.memory_space<vmem>>, %arg10: memref<128x16xf32, #tpu.memory_space<vmem>>, %arg11: memref<!tpu.dma_semaphore, #tpu.memory_space<semaphore_mem>>, %arg12: memref<!tpu.dma_semaphore, #tpu.memory_space<semaphore_mem>>, %arg13: memref<!tpu.dma_semaphore, #tpu.memory_space<semaphore_mem>>, %arg14: memref<!tpu.dma_semaphore, #tpu.memory_space<semaphore_mem>>) attributes {dimension_semantics = [#tpu.dimension_semantics<core_parallel>, #tpu.dimension_semantics<subcore_parallel>], iteration_bounds = array<i64: 2, 16>, scalar_prefetch = 0 : i64, scratch_operands = 9 : i64, tpu.core_type = #tpu.core_type<sc_vector_subcore>, window_params = [{transform_indices = #map}, {transform_indices = #map}, {transform_indices = #map}, {transform_indices = #map1}]} {
    %mul3A = arith.constant 16 : i32
    %mul3A_0 = arith.muli %arg0, %mul3A : i32
    %add3A = arith.addi %mul3A_0, %arg1 : i32
    %mul3A_1 = arith.constant 40 : i32
    %mul3A_2 = arith.muli %add3A, %mul3A_1 : i32
    %dma_start3A = arith.constant 0 : i32
    %dma_start3A_3 = tpu.memref_slice %arg2[%mul3A_2, %dma_start3A] : memref<1280x128xi32, #tpu.memory_space<hbm>> -> memref<40x128xi32, #tpu.memory_space<hbm>>
    %dma_start3A_4 = arith.constant 0 : i32
    %dma_start3A_5 = tpu.memref_slice %arg2[%mul3A_2, %dma_start3A_4] : memref<1280x128xi32, #tpu.memory_space<hbm>> -> memref<40x128xi32, #tpu.memory_space<hbm>>
    tpu.enqueue_dma source(%dma_start3A_5 : memref<40x128xi32, #tpu.memory_space<hbm>>) target(%arg7 : memref<40x128xi32, #tpu.memory_space<vmem>>) target_semaphore(%arg11 : memref<!tpu.dma_semaphore, #tpu.memory_space<semaphore_mem>>)
    %mul3A_6 = arith.constant 40 : i32
    %mul3A_7 = arith.muli %add3A, %mul3A_6 : i32
    %dma_start3A_8 = arith.constant 0 : i32
    %dma_start3A_9 = tpu.memref_slice %arg3[%mul3A_7, %dma_start3A_8] : memref<1280x128xi32, #tpu.memory_space<hbm>> -> memref<40x128xi32, #tpu.memory_space<hbm>>
    %dma_start3A_10 = arith.constant 0 : i32
    %dma_start3A_11 = tpu.memref_slice %arg3[%mul3A_7, %dma_start3A_10] : memref<1280x128xi32, #tpu.memory_space<hbm>> -> memref<40x128xi32, #tpu.memory_space<hbm>>
    tpu.enqueue_dma source(%dma_start3A_11 : memref<40x128xi32, #tpu.memory_space<hbm>>) target(%arg8 : memref<40x128xi32, #tpu.memory_space<vmem>>) target_semaphore(%arg12 : memref<!tpu.dma_semaphore, #tpu.memory_space<semaphore_mem>>)
    %scan3A = arith.constant 0 : i32
    %scan3A_12 = arith.constant 128 : i32
    %scan3A_13 = arith.addi %scan3A, %scan3A_12 : i32
    %scan3A_14 = arith.constant 1 : i32
    scf.for %scan3A_1966 = %scan3A to %scan3A_13 step %scan3A_14  : i32 {
      %mul3A_1967 = arith.constant 1 : i32
      %mul3A_1968 = arith.muli %scan3A_1966, %mul3A_1967 : i32
      %add3A_1969 = arith.constant 0 : i32
      %add3A_1970 = arith.addi %add3A_1969, %mul3A_1968 : i32
      %broadcast_in_dim3A = arith.constant 0.000000e+00 : f32
      %broadcast_in_dim3A_1971 = vector.broadcast %broadcast_in_dim3A : f32 to vector<16xf32>
      %swap3A = arith.index_cast %add3A_1970 : i32 to index
      %swap3A_1972 = arith.constant 0 : index
      %swap3A_1973 = tpu.vector_load %arg10[%swap3A, %swap3A_1972] {strides = array<i32>} : memref<128x16xf32, #tpu.memory_space<vmem>>, vector<1x16xf32>,
      %swap3A_1974 = vector.shape_cast %swap3A_1973 : vector<1x16xf32> to vector<16xf32>
      %swap3A_1975 = vector.shape_cast %broadcast_in_dim3A_1971 : vector<16xf32> to vector<1x16xf32>
      tpu.vector_store %arg10[%swap3A, %swap3A_1972], %swap3A_1975 {strides = array<i32>} : memref<128x16xf32, #tpu.memory_space<vmem>>, vector<1x16xf32>,
    }
    %scan3A_15 = arith.constant 128 : i32
    %mul3A_16 = arith.constant 640 : i32
    %mul3A_17 = arith.muli %arg1, %mul3A_16 : i32
    %add3A_18 = arith.constant 0 : i32
    %add3A_19 = arith.addi %mul3A_17, %add3A_18 : i32
    "tpu.region"() ({
      %run_scoped3A = tpu.sem_alloc : memref<!tpu.dma_semaphore, #tpu.memory_space<semaphore_mem>>
      %dma_start3A_1966 = arith.constant 0 : i32
      %dma_start3A_1967 = tpu.memref_slice %arg6[%add3A_19, %dma_start3A_1966] : memref<10240x16xf32, #tpu.memory_space<vmem_shared>> -> memref<128x16xf32, #tpu.memory_space<vmem_shared>>
      %dma_start3A_1968 = arith.constant 0 : i32
      %dma_start3A_1969 = tpu.memref_slice %arg6[%add3A_19, %dma_start3A_1968] : memref<10240x16xf32, #tpu.memory_space<vmem_shared>> -> memref<128x16xf32, #tpu.memory_space<vmem_shared>>
      tpu.enqueue_dma source(%arg10 : memref<128x16xf32, #tpu.memory_space<vmem>>) target(%dma_start3A_1969 : memref<128x16xf32, #tpu.memory_space<vmem_shared>>) target_semaphore(%run_scoped3A : memref<!tpu.dma_semaphore, #tpu.memory_space<semaphore_mem>>)
      %dma_wait3A_1970 = arith.constant 0 : i32
      %dma_wait3A_1971 = tpu.memref_slice %arg6[%add3A_19, %dma_wait3A_1970] : memref<10240x16xf32, #tpu.memory_space<vmem_shared>> -> memref<128x16xf32, #tpu.memory_space<vmem_shared>>
      %dma_wait3A_1972 = arith.constant 0 : i32
      %dma_wait3A_1973 = tpu.memref_slice %arg6[%add3A_19, %dma_wait3A_1972] : memref<10240x16xf32, #tpu.memory_space<vmem_shared>> -> memref<128x16xf32, #tpu.memory_space<vmem_shared>>
      tpu.wait_dma2 semaphore(%run_scoped3A : memref<!tpu.dma_semaphore, #tpu.memory_space<semaphore_mem>>) src(%arg10 : memref<128x16xf32, #tpu.memory_space<vmem>>) dst(%dma_wait3A_1973 : memref<128x16xf32, #tpu.memory_space<vmem_shared>>)
      tpu.yield
    }) : () -> ()
    %mul3A_20 = arith.constant 640 : i32
    %mul3A_21 = arith.muli %arg1, %mul3A_20 : i32
    %add3A_22 = arith.constant 128 : i32
    %add3A_23 = arith.addi %mul3A_21, %add3A_22 : i32
    "tpu.region"() ({
      %run_scoped3A = tpu.sem_alloc : memref<!tpu.dma_semaphore, #tpu.memory_space<semaphore_mem>>
      %dma_start3A_1966 = arith.constant 0 : i32
      %dma_start3A_1967 = tpu.memref_slice %arg6[%add3A_23, %dma_start3A_1966] : memref<10240x16xf32, #tpu.memory_space<vmem_shared>> -> memref<128x16xf32, #tpu.memory_space<vmem_shared>>
      %dma_start3A_1968 = arith.constant 0 : i32
      %dma_start3A_1969 = tpu.memref_slice %arg6[%add3A_23, %dma_start3A_1968] : memref<10240x16xf32, #tpu.memory_space<vmem_shared>> -> memref<128x16xf32, #tpu.memory_space<vmem_shared>>
      tpu.enqueue_dma source(%arg10 : memref<128x16xf32, #tpu.memory_space<vmem>>) target(%dma_start3A_1969 : memref<128x16xf32, #tpu.memory_space<vmem_shared>>) target_semaphore(%run_scoped3A : memref<!tpu.dma_semaphore, #tpu.memory_space<semaphore_mem>>)
      %dma_wait3A_1970 = arith.constant 0 : i32
      %dma_wait3A_1971 = tpu.memref_slice %arg6[%add3A_23, %dma_wait3A_1970] : memref<10240x16xf32, #tpu.memory_space<vmem_shared>> -> memref<128x16xf32, #tpu.memory_space<vmem_shared>>
      %dma_wait3A_1972 = arith.constant 0 : i32
      %dma_wait3A_1973 = tpu.memref_slice %arg6[%add3A_23, %dma_wait3A_1972] : memref<10240x16xf32, #tpu.memory_space<vmem_shared>> -> memref<128x16xf32, #tpu.memory_space<vmem_shared>>
      tpu.wait_dma2 semaphore(%run_scoped3A : memref<!tpu.dma_semaphore, #tpu.memory_space<semaphore_mem>>) src(%arg10 : memref<128x16xf32, #tpu.memory_space<vmem>>) dst(%dma_wait3A_1973 : memref<128x16xf32, #tpu.memory_space<vmem_shared>>)
      tpu.yield
    }) : () -> ()
    %mul3A_24 = arith.constant 640 : i32
    %mul3A_25 = arith.muli %arg1, %mul3A_24 : i32
    %add3A_26 = arith.constant 256 : i32
    %add3A_27 = arith.addi %mul3A_25, %add3A_26 : i32
    "tpu.region"() ({
      %run_scoped3A = tpu.sem_alloc : memref<!tpu.dma_semaphore, #tpu.memory_space<semaphore_mem>>
      %dma_start3A_1966 = arith.constant 0 : i32
      %dma_start3A_1967 = tpu.memref_slice %arg6[%add3A_27, %dma_start3A_1966] : memref<10240x16xf32, #tpu.memory_space<vmem_shared>> -> memref<128x16xf32, #tpu.memory_space<vmem_shared>>
      %dma_start3A_1968 = arith.constant 0 : i32
      %dma_start3A_1969 = tpu.memref_slice %arg6[%add3A_27, %dma_start3A_1968] : memref<10240x16xf32, #tpu.memory_space<vmem_shared>> -> memref<128x16xf32, #tpu.memory_space<vmem_shared>>
      tpu.enqueue_dma source(%arg10 : memref<128x16xf32, #tpu.memory_space<vmem>>) target(%dma_start3A_1969 : memref<128x16xf32, #tpu.memory_space<vmem_shared>>) target_semaphore(%run_scoped3A : memref<!tpu.dma_semaphore, #tpu.memory_space<semaphore_mem>>)
      %dma_wait3A_1970 = arith.constant 0 : i32
      %dma_wait3A_1971 = tpu.memref_slice %arg6[%add3A_27, %dma_wait3A_1970] : memref<10240x16xf32, #tpu.memory_space<vmem_shared>> -> memref<128x16xf32, #tpu.memory_space<vmem_shared>>
      %dma_wait3A_1972 = arith.constant 0 : i32
      %dma_wait3A_1973 = tpu.memref_slice %arg6[%add3A_27, %dma_wait3A_1972] : memref<10240x16xf32, #tpu.memory_space<vmem_shared>> -> memref<128x16xf32, #tpu.memory_space<vmem_shared>>
      tpu.wait_dma2 semaphore(%run_scoped3A : memref<!tpu.dma_semaphore, #tpu.memory_space<semaphore_mem>>) src(%arg10 : memref<128x16xf32, #tpu.memory_space<vmem>>) dst(%dma_wait3A_1973 : memref<128x16xf32, #tpu.memory_space<vmem_shared>>)
      tpu.yield
    }) : () -> ()
    %mul3A_28 = arith.constant 640 : i32
    %mul3A_29 = arith.muli %arg1, %mul3A_28 : i32
    %add3A_30 = arith.constant 384 : i32
    %add3A_31 = arith.addi %mul3A_29, %add3A_30 : i32
    "tpu.region"() ({
      %run_scoped3A = tpu.sem_alloc : memref<!tpu.dma_semaphore, #tpu.memory_space<semaphore_mem>>
      %dma_start3A_1966 = arith.constant 0 : i32
      %dma_start3A_1967 = tpu.memref_slice %arg6[%add3A_31, %dma_start3A_1966] : memref<10240x16xf32, #tpu.memory_space<vmem_shared>> -> memref<128x16xf32, #tpu.memory_space<vmem_shared>>
      %dma_start3A_1968 = arith.constant 0 : i32
      %dma_start3A_1969 = tpu.memref_slice %arg6[%add3A_31, %dma_start3A_1968] : memref<10240x16xf32, #tpu.memory_space<vmem_shared>> -> memref<128x16xf32, #tpu.memory_space<vmem_shared>>
      tpu.enqueue_dma source(%arg10 : memref<128x16xf32, #tpu.memory_space<vmem>>) target(%dma_start3A_1969 : memref<128x16xf32, #tpu.memory_space<vmem_shared>>) target_semaphore(%run_scoped3A : memref<!tpu.dma_semaphore, #tpu.memory_space<semaphore_mem>>)
      %dma_wait3A_1970 = arith.constant 0 : i32
      %dma_wait3A_1971 = tpu.memref_slice %arg6[%add3A_31, %dma_wait3A_1970] : memref<10240x16xf32, #tpu.memory_space<vmem_shared>> -> memref<128x16xf32, #tpu.memory_space<vmem_shared>>
      %dma_wait3A_1972 = arith.constant 0 : i32
      %dma_wait3A_1973 = tpu.memref_slice %arg6[%add3A_31, %dma_wait3A_1972] : memref<10240x16xf32, #tpu.memory_space<vmem_shared>> -> memref<128x16xf32, #tpu.memory_space<vmem_shared>>
      tpu.wait_dma2 semaphore(%run_scoped3A : memref<!tpu.dma_semaphore, #tpu.memory_space<semaphore_mem>>) src(%arg10 : memref<128x16xf32, #tpu.memory_space<vmem>>) dst(%dma_wait3A_1973 : memref<128x16xf32, #tpu.memory_space<vmem_shared>>)
      tpu.yield
    }) : () -> ()
    %mul3A_32 = arith.constant 640 : i32
    %mul3A_33 = arith.muli %arg1, %mul3A_32 : i32
    %add3A_34 = arith.constant 512 : i32
    %add3A_35 = arith.addi %mul3A_33, %add3A_34 : i32
    "tpu.region"() ({
      %run_scoped3A = tpu.sem_alloc : memref<!tpu.dma_semaphore, #tpu.memory_space<semaphore_mem>>
      %dma_start3A_1966 = arith.constant 0 : i32
      %dma_start3A_1967 = tpu.memref_slice %arg6[%add3A_35, %dma_start3A_1966] : memref<10240x16xf32, #tpu.memory_space<vmem_shared>> -> memref<128x16xf32, #tpu.memory_space<vmem_shared>>
      %dma_start3A_1968 = arith.constant 0 : i32
      %dma_start3A_1969 = tpu.memref_slice %arg6[%add3A_35, %dma_start3A_1968] : memref<10240x16xf32, #tpu.memory_space<vmem_shared>> -> memref<128x16xf32, #tpu.memory_space<vmem_shared>>
      tpu.enqueue_dma source(%arg10 : memref<128x16xf32, #tpu.memory_space<vmem>>) target(%dma_start3A_1969 : memref<128x16xf32, #tpu.memory_space<vmem_shared>>) target_semaphore(%run_scoped3A : memref<!tpu.dma_semaphore, #tpu.memory_space<semaphore_mem>>)
      %dma_wait3A_1970 = arith.constant 0 : i32
      %dma_wait3A_1971 = tpu.memref_slice %arg6[%add3A_35, %dma_wait3A_1970] : memref<10240x16xf32, #tpu.memory_space<vmem_shared>> -> memref<128x16xf32, #tpu.memory_space<vmem_shared>>
      %dma_wait3A_1972 = arith.constant 0 : i32
      %dma_wait3A_1973 = tpu.memref_slice %arg6[%add3A_35, %dma_wait3A_1972] : memref<10240x16xf32, #tpu.memory_space<vmem_shared>> -> memref<128x16xf32, #tpu.memory_space<vmem_shared>>
      tpu.wait_dma2 semaphore(%run_scoped3A : memref<!tpu.dma_semaphore, #tpu.memory_space<semaphore_mem>>) src(%arg10 : memref<128x16xf32, #tpu.memory_space<vmem>>) dst(%dma_wait3A_1973 : memref<128x16xf32, #tpu.memory_space<vmem_shared>>)
      tpu.yield
    }) : () -> ()
    %dma_wait3A = arith.constant 0 : i32
    %dma_wait3A_36 = tpu.memref_slice %arg2[%mul3A_2, %dma_wait3A] : memref<1280x128xi32, #tpu.memory_space<hbm>> -> memref<40x128xi32, #tpu.memory_space<hbm>>
    %dma_wait3A_37 = arith.constant 0 : i32
    %dma_wait3A_38 = tpu.memref_slice %arg2[%mul3A_2, %dma_wait3A_37] : memref<1280x128xi32, #tpu.memory_space<hbm>> -> memref<40x128xi32, #tpu.memory_space<hbm>>
    tpu.wait_dma2 semaphore(%arg11 : memref<!tpu.dma_semaphore, #tpu.memory_space<semaphore_mem>>) src(%dma_wait3A_38 : memref<40x128xi32, #tpu.memory_space<hbm>>) dst(%arg7 : memref<40x128xi32, #tpu.memory_space<vmem>>)
    %dma_wait3A_39 = arith.constant 0 : i32
    %dma_wait3A_40 = tpu.memref_slice %arg3[%mul3A_7, %dma_wait3A_39] : memref<1280x128xi32, #tpu.memory_space<hbm>> -> memref<40x128xi32, #tpu.memory_space<hbm>>
    %dma_wait3A_41 = arith.constant 0 : i32
    %dma_wait3A_42 = tpu.memref_slice %arg3[%mul3A_7, %dma_wait3A_41] : memref<1280x128xi32, #tpu.memory_space<hbm>> -> memref<40x128xi32, #tpu.memory_space<hbm>>
    tpu.wait_dma2 semaphore(%arg12 : memref<!tpu.dma_semaphore, #tpu.memory_space<semaphore_mem>>) src(%dma_wait3A_42 : memref<40x128xi32, #tpu.memory_space<hbm>>) dst(%arg8 : memref<40x128xi32, #tpu.memory_space<vmem>>)
    %barrier3A = arith.constant 0 : index
    tpu.barrier barrier_id(%barrier3A)
    %dma_start3A_43 = arith.constant 0 : i32
    %dma_start3A_44 = arith.constant 0 : i32
    %dma_start3A_45 = arith.constant 0 : i32
    %dma_start3A_46 = arith.constant 0 : i32
    %dma_start3A_47 = tpu.memref_slice %arg9[%dma_start3A_44, %dma_start3A_45, %dma_start3A_46] : memref<8x128x16xf32, #tpu.memory_space<vmem>> -> memref<1x128x16xf32, #tpu.memory_space<vmem>>
    %dma_start3A_48 = tpu.memref_squeeze %dma_start3A_47 : memref<1x128x16xf32, #tpu.memory_space<vmem>> -> memref<128x16xf32, #tpu.memory_space<vmem>>
    %dma_start3A_49 = arith.constant 0 : i32
    %dma_start3A_50 = tpu.memref_slice %arg7[%dma_start3A_43, %dma_start3A_49] : memref<40x128xi32, #tpu.memory_space<vmem>> -> memref<1x128xi32, #tpu.memory_space<vmem>>
    %dma_start3A_51 = tpu.memref_squeeze %dma_start3A_50 : memref<1x128xi32, #tpu.memory_space<vmem>> -> memref<128xi32, #tpu.memory_space<vmem>>
    %dma_start3A_52 = arith.constant 0 : i32
    %dma_start3A_53 = arith.constant 0 : i32
    %dma_start3A_54 = tpu.memref_slice %arg4[%dma_start3A_52, %dma_start3A_53] : memref<10240x16xf32, #tpu.memory_space<hbm>> -> memref<10240x16xf32, #tpu.memory_space<hbm>>
    tpu.enqueue_indirect_dma source(%dma_start3A_54 : memref<10240x16xf32, #tpu.memory_space<hbm>>) target(%dma_start3A_48 : memref<128x16xf32, #tpu.memory_space<vmem>>) offsets(%dma_start3A_51 : memref<128xi32, #tpu.memory_space<vmem>>) semaphore(%arg13 : memref<!tpu.dma_semaphore, #tpu.memory_space<semaphore_mem>>)
    %dma_start3A_55 = arith.constant 1 : i32
    %dma_start3A_56 = arith.constant 1 : i32
    %dma_start3A_57 = arith.constant 0 : i32
    %dma_start3A_58 = arith.constant 0 : i32
    %dma_start3A_59 = tpu.memref_slice %arg9[%dma_start3A_56, %dma_start3A_57, %dma_start3A_58] : memref<8x128x16xf32, #tpu.memory_space<vmem>> -> memref<1x128x16xf32, #tpu.memory_space<vmem>>
    %dma_start3A_60 = tpu.memref_squeeze %dma_start3A_59 : memref<1x128x16xf32, #tpu.memory_space<vmem>> -> memref<128x16xf32, #tpu.memory_space<vmem>>
    %dma_start3A_61 = arith.constant 0 : i32
    %dma_start3A_62 = tpu.memref_slice %arg7[%dma_start3A_55, %dma_start3A_61] : memref<40x128xi32, #tpu.memory_space<vmem>> -> memref<1x128xi32, #tpu.memory_space<vmem>>
    %dma_start3A_63 = tpu.memref_squeeze %dma_start3A_62 : memref<1x128xi32, #tpu.memory_space<vmem>> -> memref<128xi32, #tpu.memory_space<vmem>>
    %dma_start3A_64 = arith.constant 0 : i32
    %dma_start3A_65 = arith.constant 0 : i32
    %dma_start3A_66 = tpu.memref_slice %arg4[%dma_start3A_64, %dma_start3A_65] : memref<10240x16xf32, #tpu.memory_space<hbm>> -> memref<10240x16xf32, #tpu.memory_space<hbm>>
    tpu.enqueue_indirect_dma source(%dma_start3A_66 : memref<10240x16xf32, #tpu.memory_space<hbm>>) target(%dma_start3A_60 : memref<128x16xf32, #tpu.memory_space<vmem>>) offsets(%dma_start3A_63 : memref<128xi32, #tpu.memory_space<vmem>>) semaphore(%arg13 : memref<!tpu.dma_semaphore, #tpu.memory_space<semaphore_mem>>)
    %dma_start3A_67 = arith.constant 2 : i32
    %dma_start3A_68 = arith.constant 2 : i32
    %dma_start3A_69 = arith.constant 0 : i32
    %dma_start3A_70 = arith.constant 0 : i32
    %dma_start3A_71 = tpu.memref_slice %arg9[%dma_start3A_68, %dma_start3A_69, %dma_start3A_70] : memref<8x128x16xf32, #tpu.memory_space<vmem>> -> memref<1x128x16xf32, #tpu.memory_space<vmem>>
    %dma_start3A_72 = tpu.memref_squeeze %dma_start3A_71 : memref<1x128x16xf32, #tpu.memory_space<vmem>> -> memref<128x16xf32, #tpu.memory_space<vmem>>
    %dma_start3A_73 = arith.constant 0 : i32
    %dma_start3A_74 = tpu.memref_slice %arg7[%dma_start3A_67, %dma_start3A_73] : memref<40x128xi32, #tpu.memory_space<vmem>> -> memref<1x128xi32, #tpu.memory_space<vmem>>
    %dma_start3A_75 = tpu.memref_squeeze %dma_start3A_74 : memref<1x128xi32, #tpu.memory_space<vmem>> -> memref<128xi32, #tpu.memory_space<vmem>>
    %dma_start3A_76 = arith.constant 0 : i32
    %dma_start3A_77 = arith.constant 0 : i32
    %dma_start3A_78 = tpu.memref_slice %arg4[%dma_start3A_76, %dma_start3A_77] : memref<10240x16xf32, #tpu.memory_space<hbm>> -> memref<10240x16xf32, #tpu.memory_space<hbm>>
    tpu.enqueue_indirect_dma source(%dma_start3A_78 : memref<10240x16xf32, #tpu.memory_space<hbm>>) target(%dma_start3A_72 : memref<128x16xf32, #tpu.memory_space<vmem>>) offsets(%dma_start3A_75 : memref<128xi32, #tpu.memory_space<vmem>>) semaphore(%arg13 : memref<!tpu.dma_semaphore, #tpu.memory_space<semaphore_mem>>)
    %dma_start3A_79 = arith.constant 3 : i32
    %dma_start3A_80 = arith.constant 3 : i32
    %dma_start3A_81 = arith.constant 0 : i32
    %dma_start3A_82 = arith.constant 0 : i32
    %dma_start3A_83 = tpu.memref_slice %arg9[%dma_start3A_80, %dma_start3A_81, %dma_start3A_82] : memref<8x128x16xf32, #tpu.memory_space<vmem>> -> memref<1x128x16xf32, #tpu.memory_space<vmem>>
    %dma_start3A_84 = tpu.memref_squeeze %dma_start3A_83 : memref<1x128x16xf32, #tpu.memory_space<vmem>> -> memref<128x16xf32, #tpu.memory_space<vmem>>
    %dma_start3A_85 = arith.constant 0 : i32
    %dma_start3A_86 = tpu.memref_slice %arg7[%dma_start3A_79, %dma_start3A_85] : memref<40x128xi32, #tpu.memory_space<vmem>> -> memref<1x128xi32, #tpu.memory_space<vmem>>
    %dma_start3A_87 = tpu.memref_squeeze %dma_start3A_86 : memref<1x128xi32, #tpu.memory_space<vmem>> -> memref<128xi32, #tpu.memory_space<vmem>>
    %dma_start3A_88 = arith.constant 0 : i32
    %dma_start3A_89 = arith.constant 0 : i32
    %dma_start3A_90 = tpu.memref_slice %arg4[%dma_start3A_88, %dma_start3A_89] : memref<10240x16xf32, #tpu.memory_space<hbm>> -> memref<10240x16xf32, #tpu.memory_space<hbm>>
    tpu.enqueue_indirect_dma source(%dma_start3A_90 : memref<10240x16xf32, #tpu.memory_space<hbm>>) target(%dma_start3A_84 : memref<128x16xf32, #tpu.memory_space<vmem>>) offsets(%dma_start3A_87 : memref<128xi32, #tpu.memory_space<vmem>>) semaphore(%arg13 : memref<!tpu.dma_semaphore, #tpu.memory_space<semaphore_mem>>)
    %dma_start3A_91 = arith.constant 4 : i32
    %dma_start3A_92 = arith.constant 4 : i32
    %dma_start3A_93 = arith.constant 0 : i32
    %dma_start3A_94 = arith.constant 0 : i32
    %dma_start3A_95 = tpu.memref_slice %arg9[%dma_start3A_92, %dma_start3A_93, %dma_start3A_94] : memref<8x128x16xf32, #tpu.memory_space<vmem>> -> memref<1x128x16xf32, #tpu.memory_space<vmem>>
    %dma_start3A_96 = tpu.memref_squeeze %dma_start3A_95 : memref<1x128x16xf32, #tpu.memory_space<vmem>> -> memref<128x16xf32, #tpu.memory_space<vmem>>
    %dma_start3A_97 = arith.constant 0 : i32
    %dma_start3A_98 = tpu.memref_slice %arg7[%dma_start3A_91, %dma_start3A_97] : memref<40x128xi32, #tpu.memory_space<vmem>> -> memref<1x128xi32, #tpu.memory_space<vmem>>
    %dma_start3A_99 = tpu.memref_squeeze %dma_start3A_98 : memref<1x128xi32, #tpu.memory_space<vmem>> -> memref<128xi32, #tpu.memory_space<vmem>>
    %dma_start3A_100 = arith.constant 0 : i32
    %dma_start3A_101 = arith.constant 0 : i32
    %dma_start3A_102 = tpu.memref_slice %arg4[%dma_start3A_100, %dma_start3A_101] : memref<10240x16xf32, #tpu.memory_space<hbm>> -> memref<10240x16xf32, #tpu.memory_space<hbm>>
    tpu.enqueue_indirect_dma source(%dma_start3A_102 : memref<10240x16xf32, #tpu.memory_space<hbm>>) target(%dma_start3A_96 : memref<128x16xf32, #tpu.memory_space<vmem>>) offsets(%dma_start3A_99 : memref<128xi32, #tpu.memory_space<vmem>>) semaphore(%arg13 : memref<!tpu.dma_semaphore, #tpu.memory_space<semaphore_mem>>)
    %dma_start3A_103 = arith.constant 5 : i32
    %dma_start3A_104 = arith.constant 5 : i32
    %dma_start3A_105 = arith.constant 0 : i32
    %dma_start3A_106 = arith.constant 0 : i32
    %dma_start3A_107 = tpu.memref_slice %arg9[%dma_start3A_104, %dma_start3A_105, %dma_start3A_106] : memref<8x128x16xf32, #tpu.memory_space<vmem>> -> memref<1x128x16xf32, #tpu.memory_space<vmem>>
    %dma_start3A_108 = tpu.memref_squeeze %dma_start3A_107 : memref<1x128x16xf32, #tpu.memory_space<vmem>> -> memref<128x16xf32, #tpu.memory_space<vmem>>
    %dma_start3A_109 = arith.constant 0 : i32
    %dma_start3A_110 = tpu.memref_slice %arg7[%dma_start3A_103, %dma_start3A_109] : memref<40x128xi32, #tpu.memory_space<vmem>> -> memref<1x128xi32, #tpu.memory_space<vmem>>
    %dma_start3A_111 = tpu.memref_squeeze %dma_start3A_110 : memref<1x128xi32, #tpu.memory_space<vmem>> -> memref<128xi32, #tpu.memory_space<vmem>>
    %dma_start3A_112 = arith.constant 0 : i32
    %dma_start3A_113 = arith.constant 0 : i32
    %dma_start3A_114 = tpu.memref_slice %arg4[%dma_start3A_112, %dma_start3A_113] : memref<10240x16xf32, #tpu.memory_space<hbm>> -> memref<10240x16xf32, #tpu.memory_space<hbm>>
    tpu.enqueue_indirect_dma source(%dma_start3A_114 : memref<10240x16xf32, #tpu.memory_space<hbm>>) target(%dma_start3A_108 : memref<128x16xf32, #tpu.memory_space<vmem>>) offsets(%dma_start3A_111 : memref<128xi32, #tpu.memory_space<vmem>>) semaphore(%arg13 : memref<!tpu.dma_semaphore, #tpu.memory_space<semaphore_mem>>)
    %dma_start3A_115 = arith.constant 6 : i32
    %dma_start3A_116 = arith.constant 6 : i32
    %dma_start3A_117 = arith.constant 0 : i32
    %dma_start3A_118 = arith.constant 0 : i32
    %dma_start3A_119 = tpu.memref_slice %arg9[%dma_start3A_116, %dma_start3A_117, %dma_start3A_118] : memref<8x128x16xf32, #tpu.memory_space<vmem>> -> memref<1x128x16xf32, #tpu.memory_space<vmem>>
    %dma_start3A_120 = tpu.memref_squeeze %dma_start3A_119 : memref<1x128x16xf32, #tpu.memory_space<vmem>> -> memref<128x16xf32, #tpu.memory_space<vmem>>
    %dma_start3A_121 = arith.constant 0 : i32
    %dma_start3A_122 = tpu.memref_slice %arg7[%dma_start3A_115, %dma_start3A_121] : memref<40x128xi32, #tpu.memory_space<vmem>> -> memref<1x128xi32, #tpu.memory_space<vmem>>
    %dma_start3A_123 = tpu.memref_squeeze %dma_start3A_122 : memref<1x128xi32, #tpu.memory_space<vmem>> -> memref<128xi32, #tpu.memory_space<vmem>>
    %dma_start3A_124 = arith.constant 0 : i32
    %dma_start3A_125 = arith.constant 0 : i32
    %dma_start3A_126 = tpu.memref_slice %arg4[%dma_start3A_124, %dma_start3A_125] : memref<10240x16xf32, #tpu.memory_space<hbm>> -> memref<10240x16xf32, #tpu.memory_space<hbm>>
    tpu.enqueue_indirect_dma source(%dma_start3A_126 : memref<10240x16xf32, #tpu.memory_space<hbm>>) target(%dma_start3A_120 : memref<128x16xf32, #tpu.memory_space<vmem>>) offsets(%dma_start3A_123 : memref<128xi32, #tpu.memory_space<vmem>>) semaphore(%arg13 : memref<!tpu.dma_semaphore, #tpu.memory_space<semaphore_mem>>)
    %dma_start3A_127 = arith.constant 7 : i32
    %dma_start3A_128 = arith.constant 7 : i32
    %dma_start3A_129 = arith.constant 0 : i32
    %dma_start3A_130 = arith.constant 0 : i32
    %dma_start3A_131 = tpu.memref_slice %arg9[%dma_start3A_128, %dma_start3A_129, %dma_start3A_130] : memref<8x128x16xf32, #tpu.memory_space<vmem>> -> memref<1x128x16xf32, #tpu.memory_space<vmem>>
    %dma_start3A_132 = tpu.memref_squeeze %dma_start3A_131 : memref<1x128x16xf32, #tpu.memory_space<vmem>> -> memref<128x16xf32, #tpu.memory_space<vmem>>
    %dma_start3A_133 = arith.constant 0 : i32
    %dma_start3A_134 = tpu.memref_slice %arg7[%dma_start3A_127, %dma_start3A_133] : memref<40x128xi32, #tpu.memory_space<vmem>> -> memref<1x128xi32, #tpu.memory_space<vmem>>
    %dma_start3A_135 = tpu.memref_squeeze %dma_start3A_134 : memref<1x128xi32, #tpu.memory_space<vmem>> -> memref<128xi32, #tpu.memory_space<vmem>>
    %dma_start3A_136 = arith.constant 0 : i32
    %dma_start3A_137 = arith.constant 0 : i32
    %dma_start3A_138 = tpu.memref_slice %arg4[%dma_start3A_136, %dma_start3A_137] : memref<10240x16xf32, #tpu.memory_space<hbm>> -> memref<10240x16xf32, #tpu.memory_space<hbm>>
    tpu.enqueue_indirect_dma source(%dma_start3A_138 : memref<10240x16xf32, #tpu.memory_space<hbm>>) target(%dma_start3A_132 : memref<128x16xf32, #tpu.memory_space<vmem>>) offsets(%dma_start3A_135 : memref<128xi32, #tpu.memory_space<vmem>>) semaphore(%arg13 : memref<!tpu.dma_semaphore, #tpu.memory_space<semaphore_mem>>)
    %dma_wait3A_139 = arith.constant 0 : i32
    %dma_wait3A_140 = arith.constant 0 : i32
    %dma_wait3A_141 = arith.constant 0 : i32
    %dma_wait3A_142 = arith.constant 0 : i32
    %dma_wait3A_143 = tpu.memref_slice %arg9[%dma_wait3A_140, %dma_wait3A_141, %dma_wait3A_142] : memref<8x128x16xf32, #tpu.memory_space<vmem>> -> memref<1x128x16xf32, #tpu.memory_space<vmem>>
    %dma_wait3A_144 = tpu.memref_squeeze %dma_wait3A_143 : memref<1x128x16xf32, #tpu.memory_space<vmem>> -> memref<128x16xf32, #tpu.memory_space<vmem>>
    %dma_wait3A_145 = arith.constant 0 : i32
    %dma_wait3A_146 = tpu.memref_slice %arg7[%dma_wait3A_139, %dma_wait3A_145] : memref<40x128xi32, #tpu.memory_space<vmem>> -> memref<1x128xi32, #tpu.memory_space<vmem>>
    %dma_wait3A_147 = tpu.memref_squeeze %dma_wait3A_146 : memref<1x128xi32, #tpu.memory_space<vmem>> -> memref<128xi32, #tpu.memory_space<vmem>>
    %dma_wait3A_148 = arith.constant 0 : i32
    %dma_wait3A_149 = arith.constant 0 : i32
    %dma_wait3A_150 = tpu.memref_slice %arg4[%dma_wait3A_148, %dma_wait3A_149] : memref<10240x16xf32, #tpu.memory_space<hbm>> -> memref<10240x16xf32, #tpu.memory_space<hbm>>
    tpu.wait_indirect_dma semaphore(%arg13 : memref<!tpu.dma_semaphore, #tpu.memory_space<semaphore_mem>>) src(%dma_wait3A_150 : memref<10240x16xf32, #tpu.memory_space<hbm>>) dst(%dma_wait3A_144 : memref<128x16xf32, #tpu.memory_space<vmem>>)
    %dma_wait3A_151 = arith.constant 1 : i32
    %dma_wait3A_152 = arith.constant 1 : i32
    %dma_wait3A_153 = arith.constant 0 : i32
    %dma_wait3A_154 = arith.constant 0 : i32
    %dma_wait3A_155 = tpu.memref_slice %arg9[%dma_wait3A_152, %dma_wait3A_153, %dma_wait3A_154] : memref<8x128x16xf32, #tpu.memory_space<vmem>> -> memref<1x128x16xf32, #tpu.memory_space<vmem>>
    %dma_wait3A_156 = tpu.memref_squeeze %dma_wait3A_155 : memref<1x128x16xf32, #tpu.memory_space<vmem>> -> memref<128x16xf32, #tpu.memory_space<vmem>>
    %dma_wait3A_157 = arith.constant 0 : i32
    %dma_wait3A_158 = tpu.memref_slice %arg7[%dma_wait3A_151, %dma_wait3A_157] : memref<40x128xi32, #tpu.memory_space<vmem>> -> memref<1x128xi32, #tpu.memory_space<vmem>>
    %dma_wait3A_159 = tpu.memref_squeeze %dma_wait3A_158 : memref<1x128xi32, #tpu.memory_space<vmem>> -> memref<128xi32, #tpu.memory_space<vmem>>
    %dma_wait3A_160 = arith.constant 0 : i32
    %dma_wait3A_161 = arith.constant 0 : i32
    %dma_wait3A_162 = tpu.memref_slice %arg4[%dma_wait3A_160, %dma_wait3A_161] : memref<10240x16xf32, #tpu.memory_space<hbm>> -> memref<10240x16xf32, #tpu.memory_space<hbm>>
    tpu.wait_indirect_dma semaphore(%arg13 : memref<!tpu.dma_semaphore, #tpu.memory_space<semaphore_mem>>) src(%dma_wait3A_162 : memref<10240x16xf32, #tpu.memory_space<hbm>>) dst(%dma_wait3A_156 : memref<128x16xf32, #tpu.memory_space<vmem>>)
    %dma_wait3A_163 = arith.constant 2 : i32
    %dma_wait3A_164 = arith.constant 2 : i32
    %dma_wait3A_165 = arith.constant 0 : i32
    %dma_wait3A_166 = arith.constant 0 : i32
    %dma_wait3A_167 = tpu.memref_slice %arg9[%dma_wait3A_164, %dma_wait3A_165, %dma_wait3A_166] : memref<8x128x16xf32, #tpu.memory_space<vmem>> -> memref<1x128x16xf32, #tpu.memory_space<vmem>>
    %dma_wait3A_168 = tpu.memref_squeeze %dma_wait3A_167 : memref<1x128x16xf32, #tpu.memory_space<vmem>> -> memref<128x16xf32, #tpu.memory_space<vmem>>
    %dma_wait3A_169 = arith.constant 0 : i32
    %dma_wait3A_170 = tpu.memref_slice %arg7[%dma_wait3A_163, %dma_wait3A_169] : memref<40x128xi32, #tpu.memory_space<vmem>> -> memref<1x128xi32, #tpu.memory_space<vmem>>
    %dma_wait3A_171 = tpu.memref_squeeze %dma_wait3A_170 : memref<1x128xi32, #tpu.memory_space<vmem>> -> memref<128xi32, #tpu.memory_space<vmem>>
    %dma_wait3A_172 = arith.constant 0 : i32
    %dma_wait3A_173 = arith.constant 0 : i32
    %dma_wait3A_174 = tpu.memref_slice %arg4[%dma_wait3A_172, %dma_wait3A_173] : memref<10240x16xf32, #tpu.memory_space<hbm>> -> memref<10240x16xf32, #tpu.memory_space<hbm>>
    tpu.wait_indirect_dma semaphore(%arg13 : memref<!tpu.dma_semaphore, #tpu.memory_space<semaphore_mem>>) src(%dma_wait3A_174 : memref<10240x16xf32, #tpu.memory_space<hbm>>) dst(%dma_wait3A_168 : memref<128x16xf32, #tpu.memory_space<vmem>>)
    %dma_wait3A_175 = arith.constant 3 : i32
    %dma_wait3A_176 = arith.constant 3 : i32
    %dma_wait3A_177 = arith.constant 0 : i32
    %dma_wait3A_178 = arith.constant 0 : i32
    %dma_wait3A_179 = tpu.memref_slice %arg9[%dma_wait3A_176, %dma_wait3A_177, %dma_wait3A_178] : memref<8x128x16xf32, #tpu.memory_space<vmem>> -> memref<1x128x16xf32, #tpu.memory_space<vmem>>
    %dma_wait3A_180 = tpu.memref_squeeze %dma_wait3A_179 : memref<1x128x16xf32, #tpu.memory_space<vmem>> -> memref<128x16xf32, #tpu.memory_space<vmem>>
    %dma_wait3A_181 = arith.constant 0 : i32
    %dma_wait3A_182 = tpu.memref_slice %arg7[%dma_wait3A_175, %dma_wait3A_181] : memref<40x128xi32, #tpu.memory_space<vmem>> -> memref<1x128xi32, #tpu.memory_space<vmem>>
    %dma_wait3A_183 = tpu.memref_squeeze %dma_wait3A_182 : memref<1x128xi32, #tpu.memory_space<vmem>> -> memref<128xi32, #tpu.memory_space<vmem>>
    %dma_wait3A_184 = arith.constant 0 : i32
    %dma_wait3A_185 = arith.constant 0 : i32
    %dma_wait3A_186 = tpu.memref_slice %arg4[%dma_wait3A_184, %dma_wait3A_185] : memref<10240x16xf32, #tpu.memory_space<hbm>> -> memref<10240x16xf32, #tpu.memory_space<hbm>>
    tpu.wait_indirect_dma semaphore(%arg13 : memref<!tpu.dma_semaphore, #tpu.memory_space<semaphore_mem>>) src(%dma_wait3A_186 : memref<10240x16xf32, #tpu.memory_space<hbm>>) dst(%dma_wait3A_180 : memref<128x16xf32, #tpu.memory_space<vmem>>)
    %dma_wait3A_187 = arith.constant 4 : i32
    %dma_wait3A_188 = arith.constant 4 : i32
    %dma_wait3A_189 = arith.constant 0 : i32
    %dma_wait3A_190 = arith.constant 0 : i32
    %dma_wait3A_191 = tpu.memref_slice %arg9[%dma_wait3A_188, %dma_wait3A_189, %dma_wait3A_190] : memref<8x128x16xf32, #tpu.memory_space<vmem>> -> memref<1x128x16xf32, #tpu.memory_space<vmem>>
    %dma_wait3A_192 = tpu.memref_squeeze %dma_wait3A_191 : memref<1x128x16xf32, #tpu.memory_space<vmem>> -> memref<128x16xf32, #tpu.memory_space<vmem>>
    %dma_wait3A_193 = arith.constant 0 : i32
    %dma_wait3A_194 = tpu.memref_slice %arg7[%dma_wait3A_187, %dma_wait3A_193] : memref<40x128xi32, #tpu.memory_space<vmem>> -> memref<1x128xi32, #tpu.memory_space<vmem>>
    %dma_wait3A_195 = tpu.memref_squeeze %dma_wait3A_194 : memref<1x128xi32, #tpu.memory_space<vmem>> -> memref<128xi32, #tpu.memory_space<vmem>>
    %dma_wait3A_196 = arith.constant 0 : i32
    %dma_wait3A_197 = arith.constant 0 : i32
    %dma_wait3A_198 = tpu.memref_slice %arg4[%dma_wait3A_196, %dma_wait3A_197] : memref<10240x16xf32, #tpu.memory_space<hbm>> -> memref<10240x16xf32, #tpu.memory_space<hbm>>
    tpu.wait_indirect_dma semaphore(%arg13 : memref<!tpu.dma_semaphore, #tpu.memory_space<semaphore_mem>>) src(%dma_wait3A_198 : memref<10240x16xf32, #tpu.memory_space<hbm>>) dst(%dma_wait3A_192 : memref<128x16xf32, #tpu.memory_space<vmem>>)
    %dma_wait3A_199 = arith.constant 5 : i32
    %dma_wait3A_200 = arith.constant 5 : i32
    %dma_wait3A_201 = arith.constant 0 : i32
    %dma_wait3A_202 = arith.constant 0 : i32
    %dma_wait3A_203 = tpu.memref_slice %arg9[%dma_wait3A_200, %dma_wait3A_201, %dma_wait3A_202] : memref<8x128x16xf32, #tpu.memory_space<vmem>> -> memref<1x128x16xf32, #tpu.memory_space<vmem>>
    %dma_wait3A_204 = tpu.memref_squeeze %dma_wait3A_203 : memref<1x128x16xf32, #tpu.memory_space<vmem>> -> memref<128x16xf32, #tpu.memory_space<vmem>>
    %dma_wait3A_205 = arith.constant 0 : i32
    %dma_wait3A_206 = tpu.memref_slice %arg7[%dma_wait3A_199, %dma_wait3A_205] : memref<40x128xi32, #tpu.memory_space<vmem>> -> memref<1x128xi32, #tpu.memory_space<vmem>>
    %dma_wait3A_207 = tpu.memref_squeeze %dma_wait3A_206 : memref<1x128xi32, #tpu.memory_space<vmem>> -> memref<128xi32, #tpu.memory_space<vmem>>
    %dma_wait3A_208 = arith.constant 0 : i32
    %dma_wait3A_209 = arith.constant 0 : i32
    %dma_wait3A_210 = tpu.memref_slice %arg4[%dma_wait3A_208, %dma_wait3A_209] : memref<10240x16xf32, #tpu.memory_space<hbm>> -> memref<10240x16xf32, #tpu.memory_space<hbm>>
    tpu.wait_indirect_dma semaphore(%arg13 : memref<!tpu.dma_semaphore, #tpu.memory_space<semaphore_mem>>) src(%dma_wait3A_210 : memref<10240x16xf32, #tpu.memory_space<hbm>>) dst(%dma_wait3A_204 : memref<128x16xf32, #tpu.memory_space<vmem>>)
    %dma_wait3A_211 = arith.constant 6 : i32
    %dma_wait3A_212 = arith.constant 6 : i32
    %dma_wait3A_213 = arith.constant 0 : i32
    %dma_wait3A_214 = arith.constant 0 : i32
    %dma_wait3A_215 = tpu.memref_slice %arg9[%dma_wait3A_212, %dma_wait3A_213, %dma_wait3A_214] : memref<8x128x16xf32, #tpu.memory_space<vmem>> -> memref<1x128x16xf32, #tpu.memory_space<vmem>>
    %dma_wait3A_216 = tpu.memref_squeeze %dma_wait3A_215 : memref<1x128x16xf32, #tpu.memory_space<vmem>> -> memref<128x16xf32, #tpu.memory_space<vmem>>
    %dma_wait3A_217 = arith.constant 0 : i32
    %dma_wait3A_218 = tpu.memref_slice %arg7[%dma_wait3A_211, %dma_wait3A_217] : memref<40x128xi32, #tpu.memory_space<vmem>> -> memref<1x128xi32, #tpu.memory_space<vmem>>
    %dma_wait3A_219 = tpu.memref_squeeze %dma_wait3A_218 : memref<1x128xi32, #tpu.memory_space<vmem>> -> memref<128xi32, #tpu.memory_space<vmem>>
    %dma_wait3A_220 = arith.constant 0 : i32
    %dma_wait3A_221 = arith.constant 0 : i32
    %dma_wait3A_222 = tpu.memref_slice %arg4[%dma_wait3A_220, %dma_wait3A_221] : memref<10240x16xf32, #tpu.memory_space<hbm>> -> memref<10240x16xf32, #tpu.memory_space<hbm>>
    tpu.wait_indirect_dma semaphore(%arg13 : memref<!tpu.dma_semaphore, #tpu.memory_space<semaphore_mem>>) src(%dma_wait3A_222 : memref<10240x16xf32, #tpu.memory_space<hbm>>) dst(%dma_wait3A_216 : memref<128x16xf32, #tpu.memory_space<vmem>>)
    %dma_wait3A_223 = arith.constant 7 : i32
    %dma_wait3A_224 = arith.constant 7 : i32
    %dma_wait3A_225 = arith.constant 0 : i32
    %dma_wait3A_226 = arith.constant 0 : i32
    %dma_wait3A_227 = tpu.memref_slice %arg9[%dma_wait3A_224, %dma_wait3A_225, %dma_wait3A_226] : memref<8x128x16xf32, #tpu.memory_space<vmem>> -> memref<1x128x16xf32, #tpu.memory_space<vmem>>
    %dma_wait3A_228 = tpu.memref_squeeze %dma_wait3A_227 : memref<1x128x16xf32, #tpu.memory_space<vmem>> -> memref<128x16xf32, #tpu.memory_space<vmem>>
    %dma_wait3A_229 = arith.constant 0 : i32
    %dma_wait3A_230 = tpu.memref_slice %arg7[%dma_wait3A_223, %dma_wait3A_229] : memref<40x128xi32, #tpu.memory_space<vmem>> -> memref<1x128xi32, #tpu.memory_space<vmem>>
    %dma_wait3A_231 = tpu.memref_squeeze %dma_wait3A_230 : memref<1x128xi32, #tpu.memory_space<vmem>> -> memref<128xi32, #tpu.memory_space<vmem>>
    %dma_wait3A_232 = arith.constant 0 : i32
    %dma_wait3A_233 = arith.constant 0 : i32
    %dma_wait3A_234 = tpu.memref_slice %arg4[%dma_wait3A_232, %dma_wait3A_233] : memref<10240x16xf32, #tpu.memory_space<hbm>> -> memref<10240x16xf32, #tpu.memory_space<hbm>>
    tpu.wait_indirect_dma semaphore(%arg13 : memref<!tpu.dma_semaphore, #tpu.memory_space<semaphore_mem>>) src(%dma_wait3A_234 : memref<10240x16xf32, #tpu.memory_space<hbm>>) dst(%dma_wait3A_228 : memref<128x16xf32, #tpu.memory_space<vmem>>)
    %dma_start3A_235 = arith.constant 0 : i32
    %dma_start3A_236 = arith.constant 0 : i32
    %dma_start3A_237 = arith.constant 0 : i32
    %dma_start3A_238 = arith.constant 0 : i32
    %dma_start3A_239 = tpu.memref_slice %arg9[%dma_start3A_235, %dma_start3A_237, %dma_start3A_238] : memref<8x128x16xf32, #tpu.memory_space<vmem>> -> memref<1x128x16xf32, #tpu.memory_space<vmem>>
    %dma_start3A_240 = tpu.memref_squeeze %dma_start3A_239 : memref<1x128x16xf32, #tpu.memory_space<vmem>> -> memref<128x16xf32, #tpu.memory_space<vmem>>
    %dma_start3A_241 = arith.constant 0 : i32
    %dma_start3A_242 = tpu.memref_slice %arg8[%dma_start3A_236, %dma_start3A_241] : memref<40x128xi32, #tpu.memory_space<vmem>> -> memref<1x128xi32, #tpu.memory_space<vmem>>
    %dma_start3A_243 = tpu.memref_squeeze %dma_start3A_242 : memref<1x128xi32, #tpu.memory_space<vmem>> -> memref<128xi32, #tpu.memory_space<vmem>>
    %dma_start3A_244 = arith.constant 0 : i32
    %dma_start3A_245 = arith.constant 0 : i32
    %dma_start3A_246 = tpu.memref_slice %arg6[%dma_start3A_244, %dma_start3A_245] : memref<10240x16xf32, #tpu.memory_space<vmem_shared>> -> memref<10240x16xf32, #tpu.memory_space<vmem_shared>>
    tpu.enqueue_indirect_dma source(%dma_start3A_240 : memref<128x16xf32, #tpu.memory_space<vmem>>) target(%dma_start3A_246 : memref<10240x16xf32, #tpu.memory_space<vmem_shared>>) offsets(%dma_start3A_243 : memref<128xi32, #tpu.memory_space<vmem>>) semaphore(%arg14 : memref<!tpu.dma_semaphore, #tpu.memory_space<semaphore_mem>>) {add = true}
    %dma_start3A_247 = arith.constant 1 : i32
    %dma_start3A_248 = arith.constant 1 : i32
    %dma_start3A_249 = arith.constant 0 : i32
    %dma_start3A_250 = arith.constant 0 : i32
    %dma_start3A_251 = tpu.memref_slice %arg9[%dma_start3A_247, %dma_start3A_249, %dma_start3A_250] : memref<8x128x16xf32, #tpu.memory_space<vmem>> -> memref<1x128x16xf32, #tpu.memory_space<vmem>>
    %dma_start3A_252 = tpu.memref_squeeze %dma_start3A_251 : memref<1x128x16xf32, #tpu.memory_space<vmem>> -> memref<128x16xf32, #tpu.memory_space<vmem>>
    %dma_start3A_253 = arith.constant 0 : i32
    %dma_start3A_254 = tpu.memref_slice %arg8[%dma_start3A_248, %dma_start3A_253] : memref<40x128xi32, #tpu.memory_space<vmem>> -> memref<1x128xi32, #tpu.memory_space<vmem>>
    %dma_start3A_255 = tpu.memref_squeeze %dma_start3A_254 : memref<1x128xi32, #tpu.memory_space<vmem>> -> memref<128xi32, #tpu.memory_space<vmem>>
    %dma_start3A_256 = arith.constant 0 : i32
    %dma_start3A_257 = arith.constant 0 : i32
    %dma_start3A_258 = tpu.memref_slice %arg6[%dma_start3A_256, %dma_start3A_257] : memref<10240x16xf32, #tpu.memory_space<vmem_shared>> -> memref<10240x16xf32, #tpu.memory_space<vmem_shared>>
    tpu.enqueue_indirect_dma source(%dma_start3A_252 : memref<128x16xf32, #tpu.memory_space<vmem>>) target(%dma_start3A_258 : memref<10240x16xf32, #tpu.memory_space<vmem_shared>>) offsets(%dma_start3A_255 : memref<128xi32, #tpu.memory_space<vmem>>) semaphore(%arg14 : memref<!tpu.dma_semaphore, #tpu.memory_space<semaphore_mem>>) {add = true}
    %dma_start3A_259 = arith.constant 2 : i32
    %dma_start3A_260 = arith.constant 2 : i32
    %dma_start3A_261 = arith.constant 0 : i32
    %dma_start3A_262 = arith.constant 0 : i32
    %dma_start3A_263 = tpu.memref_slice %arg9[%dma_start3A_259, %dma_start3A_261, %dma_start3A_262] : memref<8x128x16xf32, #tpu.memory_space<vmem>> -> memref<1x128x16xf32, #tpu.memory_space<vmem>>
    %dma_start3A_264 = tpu.memref_squeeze %dma_start3A_263 : memref<1x128x16xf32, #tpu.memory_space<vmem>> -> memref<128x16xf32, #tpu.memory_space<vmem>>
    %dma_start3A_265 = arith.constant 0 : i32
    %dma_start3A_266 = tpu.memref_slice %arg8[%dma_start3A_260, %dma_start3A_265] : memref<40x128xi32, #tpu.memory_space<vmem>> -> memref<1x128xi32, #tpu.memory_space<vmem>>
    %dma_start3A_267 = tpu.memref_squeeze %dma_start3A_266 : memref<1x128xi32, #tpu.memory_space<vmem>> -> memref<128xi32, #tpu.memory_space<vmem>>
    %dma_start3A_268 = arith.constant 0 : i32
    %dma_start3A_269 = arith.constant 0 : i32
    %dma_start3A_270 = tpu.memref_slice %arg6[%dma_start3A_268, %dma_start3A_269] : memref<10240x16xf32, #tpu.memory_space<vmem_shared>> -> memref<10240x16xf32, #tpu.memory_space<vmem_shared>>
    tpu.enqueue_indirect_dma source(%dma_start3A_264 : memref<128x16xf32, #tpu.memory_space<vmem>>) target(%dma_start3A_270 : memref<10240x16xf32, #tpu.memory_space<vmem_shared>>) offsets(%dma_start3A_267 : memref<128xi32, #tpu.memory_space<vmem>>) semaphore(%arg14 : memref<!tpu.dma_semaphore, #tpu.memory_space<semaphore_mem>>) {add = true}
    %dma_start3A_271 = arith.constant 3 : i32
    %dma_start3A_272 = arith.constant 3 : i32
    %dma_start3A_273 = arith.constant 0 : i32
    %dma_start3A_274 = arith.constant 0 : i32
    %dma_start3A_275 = tpu.memref_slice %arg9[%dma_start3A_271, %dma_start3A_273, %dma_start3A_274] : memref<8x128x16xf32, #tpu.memory_space<vmem>> -> memref<1x128x16xf32, #tpu.memory_space<vmem>>
    %dma_start3A_276 = tpu.memref_squeeze %dma_start3A_275 : memref<1x128x16xf32, #tpu.memory_space<vmem>> -> memref<128x16xf32, #tpu.memory_space<vmem>>
    %dma_start3A_277 = arith.constant 0 : i32
    %dma_start3A_278 = tpu.memref_slice %arg8[%dma_start3A_272, %dma_start3A_277] : memref<40x128xi32, #tpu.memory_space<vmem>> -> memref<1x128xi32, #tpu.memory_space<vmem>>
    %dma_start3A_279 = tpu.memref_squeeze %dma_start3A_278 : memref<1x128xi32, #tpu.memory_space<vmem>> -> memref<128xi32, #tpu.memory_space<vmem>>
    %dma_start3A_280 = arith.constant 0 : i32
    %dma_start3A_281 = arith.constant 0 : i32
    %dma_start3A_282 = tpu.memref_slice %arg6[%dma_start3A_280, %dma_start3A_281] : memref<10240x16xf32, #tpu.memory_space<vmem_shared>> -> memref<10240x16xf32, #tpu.memory_space<vmem_shared>>
    tpu.enqueue_indirect_dma source(%dma_start3A_276 : memref<128x16xf32, #tpu.memory_space<vmem>>) target(%dma_start3A_282 : memref<10240x16xf32, #tpu.memory_space<vmem_shared>>) offsets(%dma_start3A_279 : memref<128xi32, #tpu.memory_space<vmem>>) semaphore(%arg14 : memref<!tpu.dma_semaphore, #tpu.memory_space<semaphore_mem>>) {add = true}
    %dma_wait3A_283 = arith.constant 0 : i32
    %dma_wait3A_284 = arith.constant 0 : i32
    %dma_wait3A_285 = arith.constant 0 : i32
    %dma_wait3A_286 = arith.constant 0 : i32
    %dma_wait3A_287 = tpu.memref_slice %arg9[%dma_wait3A_283, %dma_wait3A_285, %dma_wait3A_286] : memref<8x128x16xf32, #tpu.memory_space<vmem>> -> memref<1x128x16xf32, #tpu.memory_space<vmem>>
    %dma_wait3A_288 = tpu.memref_squeeze %dma_wait3A_287 : memref<1x128x16xf32, #tpu.memory_space<vmem>> -> memref<128x16xf32, #tpu.memory_space<vmem>>
    %dma_wait3A_289 = arith.constant 0 : i32
    %dma_wait3A_290 = tpu.memref_slice %arg8[%dma_wait3A_284, %dma_wait3A_289] : memref<40x128xi32, #tpu.memory_space<vmem>> -> memref<1x128xi32, #tpu.memory_space<vmem>>
    %dma_wait3A_291 = tpu.memref_squeeze %dma_wait3A_290 : memref<1x128xi32, #tpu.memory_space<vmem>> -> memref<128xi32, #tpu.memory_space<vmem>>
    %dma_wait3A_292 = arith.constant 0 : i32
    %dma_wait3A_293 = arith.constant 0 : i32
    %dma_wait3A_294 = tpu.memref_slice %arg6[%dma_wait3A_292, %dma_wait3A_293] : memref<10240x16xf32, #tpu.memory_space<vmem_shared>> -> memref<10240x16xf32, #tpu.memory_space<vmem_shared>>
    tpu.wait_indirect_dma semaphore(%arg14 : memref<!tpu.dma_semaphore, #tpu.memory_space<semaphore_mem>>) src(%dma_wait3A_288 : memref<128x16xf32, #tpu.memory_space<vmem>>) dst(%dma_wait3A_294 : memref<10240x16xf32, #tpu.memory_space<vmem_shared>>)
    %dma_wait3A_295 = arith.constant 1 : i32
    %dma_wait3A_296 = arith.constant 1 : i32
    %dma_wait3A_297 = arith.constant 0 : i32
    %dma_wait3A_298 = arith.constant 0 : i32
    %dma_wait3A_299 = tpu.memref_slice %arg9[%dma_wait3A_295, %dma_wait3A_297, %dma_wait3A_298] : memref<8x128x16xf32, #tpu.memory_space<vmem>> -> memref<1x128x16xf32, #tpu.memory_space<vmem>>
    %dma_wait3A_300 = tpu.memref_squeeze %dma_wait3A_299 : memref<1x128x16xf32, #tpu.memory_space<vmem>> -> memref<128x16xf32, #tpu.memory_space<vmem>>
    %dma_wait3A_301 = arith.constant 0 : i32
    %dma_wait3A_302 = tpu.memref_slice %arg8[%dma_wait3A_296, %dma_wait3A_301] : memref<40x128xi32, #tpu.memory_space<vmem>> -> memref<1x128xi32, #tpu.memory_space<vmem>>
    %dma_wait3A_303 = tpu.memref_squeeze %dma_wait3A_302 : memref<1x128xi32, #tpu.memory_space<vmem>> -> memref<128xi32, #tpu.memory_space<vmem>>
    %dma_wait3A_304 = arith.constant 0 : i32
    %dma_wait3A_305 = arith.constant 0 : i32
    %dma_wait3A_306 = tpu.memref_slice %arg6[%dma_wait3A_304, %dma_wait3A_305] : memref<10240x16xf32, #tpu.memory_space<vmem_shared>> -> memref<10240x16xf32, #tpu.memory_space<vmem_shared>>
    tpu.wait_indirect_dma semaphore(%arg14 : memref<!tpu.dma_semaphore, #tpu.memory_space<semaphore_mem>>) src(%dma_wait3A_300 : memref<128x16xf32, #tpu.memory_space<vmem>>) dst(%dma_wait3A_306 : memref<10240x16xf32, #tpu.memory_space<vmem_shared>>)
    %dma_wait3A_307 = arith.constant 2 : i32
    %dma_wait3A_308 = arith.constant 2 : i32
    %dma_wait3A_309 = arith.constant 0 : i32
    %dma_wait3A_310 = arith.constant 0 : i32
    %dma_wait3A_311 = tpu.memref_slice %arg9[%dma_wait3A_307, %dma_wait3A_309, %dma_wait3A_310] : memref<8x128x16xf32, #tpu.memory_space<vmem>> -> memref<1x128x16xf32, #tpu.memory_space<vmem>>
    %dma_wait3A_312 = tpu.memref_squeeze %dma_wait3A_311 : memref<1x128x16xf32, #tpu.memory_space<vmem>> -> memref<128x16xf32, #tpu.memory_space<vmem>>
    %dma_wait3A_313 = arith.constant 0 : i32
    %dma_wait3A_314 = tpu.memref_slice %arg8[%dma_wait3A_308, %dma_wait3A_313] : memref<40x128xi32, #tpu.memory_space<vmem>> -> memref<1x128xi32, #tpu.memory_space<vmem>>
    %dma_wait3A_315 = tpu.memref_squeeze %dma_wait3A_314 : memref<1x128xi32, #tpu.memory_space<vmem>> -> memref<128xi32, #tpu.memory_space<vmem>>
    %dma_wait3A_316 = arith.constant 0 : i32
    %dma_wait3A_317 = arith.constant 0 : i32
    %dma_wait3A_318 = tpu.memref_slice %arg6[%dma_wait3A_316, %dma_wait3A_317] : memref<10240x16xf32, #tpu.memory_space<vmem_shared>> -> memref<10240x16xf32, #tpu.memory_space<vmem_shared>>
    tpu.wait_indirect_dma semaphore(%arg14 : memref<!tpu.dma_semaphore, #tpu.memory_space<semaphore_mem>>) src(%dma_wait3A_312 : memref<128x16xf32, #tpu.memory_space<vmem>>) dst(%dma_wait3A_318 : memref<10240x16xf32, #tpu.memory_space<vmem_shared>>)
    %dma_wait3A_319 = arith.constant 3 : i32
    %dma_wait3A_320 = arith.constant 3 : i32
    %dma_wait3A_321 = arith.constant 0 : i32
    %dma_wait3A_322 = arith.constant 0 : i32
    %dma_wait3A_323 = tpu.memref_slice %arg9[%dma_wait3A_319, %dma_wait3A_321, %dma_wait3A_322] : memref<8x128x16xf32, #tpu.memory_space<vmem>> -> memref<1x128x16xf32, #tpu.memory_space<vmem>>
    %dma_wait3A_324 = tpu.memref_squeeze %dma_wait3A_323 : memref<1x128x16xf32, #tpu.memory_space<vmem>> -> memref<128x16xf32, #tpu.memory_space<vmem>>
    %dma_wait3A_325 = arith.constant 0 : i32
    %dma_wait3A_326 = tpu.memref_slice %arg8[%dma_wait3A_320, %dma_wait3A_325] : memref<40x128xi32, #tpu.memory_space<vmem>> -> memref<1x128xi32, #tpu.memory_space<vmem>>
    %dma_wait3A_327 = tpu.memref_squeeze %dma_wait3A_326 : memref<1x128xi32, #tpu.memory_space<vmem>> -> memref<128xi32, #tpu.memory_space<vmem>>
    %dma_wait3A_328 = arith.constant 0 : i32
    %dma_wait3A_329 = arith.constant 0 : i32
    %dma_wait3A_330 = tpu.memref_slice %arg6[%dma_wait3A_328, %dma_wait3A_329] : memref<10240x16xf32, #tpu.memory_space<vmem_shared>> -> memref<10240x16xf32, #tpu.memory_space<vmem_shared>>
    tpu.wait_indirect_dma semaphore(%arg14 : memref<!tpu.dma_semaphore, #tpu.memory_space<semaphore_mem>>) src(%dma_wait3A_324 : memref<128x16xf32, #tpu.memory_space<vmem>>) dst(%dma_wait3A_330 : memref<10240x16xf32, #tpu.memory_space<vmem_shared>>)
    %dma_start3A_331 = arith.constant 4 : i32
    %dma_start3A_332 = arith.constant 4 : i32
    %dma_start3A_333 = arith.constant 0 : i32
    %dma_start3A_334 = arith.constant 0 : i32
    %dma_start3A_335 = tpu.memref_slice %arg9[%dma_start3A_331, %dma_start3A_333, %dma_start3A_334] : memref<8x128x16xf32, #tpu.memory_space<vmem>> -> memref<1x128x16xf32, #tpu.memory_space<vmem>>
    %dma_start3A_336 = tpu.memref_squeeze %dma_start3A_335 : memref<1x128x16xf32, #tpu.memory_space<vmem>> -> memref<128x16xf32, #tpu.memory_space<vmem>>
    %dma_start3A_337 = arith.constant 0 : i32
    %dma_start3A_338 = tpu.memref_slice %arg8[%dma_start3A_332, %dma_start3A_337] : memref<40x128xi32, #tpu.memory_space<vmem>> -> memref<1x128xi32, #tpu.memory_space<vmem>>
    %dma_start3A_339 = tpu.memref_squeeze %dma_start3A_338 : memref<1x128xi32, #tpu.memory_space<vmem>> -> memref<128xi32, #tpu.memory_space<vmem>>
    %dma_start3A_340 = arith.constant 0 : i32
    %dma_start3A_341 = arith.constant 0 : i32
    %dma_start3A_342 = tpu.memref_slice %arg6[%dma_start3A_340, %dma_start3A_341] : memref<10240x16xf32, #tpu.memory_space<vmem_shared>> -> memref<10240x16xf32, #tpu.memory_space<vmem_shared>>
    tpu.enqueue_indirect_dma source(%dma_start3A_336 : memref<128x16xf32, #tpu.memory_space<vmem>>) target(%dma_start3A_342 : memref<10240x16xf32, #tpu.memory_space<vmem_shared>>) offsets(%dma_start3A_339 : memref<128xi32, #tpu.memory_space<vmem>>) semaphore(%arg14 : memref<!tpu.dma_semaphore, #tpu.memory_space<semaphore_mem>>) {add = true}
    %dma_start3A_343 = arith.constant 5 : i32
    %dma_start3A_344 = arith.constant 5 : i32
    %dma_start3A_345 = arith.constant 0 : i32
    %dma_start3A_346 = arith.constant 0 : i32
    %dma_start3A_347 = tpu.memref_slice %arg9[%dma_start3A_343, %dma_start3A_345, %dma_start3A_346] : memref<8x128x16xf32, #tpu.memory_space<vmem>> -> memref<1x128x16xf32, #tpu.memory_space<vmem>>
    %dma_start3A_348 = tpu.memref_squeeze %dma_start3A_347 : memref<1x128x16xf32, #tpu.memory_space<vmem>> -> memref<128x16xf32, #tpu.memory_space<vmem>>
    %dma_start3A_349 = arith.constant 0 : i32
    %dma_start3A_350 = tpu.memref_slice %arg8[%dma_start3A_344, %dma_start3A_349] : memref<40x128xi32, #tpu.memory_space<vmem>> -> memref<1x128xi32, #tpu.memory_space<vmem>>
    %dma_start3A_351 = tpu.memref_squeeze %dma_start3A_350 : memref<1x128xi32, #tpu.memory_space<vmem>> -> memref<128xi32, #tpu.memory_space<vmem>>
    %dma_start3A_352 = arith.constant 0 : i32
    %dma_start3A_353 = arith.constant 0 : i32
    %dma_start3A_354 = tpu.memref_slice %arg6[%dma_start3A_352, %dma_start3A_353] : memref<10240x16xf32, #tpu.memory_space<vmem_shared>> -> memref<10240x16xf32, #tpu.memory_space<vmem_shared>>
    tpu.enqueue_indirect_dma source(%dma_start3A_348 : memref<128x16xf32, #tpu.memory_space<vmem>>) target(%dma_start3A_354 : memref<10240x16xf32, #tpu.memory_space<vmem_shared>>) offsets(%dma_start3A_351 : memref<128xi32, #tpu.memory_space<vmem>>) semaphore(%arg14 : memref<!tpu.dma_semaphore, #tpu.memory_space<semaphore_mem>>) {add = true}
    %dma_start3A_355 = arith.constant 6 : i32
    %dma_start3A_356 = arith.constant 6 : i32
    %dma_start3A_357 = arith.constant 0 : i32
    %dma_start3A_358 = arith.constant 0 : i32
    %dma_start3A_359 = tpu.memref_slice %arg9[%dma_start3A_355, %dma_start3A_357, %dma_start3A_358] : memref<8x128x16xf32, #tpu.memory_space<vmem>> -> memref<1x128x16xf32, #tpu.memory_space<vmem>>
    %dma_start3A_360 = tpu.memref_squeeze %dma_start3A_359 : memref<1x128x16xf32, #tpu.memory_space<vmem>> -> memref<128x16xf32, #tpu.memory_space<vmem>>
    %dma_start3A_361 = arith.constant 0 : i32
    %dma_start3A_362 = tpu.memref_slice %arg8[%dma_start3A_356, %dma_start3A_361] : memref<40x128xi32, #tpu.memory_space<vmem>> -> memref<1x128xi32, #tpu.memory_space<vmem>>
    %dma_start3A_363 = tpu.memref_squeeze %dma_start3A_362 : memref<1x128xi32, #tpu.memory_space<vmem>> -> memref<128xi32, #tpu.memory_space<vmem>>
    %dma_start3A_364 = arith.constant 0 : i32
    %dma_start3A_365 = arith.constant 0 : i32
    %dma_start3A_366 = tpu.memref_slice %arg6[%dma_start3A_364, %dma_start3A_365] : memref<10240x16xf32, #tpu.memory_space<vmem_shared>> -> memref<10240x16xf32, #tpu.memory_space<vmem_shared>>
    tpu.enqueue_indirect_dma source(%dma_start3A_360 : memref<128x16xf32, #tpu.memory_space<vmem>>) target(%dma_start3A_366 : memref<10240x16xf32, #tpu.memory_space<vmem_shared>>) offsets(%dma_start3A_363 : memref<128xi32, #tpu.memory_space<vmem>>) semaphore(%arg14 : memref<!tpu.dma_semaphore, #tpu.memory_space<semaphore_mem>>) {add = true}
    %dma_start3A_367 = arith.constant 7 : i32
    %dma_start3A_368 = arith.constant 7 : i32
    %dma_start3A_369 = arith.constant 0 : i32
    %dma_start3A_370 = arith.constant 0 : i32
    %dma_start3A_371 = tpu.memref_slice %arg9[%dma_start3A_367, %dma_start3A_369, %dma_start3A_370] : memref<8x128x16xf32, #tpu.memory_space<vmem>> -> memref<1x128x16xf32, #tpu.memory_space<vmem>>
    %dma_start3A_372 = tpu.memref_squeeze %dma_start3A_371 : memref<1x128x16xf32, #tpu.memory_space<vmem>> -> memref<128x16xf32, #tpu.memory_space<vmem>>
    %dma_start3A_373 = arith.constant 0 : i32
    %dma_start3A_374 = tpu.memref_slice %arg8[%dma_start3A_368, %dma_start3A_373] : memref<40x128xi32, #tpu.memory_space<vmem>> -> memref<1x128xi32, #tpu.memory_space<vmem>>
    %dma_start3A_375 = tpu.memref_squeeze %dma_start3A_374 : memref<1x128xi32, #tpu.memory_space<vmem>> -> memref<128xi32, #tpu.memory_space<vmem>>
    %dma_start3A_376 = arith.constant 0 : i32
    %dma_start3A_377 = arith.constant 0 : i32
    %dma_start3A_378 = tpu.memref_slice %arg6[%dma_start3A_376, %dma_start3A_377] : memref<10240x16xf32, #tpu.memory_space<vmem_shared>> -> memref<10240x16xf32, #tpu.memory_space<vmem_shared>>
    tpu.enqueue_indirect_dma source(%dma_start3A_372 : memref<128x16xf32, #tpu.memory_space<vmem>>) target(%dma_start3A_378 : memref<10240x16xf32, #tpu.memory_space<vmem_shared>>) offsets(%dma_start3A_375 : memref<128xi32, #tpu.memory_space<vmem>>) semaphore(%arg14 : memref<!tpu.dma_semaphore, #tpu.memory_space<semaphore_mem>>) {add = true}
    %dma_wait3A_379 = arith.constant 4 : i32
    %dma_wait3A_380 = arith.constant 4 : i32
    %dma_wait3A_381 = arith.constant 0 : i32
    %dma_wait3A_382 = arith.constant 0 : i32
    %dma_wait3A_383 = tpu.memref_slice %arg9[%dma_wait3A_379, %dma_wait3A_381, %dma_wait3A_382] : memref<8x128x16xf32, #tpu.memory_space<vmem>> -> memref<1x128x16xf32, #tpu.memory_space<vmem>>
    %dma_wait3A_384 = tpu.memref_squeeze %dma_wait3A_383 : memref<1x128x16xf32, #tpu.memory_space<vmem>> -> memref<128x16xf32, #tpu.memory_space<vmem>>
    %dma_wait3A_385 = arith.constant 0 : i32
    %dma_wait3A_386 = tpu.memref_slice %arg8[%dma_wait3A_380, %dma_wait3A_385] : memref<40x128xi32, #tpu.memory_space<vmem>> -> memref<1x128xi32, #tpu.memory_space<vmem>>
    %dma_wait3A_387 = tpu.memref_squeeze %dma_wait3A_386 : memref<1x128xi32, #tpu.memory_space<vmem>> -> memref<128xi32, #tpu.memory_space<vmem>>
    %dma_wait3A_388 = arith.constant 0 : i32
    %dma_wait3A_389 = arith.constant 0 : i32
    %dma_wait3A_390 = tpu.memref_slice %arg6[%dma_wait3A_388, %dma_wait3A_389] : memref<10240x16xf32, #tpu.memory_space<vmem_shared>> -> memref<10240x16xf32, #tpu.memory_space<vmem_shared>>
    tpu.wait_indirect_dma semaphore(%arg14 : memref<!tpu.dma_semaphore, #tpu.memory_space<semaphore_mem>>) src(%dma_wait3A_384 : memref<128x16xf32, #tpu.memory_space<vmem>>) dst(%dma_wait3A_390 : memref<10240x16xf32, #tpu.memory_space<vmem_shared>>)
    %dma_wait3A_391 = arith.constant 5 : i32
    %dma_wait3A_392 = arith.constant 5 : i32
    %dma_wait3A_393 = arith.constant 0 : i32
    %dma_wait3A_394 = arith.constant 0 : i32
    %dma_wait3A_395 = tpu.memref_slice %arg9[%dma_wait3A_391, %dma_wait3A_393, %dma_wait3A_394] : memref<8x128x16xf32, #tpu.memory_space<vmem>> -> memref<1x128x16xf32, #tpu.memory_space<vmem>>
    %dma_wait3A_396 = tpu.memref_squeeze %dma_wait3A_395 : memref<1x128x16xf32, #tpu.memory_space<vmem>> -> memref<128x16xf32, #tpu.memory_space<vmem>>
    %dma_wait3A_397 = arith.constant 0 : i32
    %dma_wait3A_398 = tpu.memref_slice %arg8[%dma_wait3A_392, %dma_wait3A_397] : memref<40x128xi32, #tpu.memory_space<vmem>> -> memref<1x128xi32, #tpu.memory_space<vmem>>
    %dma_wait3A_399 = tpu.memref_squeeze %dma_wait3A_398 : memref<1x128xi32, #tpu.memory_space<vmem>> -> memref<128xi32, #tpu.memory_space<vmem>>
    %dma_wait3A_400 = arith.constant 0 : i32
    %dma_wait3A_401 = arith.constant 0 : i32
    %dma_wait3A_402 = tpu.memref_slice %arg6[%dma_wait3A_400, %dma_wait3A_401] : memref<10240x16xf32, #tpu.memory_space<vmem_shared>> -> memref<10240x16xf32, #tpu.memory_space<vmem_shared>>
    tpu.wait_indirect_dma semaphore(%arg14 : memref<!tpu.dma_semaphore, #tpu.memory_space<semaphore_mem>>) src(%dma_wait3A_396 : memref<128x16xf32, #tpu.memory_space<vmem>>) dst(%dma_wait3A_402 : memref<10240x16xf32, #tpu.memory_space<vmem_shared>>)
    %dma_wait3A_403 = arith.constant 6 : i32
    %dma_wait3A_404 = arith.constant 6 : i32
    %dma_wait3A_405 = arith.constant 0 : i32
    %dma_wait3A_406 = arith.constant 0 : i32
    %dma_wait3A_407 = tpu.memref_slice %arg9[%dma_wait3A_403, %dma_wait3A_405, %dma_wait3A_406] : memref<8x128x16xf32, #tpu.memory_space<vmem>> -> memref<1x128x16xf32, #tpu.memory_space<vmem>>
    %dma_wait3A_408 = tpu.memref_squeeze %dma_wait3A_407 : memref<1x128x16xf32, #tpu.memory_space<vmem>> -> memref<128x16xf32, #tpu.memory_space<vmem>>
    %dma_wait3A_409 = arith.constant 0 : i32
    %dma_wait3A_410 = tpu.memref_slice %arg8[%dma_wait3A_404, %dma_wait3A_409] : memref<40x128xi32, #tpu.memory_space<vmem>> -> memref<1x128xi32, #tpu.memory_space<vmem>>
    %dma_wait3A_411 = tpu.memref_squeeze %dma_wait3A_410 : memref<1x128xi32, #tpu.memory_space<vmem>> -> memref<128xi32, #tpu.memory_space<vmem>>
    %dma_wait3A_412 = arith.constant 0 : i32
    %dma_wait3A_413 = arith.constant 0 : i32
    %dma_wait3A_414 = tpu.memref_slice %arg6[%dma_wait3A_412, %dma_wait3A_413] : memref<10240x16xf32, #tpu.memory_space<vmem_shared>> -> memref<10240x16xf32, #tpu.memory_space<vmem_shared>>
    tpu.wait_indirect_dma semaphore(%arg14 : memref<!tpu.dma_semaphore, #tpu.memory_space<semaphore_mem>>) src(%dma_wait3A_408 : memref<128x16xf32, #tpu.memory_space<vmem>>) dst(%dma_wait3A_414 : memref<10240x16xf32, #tpu.memory_space<vmem_shared>>)
    %dma_wait3A_415 = arith.constant 7 : i32
    %dma_wait3A_416 = arith.constant 7 : i32
    %dma_wait3A_417 = arith.constant 0 : i32
    %dma_wait3A_418 = arith.constant 0 : i32
    %dma_wait3A_419 = tpu.memref_slice %arg9[%dma_wait3A_415, %dma_wait3A_417, %dma_wait3A_418] : memref<8x128x16xf32, #tpu.memory_space<vmem>> -> memref<1x128x16xf32, #tpu.memory_space<vmem>>
    %dma_wait3A_420 = tpu.memref_squeeze %dma_wait3A_419 : memref<1x128x16xf32, #tpu.memory_space<vmem>> -> memref<128x16xf32, #tpu.memory_space<vmem>>
    %dma_wait3A_421 = arith.constant 0 : i32
    %dma_wait3A_422 = tpu.memref_slice %arg8[%dma_wait3A_416, %dma_wait3A_421] : memref<40x128xi32, #tpu.memory_space<vmem>> -> memref<1x128xi32, #tpu.memory_space<vmem>>
    %dma_wait3A_423 = tpu.memref_squeeze %dma_wait3A_422 : memref<1x128xi32, #tpu.memory_space<vmem>> -> memref<128xi32, #tpu.memory_space<vmem>>
    %dma_wait3A_424 = arith.constant 0 : i32
    %dma_wait3A_425 = arith.constant 0 : i32
    %dma_wait3A_426 = tpu.memref_slice %arg6[%dma_wait3A_424, %dma_wait3A_425] : memref<10240x16xf32, #tpu.memory_space<vmem_shared>> -> memref<10240x16xf32, #tpu.memory_space<vmem_shared>>
    tpu.wait_indirect_dma semaphore(%arg14 : memref<!tpu.dma_semaphore, #tpu.memory_space<semaphore_mem>>) src(%dma_wait3A_420 : memref<128x16xf32, #tpu.memory_space<vmem>>) dst(%dma_wait3A_426 : memref<10240x16xf32, #tpu.memory_space<vmem_shared>>)
    %dma_start3A_427 = arith.constant 8 : i32
    %dma_start3A_428 = arith.constant 0 : i32
    %dma_start3A_429 = arith.constant 0 : i32
    %dma_start3A_430 = arith.constant 0 : i32
    %dma_start3A_431 = tpu.memref_slice %arg9[%dma_start3A_428, %dma_start3A_429, %dma_start3A_430] : memref<8x128x16xf32, #tpu.memory_space<vmem>> -> memref<1x128x16xf32, #tpu.memory_space<vmem>>
    %dma_start3A_432 = tpu.memref_squeeze %dma_start3A_431 : memref<1x128x16xf32, #tpu.memory_space<vmem>> -> memref<128x16xf32, #tpu.memory_space<vmem>>
    %dma_start3A_433 = arith.constant 0 : i32
    %dma_start3A_434 = tpu.memref_slice %arg7[%dma_start3A_427, %dma_start3A_433] : memref<40x128xi32, #tpu.memory_space<vmem>> -> memref<1x128xi32, #tpu.memory_space<vmem>>
    %dma_start3A_435 = tpu.memref_squeeze %dma_start3A_434 : memref<1x128xi32, #tpu.memory_space<vmem>> -> memref<128xi32, #tpu.memory_space<vmem>>
    %dma_start3A_436 = arith.constant 0 : i32
    %dma_start3A_437 = arith.constant 0 : i32
    %dma_start3A_438 = tpu.memref_slice %arg4[%dma_start3A_436, %dma_start3A_437] : memref<10240x16xf32, #tpu.memory_space<hbm>> -> memref<10240x16xf32, #tpu.memory_space<hbm>>
    tpu.enqueue_indirect_dma source(%dma_start3A_438 : memref<10240x16xf32, #tpu.memory_space<hbm>>) target(%dma_start3A_432 : memref<128x16xf32, #tpu.memory_space<vmem>>) offsets(%dma_start3A_435 : memref<128xi32, #tpu.memory_space<vmem>>) semaphore(%arg13 : memref<!tpu.dma_semaphore, #tpu.memory_space<semaphore_mem>>)
    %dma_start3A_439 = arith.constant 9 : i32
    %dma_start3A_440 = arith.constant 1 : i32
    %dma_start3A_441 = arith.constant 0 : i32
    %dma_start3A_442 = arith.constant 0 : i32
    %dma_start3A_443 = tpu.memref_slice %arg9[%dma_start3A_440, %dma_start3A_441, %dma_start3A_442] : memref<8x128x16xf32, #tpu.memory_space<vmem>> -> memref<1x128x16xf32, #tpu.memory_space<vmem>>
    %dma_start3A_444 = tpu.memref_squeeze %dma_start3A_443 : memref<1x128x16xf32, #tpu.memory_space<vmem>> -> memref<128x16xf32, #tpu.memory_space<vmem>>
    %dma_start3A_445 = arith.constant 0 : i32
    %dma_start3A_446 = tpu.memref_slice %arg7[%dma_start3A_439, %dma_start3A_445] : memref<40x128xi32, #tpu.memory_space<vmem>> -> memref<1x128xi32, #tpu.memory_space<vmem>>
    %dma_start3A_447 = tpu.memref_squeeze %dma_start3A_446 : memref<1x128xi32, #tpu.memory_space<vmem>> -> memref<128xi32, #tpu.memory_space<vmem>>
    %dma_start3A_448 = arith.constant 0 : i32
    %dma_start3A_449 = arith.constant 0 : i32
    %dma_start3A_450 = tpu.memref_slice %arg4[%dma_start3A_448, %dma_start3A_449] : memref<10240x16xf32, #tpu.memory_space<hbm>> -> memref<10240x16xf32, #tpu.memory_space<hbm>>
    tpu.enqueue_indirect_dma source(%dma_start3A_450 : memref<10240x16xf32, #tpu.memory_space<hbm>>) target(%dma_start3A_444 : memref<128x16xf32, #tpu.memory_space<vmem>>) offsets(%dma_start3A_447 : memref<128xi32, #tpu.memory_space<vmem>>) semaphore(%arg13 : memref<!tpu.dma_semaphore, #tpu.memory_space<semaphore_mem>>)
    %dma_start3A_451 = arith.constant 10 : i32
    %dma_start3A_452 = arith.constant 2 : i32
    %dma_start3A_453 = arith.constant 0 : i32
    %dma_start3A_454 = arith.constant 0 : i32
    %dma_start3A_455 = tpu.memref_slice %arg9[%dma_start3A_452, %dma_start3A_453, %dma_start3A_454] : memref<8x128x16xf32, #tpu.memory_space<vmem>> -> memref<1x128x16xf32, #tpu.memory_space<vmem>>
    %dma_start3A_456 = tpu.memref_squeeze %dma_start3A_455 : memref<1x128x16xf32, #tpu.memory_space<vmem>> -> memref<128x16xf32, #tpu.memory_space<vmem>>
    %dma_start3A_457 = arith.constant 0 : i32
    %dma_start3A_458 = tpu.memref_slice %arg7[%dma_start3A_451, %dma_start3A_457] : memref<40x128xi32, #tpu.memory_space<vmem>> -> memref<1x128xi32, #tpu.memory_space<vmem>>
    %dma_start3A_459 = tpu.memref_squeeze %dma_start3A_458 : memref<1x128xi32, #tpu.memory_space<vmem>> -> memref<128xi32, #tpu.memory_space<vmem>>
    %dma_start3A_460 = arith.constant 0 : i32
    %dma_start3A_461 = arith.constant 0 : i32
    %dma_start3A_462 = tpu.memref_slice %arg4[%dma_start3A_460, %dma_start3A_461] : memref<10240x16xf32, #tpu.memory_space<hbm>> -> memref<10240x16xf32, #tpu.memory_space<hbm>>
    tpu.enqueue_indirect_dma source(%dma_start3A_462 : memref<10240x16xf32, #tpu.memory_space<hbm>>) target(%dma_start3A_456 : memref<128x16xf32, #tpu.memory_space<vmem>>) offsets(%dma_start3A_459 : memref<128xi32, #tpu.memory_space<vmem>>) semaphore(%arg13 : memref<!tpu.dma_semaphore, #tpu.memory_space<semaphore_mem>>)
    %dma_start3A_463 = arith.constant 11 : i32
    %dma_start3A_464 = arith.constant 3 : i32
    %dma_start3A_465 = arith.constant 0 : i32
    %dma_start3A_466 = arith.constant 0 : i32
    %dma_start3A_467 = tpu.memref_slice %arg9[%dma_start3A_464, %dma_start3A_465, %dma_start3A_466] : memref<8x128x16xf32, #tpu.memory_space<vmem>> -> memref<1x128x16xf32, #tpu.memory_space<vmem>>
    %dma_start3A_468 = tpu.memref_squeeze %dma_start3A_467 : memref<1x128x16xf32, #tpu.memory_space<vmem>> -> memref<128x16xf32, #tpu.memory_space<vmem>>
    %dma_start3A_469 = arith.constant 0 : i32
    %dma_start3A_470 = tpu.memref_slice %arg7[%dma_start3A_463, %dma_start3A_469] : memref<40x128xi32, #tpu.memory_space<vmem>> -> memref<1x128xi32, #tpu.memory_space<vmem>>
    %dma_start3A_471 = tpu.memref_squeeze %dma_start3A_470 : memref<1x128xi32, #tpu.memory_space<vmem>> -> memref<128xi32, #tpu.memory_space<vmem>>
    %dma_start3A_472 = arith.constant 0 : i32
    %dma_start3A_473 = arith.constant 0 : i32
    %dma_start3A_474 = tpu.memref_slice %arg4[%dma_start3A_472, %dma_start3A_473] : memref<10240x16xf32, #tpu.memory_space<hbm>> -> memref<10240x16xf32, #tpu.memory_space<hbm>>
    tpu.enqueue_indirect_dma source(%dma_start3A_474 : memref<10240x16xf32, #tpu.memory_space<hbm>>) target(%dma_start3A_468 : memref<128x16xf32, #tpu.memory_space<vmem>>) offsets(%dma_start3A_471 : memref<128xi32, #tpu.memory_space<vmem>>) semaphore(%arg13 : memref<!tpu.dma_semaphore, #tpu.memory_space<semaphore_mem>>)
    %dma_start3A_475 = arith.constant 12 : i32
    %dma_start3A_476 = arith.constant 4 : i32
    %dma_start3A_477 = arith.constant 0 : i32
    %dma_start3A_478 = arith.constant 0 : i32
    %dma_start3A_479 = tpu.memref_slice %arg9[%dma_start3A_476, %dma_start3A_477, %dma_start3A_478] : memref<8x128x16xf32, #tpu.memory_space<vmem>> -> memref<1x128x16xf32, #tpu.memory_space<vmem>>
    %dma_start3A_480 = tpu.memref_squeeze %dma_start3A_479 : memref<1x128x16xf32, #tpu.memory_space<vmem>> -> memref<128x16xf32, #tpu.memory_space<vmem>>
    %dma_start3A_481 = arith.constant 0 : i32
    %dma_start3A_482 = tpu.memref_slice %arg7[%dma_start3A_475, %dma_start3A_481] : memref<40x128xi32, #tpu.memory_space<vmem>> -> memref<1x128xi32, #tpu.memory_space<vmem>>
    %dma_start3A_483 = tpu.memref_squeeze %dma_start3A_482 : memref<1x128xi32, #tpu.memory_space<vmem>> -> memref<128xi32, #tpu.memory_space<vmem>>
    %dma_start3A_484 = arith.constant 0 : i32
    %dma_start3A_485 = arith.constant 0 : i32
    %dma_start3A_486 = tpu.memref_slice %arg4[%dma_start3A_484, %dma_start3A_485] : memref<10240x16xf32, #tpu.memory_space<hbm>> -> memref<10240x16xf32, #tpu.memory_space<hbm>>
    tpu.enqueue_indirect_dma source(%dma_start3A_486 : memref<10240x16xf32, #tpu.memory_space<hbm>>) target(%dma_start3A_480 : memref<128x16xf32, #tpu.memory_space<vmem>>) offsets(%dma_start3A_483 : memref<128xi32, #tpu.memory_space<vmem>>) semaphore(%arg13 : memref<!tpu.dma_semaphore, #tpu.memory_space<semaphore_mem>>)
    %dma_start3A_487 = arith.constant 13 : i32
    %dma_start3A_488 = arith.constant 5 : i32
    %dma_start3A_489 = arith.constant 0 : i32
    %dma_start3A_490 = arith.constant 0 : i32
    %dma_start3A_491 = tpu.memref_slice %arg9[%dma_start3A_488, %dma_start3A_489, %dma_start3A_490] : memref<8x128x16xf32, #tpu.memory_space<vmem>> -> memref<1x128x16xf32, #tpu.memory_space<vmem>>
    %dma_start3A_492 = tpu.memref_squeeze %dma_start3A_491 : memref<1x128x16xf32, #tpu.memory_space<vmem>> -> memref<128x16xf32, #tpu.memory_space<vmem>>
    %dma_start3A_493 = arith.constant 0 : i32
    %dma_start3A_494 = tpu.memref_slice %arg7[%dma_start3A_487, %dma_start3A_493] : memref<40x128xi32, #tpu.memory_space<vmem>> -> memref<1x128xi32, #tpu.memory_space<vmem>>
    %dma_start3A_495 = tpu.memref_squeeze %dma_start3A_494 : memref<1x128xi32, #tpu.memory_space<vmem>> -> memref<128xi32, #tpu.memory_space<vmem>>
    %dma_start3A_496 = arith.constant 0 : i32
    %dma_start3A_497 = arith.constant 0 : i32
    %dma_start3A_498 = tpu.memref_slice %arg4[%dma_start3A_496, %dma_start3A_497] : memref<10240x16xf32, #tpu.memory_space<hbm>> -> memref<10240x16xf32, #tpu.memory_space<hbm>>
    tpu.enqueue_indirect_dma source(%dma_start3A_498 : memref<10240x16xf32, #tpu.memory_space<hbm>>) target(%dma_start3A_492 : memref<128x16xf32, #tpu.memory_space<vmem>>) offsets(%dma_start3A_495 : memref<128xi32, #tpu.memory_space<vmem>>) semaphore(%arg13 : memref<!tpu.dma_semaphore, #tpu.memory_space<semaphore_mem>>)
    %dma_start3A_499 = arith.constant 14 : i32
    %dma_start3A_500 = arith.constant 6 : i32
    %dma_start3A_501 = arith.constant 0 : i32
    %dma_start3A_502 = arith.constant 0 : i32
    %dma_start3A_503 = tpu.memref_slice %arg9[%dma_start3A_500, %dma_start3A_501, %dma_start3A_502] : memref<8x128x16xf32, #tpu.memory_space<vmem>> -> memref<1x128x16xf32, #tpu.memory_space<vmem>>
    %dma_start3A_504 = tpu.memref_squeeze %dma_start3A_503 : memref<1x128x16xf32, #tpu.memory_space<vmem>> -> memref<128x16xf32, #tpu.memory_space<vmem>>
    %dma_start3A_505 = arith.constant 0 : i32
    %dma_start3A_506 = tpu.memref_slice %arg7[%dma_start3A_499, %dma_start3A_505] : memref<40x128xi32, #tpu.memory_space<vmem>> -> memref<1x128xi32, #tpu.memory_space<vmem>>
    %dma_start3A_507 = tpu.memref_squeeze %dma_start3A_506 : memref<1x128xi32, #tpu.memory_space<vmem>> -> memref<128xi32, #tpu.memory_space<vmem>>
    %dma_start3A_508 = arith.constant 0 : i32
    %dma_start3A_509 = arith.constant 0 : i32
    %dma_start3A_510 = tpu.memref_slice %arg4[%dma_start3A_508, %dma_start3A_509] : memref<10240x16xf32, #tpu.memory_space<hbm>> -> memref<10240x16xf32, #tpu.memory_space<hbm>>
    tpu.enqueue_indirect_dma source(%dma_start3A_510 : memref<10240x16xf32, #tpu.memory_space<hbm>>) target(%dma_start3A_504 : memref<128x16xf32, #tpu.memory_space<vmem>>) offsets(%dma_start3A_507 : memref<128xi32, #tpu.memory_space<vmem>>) semaphore(%arg13 : memref<!tpu.dma_semaphore, #tpu.memory_space<semaphore_mem>>)
    %dma_start3A_511 = arith.constant 15 : i32
    %dma_start3A_512 = arith.constant 7 : i32
    %dma_start3A_513 = arith.constant 0 : i32
    %dma_start3A_514 = arith.constant 0 : i32
    %dma_start3A_515 = tpu.memref_slice %arg9[%dma_start3A_512, %dma_start3A_513, %dma_start3A_514] : memref<8x128x16xf32, #tpu.memory_space<vmem>> -> memref<1x128x16xf32, #tpu.memory_space<vmem>>
    %dma_start3A_516 = tpu.memref_squeeze %dma_start3A_515 : memref<1x128x16xf32, #tpu.memory_space<vmem>> -> memref<128x16xf32, #tpu.memory_space<vmem>>
    %dma_start3A_517 = arith.constant 0 : i32
    %dma_start3A_518 = tpu.memref_slice %arg7[%dma_start3A_511, %dma_start3A_517] : memref<40x128xi32, #tpu.memory_space<vmem>> -> memref<1x128xi32, #tpu.memory_space<vmem>>
    %dma_start3A_519 = tpu.memref_squeeze %dma_start3A_518 : memref<1x128xi32, #tpu.memory_space<vmem>> -> memref<128xi32, #tpu.memory_space<vmem>>
    %dma_start3A_520 = arith.constant 0 : i32
    %dma_start3A_521 = arith.constant 0 : i32
    %dma_start3A_522 = tpu.memref_slice %arg4[%dma_start3A_520, %dma_start3A_521] : memref<10240x16xf32, #tpu.memory_space<hbm>> -> memref<10240x16xf32, #tpu.memory_space<hbm>>
    tpu.enqueue_indirect_dma source(%dma_start3A_522 : memref<10240x16xf32, #tpu.memory_space<hbm>>) target(%dma_start3A_516 : memref<128x16xf32, #tpu.memory_space<vmem>>) offsets(%dma_start3A_519 : memref<128xi32, #tpu.memory_space<vmem>>) semaphore(%arg13 : memref<!tpu.dma_semaphore, #tpu.memory_space<semaphore_mem>>)
    %dma_wait3A_523 = arith.constant 8 : i32
    %dma_wait3A_524 = arith.constant 0 : i32
    %dma_wait3A_525 = arith.constant 0 : i32
    %dma_wait3A_526 = arith.constant 0 : i32
    %dma_wait3A_527 = tpu.memref_slice %arg9[%dma_wait3A_524, %dma_wait3A_525, %dma_wait3A_526] : memref<8x128x16xf32, #tpu.memory_space<vmem>> -> memref<1x128x16xf32, #tpu.memory_space<vmem>>
    %dma_wait3A_528 = tpu.memref_squeeze %dma_wait3A_527 : memref<1x128x16xf32, #tpu.memory_space<vmem>> -> memref<128x16xf32, #tpu.memory_space<vmem>>
    %dma_wait3A_529 = arith.constant 0 : i32
    %dma_wait3A_530 = tpu.memref_slice %arg7[%dma_wait3A_523, %dma_wait3A_529] : memref<40x128xi32, #tpu.memory_space<vmem>> -> memref<1x128xi32, #tpu.memory_space<vmem>>
    %dma_wait3A_531 = tpu.memref_squeeze %dma_wait3A_530 : memref<1x128xi32, #tpu.memory_space<vmem>> -> memref<128xi32, #tpu.memory_space<vmem>>
    %dma_wait3A_532 = arith.constant 0 : i32
    %dma_wait3A_533 = arith.constant 0 : i32
    %dma_wait3A_534 = tpu.memref_slice %arg4[%dma_wait3A_532, %dma_wait3A_533] : memref<10240x16xf32, #tpu.memory_space<hbm>> -> memref<10240x16xf32, #tpu.memory_space<hbm>>
    tpu.wait_indirect_dma semaphore(%arg13 : memref<!tpu.dma_semaphore, #tpu.memory_space<semaphore_mem>>) src(%dma_wait3A_534 : memref<10240x16xf32, #tpu.memory_space<hbm>>) dst(%dma_wait3A_528 : memref<128x16xf32, #tpu.memory_space<vmem>>)
    %dma_wait3A_535 = arith.constant 9 : i32
    %dma_wait3A_536 = arith.constant 1 : i32
    %dma_wait3A_537 = arith.constant 0 : i32
    %dma_wait3A_538 = arith.constant 0 : i32
    %dma_wait3A_539 = tpu.memref_slice %arg9[%dma_wait3A_536, %dma_wait3A_537, %dma_wait3A_538] : memref<8x128x16xf32, #tpu.memory_space<vmem>> -> memref<1x128x16xf32, #tpu.memory_space<vmem>>
    %dma_wait3A_540 = tpu.memref_squeeze %dma_wait3A_539 : memref<1x128x16xf32, #tpu.memory_space<vmem>> -> memref<128x16xf32, #tpu.memory_space<vmem>>
    %dma_wait3A_541 = arith.constant 0 : i32
    %dma_wait3A_542 = tpu.memref_slice %arg7[%dma_wait3A_535, %dma_wait3A_541] : memref<40x128xi32, #tpu.memory_space<vmem>> -> memref<1x128xi32, #tpu.memory_space<vmem>>
    %dma_wait3A_543 = tpu.memref_squeeze %dma_wait3A_542 : memref<1x128xi32, #tpu.memory_space<vmem>> -> memref<128xi32, #tpu.memory_space<vmem>>
    %dma_wait3A_544 = arith.constant 0 : i32
    %dma_wait3A_545 = arith.constant 0 : i32
    %dma_wait3A_546 = tpu.memref_slice %arg4[%dma_wait3A_544, %dma_wait3A_545] : memref<10240x16xf32, #tpu.memory_space<hbm>> -> memref<10240x16xf32, #tpu.memory_space<hbm>>
    tpu.wait_indirect_dma semaphore(%arg13 : memref<!tpu.dma_semaphore, #tpu.memory_space<semaphore_mem>>) src(%dma_wait3A_546 : memref<10240x16xf32, #tpu.memory_space<hbm>>) dst(%dma_wait3A_540 : memref<128x16xf32, #tpu.memory_space<vmem>>)
    %dma_wait3A_547 = arith.constant 10 : i32
    %dma_wait3A_548 = arith.constant 2 : i32
    %dma_wait3A_549 = arith.constant 0 : i32
    %dma_wait3A_550 = arith.constant 0 : i32
    %dma_wait3A_551 = tpu.memref_slice %arg9[%dma_wait3A_548, %dma_wait3A_549, %dma_wait3A_550] : memref<8x128x16xf32, #tpu.memory_space<vmem>> -> memref<1x128x16xf32, #tpu.memory_space<vmem>>
    %dma_wait3A_552 = tpu.memref_squeeze %dma_wait3A_551 : memref<1x128x16xf32, #tpu.memory_space<vmem>> -> memref<128x16xf32, #tpu.memory_space<vmem>>
    %dma_wait3A_553 = arith.constant 0 : i32
    %dma_wait3A_554 = tpu.memref_slice %arg7[%dma_wait3A_547, %dma_wait3A_553] : memref<40x128xi32, #tpu.memory_space<vmem>> -> memref<1x128xi32, #tpu.memory_space<vmem>>
    %dma_wait3A_555 = tpu.memref_squeeze %dma_wait3A_554 : memref<1x128xi32, #tpu.memory_space<vmem>> -> memref<128xi32, #tpu.memory_space<vmem>>
    %dma_wait3A_556 = arith.constant 0 : i32
    %dma_wait3A_557 = arith.constant 0 : i32
    %dma_wait3A_558 = tpu.memref_slice %arg4[%dma_wait3A_556, %dma_wait3A_557] : memref<10240x16xf32, #tpu.memory_space<hbm>> -> memref<10240x16xf32, #tpu.memory_space<hbm>>
    tpu.wait_indirect_dma semaphore(%arg13 : memref<!tpu.dma_semaphore, #tpu.memory_space<semaphore_mem>>) src(%dma_wait3A_558 : memref<10240x16xf32, #tpu.memory_space<hbm>>) dst(%dma_wait3A_552 : memref<128x16xf32, #tpu.memory_space<vmem>>)
    %dma_wait3A_559 = arith.constant 11 : i32
    %dma_wait3A_560 = arith.constant 3 : i32
    %dma_wait3A_561 = arith.constant 0 : i32
    %dma_wait3A_562 = arith.constant 0 : i32
    %dma_wait3A_563 = tpu.memref_slice %arg9[%dma_wait3A_560, %dma_wait3A_561, %dma_wait3A_562] : memref<8x128x16xf32, #tpu.memory_space<vmem>> -> memref<1x128x16xf32, #tpu.memory_space<vmem>>
    %dma_wait3A_564 = tpu.memref_squeeze %dma_wait3A_563 : memref<1x128x16xf32, #tpu.memory_space<vmem>> -> memref<128x16xf32, #tpu.memory_space<vmem>>
    %dma_wait3A_565 = arith.constant 0 : i32
    %dma_wait3A_566 = tpu.memref_slice %arg7[%dma_wait3A_559, %dma_wait3A_565] : memref<40x128xi32, #tpu.memory_space<vmem>> -> memref<1x128xi32, #tpu.memory_space<vmem>>
    %dma_wait3A_567 = tpu.memref_squeeze %dma_wait3A_566 : memref<1x128xi32, #tpu.memory_space<vmem>> -> memref<128xi32, #tpu.memory_space<vmem>>
    %dma_wait3A_568 = arith.constant 0 : i32
    %dma_wait3A_569 = arith.constant 0 : i32
    %dma_wait3A_570 = tpu.memref_slice %arg4[%dma_wait3A_568, %dma_wait3A_569] : memref<10240x16xf32, #tpu.memory_space<hbm>> -> memref<10240x16xf32, #tpu.memory_space<hbm>>
    tpu.wait_indirect_dma semaphore(%arg13 : memref<!tpu.dma_semaphore, #tpu.memory_space<semaphore_mem>>) src(%dma_wait3A_570 : memref<10240x16xf32, #tpu.memory_space<hbm>>) dst(%dma_wait3A_564 : memref<128x16xf32, #tpu.memory_space<vmem>>)
    %dma_wait3A_571 = arith.constant 12 : i32
    %dma_wait3A_572 = arith.constant 4 : i32
    %dma_wait3A_573 = arith.constant 0 : i32
    %dma_wait3A_574 = arith.constant 0 : i32
    %dma_wait3A_575 = tpu.memref_slice %arg9[%dma_wait3A_572, %dma_wait3A_573, %dma_wait3A_574] : memref<8x128x16xf32, #tpu.memory_space<vmem>> -> memref<1x128x16xf32, #tpu.memory_space<vmem>>
    %dma_wait3A_576 = tpu.memref_squeeze %dma_wait3A_575 : memref<1x128x16xf32, #tpu.memory_space<vmem>> -> memref<128x16xf32, #tpu.memory_space<vmem>>
    %dma_wait3A_577 = arith.constant 0 : i32
    %dma_wait3A_578 = tpu.memref_slice %arg7[%dma_wait3A_571, %dma_wait3A_577] : memref<40x128xi32, #tpu.memory_space<vmem>> -> memref<1x128xi32, #tpu.memory_space<vmem>>
    %dma_wait3A_579 = tpu.memref_squeeze %dma_wait3A_578 : memref<1x128xi32, #tpu.memory_space<vmem>> -> memref<128xi32, #tpu.memory_space<vmem>>
    %dma_wait3A_580 = arith.constant 0 : i32
    %dma_wait3A_581 = arith.constant 0 : i32
    %dma_wait3A_582 = tpu.memref_slice %arg4[%dma_wait3A_580, %dma_wait3A_581] : memref<10240x16xf32, #tpu.memory_space<hbm>> -> memref<10240x16xf32, #tpu.memory_space<hbm>>
    tpu.wait_indirect_dma semaphore(%arg13 : memref<!tpu.dma_semaphore, #tpu.memory_space<semaphore_mem>>) src(%dma_wait3A_582 : memref<10240x16xf32, #tpu.memory_space<hbm>>) dst(%dma_wait3A_576 : memref<128x16xf32, #tpu.memory_space<vmem>>)
    %dma_wait3A_583 = arith.constant 13 : i32
    %dma_wait3A_584 = arith.constant 5 : i32
    %dma_wait3A_585 = arith.constant 0 : i32
    %dma_wait3A_586 = arith.constant 0 : i32
    %dma_wait3A_587 = tpu.memref_slice %arg9[%dma_wait3A_584, %dma_wait3A_585, %dma_wait3A_586] : memref<8x128x16xf32, #tpu.memory_space<vmem>> -> memref<1x128x16xf32, #tpu.memory_space<vmem>>
    %dma_wait3A_588 = tpu.memref_squeeze %dma_wait3A_587 : memref<1x128x16xf32, #tpu.memory_space<vmem>> -> memref<128x16xf32, #tpu.memory_space<vmem>>
    %dma_wait3A_589 = arith.constant 0 : i32
    %dma_wait3A_590 = tpu.memref_slice %arg7[%dma_wait3A_583, %dma_wait3A_589] : memref<40x128xi32, #tpu.memory_space<vmem>> -> memref<1x128xi32, #tpu.memory_space<vmem>>
    %dma_wait3A_591 = tpu.memref_squeeze %dma_wait3A_590 : memref<1x128xi32, #tpu.memory_space<vmem>> -> memref<128xi32, #tpu.memory_space<vmem>>
    %dma_wait3A_592 = arith.constant 0 : i32
    %dma_wait3A_593 = arith.constant 0 : i32
    %dma_wait3A_594 = tpu.memref_slice %arg4[%dma_wait3A_592, %dma_wait3A_593] : memref<10240x16xf32, #tpu.memory_space<hbm>> -> memref<10240x16xf32, #tpu.memory_space<hbm>>
    tpu.wait_indirect_dma semaphore(%arg13 : memref<!tpu.dma_semaphore, #tpu.memory_space<semaphore_mem>>) src(%dma_wait3A_594 : memref<10240x16xf32, #tpu.memory_space<hbm>>) dst(%dma_wait3A_588 : memref<128x16xf32, #tpu.memory_space<vmem>>)
    %dma_wait3A_595 = arith.constant 14 : i32
    %dma_wait3A_596 = arith.constant 6 : i32
    %dma_wait3A_597 = arith.constant 0 : i32
    %dma_wait3A_598 = arith.constant 0 : i32
    %dma_wait3A_599 = tpu.memref_slice %arg9[%dma_wait3A_596, %dma_wait3A_597, %dma_wait3A_598] : memref<8x128x16xf32, #tpu.memory_space<vmem>> -> memref<1x128x16xf32, #tpu.memory_space<vmem>>
    %dma_wait3A_600 = tpu.memref_squeeze %dma_wait3A_599 : memref<1x128x16xf32, #tpu.memory_space<vmem>> -> memref<128x16xf32, #tpu.memory_space<vmem>>
    %dma_wait3A_601 = arith.constant 0 : i32
    %dma_wait3A_602 = tpu.memref_slice %arg7[%dma_wait3A_595, %dma_wait3A_601] : memref<40x128xi32, #tpu.memory_space<vmem>> -> memref<1x128xi32, #tpu.memory_space<vmem>>
    %dma_wait3A_603 = tpu.memref_squeeze %dma_wait3A_602 : memref<1x128xi32, #tpu.memory_space<vmem>> -> memref<128xi32, #tpu.memory_space<vmem>>
    %dma_wait3A_604 = arith.constant 0 : i32
    %dma_wait3A_605 = arith.constant 0 : i32
    %dma_wait3A_606 = tpu.memref_slice %arg4[%dma_wait3A_604, %dma_wait3A_605] : memref<10240x16xf32, #tpu.memory_space<hbm>> -> memref<10240x16xf32, #tpu.memory_space<hbm>>
    tpu.wait_indirect_dma semaphore(%arg13 : memref<!tpu.dma_semaphore, #tpu.memory_space<semaphore_mem>>) src(%dma_wait3A_606 : memref<10240x16xf32, #tpu.memory_space<hbm>>) dst(%dma_wait3A_600 : memref<128x16xf32, #tpu.memory_space<vmem>>)
    %dma_wait3A_607 = arith.constant 15 : i32
    %dma_wait3A_608 = arith.constant 7 : i32
    %dma_wait3A_609 = arith.constant 0 : i32
    %dma_wait3A_610 = arith.constant 0 : i32
    %dma_wait3A_611 = tpu.memref_slice %arg9[%dma_wait3A_608, %dma_wait3A_609, %dma_wait3A_610] : memref<8x128x16xf32, #tpu.memory_space<vmem>> -> memref<1x128x16xf32, #tpu.memory_space<vmem>>
    %dma_wait3A_612 = tpu.memref_squeeze %dma_wait3A_611 : memref<1x128x16xf32, #tpu.memory_space<vmem>> -> memref<128x16xf32, #tpu.memory_space<vmem>>
    %dma_wait3A_613 = arith.constant 0 : i32
    %dma_wait3A_614 = tpu.memref_slice %arg7[%dma_wait3A_607, %dma_wait3A_613] : memref<40x128xi32, #tpu.memory_space<vmem>> -> memref<1x128xi32, #tpu.memory_space<vmem>>
    %dma_wait3A_615 = tpu.memref_squeeze %dma_wait3A_614 : memref<1x128xi32, #tpu.memory_space<vmem>> -> memref<128xi32, #tpu.memory_space<vmem>>
    %dma_wait3A_616 = arith.constant 0 : i32
    %dma_wait3A_617 = arith.constant 0 : i32
    %dma_wait3A_618 = tpu.memref_slice %arg4[%dma_wait3A_616, %dma_wait3A_617] : memref<10240x16xf32, #tpu.memory_space<hbm>> -> memref<10240x16xf32, #tpu.memory_space<hbm>>
    tpu.wait_indirect_dma semaphore(%arg13 : memref<!tpu.dma_semaphore, #tpu.memory_space<semaphore_mem>>) src(%dma_wait3A_618 : memref<10240x16xf32, #tpu.memory_space<hbm>>) dst(%dma_wait3A_612 : memref<128x16xf32, #tpu.memory_space<vmem>>)
    %dma_start3A_619 = arith.constant 0 : i32
    %dma_start3A_620 = arith.constant 8 : i32
    %dma_start3A_621 = arith.constant 0 : i32
    %dma_start3A_622 = arith.constant 0 : i32
    %dma_start3A_623 = tpu.memref_slice %arg9[%dma_start3A_619, %dma_start3A_621, %dma_start3A_622] : memref<8x128x16xf32, #tpu.memory_space<vmem>> -> memref<1x128x16xf32, #tpu.memory_space<vmem>>
    %dma_start3A_624 = tpu.memref_squeeze %dma_start3A_623 : memref<1x128x16xf32, #tpu.memory_space<vmem>> -> memref<128x16xf32, #tpu.memory_space<vmem>>
    %dma_start3A_625 = arith.constant 0 : i32
    %dma_start3A_626 = tpu.memref_slice %arg8[%dma_start3A_620, %dma_start3A_625] : memref<40x128xi32, #tpu.memory_space<vmem>> -> memref<1x128xi32, #tpu.memory_space<vmem>>
    %dma_start3A_627 = tpu.memref_squeeze %dma_start3A_626 : memref<1x128xi32, #tpu.memory_space<vmem>> -> memref<128xi32, #tpu.memory_space<vmem>>
    %dma_start3A_628 = arith.constant 0 : i32
    %dma_start3A_629 = arith.constant 0 : i32
    %dma_start3A_630 = tpu.memref_slice %arg6[%dma_start3A_628, %dma_start3A_629] : memref<10240x16xf32, #tpu.memory_space<vmem_shared>> -> memref<10240x16xf32, #tpu.memory_space<vmem_shared>>
    tpu.enqueue_indirect_dma source(%dma_start3A_624 : memref<128x16xf32, #tpu.memory_space<vmem>>) target(%dma_start3A_630 : memref<10240x16xf32, #tpu.memory_space<vmem_shared>>) offsets(%dma_start3A_627 : memref<128xi32, #tpu.memory_space<vmem>>) semaphore(%arg14 : memref<!tpu.dma_semaphore, #tpu.memory_space<semaphore_mem>>) {add = true}
    %dma_start3A_631 = arith.constant 1 : i32
    %dma_start3A_632 = arith.constant 9 : i32
    %dma_start3A_633 = arith.constant 0 : i32
    %dma_start3A_634 = arith.constant 0 : i32
    %dma_start3A_635 = tpu.memref_slice %arg9[%dma_start3A_631, %dma_start3A_633, %dma_start3A_634] : memref<8x128x16xf32, #tpu.memory_space<vmem>> -> memref<1x128x16xf32, #tpu.memory_space<vmem>>
    %dma_start3A_636 = tpu.memref_squeeze %dma_start3A_635 : memref<1x128x16xf32, #tpu.memory_space<vmem>> -> memref<128x16xf32, #tpu.memory_space<vmem>>
    %dma_start3A_637 = arith.constant 0 : i32
    %dma_start3A_638 = tpu.memref_slice %arg8[%dma_start3A_632, %dma_start3A_637] : memref<40x128xi32, #tpu.memory_space<vmem>> -> memref<1x128xi32, #tpu.memory_space<vmem>>
    %dma_start3A_639 = tpu.memref_squeeze %dma_start3A_638 : memref<1x128xi32, #tpu.memory_space<vmem>> -> memref<128xi32, #tpu.memory_space<vmem>>
    %dma_start3A_640 = arith.constant 0 : i32
    %dma_start3A_641 = arith.constant 0 : i32
    %dma_start3A_642 = tpu.memref_slice %arg6[%dma_start3A_640, %dma_start3A_641] : memref<10240x16xf32, #tpu.memory_space<vmem_shared>> -> memref<10240x16xf32, #tpu.memory_space<vmem_shared>>
    tpu.enqueue_indirect_dma source(%dma_start3A_636 : memref<128x16xf32, #tpu.memory_space<vmem>>) target(%dma_start3A_642 : memref<10240x16xf32, #tpu.memory_space<vmem_shared>>) offsets(%dma_start3A_639 : memref<128xi32, #tpu.memory_space<vmem>>) semaphore(%arg14 : memref<!tpu.dma_semaphore, #tpu.memory_space<semaphore_mem>>) {add = true}
    %dma_start3A_643 = arith.constant 2 : i32
    %dma_start3A_644 = arith.constant 10 : i32
    %dma_start3A_645 = arith.constant 0 : i32
    %dma_start3A_646 = arith.constant 0 : i32
    %dma_start3A_647 = tpu.memref_slice %arg9[%dma_start3A_643, %dma_start3A_645, %dma_start3A_646] : memref<8x128x16xf32, #tpu.memory_space<vmem>> -> memref<1x128x16xf32, #tpu.memory_space<vmem>>
    %dma_start3A_648 = tpu.memref_squeeze %dma_start3A_647 : memref<1x128x16xf32, #tpu.memory_space<vmem>> -> memref<128x16xf32, #tpu.memory_space<vmem>>
    %dma_start3A_649 = arith.constant 0 : i32
    %dma_start3A_650 = tpu.memref_slice %arg8[%dma_start3A_644, %dma_start3A_649] : memref<40x128xi32, #tpu.memory_space<vmem>> -> memref<1x128xi32, #tpu.memory_space<vmem>>
    %dma_start3A_651 = tpu.memref_squeeze %dma_start3A_650 : memref<1x128xi32, #tpu.memory_space<vmem>> -> memref<128xi32, #tpu.memory_space<vmem>>
    %dma_start3A_652 = arith.constant 0 : i32
    %dma_start3A_653 = arith.constant 0 : i32
    %dma_start3A_654 = tpu.memref_slice %arg6[%dma_start3A_652, %dma_start3A_653] : memref<10240x16xf32, #tpu.memory_space<vmem_shared>> -> memref<10240x16xf32, #tpu.memory_space<vmem_shared>>
    tpu.enqueue_indirect_dma source(%dma_start3A_648 : memref<128x16xf32, #tpu.memory_space<vmem>>) target(%dma_start3A_654 : memref<10240x16xf32, #tpu.memory_space<vmem_shared>>) offsets(%dma_start3A_651 : memref<128xi32, #tpu.memory_space<vmem>>) semaphore(%arg14 : memref<!tpu.dma_semaphore, #tpu.memory_space<semaphore_mem>>) {add = true}
    %dma_start3A_655 = arith.constant 3 : i32
    %dma_start3A_656 = arith.constant 11 : i32
    %dma_start3A_657 = arith.constant 0 : i32
    %dma_start3A_658 = arith.constant 0 : i32
    %dma_start3A_659 = tpu.memref_slice %arg9[%dma_start3A_655, %dma_start3A_657, %dma_start3A_658] : memref<8x128x16xf32, #tpu.memory_space<vmem>> -> memref<1x128x16xf32, #tpu.memory_space<vmem>>
    %dma_start3A_660 = tpu.memref_squeeze %dma_start3A_659 : memref<1x128x16xf32, #tpu.memory_space<vmem>> -> memref<128x16xf32, #tpu.memory_space<vmem>>
    %dma_start3A_661 = arith.constant 0 : i32
    %dma_start3A_662 = tpu.memref_slice %arg8[%dma_start3A_656, %dma_start3A_661] : memref<40x128xi32, #tpu.memory_space<vmem>> -> memref<1x128xi32, #tpu.memory_space<vmem>>
    %dma_start3A_663 = tpu.memref_squeeze %dma_start3A_662 : memref<1x128xi32, #tpu.memory_space<vmem>> -> memref<128xi32, #tpu.memory_space<vmem>>
    %dma_start3A_664 = arith.constant 0 : i32
    %dma_start3A_665 = arith.constant 0 : i32
    %dma_start3A_666 = tpu.memref_slice %arg6[%dma_start3A_664, %dma_start3A_665] : memref<10240x16xf32, #tpu.memory_space<vmem_shared>> -> memref<10240x16xf32, #tpu.memory_space<vmem_shared>>
    tpu.enqueue_indirect_dma source(%dma_start3A_660 : memref<128x16xf32, #tpu.memory_space<vmem>>) target(%dma_start3A_666 : memref<10240x16xf32, #tpu.memory_space<vmem_shared>>) offsets(%dma_start3A_663 : memref<128xi32, #tpu.memory_space<vmem>>) semaphore(%arg14 : memref<!tpu.dma_semaphore, #tpu.memory_space<semaphore_mem>>) {add = true}
    %dma_wait3A_667 = arith.constant 0 : i32
    %dma_wait3A_668 = arith.constant 8 : i32
    %dma_wait3A_669 = arith.constant 0 : i32
    %dma_wait3A_670 = arith.constant 0 : i32
    %dma_wait3A_671 = tpu.memref_slice %arg9[%dma_wait3A_667, %dma_wait3A_669, %dma_wait3A_670] : memref<8x128x16xf32, #tpu.memory_space<vmem>> -> memref<1x128x16xf32, #tpu.memory_space<vmem>>
    %dma_wait3A_672 = tpu.memref_squeeze %dma_wait3A_671 : memref<1x128x16xf32, #tpu.memory_space<vmem>> -> memref<128x16xf32, #tpu.memory_space<vmem>>
    %dma_wait3A_673 = arith.constant 0 : i32
    %dma_wait3A_674 = tpu.memref_slice %arg8[%dma_wait3A_668, %dma_wait3A_673] : memref<40x128xi32, #tpu.memory_space<vmem>> -> memref<1x128xi32, #tpu.memory_space<vmem>>
    %dma_wait3A_675 = tpu.memref_squeeze %dma_wait3A_674 : memref<1x128xi32, #tpu.memory_space<vmem>> -> memref<128xi32, #tpu.memory_space<vmem>>
    %dma_wait3A_676 = arith.constant 0 : i32
    %dma_wait3A_677 = arith.constant 0 : i32
    %dma_wait3A_678 = tpu.memref_slice %arg6[%dma_wait3A_676, %dma_wait3A_677] : memref<10240x16xf32, #tpu.memory_space<vmem_shared>> -> memref<10240x16xf32, #tpu.memory_space<vmem_shared>>
    tpu.wait_indirect_dma semaphore(%arg14 : memref<!tpu.dma_semaphore, #tpu.memory_space<semaphore_mem>>) src(%dma_wait3A_672 : memref<128x16xf32, #tpu.memory_space<vmem>>) dst(%dma_wait3A_678 : memref<10240x16xf32, #tpu.memory_space<vmem_shared>>)
    %dma_wait3A_679 = arith.constant 1 : i32
    %dma_wait3A_680 = arith.constant 9 : i32
    %dma_wait3A_681 = arith.constant 0 : i32
    %dma_wait3A_682 = arith.constant 0 : i32
    %dma_wait3A_683 = tpu.memref_slice %arg9[%dma_wait3A_679, %dma_wait3A_681, %dma_wait3A_682] : memref<8x128x16xf32, #tpu.memory_space<vmem>> -> memref<1x128x16xf32, #tpu.memory_space<vmem>>
    %dma_wait3A_684 = tpu.memref_squeeze %dma_wait3A_683 : memref<1x128x16xf32, #tpu.memory_space<vmem>> -> memref<128x16xf32, #tpu.memory_space<vmem>>
    %dma_wait3A_685 = arith.constant 0 : i32
    %dma_wait3A_686 = tpu.memref_slice %arg8[%dma_wait3A_680, %dma_wait3A_685] : memref<40x128xi32, #tpu.memory_space<vmem>> -> memref<1x128xi32, #tpu.memory_space<vmem>>
    %dma_wait3A_687 = tpu.memref_squeeze %dma_wait3A_686 : memref<1x128xi32, #tpu.memory_space<vmem>> -> memref<128xi32, #tpu.memory_space<vmem>>
    %dma_wait3A_688 = arith.constant 0 : i32
    %dma_wait3A_689 = arith.constant 0 : i32
    %dma_wait3A_690 = tpu.memref_slice %arg6[%dma_wait3A_688, %dma_wait3A_689] : memref<10240x16xf32, #tpu.memory_space<vmem_shared>> -> memref<10240x16xf32, #tpu.memory_space<vmem_shared>>
    tpu.wait_indirect_dma semaphore(%arg14 : memref<!tpu.dma_semaphore, #tpu.memory_space<semaphore_mem>>) src(%dma_wait3A_684 : memref<128x16xf32, #tpu.memory_space<vmem>>) dst(%dma_wait3A_690 : memref<10240x16xf32, #tpu.memory_space<vmem_shared>>)
    %dma_wait3A_691 = arith.constant 2 : i32
    %dma_wait3A_692 = arith.constant 10 : i32
    %dma_wait3A_693 = arith.constant 0 : i32
    %dma_wait3A_694 = arith.constant 0 : i32
    %dma_wait3A_695 = tpu.memref_slice %arg9[%dma_wait3A_691, %dma_wait3A_693, %dma_wait3A_694] : memref<8x128x16xf32, #tpu.memory_space<vmem>> -> memref<1x128x16xf32, #tpu.memory_space<vmem>>
    %dma_wait3A_696 = tpu.memref_squeeze %dma_wait3A_695 : memref<1x128x16xf32, #tpu.memory_space<vmem>> -> memref<128x16xf32, #tpu.memory_space<vmem>>
    %dma_wait3A_697 = arith.constant 0 : i32
    %dma_wait3A_698 = tpu.memref_slice %arg8[%dma_wait3A_692, %dma_wait3A_697] : memref<40x128xi32, #tpu.memory_space<vmem>> -> memref<1x128xi32, #tpu.memory_space<vmem>>
    %dma_wait3A_699 = tpu.memref_squeeze %dma_wait3A_698 : memref<1x128xi32, #tpu.memory_space<vmem>> -> memref<128xi32, #tpu.memory_space<vmem>>
    %dma_wait3A_700 = arith.constant 0 : i32
    %dma_wait3A_701 = arith.constant 0 : i32
    %dma_wait3A_702 = tpu.memref_slice %arg6[%dma_wait3A_700, %dma_wait3A_701] : memref<10240x16xf32, #tpu.memory_space<vmem_shared>> -> memref<10240x16xf32, #tpu.memory_space<vmem_shared>>
    tpu.wait_indirect_dma semaphore(%arg14 : memref<!tpu.dma_semaphore, #tpu.memory_space<semaphore_mem>>) src(%dma_wait3A_696 : memref<128x16xf32, #tpu.memory_space<vmem>>) dst(%dma_wait3A_702 : memref<10240x16xf32, #tpu.memory_space<vmem_shared>>)
    %dma_wait3A_703 = arith.constant 3 : i32
    %dma_wait3A_704 = arith.constant 11 : i32
    %dma_wait3A_705 = arith.constant 0 : i32
    %dma_wait3A_706 = arith.constant 0 : i32
    %dma_wait3A_707 = tpu.memref_slice %arg9[%dma_wait3A_703, %dma_wait3A_705, %dma_wait3A_706] : memref<8x128x16xf32, #tpu.memory_space<vmem>> -> memref<1x128x16xf32, #tpu.memory_space<vmem>>
    %dma_wait3A_708 = tpu.memref_squeeze %dma_wait3A_707 : memref<1x128x16xf32, #tpu.memory_space<vmem>> -> memref<128x16xf32, #tpu.memory_space<vmem>>
    %dma_wait3A_709 = arith.constant 0 : i32
    %dma_wait3A_710 = tpu.memref_slice %arg8[%dma_wait3A_704, %dma_wait3A_709] : memref<40x128xi32, #tpu.memory_space<vmem>> -> memref<1x128xi32, #tpu.memory_space<vmem>>
    %dma_wait3A_711 = tpu.memref_squeeze %dma_wait3A_710 : memref<1x128xi32, #tpu.memory_space<vmem>> -> memref<128xi32, #tpu.memory_space<vmem>>
    %dma_wait3A_712 = arith.constant 0 : i32
    %dma_wait3A_713 = arith.constant 0 : i32
    %dma_wait3A_714 = tpu.memref_slice %arg6[%dma_wait3A_712, %dma_wait3A_713] : memref<10240x16xf32, #tpu.memory_space<vmem_shared>> -> memref<10240x16xf32, #tpu.memory_space<vmem_shared>>
    tpu.wait_indirect_dma semaphore(%arg14 : memref<!tpu.dma_semaphore, #tpu.memory_space<semaphore_mem>>) src(%dma_wait3A_708 : memref<128x16xf32, #tpu.memory_space<vmem>>) dst(%dma_wait3A_714 : memref<10240x16xf32, #tpu.memory_space<vmem_shared>>)
    %dma_start3A_715 = arith.constant 4 : i32
    %dma_start3A_716 = arith.constant 12 : i32
    %dma_start3A_717 = arith.constant 0 : i32
    %dma_start3A_718 = arith.constant 0 : i32
    %dma_start3A_719 = tpu.memref_slice %arg9[%dma_start3A_715, %dma_start3A_717, %dma_start3A_718] : memref<8x128x16xf32, #tpu.memory_space<vmem>> -> memref<1x128x16xf32, #tpu.memory_space<vmem>>
    %dma_start3A_720 = tpu.memref_squeeze %dma_start3A_719 : memref<1x128x16xf32, #tpu.memory_space<vmem>> -> memref<128x16xf32, #tpu.memory_space<vmem>>
    %dma_start3A_721 = arith.constant 0 : i32
    %dma_start3A_722 = tpu.memref_slice %arg8[%dma_start3A_716, %dma_start3A_721] : memref<40x128xi32, #tpu.memory_space<vmem>> -> memref<1x128xi32, #tpu.memory_space<vmem>>
    %dma_start3A_723 = tpu.memref_squeeze %dma_start3A_722 : memref<1x128xi32, #tpu.memory_space<vmem>> -> memref<128xi32, #tpu.memory_space<vmem>>
    %dma_start3A_724 = arith.constant 0 : i32
    %dma_start3A_725 = arith.constant 0 : i32
    %dma_start3A_726 = tpu.memref_slice %arg6[%dma_start3A_724, %dma_start3A_725] : memref<10240x16xf32, #tpu.memory_space<vmem_shared>> -> memref<10240x16xf32, #tpu.memory_space<vmem_shared>>
    tpu.enqueue_indirect_dma source(%dma_start3A_720 : memref<128x16xf32, #tpu.memory_space<vmem>>) target(%dma_start3A_726 : memref<10240x16xf32, #tpu.memory_space<vmem_shared>>) offsets(%dma_start3A_723 : memref<128xi32, #tpu.memory_space<vmem>>) semaphore(%arg14 : memref<!tpu.dma_semaphore, #tpu.memory_space<semaphore_mem>>) {add = true}
    %dma_start3A_727 = arith.constant 5 : i32
    %dma_start3A_728 = arith.constant 13 : i32
    %dma_start3A_729 = arith.constant 0 : i32
    %dma_start3A_730 = arith.constant 0 : i32
    %dma_start3A_731 = tpu.memref_slice %arg9[%dma_start3A_727, %dma_start3A_729, %dma_start3A_730] : memref<8x128x16xf32, #tpu.memory_space<vmem>> -> memref<1x128x16xf32, #tpu.memory_space<vmem>>
    %dma_start3A_732 = tpu.memref_squeeze %dma_start3A_731 : memref<1x128x16xf32, #tpu.memory_space<vmem>> -> memref<128x16xf32, #tpu.memory_space<vmem>>
    %dma_start3A_733 = arith.constant 0 : i32
    %dma_start3A_734 = tpu.memref_slice %arg8[%dma_start3A_728, %dma_start3A_733] : memref<40x128xi32, #tpu.memory_space<vmem>> -> memref<1x128xi32, #tpu.memory_space<vmem>>
    %dma_start3A_735 = tpu.memref_squeeze %dma_start3A_734 : memref<1x128xi32, #tpu.memory_space<vmem>> -> memref<128xi32, #tpu.memory_space<vmem>>
    %dma_start3A_736 = arith.constant 0 : i32
    %dma_start3A_737 = arith.constant 0 : i32
    %dma_start3A_738 = tpu.memref_slice %arg6[%dma_start3A_736, %dma_start3A_737] : memref<10240x16xf32, #tpu.memory_space<vmem_shared>> -> memref<10240x16xf32, #tpu.memory_space<vmem_shared>>
    tpu.enqueue_indirect_dma source(%dma_start3A_732 : memref<128x16xf32, #tpu.memory_space<vmem>>) target(%dma_start3A_738 : memref<10240x16xf32, #tpu.memory_space<vmem_shared>>) offsets(%dma_start3A_735 : memref<128xi32, #tpu.memory_space<vmem>>) semaphore(%arg14 : memref<!tpu.dma_semaphore, #tpu.memory_space<semaphore_mem>>) {add = true}
    %dma_start3A_739 = arith.constant 6 : i32
    %dma_start3A_740 = arith.constant 14 : i32
    %dma_start3A_741 = arith.constant 0 : i32
    %dma_start3A_742 = arith.constant 0 : i32
    %dma_start3A_743 = tpu.memref_slice %arg9[%dma_start3A_739, %dma_start3A_741, %dma_start3A_742] : memref<8x128x16xf32, #tpu.memory_space<vmem>> -> memref<1x128x16xf32, #tpu.memory_space<vmem>>
    %dma_start3A_744 = tpu.memref_squeeze %dma_start3A_743 : memref<1x128x16xf32, #tpu.memory_space<vmem>> -> memref<128x16xf32, #tpu.memory_space<vmem>>
    %dma_start3A_745 = arith.constant 0 : i32
    %dma_start3A_746 = tpu.memref_slice %arg8[%dma_start3A_740, %dma_start3A_745] : memref<40x128xi32, #tpu.memory_space<vmem>> -> memref<1x128xi32, #tpu.memory_space<vmem>>
    %dma_start3A_747 = tpu.memref_squeeze %dma_start3A_746 : memref<1x128xi32, #tpu.memory_space<vmem>> -> memref<128xi32, #tpu.memory_space<vmem>>
    %dma_start3A_748 = arith.constant 0 : i32
    %dma_start3A_749 = arith.constant 0 : i32
    %dma_start3A_750 = tpu.memref_slice %arg6[%dma_start3A_748, %dma_start3A_749] : memref<10240x16xf32, #tpu.memory_space<vmem_shared>> -> memref<10240x16xf32, #tpu.memory_space<vmem_shared>>
    tpu.enqueue_indirect_dma source(%dma_start3A_744 : memref<128x16xf32, #tpu.memory_space<vmem>>) target(%dma_start3A_750 : memref<10240x16xf32, #tpu.memory_space<vmem_shared>>) offsets(%dma_start3A_747 : memref<128xi32, #tpu.memory_space<vmem>>) semaphore(%arg14 : memref<!tpu.dma_semaphore, #tpu.memory_space<semaphore_mem>>) {add = true}
    %dma_start3A_751 = arith.constant 7 : i32
    %dma_start3A_752 = arith.constant 15 : i32
    %dma_start3A_753 = arith.constant 0 : i32
    %dma_start3A_754 = arith.constant 0 : i32
    %dma_start3A_755 = tpu.memref_slice %arg9[%dma_start3A_751, %dma_start3A_753, %dma_start3A_754] : memref<8x128x16xf32, #tpu.memory_space<vmem>> -> memref<1x128x16xf32, #tpu.memory_space<vmem>>
    %dma_start3A_756 = tpu.memref_squeeze %dma_start3A_755 : memref<1x128x16xf32, #tpu.memory_space<vmem>> -> memref<128x16xf32, #tpu.memory_space<vmem>>
    %dma_start3A_757 = arith.constant 0 : i32
    %dma_start3A_758 = tpu.memref_slice %arg8[%dma_start3A_752, %dma_start3A_757] : memref<40x128xi32, #tpu.memory_space<vmem>> -> memref<1x128xi32, #tpu.memory_space<vmem>>
    %dma_start3A_759 = tpu.memref_squeeze %dma_start3A_758 : memref<1x128xi32, #tpu.memory_space<vmem>> -> memref<128xi32, #tpu.memory_space<vmem>>
    %dma_start3A_760 = arith.constant 0 : i32
    %dma_start3A_761 = arith.constant 0 : i32
    %dma_start3A_762 = tpu.memref_slice %arg6[%dma_start3A_760, %dma_start3A_761] : memref<10240x16xf32, #tpu.memory_space<vmem_shared>> -> memref<10240x16xf32, #tpu.memory_space<vmem_shared>>
    tpu.enqueue_indirect_dma source(%dma_start3A_756 : memref<128x16xf32, #tpu.memory_space<vmem>>) target(%dma_start3A_762 : memref<10240x16xf32, #tpu.memory_space<vmem_shared>>) offsets(%dma_start3A_759 : memref<128xi32, #tpu.memory_space<vmem>>) semaphore(%arg14 : memref<!tpu.dma_semaphore, #tpu.memory_space<semaphore_mem>>) {add = true}
    %dma_wait3A_763 = arith.constant 4 : i32
    %dma_wait3A_764 = arith.constant 12 : i32
    %dma_wait3A_765 = arith.constant 0 : i32
    %dma_wait3A_766 = arith.constant 0 : i32
    %dma_wait3A_767 = tpu.memref_slice %arg9[%dma_wait3A_763, %dma_wait3A_765, %dma_wait3A_766] : memref<8x128x16xf32, #tpu.memory_space<vmem>> -> memref<1x128x16xf32, #tpu.memory_space<vmem>>
    %dma_wait3A_768 = tpu.memref_squeeze %dma_wait3A_767 : memref<1x128x16xf32, #tpu.memory_space<vmem>> -> memref<128x16xf32, #tpu.memory_space<vmem>>
    %dma_wait3A_769 = arith.constant 0 : i32
    %dma_wait3A_770 = tpu.memref_slice %arg8[%dma_wait3A_764, %dma_wait3A_769] : memref<40x128xi32, #tpu.memory_space<vmem>> -> memref<1x128xi32, #tpu.memory_space<vmem>>
    %dma_wait3A_771 = tpu.memref_squeeze %dma_wait3A_770 : memref<1x128xi32, #tpu.memory_space<vmem>> -> memref<128xi32, #tpu.memory_space<vmem>>
    %dma_wait3A_772 = arith.constant 0 : i32
    %dma_wait3A_773 = arith.constant 0 : i32
    %dma_wait3A_774 = tpu.memref_slice %arg6[%dma_wait3A_772, %dma_wait3A_773] : memref<10240x16xf32, #tpu.memory_space<vmem_shared>> -> memref<10240x16xf32, #tpu.memory_space<vmem_shared>>
    tpu.wait_indirect_dma semaphore(%arg14 : memref<!tpu.dma_semaphore, #tpu.memory_space<semaphore_mem>>) src(%dma_wait3A_768 : memref<128x16xf32, #tpu.memory_space<vmem>>) dst(%dma_wait3A_774 : memref<10240x16xf32, #tpu.memory_space<vmem_shared>>)
    %dma_wait3A_775 = arith.constant 5 : i32
    %dma_wait3A_776 = arith.constant 13 : i32
    %dma_wait3A_777 = arith.constant 0 : i32
    %dma_wait3A_778 = arith.constant 0 : i32
    %dma_wait3A_779 = tpu.memref_slice %arg9[%dma_wait3A_775, %dma_wait3A_777, %dma_wait3A_778] : memref<8x128x16xf32, #tpu.memory_space<vmem>> -> memref<1x128x16xf32, #tpu.memory_space<vmem>>
    %dma_wait3A_780 = tpu.memref_squeeze %dma_wait3A_779 : memref<1x128x16xf32, #tpu.memory_space<vmem>> -> memref<128x16xf32, #tpu.memory_space<vmem>>
    %dma_wait3A_781 = arith.constant 0 : i32
    %dma_wait3A_782 = tpu.memref_slice %arg8[%dma_wait3A_776, %dma_wait3A_781] : memref<40x128xi32, #tpu.memory_space<vmem>> -> memref<1x128xi32, #tpu.memory_space<vmem>>
    %dma_wait3A_783 = tpu.memref_squeeze %dma_wait3A_782 : memref<1x128xi32, #tpu.memory_space<vmem>> -> memref<128xi32, #tpu.memory_space<vmem>>
    %dma_wait3A_784 = arith.constant 0 : i32
    %dma_wait3A_785 = arith.constant 0 : i32
    %dma_wait3A_786 = tpu.memref_slice %arg6[%dma_wait3A_784, %dma_wait3A_785] : memref<10240x16xf32, #tpu.memory_space<vmem_shared>> -> memref<10240x16xf32, #tpu.memory_space<vmem_shared>>
    tpu.wait_indirect_dma semaphore(%arg14 : memref<!tpu.dma_semaphore, #tpu.memory_space<semaphore_mem>>) src(%dma_wait3A_780 : memref<128x16xf32, #tpu.memory_space<vmem>>) dst(%dma_wait3A_786 : memref<10240x16xf32, #tpu.memory_space<vmem_shared>>)
    %dma_wait3A_787 = arith.constant 6 : i32
    %dma_wait3A_788 = arith.constant 14 : i32
    %dma_wait3A_789 = arith.constant 0 : i32
    %dma_wait3A_790 = arith.constant 0 : i32
    %dma_wait3A_791 = tpu.memref_slice %arg9[%dma_wait3A_787, %dma_wait3A_789, %dma_wait3A_790] : memref<8x128x16xf32, #tpu.memory_space<vmem>> -> memref<1x128x16xf32, #tpu.memory_space<vmem>>
    %dma_wait3A_792 = tpu.memref_squeeze %dma_wait3A_791 : memref<1x128x16xf32, #tpu.memory_space<vmem>> -> memref<128x16xf32, #tpu.memory_space<vmem>>
    %dma_wait3A_793 = arith.constant 0 : i32
    %dma_wait3A_794 = tpu.memref_slice %arg8[%dma_wait3A_788, %dma_wait3A_793] : memref<40x128xi32, #tpu.memory_space<vmem>> -> memref<1x128xi32, #tpu.memory_space<vmem>>
    %dma_wait3A_795 = tpu.memref_squeeze %dma_wait3A_794 : memref<1x128xi32, #tpu.memory_space<vmem>> -> memref<128xi32, #tpu.memory_space<vmem>>
    %dma_wait3A_796 = arith.constant 0 : i32
    %dma_wait3A_797 = arith.constant 0 : i32
    %dma_wait3A_798 = tpu.memref_slice %arg6[%dma_wait3A_796, %dma_wait3A_797] : memref<10240x16xf32, #tpu.memory_space<vmem_shared>> -> memref<10240x16xf32, #tpu.memory_space<vmem_shared>>
    tpu.wait_indirect_dma semaphore(%arg14 : memref<!tpu.dma_semaphore, #tpu.memory_space<semaphore_mem>>) src(%dma_wait3A_792 : memref<128x16xf32, #tpu.memory_space<vmem>>) dst(%dma_wait3A_798 : memref<10240x16xf32, #tpu.memory_space<vmem_shared>>)
    %dma_wait3A_799 = arith.constant 7 : i32
    %dma_wait3A_800 = arith.constant 15 : i32
    %dma_wait3A_801 = arith.constant 0 : i32
    %dma_wait3A_802 = arith.constant 0 : i32
    %dma_wait3A_803 = tpu.memref_slice %arg9[%dma_wait3A_799, %dma_wait3A_801, %dma_wait3A_802] : memref<8x128x16xf32, #tpu.memory_space<vmem>> -> memref<1x128x16xf32, #tpu.memory_space<vmem>>
    %dma_wait3A_804 = tpu.memref_squeeze %dma_wait3A_803 : memref<1x128x16xf32, #tpu.memory_space<vmem>> -> memref<128x16xf32, #tpu.memory_space<vmem>>
    %dma_wait3A_805 = arith.constant 0 : i32
    %dma_wait3A_806 = tpu.memref_slice %arg8[%dma_wait3A_800, %dma_wait3A_805] : memref<40x128xi32, #tpu.memory_space<vmem>> -> memref<1x128xi32, #tpu.memory_space<vmem>>
    %dma_wait3A_807 = tpu.memref_squeeze %dma_wait3A_806 : memref<1x128xi32, #tpu.memory_space<vmem>> -> memref<128xi32, #tpu.memory_space<vmem>>
    %dma_wait3A_808 = arith.constant 0 : i32
    %dma_wait3A_809 = arith.constant 0 : i32
    %dma_wait3A_810 = tpu.memref_slice %arg6[%dma_wait3A_808, %dma_wait3A_809] : memref<10240x16xf32, #tpu.memory_space<vmem_shared>> -> memref<10240x16xf32, #tpu.memory_space<vmem_shared>>
    tpu.wait_indirect_dma semaphore(%arg14 : memref<!tpu.dma_semaphore, #tpu.memory_space<semaphore_mem>>) src(%dma_wait3A_804 : memref<128x16xf32, #tpu.memory_space<vmem>>) dst(%dma_wait3A_810 : memref<10240x16xf32, #tpu.memory_space<vmem_shared>>)
    %dma_start3A_811 = arith.constant 16 : i32
    %dma_start3A_812 = arith.constant 0 : i32
    %dma_start3A_813 = arith.constant 0 : i32
    %dma_start3A_814 = arith.constant 0 : i32
    %dma_start3A_815 = tpu.memref_slice %arg9[%dma_start3A_812, %dma_start3A_813, %dma_start3A_814] : memref<8x128x16xf32, #tpu.memory_space<vmem>> -> memref<1x128x16xf32, #tpu.memory_space<vmem>>
    %dma_start3A_816 = tpu.memref_squeeze %dma_start3A_815 : memref<1x128x16xf32, #tpu.memory_space<vmem>> -> memref<128x16xf32, #tpu.memory_space<vmem>>
    %dma_start3A_817 = arith.constant 0 : i32
    %dma_start3A_818 = tpu.memref_slice %arg7[%dma_start3A_811, %dma_start3A_817] : memref<40x128xi32, #tpu.memory_space<vmem>> -> memref<1x128xi32, #tpu.memory_space<vmem>>
    %dma_start3A_819 = tpu.memref_squeeze %dma_start3A_818 : memref<1x128xi32, #tpu.memory_space<vmem>> -> memref<128xi32, #tpu.memory_space<vmem>>
    %dma_start3A_820 = arith.constant 0 : i32
    %dma_start3A_821 = arith.constant 0 : i32
    %dma_start3A_822 = tpu.memref_slice %arg4[%dma_start3A_820, %dma_start3A_821] : memref<10240x16xf32, #tpu.memory_space<hbm>> -> memref<10240x16xf32, #tpu.memory_space<hbm>>
    tpu.enqueue_indirect_dma source(%dma_start3A_822 : memref<10240x16xf32, #tpu.memory_space<hbm>>) target(%dma_start3A_816 : memref<128x16xf32, #tpu.memory_space<vmem>>) offsets(%dma_start3A_819 : memref<128xi32, #tpu.memory_space<vmem>>) semaphore(%arg13 : memref<!tpu.dma_semaphore, #tpu.memory_space<semaphore_mem>>)
    %dma_start3A_823 = arith.constant 17 : i32
    %dma_start3A_824 = arith.constant 1 : i32
    %dma_start3A_825 = arith.constant 0 : i32
    %dma_start3A_826 = arith.constant 0 : i32
    %dma_start3A_827 = tpu.memref_slice %arg9[%dma_start3A_824, %dma_start3A_825, %dma_start3A_826] : memref<8x128x16xf32, #tpu.memory_space<vmem>> -> memref<1x128x16xf32, #tpu.memory_space<vmem>>
    %dma_start3A_828 = tpu.memref_squeeze %dma_start3A_827 : memref<1x128x16xf32, #tpu.memory_space<vmem>> -> memref<128x16xf32, #tpu.memory_space<vmem>>
    %dma_start3A_829 = arith.constant 0 : i32
    %dma_start3A_830 = tpu.memref_slice %arg7[%dma_start3A_823, %dma_start3A_829] : memref<40x128xi32, #tpu.memory_space<vmem>> -> memref<1x128xi32, #tpu.memory_space<vmem>>
    %dma_start3A_831 = tpu.memref_squeeze %dma_start3A_830 : memref<1x128xi32, #tpu.memory_space<vmem>> -> memref<128xi32, #tpu.memory_space<vmem>>
    %dma_start3A_832 = arith.constant 0 : i32
    %dma_start3A_833 = arith.constant 0 : i32
    %dma_start3A_834 = tpu.memref_slice %arg4[%dma_start3A_832, %dma_start3A_833] : memref<10240x16xf32, #tpu.memory_space<hbm>> -> memref<10240x16xf32, #tpu.memory_space<hbm>>
    tpu.enqueue_indirect_dma source(%dma_start3A_834 : memref<10240x16xf32, #tpu.memory_space<hbm>>) target(%dma_start3A_828 : memref<128x16xf32, #tpu.memory_space<vmem>>) offsets(%dma_start3A_831 : memref<128xi32, #tpu.memory_space<vmem>>) semaphore(%arg13 : memref<!tpu.dma_semaphore, #tpu.memory_space<semaphore_mem>>)
    %dma_start3A_835 = arith.constant 18 : i32
    %dma_start3A_836 = arith.constant 2 : i32
    %dma_start3A_837 = arith.constant 0 : i32
    %dma_start3A_838 = arith.constant 0 : i32
    %dma_start3A_839 = tpu.memref_slice %arg9[%dma_start3A_836, %dma_start3A_837, %dma_start3A_838] : memref<8x128x16xf32, #tpu.memory_space<vmem>> -> memref<1x128x16xf32, #tpu.memory_space<vmem>>
    %dma_start3A_840 = tpu.memref_squeeze %dma_start3A_839 : memref<1x128x16xf32, #tpu.memory_space<vmem>> -> memref<128x16xf32, #tpu.memory_space<vmem>>
    %dma_start3A_841 = arith.constant 0 : i32
    %dma_start3A_842 = tpu.memref_slice %arg7[%dma_start3A_835, %dma_start3A_841] : memref<40x128xi32, #tpu.memory_space<vmem>> -> memref<1x128xi32, #tpu.memory_space<vmem>>
    %dma_start3A_843 = tpu.memref_squeeze %dma_start3A_842 : memref<1x128xi32, #tpu.memory_space<vmem>> -> memref<128xi32, #tpu.memory_space<vmem>>
    %dma_start3A_844 = arith.constant 0 : i32
    %dma_start3A_845 = arith.constant 0 : i32
    %dma_start3A_846 = tpu.memref_slice %arg4[%dma_start3A_844, %dma_start3A_845] : memref<10240x16xf32, #tpu.memory_space<hbm>> -> memref<10240x16xf32, #tpu.memory_space<hbm>>
    tpu.enqueue_indirect_dma source(%dma_start3A_846 : memref<10240x16xf32, #tpu.memory_space<hbm>>) target(%dma_start3A_840 : memref<128x16xf32, #tpu.memory_space<vmem>>) offsets(%dma_start3A_843 : memref<128xi32, #tpu.memory_space<vmem>>) semaphore(%arg13 : memref<!tpu.dma_semaphore, #tpu.memory_space<semaphore_mem>>)
    %dma_start3A_847 = arith.constant 19 : i32
    %dma_start3A_848 = arith.constant 3 : i32
    %dma_start3A_849 = arith.constant 0 : i32
    %dma_start3A_850 = arith.constant 0 : i32
    %dma_start3A_851 = tpu.memref_slice %arg9[%dma_start3A_848, %dma_start3A_849, %dma_start3A_850] : memref<8x128x16xf32, #tpu.memory_space<vmem>> -> memref<1x128x16xf32, #tpu.memory_space<vmem>>
    %dma_start3A_852 = tpu.memref_squeeze %dma_start3A_851 : memref<1x128x16xf32, #tpu.memory_space<vmem>> -> memref<128x16xf32, #tpu.memory_space<vmem>>
    %dma_start3A_853 = arith.constant 0 : i32
    %dma_start3A_854 = tpu.memref_slice %arg7[%dma_start3A_847, %dma_start3A_853] : memref<40x128xi32, #tpu.memory_space<vmem>> -> memref<1x128xi32, #tpu.memory_space<vmem>>
    %dma_start3A_855 = tpu.memref_squeeze %dma_start3A_854 : memref<1x128xi32, #tpu.memory_space<vmem>> -> memref<128xi32, #tpu.memory_space<vmem>>
    %dma_start3A_856 = arith.constant 0 : i32
    %dma_start3A_857 = arith.constant 0 : i32
    %dma_start3A_858 = tpu.memref_slice %arg4[%dma_start3A_856, %dma_start3A_857] : memref<10240x16xf32, #tpu.memory_space<hbm>> -> memref<10240x16xf32, #tpu.memory_space<hbm>>
    tpu.enqueue_indirect_dma source(%dma_start3A_858 : memref<10240x16xf32, #tpu.memory_space<hbm>>) target(%dma_start3A_852 : memref<128x16xf32, #tpu.memory_space<vmem>>) offsets(%dma_start3A_855 : memref<128xi32, #tpu.memory_space<vmem>>) semaphore(%arg13 : memref<!tpu.dma_semaphore, #tpu.memory_space<semaphore_mem>>)
    %dma_start3A_859 = arith.constant 20 : i32
    %dma_start3A_860 = arith.constant 4 : i32
    %dma_start3A_861 = arith.constant 0 : i32
    %dma_start3A_862 = arith.constant 0 : i32
    %dma_start3A_863 = tpu.memref_slice %arg9[%dma_start3A_860, %dma_start3A_861, %dma_start3A_862] : memref<8x128x16xf32, #tpu.memory_space<vmem>> -> memref<1x128x16xf32, #tpu.memory_space<vmem>>
    %dma_start3A_864 = tpu.memref_squeeze %dma_start3A_863 : memref<1x128x16xf32, #tpu.memory_space<vmem>> -> memref<128x16xf32, #tpu.memory_space<vmem>>
    %dma_start3A_865 = arith.constant 0 : i32
    %dma_start3A_866 = tpu.memref_slice %arg7[%dma_start3A_859, %dma_start3A_865] : memref<40x128xi32, #tpu.memory_space<vmem>> -> memref<1x128xi32, #tpu.memory_space<vmem>>
    %dma_start3A_867 = tpu.memref_squeeze %dma_start3A_866 : memref<1x128xi32, #tpu.memory_space<vmem>> -> memref<128xi32, #tpu.memory_space<vmem>>
    %dma_start3A_868 = arith.constant 0 : i32
    %dma_start3A_869 = arith.constant 0 : i32
    %dma_start3A_870 = tpu.memref_slice %arg4[%dma_start3A_868, %dma_start3A_869] : memref<10240x16xf32, #tpu.memory_space<hbm>> -> memref<10240x16xf32, #tpu.memory_space<hbm>>
    tpu.enqueue_indirect_dma source(%dma_start3A_870 : memref<10240x16xf32, #tpu.memory_space<hbm>>) target(%dma_start3A_864 : memref<128x16xf32, #tpu.memory_space<vmem>>) offsets(%dma_start3A_867 : memref<128xi32, #tpu.memory_space<vmem>>) semaphore(%arg13 : memref<!tpu.dma_semaphore, #tpu.memory_space<semaphore_mem>>)
    %dma_start3A_871 = arith.constant 21 : i32
    %dma_start3A_872 = arith.constant 5 : i32
    %dma_start3A_873 = arith.constant 0 : i32
    %dma_start3A_874 = arith.constant 0 : i32
    %dma_start3A_875 = tpu.memref_slice %arg9[%dma_start3A_872, %dma_start3A_873, %dma_start3A_874] : memref<8x128x16xf32, #tpu.memory_space<vmem>> -> memref<1x128x16xf32, #tpu.memory_space<vmem>>
    %dma_start3A_876 = tpu.memref_squeeze %dma_start3A_875 : memref<1x128x16xf32, #tpu.memory_space<vmem>> -> memref<128x16xf32, #tpu.memory_space<vmem>>
    %dma_start3A_877 = arith.constant 0 : i32
    %dma_start3A_878 = tpu.memref_slice %arg7[%dma_start3A_871, %dma_start3A_877] : memref<40x128xi32, #tpu.memory_space<vmem>> -> memref<1x128xi32, #tpu.memory_space<vmem>>
    %dma_start3A_879 = tpu.memref_squeeze %dma_start3A_878 : memref<1x128xi32, #tpu.memory_space<vmem>> -> memref<128xi32, #tpu.memory_space<vmem>>
    %dma_start3A_880 = arith.constant 0 : i32
    %dma_start3A_881 = arith.constant 0 : i32
    %dma_start3A_882 = tpu.memref_slice %arg4[%dma_start3A_880, %dma_start3A_881] : memref<10240x16xf32, #tpu.memory_space<hbm>> -> memref<10240x16xf32, #tpu.memory_space<hbm>>
    tpu.enqueue_indirect_dma source(%dma_start3A_882 : memref<10240x16xf32, #tpu.memory_space<hbm>>) target(%dma_start3A_876 : memref<128x16xf32, #tpu.memory_space<vmem>>) offsets(%dma_start3A_879 : memref<128xi32, #tpu.memory_space<vmem>>) semaphore(%arg13 : memref<!tpu.dma_semaphore, #tpu.memory_space<semaphore_mem>>)
    %dma_start3A_883 = arith.constant 22 : i32
    %dma_start3A_884 = arith.constant 6 : i32
    %dma_start3A_885 = arith.constant 0 : i32
    %dma_start3A_886 = arith.constant 0 : i32
    %dma_start3A_887 = tpu.memref_slice %arg9[%dma_start3A_884, %dma_start3A_885, %dma_start3A_886] : memref<8x128x16xf32, #tpu.memory_space<vmem>> -> memref<1x128x16xf32, #tpu.memory_space<vmem>>
    %dma_start3A_888 = tpu.memref_squeeze %dma_start3A_887 : memref<1x128x16xf32, #tpu.memory_space<vmem>> -> memref<128x16xf32, #tpu.memory_space<vmem>>
    %dma_start3A_889 = arith.constant 0 : i32
    %dma_start3A_890 = tpu.memref_slice %arg7[%dma_start3A_883, %dma_start3A_889] : memref<40x128xi32, #tpu.memory_space<vmem>> -> memref<1x128xi32, #tpu.memory_space<vmem>>
    %dma_start3A_891 = tpu.memref_squeeze %dma_start3A_890 : memref<1x128xi32, #tpu.memory_space<vmem>> -> memref<128xi32, #tpu.memory_space<vmem>>
    %dma_start3A_892 = arith.constant 0 : i32
    %dma_start3A_893 = arith.constant 0 : i32
    %dma_start3A_894 = tpu.memref_slice %arg4[%dma_start3A_892, %dma_start3A_893] : memref<10240x16xf32, #tpu.memory_space<hbm>> -> memref<10240x16xf32, #tpu.memory_space<hbm>>
    tpu.enqueue_indirect_dma source(%dma_start3A_894 : memref<10240x16xf32, #tpu.memory_space<hbm>>) target(%dma_start3A_888 : memref<128x16xf32, #tpu.memory_space<vmem>>) offsets(%dma_start3A_891 : memref<128xi32, #tpu.memory_space<vmem>>) semaphore(%arg13 : memref<!tpu.dma_semaphore, #tpu.memory_space<semaphore_mem>>)
    %dma_start3A_895 = arith.constant 23 : i32
    %dma_start3A_896 = arith.constant 7 : i32
    %dma_start3A_897 = arith.constant 0 : i32
    %dma_start3A_898 = arith.constant 0 : i32
    %dma_start3A_899 = tpu.memref_slice %arg9[%dma_start3A_896, %dma_start3A_897, %dma_start3A_898] : memref<8x128x16xf32, #tpu.memory_space<vmem>> -> memref<1x128x16xf32, #tpu.memory_space<vmem>>
    %dma_start3A_900 = tpu.memref_squeeze %dma_start3A_899 : memref<1x128x16xf32, #tpu.memory_space<vmem>> -> memref<128x16xf32, #tpu.memory_space<vmem>>
    %dma_start3A_901 = arith.constant 0 : i32
    %dma_start3A_902 = tpu.memref_slice %arg7[%dma_start3A_895, %dma_start3A_901] : memref<40x128xi32, #tpu.memory_space<vmem>> -> memref<1x128xi32, #tpu.memory_space<vmem>>
    %dma_start3A_903 = tpu.memref_squeeze %dma_start3A_902 : memref<1x128xi32, #tpu.memory_space<vmem>> -> memref<128xi32, #tpu.memory_space<vmem>>
    %dma_start3A_904 = arith.constant 0 : i32
    %dma_start3A_905 = arith.constant 0 : i32
    %dma_start3A_906 = tpu.memref_slice %arg4[%dma_start3A_904, %dma_start3A_905] : memref<10240x16xf32, #tpu.memory_space<hbm>> -> memref<10240x16xf32, #tpu.memory_space<hbm>>
    tpu.enqueue_indirect_dma source(%dma_start3A_906 : memref<10240x16xf32, #tpu.memory_space<hbm>>) target(%dma_start3A_900 : memref<128x16xf32, #tpu.memory_space<vmem>>) offsets(%dma_start3A_903 : memref<128xi32, #tpu.memory_space<vmem>>) semaphore(%arg13 : memref<!tpu.dma_semaphore, #tpu.memory_space<semaphore_mem>>)
    %dma_wait3A_907 = arith.constant 16 : i32
    %dma_wait3A_908 = arith.constant 0 : i32
    %dma_wait3A_909 = arith.constant 0 : i32
    %dma_wait3A_910 = arith.constant 0 : i32
    %dma_wait3A_911 = tpu.memref_slice %arg9[%dma_wait3A_908, %dma_wait3A_909, %dma_wait3A_910] : memref<8x128x16xf32, #tpu.memory_space<vmem>> -> memref<1x128x16xf32, #tpu.memory_space<vmem>>
    %dma_wait3A_912 = tpu.memref_squeeze %dma_wait3A_911 : memref<1x128x16xf32, #tpu.memory_space<vmem>> -> memref<128x16xf32, #tpu.memory_space<vmem>>
    %dma_wait3A_913 = arith.constant 0 : i32
    %dma_wait3A_914 = tpu.memref_slice %arg7[%dma_wait3A_907, %dma_wait3A_913] : memref<40x128xi32, #tpu.memory_space<vmem>> -> memref<1x128xi32, #tpu.memory_space<vmem>>
    %dma_wait3A_915 = tpu.memref_squeeze %dma_wait3A_914 : memref<1x128xi32, #tpu.memory_space<vmem>> -> memref<128xi32, #tpu.memory_space<vmem>>
    %dma_wait3A_916 = arith.constant 0 : i32
    %dma_wait3A_917 = arith.constant 0 : i32
    %dma_wait3A_918 = tpu.memref_slice %arg4[%dma_wait3A_916, %dma_wait3A_917] : memref<10240x16xf32, #tpu.memory_space<hbm>> -> memref<10240x16xf32, #tpu.memory_space<hbm>>
    tpu.wait_indirect_dma semaphore(%arg13 : memref<!tpu.dma_semaphore, #tpu.memory_space<semaphore_mem>>) src(%dma_wait3A_918 : memref<10240x16xf32, #tpu.memory_space<hbm>>) dst(%dma_wait3A_912 : memref<128x16xf32, #tpu.memory_space<vmem>>)
    %dma_wait3A_919 = arith.constant 17 : i32
    %dma_wait3A_920 = arith.constant 1 : i32
    %dma_wait3A_921 = arith.constant 0 : i32
    %dma_wait3A_922 = arith.constant 0 : i32
    %dma_wait3A_923 = tpu.memref_slice %arg9[%dma_wait3A_920, %dma_wait3A_921, %dma_wait3A_922] : memref<8x128x16xf32, #tpu.memory_space<vmem>> -> memref<1x128x16xf32, #tpu.memory_space<vmem>>
    %dma_wait3A_924 = tpu.memref_squeeze %dma_wait3A_923 : memref<1x128x16xf32, #tpu.memory_space<vmem>> -> memref<128x16xf32, #tpu.memory_space<vmem>>
    %dma_wait3A_925 = arith.constant 0 : i32
    %dma_wait3A_926 = tpu.memref_slice %arg7[%dma_wait3A_919, %dma_wait3A_925] : memref<40x128xi32, #tpu.memory_space<vmem>> -> memref<1x128xi32, #tpu.memory_space<vmem>>
    %dma_wait3A_927 = tpu.memref_squeeze %dma_wait3A_926 : memref<1x128xi32, #tpu.memory_space<vmem>> -> memref<128xi32, #tpu.memory_space<vmem>>
    %dma_wait3A_928 = arith.constant 0 : i32
    %dma_wait3A_929 = arith.constant 0 : i32
    %dma_wait3A_930 = tpu.memref_slice %arg4[%dma_wait3A_928, %dma_wait3A_929] : memref<10240x16xf32, #tpu.memory_space<hbm>> -> memref<10240x16xf32, #tpu.memory_space<hbm>>
    tpu.wait_indirect_dma semaphore(%arg13 : memref<!tpu.dma_semaphore, #tpu.memory_space<semaphore_mem>>) src(%dma_wait3A_930 : memref<10240x16xf32, #tpu.memory_space<hbm>>) dst(%dma_wait3A_924 : memref<128x16xf32, #tpu.memory_space<vmem>>)
    %dma_wait3A_931 = arith.constant 18 : i32
    %dma_wait3A_932 = arith.constant 2 : i32
    %dma_wait3A_933 = arith.constant 0 : i32
    %dma_wait3A_934 = arith.constant 0 : i32
    %dma_wait3A_935 = tpu.memref_slice %arg9[%dma_wait3A_932, %dma_wait3A_933, %dma_wait3A_934] : memref<8x128x16xf32, #tpu.memory_space<vmem>> -> memref<1x128x16xf32, #tpu.memory_space<vmem>>
    %dma_wait3A_936 = tpu.memref_squeeze %dma_wait3A_935 : memref<1x128x16xf32, #tpu.memory_space<vmem>> -> memref<128x16xf32, #tpu.memory_space<vmem>>
    %dma_wait3A_937 = arith.constant 0 : i32
    %dma_wait3A_938 = tpu.memref_slice %arg7[%dma_wait3A_931, %dma_wait3A_937] : memref<40x128xi32, #tpu.memory_space<vmem>> -> memref<1x128xi32, #tpu.memory_space<vmem>>
    %dma_wait3A_939 = tpu.memref_squeeze %dma_wait3A_938 : memref<1x128xi32, #tpu.memory_space<vmem>> -> memref<128xi32, #tpu.memory_space<vmem>>
    %dma_wait3A_940 = arith.constant 0 : i32
    %dma_wait3A_941 = arith.constant 0 : i32
    %dma_wait3A_942 = tpu.memref_slice %arg4[%dma_wait3A_940, %dma_wait3A_941] : memref<10240x16xf32, #tpu.memory_space<hbm>> -> memref<10240x16xf32, #tpu.memory_space<hbm>>
    tpu.wait_indirect_dma semaphore(%arg13 : memref<!tpu.dma_semaphore, #tpu.memory_space<semaphore_mem>>) src(%dma_wait3A_942 : memref<10240x16xf32, #tpu.memory_space<hbm>>) dst(%dma_wait3A_936 : memref<128x16xf32, #tpu.memory_space<vmem>>)
    %dma_wait3A_943 = arith.constant 19 : i32
    %dma_wait3A_944 = arith.constant 3 : i32
    %dma_wait3A_945 = arith.constant 0 : i32
    %dma_wait3A_946 = arith.constant 0 : i32
    %dma_wait3A_947 = tpu.memref_slice %arg9[%dma_wait3A_944, %dma_wait3A_945, %dma_wait3A_946] : memref<8x128x16xf32, #tpu.memory_space<vmem>> -> memref<1x128x16xf32, #tpu.memory_space<vmem>>
    %dma_wait3A_948 = tpu.memref_squeeze %dma_wait3A_947 : memref<1x128x16xf32, #tpu.memory_space<vmem>> -> memref<128x16xf32, #tpu.memory_space<vmem>>
    %dma_wait3A_949 = arith.constant 0 : i32
    %dma_wait3A_950 = tpu.memref_slice %arg7[%dma_wait3A_943, %dma_wait3A_949] : memref<40x128xi32, #tpu.memory_space<vmem>> -> memref<1x128xi32, #tpu.memory_space<vmem>>
    %dma_wait3A_951 = tpu.memref_squeeze %dma_wait3A_950 : memref<1x128xi32, #tpu.memory_space<vmem>> -> memref<128xi32, #tpu.memory_space<vmem>>
    %dma_wait3A_952 = arith.constant 0 : i32
    %dma_wait3A_953 = arith.constant 0 : i32
    %dma_wait3A_954 = tpu.memref_slice %arg4[%dma_wait3A_952, %dma_wait3A_953] : memref<10240x16xf32, #tpu.memory_space<hbm>> -> memref<10240x16xf32, #tpu.memory_space<hbm>>
    tpu.wait_indirect_dma semaphore(%arg13 : memref<!tpu.dma_semaphore, #tpu.memory_space<semaphore_mem>>) src(%dma_wait3A_954 : memref<10240x16xf32, #tpu.memory_space<hbm>>) dst(%dma_wait3A_948 : memref<128x16xf32, #tpu.memory_space<vmem>>)
    %dma_wait3A_955 = arith.constant 20 : i32
    %dma_wait3A_956 = arith.constant 4 : i32
    %dma_wait3A_957 = arith.constant 0 : i32
    %dma_wait3A_958 = arith.constant 0 : i32
    %dma_wait3A_959 = tpu.memref_slice %arg9[%dma_wait3A_956, %dma_wait3A_957, %dma_wait3A_958] : memref<8x128x16xf32, #tpu.memory_space<vmem>> -> memref<1x128x16xf32, #tpu.memory_space<vmem>>
    %dma_wait3A_960 = tpu.memref_squeeze %dma_wait3A_959 : memref<1x128x16xf32, #tpu.memory_space<vmem>> -> memref<128x16xf32, #tpu.memory_space<vmem>>
    %dma_wait3A_961 = arith.constant 0 : i32
    %dma_wait3A_962 = tpu.memref_slice %arg7[%dma_wait3A_955, %dma_wait3A_961] : memref<40x128xi32, #tpu.memory_space<vmem>> -> memref<1x128xi32, #tpu.memory_space<vmem>>
    %dma_wait3A_963 = tpu.memref_squeeze %dma_wait3A_962 : memref<1x128xi32, #tpu.memory_space<vmem>> -> memref<128xi32, #tpu.memory_space<vmem>>
    %dma_wait3A_964 = arith.constant 0 : i32
    %dma_wait3A_965 = arith.constant 0 : i32
    %dma_wait3A_966 = tpu.memref_slice %arg4[%dma_wait3A_964, %dma_wait3A_965] : memref<10240x16xf32, #tpu.memory_space<hbm>> -> memref<10240x16xf32, #tpu.memory_space<hbm>>
    tpu.wait_indirect_dma semaphore(%arg13 : memref<!tpu.dma_semaphore, #tpu.memory_space<semaphore_mem>>) src(%dma_wait3A_966 : memref<10240x16xf32, #tpu.memory_space<hbm>>) dst(%dma_wait3A_960 : memref<128x16xf32, #tpu.memory_space<vmem>>)
    %dma_wait3A_967 = arith.constant 21 : i32
    %dma_wait3A_968 = arith.constant 5 : i32
    %dma_wait3A_969 = arith.constant 0 : i32
    %dma_wait3A_970 = arith.constant 0 : i32
    %dma_wait3A_971 = tpu.memref_slice %arg9[%dma_wait3A_968, %dma_wait3A_969, %dma_wait3A_970] : memref<8x128x16xf32, #tpu.memory_space<vmem>> -> memref<1x128x16xf32, #tpu.memory_space<vmem>>
    %dma_wait3A_972 = tpu.memref_squeeze %dma_wait3A_971 : memref<1x128x16xf32, #tpu.memory_space<vmem>> -> memref<128x16xf32, #tpu.memory_space<vmem>>
    %dma_wait3A_973 = arith.constant 0 : i32
    %dma_wait3A_974 = tpu.memref_slice %arg7[%dma_wait3A_967, %dma_wait3A_973] : memref<40x128xi32, #tpu.memory_space<vmem>> -> memref<1x128xi32, #tpu.memory_space<vmem>>
    %dma_wait3A_975 = tpu.memref_squeeze %dma_wait3A_974 : memref<1x128xi32, #tpu.memory_space<vmem>> -> memref<128xi32, #tpu.memory_space<vmem>>
    %dma_wait3A_976 = arith.constant 0 : i32
    %dma_wait3A_977 = arith.constant 0 : i32
    %dma_wait3A_978 = tpu.memref_slice %arg4[%dma_wait3A_976, %dma_wait3A_977] : memref<10240x16xf32, #tpu.memory_space<hbm>> -> memref<10240x16xf32, #tpu.memory_space<hbm>>
    tpu.wait_indirect_dma semaphore(%arg13 : memref<!tpu.dma_semaphore, #tpu.memory_space<semaphore_mem>>) src(%dma_wait3A_978 : memref<10240x16xf32, #tpu.memory_space<hbm>>) dst(%dma_wait3A_972 : memref<128x16xf32, #tpu.memory_space<vmem>>)
    %dma_wait3A_979 = arith.constant 22 : i32
    %dma_wait3A_980 = arith.constant 6 : i32
    %dma_wait3A_981 = arith.constant 0 : i32
    %dma_wait3A_982 = arith.constant 0 : i32
    %dma_wait3A_983 = tpu.memref_slice %arg9[%dma_wait3A_980, %dma_wait3A_981, %dma_wait3A_982] : memref<8x128x16xf32, #tpu.memory_space<vmem>> -> memref<1x128x16xf32, #tpu.memory_space<vmem>>
    %dma_wait3A_984 = tpu.memref_squeeze %dma_wait3A_983 : memref<1x128x16xf32, #tpu.memory_space<vmem>> -> memref<128x16xf32, #tpu.memory_space<vmem>>
    %dma_wait3A_985 = arith.constant 0 : i32
    %dma_wait3A_986 = tpu.memref_slice %arg7[%dma_wait3A_979, %dma_wait3A_985] : memref<40x128xi32, #tpu.memory_space<vmem>> -> memref<1x128xi32, #tpu.memory_space<vmem>>
    %dma_wait3A_987 = tpu.memref_squeeze %dma_wait3A_986 : memref<1x128xi32, #tpu.memory_space<vmem>> -> memref<128xi32, #tpu.memory_space<vmem>>
    %dma_wait3A_988 = arith.constant 0 : i32
    %dma_wait3A_989 = arith.constant 0 : i32
    %dma_wait3A_990 = tpu.memref_slice %arg4[%dma_wait3A_988, %dma_wait3A_989] : memref<10240x16xf32, #tpu.memory_space<hbm>> -> memref<10240x16xf32, #tpu.memory_space<hbm>>
    tpu.wait_indirect_dma semaphore(%arg13 : memref<!tpu.dma_semaphore, #tpu.memory_space<semaphore_mem>>) src(%dma_wait3A_990 : memref<10240x16xf32, #tpu.memory_space<hbm>>) dst(%dma_wait3A_984 : memref<128x16xf32, #tpu.memory_space<vmem>>)
    %dma_wait3A_991 = arith.constant 23 : i32
    %dma_wait3A_992 = arith.constant 7 : i32
    %dma_wait3A_993 = arith.constant 0 : i32
    %dma_wait3A_994 = arith.constant 0 : i32
    %dma_wait3A_995 = tpu.memref_slice %arg9[%dma_wait3A_992, %dma_wait3A_993, %dma_wait3A_994] : memref<8x128x16xf32, #tpu.memory_space<vmem>> -> memref<1x128x16xf32, #tpu.memory_space<vmem>>
    %dma_wait3A_996 = tpu.memref_squeeze %dma_wait3A_995 : memref<1x128x16xf32, #tpu.memory_space<vmem>> -> memref<128x16xf32, #tpu.memory_space<vmem>>
    %dma_wait3A_997 = arith.constant 0 : i32
    %dma_wait3A_998 = tpu.memref_slice %arg7[%dma_wait3A_991, %dma_wait3A_997] : memref<40x128xi32, #tpu.memory_space<vmem>> -> memref<1x128xi32, #tpu.memory_space<vmem>>
    %dma_wait3A_999 = tpu.memref_squeeze %dma_wait3A_998 : memref<1x128xi32, #tpu.memory_space<vmem>> -> memref<128xi32, #tpu.memory_space<vmem>>
    %dma_wait3A_1000 = arith.constant 0 : i32
    %dma_wait3A_1001 = arith.constant 0 : i32
    %dma_wait3A_1002 = tpu.memref_slice %arg4[%dma_wait3A_1000, %dma_wait3A_1001] : memref<10240x16xf32, #tpu.memory_space<hbm>> -> memref<10240x16xf32, #tpu.memory_space<hbm>>
    tpu.wait_indirect_dma semaphore(%arg13 : memref<!tpu.dma_semaphore, #tpu.memory_space<semaphore_mem>>) src(%dma_wait3A_1002 : memref<10240x16xf32, #tpu.memory_space<hbm>>) dst(%dma_wait3A_996 : memref<128x16xf32, #tpu.memory_space<vmem>>)
    %dma_start3A_1003 = arith.constant 0 : i32
    %dma_start3A_1004 = arith.constant 16 : i32
    %dma_start3A_1005 = arith.constant 0 : i32
    %dma_start3A_1006 = arith.constant 0 : i32
    %dma_start3A_1007 = tpu.memref_slice %arg9[%dma_start3A_1003, %dma_start3A_1005, %dma_start3A_1006] : memref<8x128x16xf32, #tpu.memory_space<vmem>> -> memref<1x128x16xf32, #tpu.memory_space<vmem>>
    %dma_start3A_1008 = tpu.memref_squeeze %dma_start3A_1007 : memref<1x128x16xf32, #tpu.memory_space<vmem>> -> memref<128x16xf32, #tpu.memory_space<vmem>>
    %dma_start3A_1009 = arith.constant 0 : i32
    %dma_start3A_1010 = tpu.memref_slice %arg8[%dma_start3A_1004, %dma_start3A_1009] : memref<40x128xi32, #tpu.memory_space<vmem>> -> memref<1x128xi32, #tpu.memory_space<vmem>>
    %dma_start3A_1011 = tpu.memref_squeeze %dma_start3A_1010 : memref<1x128xi32, #tpu.memory_space<vmem>> -> memref<128xi32, #tpu.memory_space<vmem>>
    %dma_start3A_1012 = arith.constant 0 : i32
    %dma_start3A_1013 = arith.constant 0 : i32
    %dma_start3A_1014 = tpu.memref_slice %arg6[%dma_start3A_1012, %dma_start3A_1013] : memref<10240x16xf32, #tpu.memory_space<vmem_shared>> -> memref<10240x16xf32, #tpu.memory_space<vmem_shared>>
    tpu.enqueue_indirect_dma source(%dma_start3A_1008 : memref<128x16xf32, #tpu.memory_space<vmem>>) target(%dma_start3A_1014 : memref<10240x16xf32, #tpu.memory_space<vmem_shared>>) offsets(%dma_start3A_1011 : memref<128xi32, #tpu.memory_space<vmem>>) semaphore(%arg14 : memref<!tpu.dma_semaphore, #tpu.memory_space<semaphore_mem>>) {add = true}
    %dma_start3A_1015 = arith.constant 1 : i32
    %dma_start3A_1016 = arith.constant 17 : i32
    %dma_start3A_1017 = arith.constant 0 : i32
    %dma_start3A_1018 = arith.constant 0 : i32
    %dma_start3A_1019 = tpu.memref_slice %arg9[%dma_start3A_1015, %dma_start3A_1017, %dma_start3A_1018] : memref<8x128x16xf32, #tpu.memory_space<vmem>> -> memref<1x128x16xf32, #tpu.memory_space<vmem>>
    %dma_start3A_1020 = tpu.memref_squeeze %dma_start3A_1019 : memref<1x128x16xf32, #tpu.memory_space<vmem>> -> memref<128x16xf32, #tpu.memory_space<vmem>>
    %dma_start3A_1021 = arith.constant 0 : i32
    %dma_start3A_1022 = tpu.memref_slice %arg8[%dma_start3A_1016, %dma_start3A_1021] : memref<40x128xi32, #tpu.memory_space<vmem>> -> memref<1x128xi32, #tpu.memory_space<vmem>>
    %dma_start3A_1023 = tpu.memref_squeeze %dma_start3A_1022 : memref<1x128xi32, #tpu.memory_space<vmem>> -> memref<128xi32, #tpu.memory_space<vmem>>
    %dma_start3A_1024 = arith.constant 0 : i32
    %dma_start3A_1025 = arith.constant 0 : i32
    %dma_start3A_1026 = tpu.memref_slice %arg6[%dma_start3A_1024, %dma_start3A_1025] : memref<10240x16xf32, #tpu.memory_space<vmem_shared>> -> memref<10240x16xf32, #tpu.memory_space<vmem_shared>>
    tpu.enqueue_indirect_dma source(%dma_start3A_1020 : memref<128x16xf32, #tpu.memory_space<vmem>>) target(%dma_start3A_1026 : memref<10240x16xf32, #tpu.memory_space<vmem_shared>>) offsets(%dma_start3A_1023 : memref<128xi32, #tpu.memory_space<vmem>>) semaphore(%arg14 : memref<!tpu.dma_semaphore, #tpu.memory_space<semaphore_mem>>) {add = true}
    %dma_start3A_1027 = arith.constant 2 : i32
    %dma_start3A_1028 = arith.constant 18 : i32
    %dma_start3A_1029 = arith.constant 0 : i32
    %dma_start3A_1030 = arith.constant 0 : i32
    %dma_start3A_1031 = tpu.memref_slice %arg9[%dma_start3A_1027, %dma_start3A_1029, %dma_start3A_1030] : memref<8x128x16xf32, #tpu.memory_space<vmem>> -> memref<1x128x16xf32, #tpu.memory_space<vmem>>
    %dma_start3A_1032 = tpu.memref_squeeze %dma_start3A_1031 : memref<1x128x16xf32, #tpu.memory_space<vmem>> -> memref<128x16xf32, #tpu.memory_space<vmem>>
    %dma_start3A_1033 = arith.constant 0 : i32
    %dma_start3A_1034 = tpu.memref_slice %arg8[%dma_start3A_1028, %dma_start3A_1033] : memref<40x128xi32, #tpu.memory_space<vmem>> -> memref<1x128xi32, #tpu.memory_space<vmem>>
    %dma_start3A_1035 = tpu.memref_squeeze %dma_start3A_1034 : memref<1x128xi32, #tpu.memory_space<vmem>> -> memref<128xi32, #tpu.memory_space<vmem>>
    %dma_start3A_1036 = arith.constant 0 : i32
    %dma_start3A_1037 = arith.constant 0 : i32
    %dma_start3A_1038 = tpu.memref_slice %arg6[%dma_start3A_1036, %dma_start3A_1037] : memref<10240x16xf32, #tpu.memory_space<vmem_shared>> -> memref<10240x16xf32, #tpu.memory_space<vmem_shared>>
    tpu.enqueue_indirect_dma source(%dma_start3A_1032 : memref<128x16xf32, #tpu.memory_space<vmem>>) target(%dma_start3A_1038 : memref<10240x16xf32, #tpu.memory_space<vmem_shared>>) offsets(%dma_start3A_1035 : memref<128xi32, #tpu.memory_space<vmem>>) semaphore(%arg14 : memref<!tpu.dma_semaphore, #tpu.memory_space<semaphore_mem>>) {add = true}
    %dma_start3A_1039 = arith.constant 3 : i32
    %dma_start3A_1040 = arith.constant 19 : i32
    %dma_start3A_1041 = arith.constant 0 : i32
    %dma_start3A_1042 = arith.constant 0 : i32
    %dma_start3A_1043 = tpu.memref_slice %arg9[%dma_start3A_1039, %dma_start3A_1041, %dma_start3A_1042] : memref<8x128x16xf32, #tpu.memory_space<vmem>> -> memref<1x128x16xf32, #tpu.memory_space<vmem>>
    %dma_start3A_1044 = tpu.memref_squeeze %dma_start3A_1043 : memref<1x128x16xf32, #tpu.memory_space<vmem>> -> memref<128x16xf32, #tpu.memory_space<vmem>>
    %dma_start3A_1045 = arith.constant 0 : i32
    %dma_start3A_1046 = tpu.memref_slice %arg8[%dma_start3A_1040, %dma_start3A_1045] : memref<40x128xi32, #tpu.memory_space<vmem>> -> memref<1x128xi32, #tpu.memory_space<vmem>>
    %dma_start3A_1047 = tpu.memref_squeeze %dma_start3A_1046 : memref<1x128xi32, #tpu.memory_space<vmem>> -> memref<128xi32, #tpu.memory_space<vmem>>
    %dma_start3A_1048 = arith.constant 0 : i32
    %dma_start3A_1049 = arith.constant 0 : i32
    %dma_start3A_1050 = tpu.memref_slice %arg6[%dma_start3A_1048, %dma_start3A_1049] : memref<10240x16xf32, #tpu.memory_space<vmem_shared>> -> memref<10240x16xf32, #tpu.memory_space<vmem_shared>>
    tpu.enqueue_indirect_dma source(%dma_start3A_1044 : memref<128x16xf32, #tpu.memory_space<vmem>>) target(%dma_start3A_1050 : memref<10240x16xf32, #tpu.memory_space<vmem_shared>>) offsets(%dma_start3A_1047 : memref<128xi32, #tpu.memory_space<vmem>>) semaphore(%arg14 : memref<!tpu.dma_semaphore, #tpu.memory_space<semaphore_mem>>) {add = true}
    %dma_wait3A_1051 = arith.constant 0 : i32
    %dma_wait3A_1052 = arith.constant 16 : i32
    %dma_wait3A_1053 = arith.constant 0 : i32
    %dma_wait3A_1054 = arith.constant 0 : i32
    %dma_wait3A_1055 = tpu.memref_slice %arg9[%dma_wait3A_1051, %dma_wait3A_1053, %dma_wait3A_1054] : memref<8x128x16xf32, #tpu.memory_space<vmem>> -> memref<1x128x16xf32, #tpu.memory_space<vmem>>
    %dma_wait3A_1056 = tpu.memref_squeeze %dma_wait3A_1055 : memref<1x128x16xf32, #tpu.memory_space<vmem>> -> memref<128x16xf32, #tpu.memory_space<vmem>>
    %dma_wait3A_1057 = arith.constant 0 : i32
    %dma_wait3A_1058 = tpu.memref_slice %arg8[%dma_wait3A_1052, %dma_wait3A_1057] : memref<40x128xi32, #tpu.memory_space<vmem>> -> memref<1x128xi32, #tpu.memory_space<vmem>>
    %dma_wait3A_1059 = tpu.memref_squeeze %dma_wait3A_1058 : memref<1x128xi32, #tpu.memory_space<vmem>> -> memref<128xi32, #tpu.memory_space<vmem>>
    %dma_wait3A_1060 = arith.constant 0 : i32
    %dma_wait3A_1061 = arith.constant 0 : i32
    %dma_wait3A_1062 = tpu.memref_slice %arg6[%dma_wait3A_1060, %dma_wait3A_1061] : memref<10240x16xf32, #tpu.memory_space<vmem_shared>> -> memref<10240x16xf32, #tpu.memory_space<vmem_shared>>
    tpu.wait_indirect_dma semaphore(%arg14 : memref<!tpu.dma_semaphore, #tpu.memory_space<semaphore_mem>>) src(%dma_wait3A_1056 : memref<128x16xf32, #tpu.memory_space<vmem>>) dst(%dma_wait3A_1062 : memref<10240x16xf32, #tpu.memory_space<vmem_shared>>)
    %dma_wait3A_1063 = arith.constant 1 : i32
    %dma_wait3A_1064 = arith.constant 17 : i32
    %dma_wait3A_1065 = arith.constant 0 : i32
    %dma_wait3A_1066 = arith.constant 0 : i32
    %dma_wait3A_1067 = tpu.memref_slice %arg9[%dma_wait3A_1063, %dma_wait3A_1065, %dma_wait3A_1066] : memref<8x128x16xf32, #tpu.memory_space<vmem>> -> memref<1x128x16xf32, #tpu.memory_space<vmem>>
    %dma_wait3A_1068 = tpu.memref_squeeze %dma_wait3A_1067 : memref<1x128x16xf32, #tpu.memory_space<vmem>> -> memref<128x16xf32, #tpu.memory_space<vmem>>
    %dma_wait3A_1069 = arith.constant 0 : i32
    %dma_wait3A_1070 = tpu.memref_slice %arg8[%dma_wait3A_1064, %dma_wait3A_1069] : memref<40x128xi32, #tpu.memory_space<vmem>> -> memref<1x128xi32, #tpu.memory_space<vmem>>
    %dma_wait3A_1071 = tpu.memref_squeeze %dma_wait3A_1070 : memref<1x128xi32, #tpu.memory_space<vmem>> -> memref<128xi32, #tpu.memory_space<vmem>>
    %dma_wait3A_1072 = arith.constant 0 : i32
    %dma_wait3A_1073 = arith.constant 0 : i32
    %dma_wait3A_1074 = tpu.memref_slice %arg6[%dma_wait3A_1072, %dma_wait3A_1073] : memref<10240x16xf32, #tpu.memory_space<vmem_shared>> -> memref<10240x16xf32, #tpu.memory_space<vmem_shared>>
    tpu.wait_indirect_dma semaphore(%arg14 : memref<!tpu.dma_semaphore, #tpu.memory_space<semaphore_mem>>) src(%dma_wait3A_1068 : memref<128x16xf32, #tpu.memory_space<vmem>>) dst(%dma_wait3A_1074 : memref<10240x16xf32, #tpu.memory_space<vmem_shared>>)
    %dma_wait3A_1075 = arith.constant 2 : i32
    %dma_wait3A_1076 = arith.constant 18 : i32
    %dma_wait3A_1077 = arith.constant 0 : i32
    %dma_wait3A_1078 = arith.constant 0 : i32
    %dma_wait3A_1079 = tpu.memref_slice %arg9[%dma_wait3A_1075, %dma_wait3A_1077, %dma_wait3A_1078] : memref<8x128x16xf32, #tpu.memory_space<vmem>> -> memref<1x128x16xf32, #tpu.memory_space<vmem>>
    %dma_wait3A_1080 = tpu.memref_squeeze %dma_wait3A_1079 : memref<1x128x16xf32, #tpu.memory_space<vmem>> -> memref<128x16xf32, #tpu.memory_space<vmem>>
    %dma_wait3A_1081 = arith.constant 0 : i32
    %dma_wait3A_1082 = tpu.memref_slice %arg8[%dma_wait3A_1076, %dma_wait3A_1081] : memref<40x128xi32, #tpu.memory_space<vmem>> -> memref<1x128xi32, #tpu.memory_space<vmem>>
    %dma_wait3A_1083 = tpu.memref_squeeze %dma_wait3A_1082 : memref<1x128xi32, #tpu.memory_space<vmem>> -> memref<128xi32, #tpu.memory_space<vmem>>
    %dma_wait3A_1084 = arith.constant 0 : i32
    %dma_wait3A_1085 = arith.constant 0 : i32
    %dma_wait3A_1086 = tpu.memref_slice %arg6[%dma_wait3A_1084, %dma_wait3A_1085] : memref<10240x16xf32, #tpu.memory_space<vmem_shared>> -> memref<10240x16xf32, #tpu.memory_space<vmem_shared>>
    tpu.wait_indirect_dma semaphore(%arg14 : memref<!tpu.dma_semaphore, #tpu.memory_space<semaphore_mem>>) src(%dma_wait3A_1080 : memref<128x16xf32, #tpu.memory_space<vmem>>) dst(%dma_wait3A_1086 : memref<10240x16xf32, #tpu.memory_space<vmem_shared>>)
    %dma_wait3A_1087 = arith.constant 3 : i32
    %dma_wait3A_1088 = arith.constant 19 : i32
    %dma_wait3A_1089 = arith.constant 0 : i32
    %dma_wait3A_1090 = arith.constant 0 : i32
    %dma_wait3A_1091 = tpu.memref_slice %arg9[%dma_wait3A_1087, %dma_wait3A_1089, %dma_wait3A_1090] : memref<8x128x16xf32, #tpu.memory_space<vmem>> -> memref<1x128x16xf32, #tpu.memory_space<vmem>>
    %dma_wait3A_1092 = tpu.memref_squeeze %dma_wait3A_1091 : memref<1x128x16xf32, #tpu.memory_space<vmem>> -> memref<128x16xf32, #tpu.memory_space<vmem>>
    %dma_wait3A_1093 = arith.constant 0 : i32
    %dma_wait3A_1094 = tpu.memref_slice %arg8[%dma_wait3A_1088, %dma_wait3A_1093] : memref<40x128xi32, #tpu.memory_space<vmem>> -> memref<1x128xi32, #tpu.memory_space<vmem>>
    %dma_wait3A_1095 = tpu.memref_squeeze %dma_wait3A_1094 : memref<1x128xi32, #tpu.memory_space<vmem>> -> memref<128xi32, #tpu.memory_space<vmem>>
    %dma_wait3A_1096 = arith.constant 0 : i32
    %dma_wait3A_1097 = arith.constant 0 : i32
    %dma_wait3A_1098 = tpu.memref_slice %arg6[%dma_wait3A_1096, %dma_wait3A_1097] : memref<10240x16xf32, #tpu.memory_space<vmem_shared>> -> memref<10240x16xf32, #tpu.memory_space<vmem_shared>>
    tpu.wait_indirect_dma semaphore(%arg14 : memref<!tpu.dma_semaphore, #tpu.memory_space<semaphore_mem>>) src(%dma_wait3A_1092 : memref<128x16xf32, #tpu.memory_space<vmem>>) dst(%dma_wait3A_1098 : memref<10240x16xf32, #tpu.memory_space<vmem_shared>>)
    %dma_start3A_1099 = arith.constant 4 : i32
    %dma_start3A_1100 = arith.constant 20 : i32
    %dma_start3A_1101 = arith.constant 0 : i32
    %dma_start3A_1102 = arith.constant 0 : i32
    %dma_start3A_1103 = tpu.memref_slice %arg9[%dma_start3A_1099, %dma_start3A_1101, %dma_start3A_1102] : memref<8x128x16xf32, #tpu.memory_space<vmem>> -> memref<1x128x16xf32, #tpu.memory_space<vmem>>
    %dma_start3A_1104 = tpu.memref_squeeze %dma_start3A_1103 : memref<1x128x16xf32, #tpu.memory_space<vmem>> -> memref<128x16xf32, #tpu.memory_space<vmem>>
    %dma_start3A_1105 = arith.constant 0 : i32
    %dma_start3A_1106 = tpu.memref_slice %arg8[%dma_start3A_1100, %dma_start3A_1105] : memref<40x128xi32, #tpu.memory_space<vmem>> -> memref<1x128xi32, #tpu.memory_space<vmem>>
    %dma_start3A_1107 = tpu.memref_squeeze %dma_start3A_1106 : memref<1x128xi32, #tpu.memory_space<vmem>> -> memref<128xi32, #tpu.memory_space<vmem>>
    %dma_start3A_1108 = arith.constant 0 : i32
    %dma_start3A_1109 = arith.constant 0 : i32
    %dma_start3A_1110 = tpu.memref_slice %arg6[%dma_start3A_1108, %dma_start3A_1109] : memref<10240x16xf32, #tpu.memory_space<vmem_shared>> -> memref<10240x16xf32, #tpu.memory_space<vmem_shared>>
    tpu.enqueue_indirect_dma source(%dma_start3A_1104 : memref<128x16xf32, #tpu.memory_space<vmem>>) target(%dma_start3A_1110 : memref<10240x16xf32, #tpu.memory_space<vmem_shared>>) offsets(%dma_start3A_1107 : memref<128xi32, #tpu.memory_space<vmem>>) semaphore(%arg14 : memref<!tpu.dma_semaphore, #tpu.memory_space<semaphore_mem>>) {add = true}
    %dma_start3A_1111 = arith.constant 5 : i32
    %dma_start3A_1112 = arith.constant 21 : i32
    %dma_start3A_1113 = arith.constant 0 : i32
    %dma_start3A_1114 = arith.constant 0 : i32
    %dma_start3A_1115 = tpu.memref_slice %arg9[%dma_start3A_1111, %dma_start3A_1113, %dma_start3A_1114] : memref<8x128x16xf32, #tpu.memory_space<vmem>> -> memref<1x128x16xf32, #tpu.memory_space<vmem>>
    %dma_start3A_1116 = tpu.memref_squeeze %dma_start3A_1115 : memref<1x128x16xf32, #tpu.memory_space<vmem>> -> memref<128x16xf32, #tpu.memory_space<vmem>>
    %dma_start3A_1117 = arith.constant 0 : i32
    %dma_start3A_1118 = tpu.memref_slice %arg8[%dma_start3A_1112, %dma_start3A_1117] : memref<40x128xi32, #tpu.memory_space<vmem>> -> memref<1x128xi32, #tpu.memory_space<vmem>>
    %dma_start3A_1119 = tpu.memref_squeeze %dma_start3A_1118 : memref<1x128xi32, #tpu.memory_space<vmem>> -> memref<128xi32, #tpu.memory_space<vmem>>
    %dma_start3A_1120 = arith.constant 0 : i32
    %dma_start3A_1121 = arith.constant 0 : i32
    %dma_start3A_1122 = tpu.memref_slice %arg6[%dma_start3A_1120, %dma_start3A_1121] : memref<10240x16xf32, #tpu.memory_space<vmem_shared>> -> memref<10240x16xf32, #tpu.memory_space<vmem_shared>>
    tpu.enqueue_indirect_dma source(%dma_start3A_1116 : memref<128x16xf32, #tpu.memory_space<vmem>>) target(%dma_start3A_1122 : memref<10240x16xf32, #tpu.memory_space<vmem_shared>>) offsets(%dma_start3A_1119 : memref<128xi32, #tpu.memory_space<vmem>>) semaphore(%arg14 : memref<!tpu.dma_semaphore, #tpu.memory_space<semaphore_mem>>) {add = true}
    %dma_start3A_1123 = arith.constant 6 : i32
    %dma_start3A_1124 = arith.constant 22 : i32
    %dma_start3A_1125 = arith.constant 0 : i32
    %dma_start3A_1126 = arith.constant 0 : i32
    %dma_start3A_1127 = tpu.memref_slice %arg9[%dma_start3A_1123, %dma_start3A_1125, %dma_start3A_1126] : memref<8x128x16xf32, #tpu.memory_space<vmem>> -> memref<1x128x16xf32, #tpu.memory_space<vmem>>
    %dma_start3A_1128 = tpu.memref_squeeze %dma_start3A_1127 : memref<1x128x16xf32, #tpu.memory_space<vmem>> -> memref<128x16xf32, #tpu.memory_space<vmem>>
    %dma_start3A_1129 = arith.constant 0 : i32
    %dma_start3A_1130 = tpu.memref_slice %arg8[%dma_start3A_1124, %dma_start3A_1129] : memref<40x128xi32, #tpu.memory_space<vmem>> -> memref<1x128xi32, #tpu.memory_space<vmem>>
    %dma_start3A_1131 = tpu.memref_squeeze %dma_start3A_1130 : memref<1x128xi32, #tpu.memory_space<vmem>> -> memref<128xi32, #tpu.memory_space<vmem>>
    %dma_start3A_1132 = arith.constant 0 : i32
    %dma_start3A_1133 = arith.constant 0 : i32
    %dma_start3A_1134 = tpu.memref_slice %arg6[%dma_start3A_1132, %dma_start3A_1133] : memref<10240x16xf32, #tpu.memory_space<vmem_shared>> -> memref<10240x16xf32, #tpu.memory_space<vmem_shared>>
    tpu.enqueue_indirect_dma source(%dma_start3A_1128 : memref<128x16xf32, #tpu.memory_space<vmem>>) target(%dma_start3A_1134 : memref<10240x16xf32, #tpu.memory_space<vmem_shared>>) offsets(%dma_start3A_1131 : memref<128xi32, #tpu.memory_space<vmem>>) semaphore(%arg14 : memref<!tpu.dma_semaphore, #tpu.memory_space<semaphore_mem>>) {add = true}
    %dma_start3A_1135 = arith.constant 7 : i32
    %dma_start3A_1136 = arith.constant 23 : i32
    %dma_start3A_1137 = arith.constant 0 : i32
    %dma_start3A_1138 = arith.constant 0 : i32
    %dma_start3A_1139 = tpu.memref_slice %arg9[%dma_start3A_1135, %dma_start3A_1137, %dma_start3A_1138] : memref<8x128x16xf32, #tpu.memory_space<vmem>> -> memref<1x128x16xf32, #tpu.memory_space<vmem>>
    %dma_start3A_1140 = tpu.memref_squeeze %dma_start3A_1139 : memref<1x128x16xf32, #tpu.memory_space<vmem>> -> memref<128x16xf32, #tpu.memory_space<vmem>>
    %dma_start3A_1141 = arith.constant 0 : i32
    %dma_start3A_1142 = tpu.memref_slice %arg8[%dma_start3A_1136, %dma_start3A_1141] : memref<40x128xi32, #tpu.memory_space<vmem>> -> memref<1x128xi32, #tpu.memory_space<vmem>>
    %dma_start3A_1143 = tpu.memref_squeeze %dma_start3A_1142 : memref<1x128xi32, #tpu.memory_space<vmem>> -> memref<128xi32, #tpu.memory_space<vmem>>
    %dma_start3A_1144 = arith.constant 0 : i32
    %dma_start3A_1145 = arith.constant 0 : i32
    %dma_start3A_1146 = tpu.memref_slice %arg6[%dma_start3A_1144, %dma_start3A_1145] : memref<10240x16xf32, #tpu.memory_space<vmem_shared>> -> memref<10240x16xf32, #tpu.memory_space<vmem_shared>>
    tpu.enqueue_indirect_dma source(%dma_start3A_1140 : memref<128x16xf32, #tpu.memory_space<vmem>>) target(%dma_start3A_1146 : memref<10240x16xf32, #tpu.memory_space<vmem_shared>>) offsets(%dma_start3A_1143 : memref<128xi32, #tpu.memory_space<vmem>>) semaphore(%arg14 : memref<!tpu.dma_semaphore, #tpu.memory_space<semaphore_mem>>) {add = true}
    %dma_wait3A_1147 = arith.constant 4 : i32
    %dma_wait3A_1148 = arith.constant 20 : i32
    %dma_wait3A_1149 = arith.constant 0 : i32
    %dma_wait3A_1150 = arith.constant 0 : i32
    %dma_wait3A_1151 = tpu.memref_slice %arg9[%dma_wait3A_1147, %dma_wait3A_1149, %dma_wait3A_1150] : memref<8x128x16xf32, #tpu.memory_space<vmem>> -> memref<1x128x16xf32, #tpu.memory_space<vmem>>
    %dma_wait3A_1152 = tpu.memref_squeeze %dma_wait3A_1151 : memref<1x128x16xf32, #tpu.memory_space<vmem>> -> memref<128x16xf32, #tpu.memory_space<vmem>>
    %dma_wait3A_1153 = arith.constant 0 : i32
    %dma_wait3A_1154 = tpu.memref_slice %arg8[%dma_wait3A_1148, %dma_wait3A_1153] : memref<40x128xi32, #tpu.memory_space<vmem>> -> memref<1x128xi32, #tpu.memory_space<vmem>>
    %dma_wait3A_1155 = tpu.memref_squeeze %dma_wait3A_1154 : memref<1x128xi32, #tpu.memory_space<vmem>> -> memref<128xi32, #tpu.memory_space<vmem>>
    %dma_wait3A_1156 = arith.constant 0 : i32
    %dma_wait3A_1157 = arith.constant 0 : i32
    %dma_wait3A_1158 = tpu.memref_slice %arg6[%dma_wait3A_1156, %dma_wait3A_1157] : memref<10240x16xf32, #tpu.memory_space<vmem_shared>> -> memref<10240x16xf32, #tpu.memory_space<vmem_shared>>
    tpu.wait_indirect_dma semaphore(%arg14 : memref<!tpu.dma_semaphore, #tpu.memory_space<semaphore_mem>>) src(%dma_wait3A_1152 : memref<128x16xf32, #tpu.memory_space<vmem>>) dst(%dma_wait3A_1158 : memref<10240x16xf32, #tpu.memory_space<vmem_shared>>)
    %dma_wait3A_1159 = arith.constant 5 : i32
    %dma_wait3A_1160 = arith.constant 21 : i32
    %dma_wait3A_1161 = arith.constant 0 : i32
    %dma_wait3A_1162 = arith.constant 0 : i32
    %dma_wait3A_1163 = tpu.memref_slice %arg9[%dma_wait3A_1159, %dma_wait3A_1161, %dma_wait3A_1162] : memref<8x128x16xf32, #tpu.memory_space<vmem>> -> memref<1x128x16xf32, #tpu.memory_space<vmem>>
    %dma_wait3A_1164 = tpu.memref_squeeze %dma_wait3A_1163 : memref<1x128x16xf32, #tpu.memory_space<vmem>> -> memref<128x16xf32, #tpu.memory_space<vmem>>
    %dma_wait3A_1165 = arith.constant 0 : i32
    %dma_wait3A_1166 = tpu.memref_slice %arg8[%dma_wait3A_1160, %dma_wait3A_1165] : memref<40x128xi32, #tpu.memory_space<vmem>> -> memref<1x128xi32, #tpu.memory_space<vmem>>
    %dma_wait3A_1167 = tpu.memref_squeeze %dma_wait3A_1166 : memref<1x128xi32, #tpu.memory_space<vmem>> -> memref<128xi32, #tpu.memory_space<vmem>>
    %dma_wait3A_1168 = arith.constant 0 : i32
    %dma_wait3A_1169 = arith.constant 0 : i32
    %dma_wait3A_1170 = tpu.memref_slice %arg6[%dma_wait3A_1168, %dma_wait3A_1169] : memref<10240x16xf32, #tpu.memory_space<vmem_shared>> -> memref<10240x16xf32, #tpu.memory_space<vmem_shared>>
    tpu.wait_indirect_dma semaphore(%arg14 : memref<!tpu.dma_semaphore, #tpu.memory_space<semaphore_mem>>) src(%dma_wait3A_1164 : memref<128x16xf32, #tpu.memory_space<vmem>>) dst(%dma_wait3A_1170 : memref<10240x16xf32, #tpu.memory_space<vmem_shared>>)
    %dma_wait3A_1171 = arith.constant 6 : i32
    %dma_wait3A_1172 = arith.constant 22 : i32
    %dma_wait3A_1173 = arith.constant 0 : i32
    %dma_wait3A_1174 = arith.constant 0 : i32
    %dma_wait3A_1175 = tpu.memref_slice %arg9[%dma_wait3A_1171, %dma_wait3A_1173, %dma_wait3A_1174] : memref<8x128x16xf32, #tpu.memory_space<vmem>> -> memref<1x128x16xf32, #tpu.memory_space<vmem>>
    %dma_wait3A_1176 = tpu.memref_squeeze %dma_wait3A_1175 : memref<1x128x16xf32, #tpu.memory_space<vmem>> -> memref<128x16xf32, #tpu.memory_space<vmem>>
    %dma_wait3A_1177 = arith.constant 0 : i32
    %dma_wait3A_1178 = tpu.memref_slice %arg8[%dma_wait3A_1172, %dma_wait3A_1177] : memref<40x128xi32, #tpu.memory_space<vmem>> -> memref<1x128xi32, #tpu.memory_space<vmem>>
    %dma_wait3A_1179 = tpu.memref_squeeze %dma_wait3A_1178 : memref<1x128xi32, #tpu.memory_space<vmem>> -> memref<128xi32, #tpu.memory_space<vmem>>
    %dma_wait3A_1180 = arith.constant 0 : i32
    %dma_wait3A_1181 = arith.constant 0 : i32
    %dma_wait3A_1182 = tpu.memref_slice %arg6[%dma_wait3A_1180, %dma_wait3A_1181] : memref<10240x16xf32, #tpu.memory_space<vmem_shared>> -> memref<10240x16xf32, #tpu.memory_space<vmem_shared>>
    tpu.wait_indirect_dma semaphore(%arg14 : memref<!tpu.dma_semaphore, #tpu.memory_space<semaphore_mem>>) src(%dma_wait3A_1176 : memref<128x16xf32, #tpu.memory_space<vmem>>) dst(%dma_wait3A_1182 : memref<10240x16xf32, #tpu.memory_space<vmem_shared>>)
    %dma_wait3A_1183 = arith.constant 7 : i32
    %dma_wait3A_1184 = arith.constant 23 : i32
    %dma_wait3A_1185 = arith.constant 0 : i32
    %dma_wait3A_1186 = arith.constant 0 : i32
    %dma_wait3A_1187 = tpu.memref_slice %arg9[%dma_wait3A_1183, %dma_wait3A_1185, %dma_wait3A_1186] : memref<8x128x16xf32, #tpu.memory_space<vmem>> -> memref<1x128x16xf32, #tpu.memory_space<vmem>>
    %dma_wait3A_1188 = tpu.memref_squeeze %dma_wait3A_1187 : memref<1x128x16xf32, #tpu.memory_space<vmem>> -> memref<128x16xf32, #tpu.memory_space<vmem>>
    %dma_wait3A_1189 = arith.constant 0 : i32
    %dma_wait3A_1190 = tpu.memref_slice %arg8[%dma_wait3A_1184, %dma_wait3A_1189] : memref<40x128xi32, #tpu.memory_space<vmem>> -> memref<1x128xi32, #tpu.memory_space<vmem>>
    %dma_wait3A_1191 = tpu.memref_squeeze %dma_wait3A_1190 : memref<1x128xi32, #tpu.memory_space<vmem>> -> memref<128xi32, #tpu.memory_space<vmem>>
    %dma_wait3A_1192 = arith.constant 0 : i32
    %dma_wait3A_1193 = arith.constant 0 : i32
    %dma_wait3A_1194 = tpu.memref_slice %arg6[%dma_wait3A_1192, %dma_wait3A_1193] : memref<10240x16xf32, #tpu.memory_space<vmem_shared>> -> memref<10240x16xf32, #tpu.memory_space<vmem_shared>>
    tpu.wait_indirect_dma semaphore(%arg14 : memref<!tpu.dma_semaphore, #tpu.memory_space<semaphore_mem>>) src(%dma_wait3A_1188 : memref<128x16xf32, #tpu.memory_space<vmem>>) dst(%dma_wait3A_1194 : memref<10240x16xf32, #tpu.memory_space<vmem_shared>>)
    %dma_start3A_1195 = arith.constant 24 : i32
    %dma_start3A_1196 = arith.constant 0 : i32
    %dma_start3A_1197 = arith.constant 0 : i32
    %dma_start3A_1198 = arith.constant 0 : i32
    %dma_start3A_1199 = tpu.memref_slice %arg9[%dma_start3A_1196, %dma_start3A_1197, %dma_start3A_1198] : memref<8x128x16xf32, #tpu.memory_space<vmem>> -> memref<1x128x16xf32, #tpu.memory_space<vmem>>
    %dma_start3A_1200 = tpu.memref_squeeze %dma_start3A_1199 : memref<1x128x16xf32, #tpu.memory_space<vmem>> -> memref<128x16xf32, #tpu.memory_space<vmem>>
    %dma_start3A_1201 = arith.constant 0 : i32
    %dma_start3A_1202 = tpu.memref_slice %arg7[%dma_start3A_1195, %dma_start3A_1201] : memref<40x128xi32, #tpu.memory_space<vmem>> -> memref<1x128xi32, #tpu.memory_space<vmem>>
    %dma_start3A_1203 = tpu.memref_squeeze %dma_start3A_1202 : memref<1x128xi32, #tpu.memory_space<vmem>> -> memref<128xi32, #tpu.memory_space<vmem>>
    %dma_start3A_1204 = arith.constant 0 : i32
    %dma_start3A_1205 = arith.constant 0 : i32
    %dma_start3A_1206 = tpu.memref_slice %arg4[%dma_start3A_1204, %dma_start3A_1205] : memref<10240x16xf32, #tpu.memory_space<hbm>> -> memref<10240x16xf32, #tpu.memory_space<hbm>>
    tpu.enqueue_indirect_dma source(%dma_start3A_1206 : memref<10240x16xf32, #tpu.memory_space<hbm>>) target(%dma_start3A_1200 : memref<128x16xf32, #tpu.memory_space<vmem>>) offsets(%dma_start3A_1203 : memref<128xi32, #tpu.memory_space<vmem>>) semaphore(%arg13 : memref<!tpu.dma_semaphore, #tpu.memory_space<semaphore_mem>>)
    %dma_start3A_1207 = arith.constant 25 : i32
    %dma_start3A_1208 = arith.constant 1 : i32
    %dma_start3A_1209 = arith.constant 0 : i32
    %dma_start3A_1210 = arith.constant 0 : i32
    %dma_start3A_1211 = tpu.memref_slice %arg9[%dma_start3A_1208, %dma_start3A_1209, %dma_start3A_1210] : memref<8x128x16xf32, #tpu.memory_space<vmem>> -> memref<1x128x16xf32, #tpu.memory_space<vmem>>
    %dma_start3A_1212 = tpu.memref_squeeze %dma_start3A_1211 : memref<1x128x16xf32, #tpu.memory_space<vmem>> -> memref<128x16xf32, #tpu.memory_space<vmem>>
    %dma_start3A_1213 = arith.constant 0 : i32
    %dma_start3A_1214 = tpu.memref_slice %arg7[%dma_start3A_1207, %dma_start3A_1213] : memref<40x128xi32, #tpu.memory_space<vmem>> -> memref<1x128xi32, #tpu.memory_space<vmem>>
    %dma_start3A_1215 = tpu.memref_squeeze %dma_start3A_1214 : memref<1x128xi32, #tpu.memory_space<vmem>> -> memref<128xi32, #tpu.memory_space<vmem>>
    %dma_start3A_1216 = arith.constant 0 : i32
    %dma_start3A_1217 = arith.constant 0 : i32
    %dma_start3A_1218 = tpu.memref_slice %arg4[%dma_start3A_1216, %dma_start3A_1217] : memref<10240x16xf32, #tpu.memory_space<hbm>> -> memref<10240x16xf32, #tpu.memory_space<hbm>>
    tpu.enqueue_indirect_dma source(%dma_start3A_1218 : memref<10240x16xf32, #tpu.memory_space<hbm>>) target(%dma_start3A_1212 : memref<128x16xf32, #tpu.memory_space<vmem>>) offsets(%dma_start3A_1215 : memref<128xi32, #tpu.memory_space<vmem>>) semaphore(%arg13 : memref<!tpu.dma_semaphore, #tpu.memory_space<semaphore_mem>>)
    %dma_start3A_1219 = arith.constant 26 : i32
    %dma_start3A_1220 = arith.constant 2 : i32
    %dma_start3A_1221 = arith.constant 0 : i32
    %dma_start3A_1222 = arith.constant 0 : i32
    %dma_start3A_1223 = tpu.memref_slice %arg9[%dma_start3A_1220, %dma_start3A_1221, %dma_start3A_1222] : memref<8x128x16xf32, #tpu.memory_space<vmem>> -> memref<1x128x16xf32, #tpu.memory_space<vmem>>
    %dma_start3A_1224 = tpu.memref_squeeze %dma_start3A_1223 : memref<1x128x16xf32, #tpu.memory_space<vmem>> -> memref<128x16xf32, #tpu.memory_space<vmem>>
    %dma_start3A_1225 = arith.constant 0 : i32
    %dma_start3A_1226 = tpu.memref_slice %arg7[%dma_start3A_1219, %dma_start3A_1225] : memref<40x128xi32, #tpu.memory_space<vmem>> -> memref<1x128xi32, #tpu.memory_space<vmem>>
    %dma_start3A_1227 = tpu.memref_squeeze %dma_start3A_1226 : memref<1x128xi32, #tpu.memory_space<vmem>> -> memref<128xi32, #tpu.memory_space<vmem>>
    %dma_start3A_1228 = arith.constant 0 : i32
    %dma_start3A_1229 = arith.constant 0 : i32
    %dma_start3A_1230 = tpu.memref_slice %arg4[%dma_start3A_1228, %dma_start3A_1229] : memref<10240x16xf32, #tpu.memory_space<hbm>> -> memref<10240x16xf32, #tpu.memory_space<hbm>>
    tpu.enqueue_indirect_dma source(%dma_start3A_1230 : memref<10240x16xf32, #tpu.memory_space<hbm>>) target(%dma_start3A_1224 : memref<128x16xf32, #tpu.memory_space<vmem>>) offsets(%dma_start3A_1227 : memref<128xi32, #tpu.memory_space<vmem>>) semaphore(%arg13 : memref<!tpu.dma_semaphore, #tpu.memory_space<semaphore_mem>>)
    %dma_start3A_1231 = arith.constant 27 : i32
    %dma_start3A_1232 = arith.constant 3 : i32
    %dma_start3A_1233 = arith.constant 0 : i32
    %dma_start3A_1234 = arith.constant 0 : i32
    %dma_start3A_1235 = tpu.memref_slice %arg9[%dma_start3A_1232, %dma_start3A_1233, %dma_start3A_1234] : memref<8x128x16xf32, #tpu.memory_space<vmem>> -> memref<1x128x16xf32, #tpu.memory_space<vmem>>
    %dma_start3A_1236 = tpu.memref_squeeze %dma_start3A_1235 : memref<1x128x16xf32, #tpu.memory_space<vmem>> -> memref<128x16xf32, #tpu.memory_space<vmem>>
    %dma_start3A_1237 = arith.constant 0 : i32
    %dma_start3A_1238 = tpu.memref_slice %arg7[%dma_start3A_1231, %dma_start3A_1237] : memref<40x128xi32, #tpu.memory_space<vmem>> -> memref<1x128xi32, #tpu.memory_space<vmem>>
    %dma_start3A_1239 = tpu.memref_squeeze %dma_start3A_1238 : memref<1x128xi32, #tpu.memory_space<vmem>> -> memref<128xi32, #tpu.memory_space<vmem>>
    %dma_start3A_1240 = arith.constant 0 : i32
    %dma_start3A_1241 = arith.constant 0 : i32
    %dma_start3A_1242 = tpu.memref_slice %arg4[%dma_start3A_1240, %dma_start3A_1241] : memref<10240x16xf32, #tpu.memory_space<hbm>> -> memref<10240x16xf32, #tpu.memory_space<hbm>>
    tpu.enqueue_indirect_dma source(%dma_start3A_1242 : memref<10240x16xf32, #tpu.memory_space<hbm>>) target(%dma_start3A_1236 : memref<128x16xf32, #tpu.memory_space<vmem>>) offsets(%dma_start3A_1239 : memref<128xi32, #tpu.memory_space<vmem>>) semaphore(%arg13 : memref<!tpu.dma_semaphore, #tpu.memory_space<semaphore_mem>>)
    %dma_start3A_1243 = arith.constant 28 : i32
    %dma_start3A_1244 = arith.constant 4 : i32
    %dma_start3A_1245 = arith.constant 0 : i32
    %dma_start3A_1246 = arith.constant 0 : i32
    %dma_start3A_1247 = tpu.memref_slice %arg9[%dma_start3A_1244, %dma_start3A_1245, %dma_start3A_1246] : memref<8x128x16xf32, #tpu.memory_space<vmem>> -> memref<1x128x16xf32, #tpu.memory_space<vmem>>
    %dma_start3A_1248 = tpu.memref_squeeze %dma_start3A_1247 : memref<1x128x16xf32, #tpu.memory_space<vmem>> -> memref<128x16xf32, #tpu.memory_space<vmem>>
    %dma_start3A_1249 = arith.constant 0 : i32
    %dma_start3A_1250 = tpu.memref_slice %arg7[%dma_start3A_1243, %dma_start3A_1249] : memref<40x128xi32, #tpu.memory_space<vmem>> -> memref<1x128xi32, #tpu.memory_space<vmem>>
    %dma_start3A_1251 = tpu.memref_squeeze %dma_start3A_1250 : memref<1x128xi32, #tpu.memory_space<vmem>> -> memref<128xi32, #tpu.memory_space<vmem>>
    %dma_start3A_1252 = arith.constant 0 : i32
    %dma_start3A_1253 = arith.constant 0 : i32
    %dma_start3A_1254 = tpu.memref_slice %arg4[%dma_start3A_1252, %dma_start3A_1253] : memref<10240x16xf32, #tpu.memory_space<hbm>> -> memref<10240x16xf32, #tpu.memory_space<hbm>>
    tpu.enqueue_indirect_dma source(%dma_start3A_1254 : memref<10240x16xf32, #tpu.memory_space<hbm>>) target(%dma_start3A_1248 : memref<128x16xf32, #tpu.memory_space<vmem>>) offsets(%dma_start3A_1251 : memref<128xi32, #tpu.memory_space<vmem>>) semaphore(%arg13 : memref<!tpu.dma_semaphore, #tpu.memory_space<semaphore_mem>>)
    %dma_start3A_1255 = arith.constant 29 : i32
    %dma_start3A_1256 = arith.constant 5 : i32
    %dma_start3A_1257 = arith.constant 0 : i32
    %dma_start3A_1258 = arith.constant 0 : i32
    %dma_start3A_1259 = tpu.memref_slice %arg9[%dma_start3A_1256, %dma_start3A_1257, %dma_start3A_1258] : memref<8x128x16xf32, #tpu.memory_space<vmem>> -> memref<1x128x16xf32, #tpu.memory_space<vmem>>
    %dma_start3A_1260 = tpu.memref_squeeze %dma_start3A_1259 : memref<1x128x16xf32, #tpu.memory_space<vmem>> -> memref<128x16xf32, #tpu.memory_space<vmem>>
    %dma_start3A_1261 = arith.constant 0 : i32
    %dma_start3A_1262 = tpu.memref_slice %arg7[%dma_start3A_1255, %dma_start3A_1261] : memref<40x128xi32, #tpu.memory_space<vmem>> -> memref<1x128xi32, #tpu.memory_space<vmem>>
    %dma_start3A_1263 = tpu.memref_squeeze %dma_start3A_1262 : memref<1x128xi32, #tpu.memory_space<vmem>> -> memref<128xi32, #tpu.memory_space<vmem>>
    %dma_start3A_1264 = arith.constant 0 : i32
    %dma_start3A_1265 = arith.constant 0 : i32
    %dma_start3A_1266 = tpu.memref_slice %arg4[%dma_start3A_1264, %dma_start3A_1265] : memref<10240x16xf32, #tpu.memory_space<hbm>> -> memref<10240x16xf32, #tpu.memory_space<hbm>>
    tpu.enqueue_indirect_dma source(%dma_start3A_1266 : memref<10240x16xf32, #tpu.memory_space<hbm>>) target(%dma_start3A_1260 : memref<128x16xf32, #tpu.memory_space<vmem>>) offsets(%dma_start3A_1263 : memref<128xi32, #tpu.memory_space<vmem>>) semaphore(%arg13 : memref<!tpu.dma_semaphore, #tpu.memory_space<semaphore_mem>>)
    %dma_start3A_1267 = arith.constant 30 : i32
    %dma_start3A_1268 = arith.constant 6 : i32
    %dma_start3A_1269 = arith.constant 0 : i32
    %dma_start3A_1270 = arith.constant 0 : i32
    %dma_start3A_1271 = tpu.memref_slice %arg9[%dma_start3A_1268, %dma_start3A_1269, %dma_start3A_1270] : memref<8x128x16xf32, #tpu.memory_space<vmem>> -> memref<1x128x16xf32, #tpu.memory_space<vmem>>
    %dma_start3A_1272 = tpu.memref_squeeze %dma_start3A_1271 : memref<1x128x16xf32, #tpu.memory_space<vmem>> -> memref<128x16xf32, #tpu.memory_space<vmem>>
    %dma_start3A_1273 = arith.constant 0 : i32
    %dma_start3A_1274 = tpu.memref_slice %arg7[%dma_start3A_1267, %dma_start3A_1273] : memref<40x128xi32, #tpu.memory_space<vmem>> -> memref<1x128xi32, #tpu.memory_space<vmem>>
    %dma_start3A_1275 = tpu.memref_squeeze %dma_start3A_1274 : memref<1x128xi32, #tpu.memory_space<vmem>> -> memref<128xi32, #tpu.memory_space<vmem>>
    %dma_start3A_1276 = arith.constant 0 : i32
    %dma_start3A_1277 = arith.constant 0 : i32
    %dma_start3A_1278 = tpu.memref_slice %arg4[%dma_start3A_1276, %dma_start3A_1277] : memref<10240x16xf32, #tpu.memory_space<hbm>> -> memref<10240x16xf32, #tpu.memory_space<hbm>>
    tpu.enqueue_indirect_dma source(%dma_start3A_1278 : memref<10240x16xf32, #tpu.memory_space<hbm>>) target(%dma_start3A_1272 : memref<128x16xf32, #tpu.memory_space<vmem>>) offsets(%dma_start3A_1275 : memref<128xi32, #tpu.memory_space<vmem>>) semaphore(%arg13 : memref<!tpu.dma_semaphore, #tpu.memory_space<semaphore_mem>>)
    %dma_start3A_1279 = arith.constant 31 : i32
    %dma_start3A_1280 = arith.constant 7 : i32
    %dma_start3A_1281 = arith.constant 0 : i32
    %dma_start3A_1282 = arith.constant 0 : i32
    %dma_start3A_1283 = tpu.memref_slice %arg9[%dma_start3A_1280, %dma_start3A_1281, %dma_start3A_1282] : memref<8x128x16xf32, #tpu.memory_space<vmem>> -> memref<1x128x16xf32, #tpu.memory_space<vmem>>
    %dma_start3A_1284 = tpu.memref_squeeze %dma_start3A_1283 : memref<1x128x16xf32, #tpu.memory_space<vmem>> -> memref<128x16xf32, #tpu.memory_space<vmem>>
    %dma_start3A_1285 = arith.constant 0 : i32
    %dma_start3A_1286 = tpu.memref_slice %arg7[%dma_start3A_1279, %dma_start3A_1285] : memref<40x128xi32, #tpu.memory_space<vmem>> -> memref<1x128xi32, #tpu.memory_space<vmem>>
    %dma_start3A_1287 = tpu.memref_squeeze %dma_start3A_1286 : memref<1x128xi32, #tpu.memory_space<vmem>> -> memref<128xi32, #tpu.memory_space<vmem>>
    %dma_start3A_1288 = arith.constant 0 : i32
    %dma_start3A_1289 = arith.constant 0 : i32
    %dma_start3A_1290 = tpu.memref_slice %arg4[%dma_start3A_1288, %dma_start3A_1289] : memref<10240x16xf32, #tpu.memory_space<hbm>> -> memref<10240x16xf32, #tpu.memory_space<hbm>>
    tpu.enqueue_indirect_dma source(%dma_start3A_1290 : memref<10240x16xf32, #tpu.memory_space<hbm>>) target(%dma_start3A_1284 : memref<128x16xf32, #tpu.memory_space<vmem>>) offsets(%dma_start3A_1287 : memref<128xi32, #tpu.memory_space<vmem>>) semaphore(%arg13 : memref<!tpu.dma_semaphore, #tpu.memory_space<semaphore_mem>>)
    %dma_wait3A_1291 = arith.constant 24 : i32
    %dma_wait3A_1292 = arith.constant 0 : i32
    %dma_wait3A_1293 = arith.constant 0 : i32
    %dma_wait3A_1294 = arith.constant 0 : i32
    %dma_wait3A_1295 = tpu.memref_slice %arg9[%dma_wait3A_1292, %dma_wait3A_1293, %dma_wait3A_1294] : memref<8x128x16xf32, #tpu.memory_space<vmem>> -> memref<1x128x16xf32, #tpu.memory_space<vmem>>
    %dma_wait3A_1296 = tpu.memref_squeeze %dma_wait3A_1295 : memref<1x128x16xf32, #tpu.memory_space<vmem>> -> memref<128x16xf32, #tpu.memory_space<vmem>>
    %dma_wait3A_1297 = arith.constant 0 : i32
    %dma_wait3A_1298 = tpu.memref_slice %arg7[%dma_wait3A_1291, %dma_wait3A_1297] : memref<40x128xi32, #tpu.memory_space<vmem>> -> memref<1x128xi32, #tpu.memory_space<vmem>>
    %dma_wait3A_1299 = tpu.memref_squeeze %dma_wait3A_1298 : memref<1x128xi32, #tpu.memory_space<vmem>> -> memref<128xi32, #tpu.memory_space<vmem>>
    %dma_wait3A_1300 = arith.constant 0 : i32
    %dma_wait3A_1301 = arith.constant 0 : i32
    %dma_wait3A_1302 = tpu.memref_slice %arg4[%dma_wait3A_1300, %dma_wait3A_1301] : memref<10240x16xf32, #tpu.memory_space<hbm>> -> memref<10240x16xf32, #tpu.memory_space<hbm>>
    tpu.wait_indirect_dma semaphore(%arg13 : memref<!tpu.dma_semaphore, #tpu.memory_space<semaphore_mem>>) src(%dma_wait3A_1302 : memref<10240x16xf32, #tpu.memory_space<hbm>>) dst(%dma_wait3A_1296 : memref<128x16xf32, #tpu.memory_space<vmem>>)
    %dma_wait3A_1303 = arith.constant 25 : i32
    %dma_wait3A_1304 = arith.constant 1 : i32
    %dma_wait3A_1305 = arith.constant 0 : i32
    %dma_wait3A_1306 = arith.constant 0 : i32
    %dma_wait3A_1307 = tpu.memref_slice %arg9[%dma_wait3A_1304, %dma_wait3A_1305, %dma_wait3A_1306] : memref<8x128x16xf32, #tpu.memory_space<vmem>> -> memref<1x128x16xf32, #tpu.memory_space<vmem>>
    %dma_wait3A_1308 = tpu.memref_squeeze %dma_wait3A_1307 : memref<1x128x16xf32, #tpu.memory_space<vmem>> -> memref<128x16xf32, #tpu.memory_space<vmem>>
    %dma_wait3A_1309 = arith.constant 0 : i32
    %dma_wait3A_1310 = tpu.memref_slice %arg7[%dma_wait3A_1303, %dma_wait3A_1309] : memref<40x128xi32, #tpu.memory_space<vmem>> -> memref<1x128xi32, #tpu.memory_space<vmem>>
    %dma_wait3A_1311 = tpu.memref_squeeze %dma_wait3A_1310 : memref<1x128xi32, #tpu.memory_space<vmem>> -> memref<128xi32, #tpu.memory_space<vmem>>
    %dma_wait3A_1312 = arith.constant 0 : i32
    %dma_wait3A_1313 = arith.constant 0 : i32
    %dma_wait3A_1314 = tpu.memref_slice %arg4[%dma_wait3A_1312, %dma_wait3A_1313] : memref<10240x16xf32, #tpu.memory_space<hbm>> -> memref<10240x16xf32, #tpu.memory_space<hbm>>
    tpu.wait_indirect_dma semaphore(%arg13 : memref<!tpu.dma_semaphore, #tpu.memory_space<semaphore_mem>>) src(%dma_wait3A_1314 : memref<10240x16xf32, #tpu.memory_space<hbm>>) dst(%dma_wait3A_1308 : memref<128x16xf32, #tpu.memory_space<vmem>>)
    %dma_wait3A_1315 = arith.constant 26 : i32
    %dma_wait3A_1316 = arith.constant 2 : i32
    %dma_wait3A_1317 = arith.constant 0 : i32
    %dma_wait3A_1318 = arith.constant 0 : i32
    %dma_wait3A_1319 = tpu.memref_slice %arg9[%dma_wait3A_1316, %dma_wait3A_1317, %dma_wait3A_1318] : memref<8x128x16xf32, #tpu.memory_space<vmem>> -> memref<1x128x16xf32, #tpu.memory_space<vmem>>
    %dma_wait3A_1320 = tpu.memref_squeeze %dma_wait3A_1319 : memref<1x128x16xf32, #tpu.memory_space<vmem>> -> memref<128x16xf32, #tpu.memory_space<vmem>>
    %dma_wait3A_1321 = arith.constant 0 : i32
    %dma_wait3A_1322 = tpu.memref_slice %arg7[%dma_wait3A_1315, %dma_wait3A_1321] : memref<40x128xi32, #tpu.memory_space<vmem>> -> memref<1x128xi32, #tpu.memory_space<vmem>>
    %dma_wait3A_1323 = tpu.memref_squeeze %dma_wait3A_1322 : memref<1x128xi32, #tpu.memory_space<vmem>> -> memref<128xi32, #tpu.memory_space<vmem>>
    %dma_wait3A_1324 = arith.constant 0 : i32
    %dma_wait3A_1325 = arith.constant 0 : i32
    %dma_wait3A_1326 = tpu.memref_slice %arg4[%dma_wait3A_1324, %dma_wait3A_1325] : memref<10240x16xf32, #tpu.memory_space<hbm>> -> memref<10240x16xf32, #tpu.memory_space<hbm>>
    tpu.wait_indirect_dma semaphore(%arg13 : memref<!tpu.dma_semaphore, #tpu.memory_space<semaphore_mem>>) src(%dma_wait3A_1326 : memref<10240x16xf32, #tpu.memory_space<hbm>>) dst(%dma_wait3A_1320 : memref<128x16xf32, #tpu.memory_space<vmem>>)
    %dma_wait3A_1327 = arith.constant 27 : i32
    %dma_wait3A_1328 = arith.constant 3 : i32
    %dma_wait3A_1329 = arith.constant 0 : i32
    %dma_wait3A_1330 = arith.constant 0 : i32
    %dma_wait3A_1331 = tpu.memref_slice %arg9[%dma_wait3A_1328, %dma_wait3A_1329, %dma_wait3A_1330] : memref<8x128x16xf32, #tpu.memory_space<vmem>> -> memref<1x128x16xf32, #tpu.memory_space<vmem>>
    %dma_wait3A_1332 = tpu.memref_squeeze %dma_wait3A_1331 : memref<1x128x16xf32, #tpu.memory_space<vmem>> -> memref<128x16xf32, #tpu.memory_space<vmem>>
    %dma_wait3A_1333 = arith.constant 0 : i32
    %dma_wait3A_1334 = tpu.memref_slice %arg7[%dma_wait3A_1327, %dma_wait3A_1333] : memref<40x128xi32, #tpu.memory_space<vmem>> -> memref<1x128xi32, #tpu.memory_space<vmem>>
    %dma_wait3A_1335 = tpu.memref_squeeze %dma_wait3A_1334 : memref<1x128xi32, #tpu.memory_space<vmem>> -> memref<128xi32, #tpu.memory_space<vmem>>
    %dma_wait3A_1336 = arith.constant 0 : i32
    %dma_wait3A_1337 = arith.constant 0 : i32
    %dma_wait3A_1338 = tpu.memref_slice %arg4[%dma_wait3A_1336, %dma_wait3A_1337] : memref<10240x16xf32, #tpu.memory_space<hbm>> -> memref<10240x16xf32, #tpu.memory_space<hbm>>
    tpu.wait_indirect_dma semaphore(%arg13 : memref<!tpu.dma_semaphore, #tpu.memory_space<semaphore_mem>>) src(%dma_wait3A_1338 : memref<10240x16xf32, #tpu.memory_space<hbm>>) dst(%dma_wait3A_1332 : memref<128x16xf32, #tpu.memory_space<vmem>>)
    %dma_wait3A_1339 = arith.constant 28 : i32
    %dma_wait3A_1340 = arith.constant 4 : i32
    %dma_wait3A_1341 = arith.constant 0 : i32
    %dma_wait3A_1342 = arith.constant 0 : i32
    %dma_wait3A_1343 = tpu.memref_slice %arg9[%dma_wait3A_1340, %dma_wait3A_1341, %dma_wait3A_1342] : memref<8x128x16xf32, #tpu.memory_space<vmem>> -> memref<1x128x16xf32, #tpu.memory_space<vmem>>
    %dma_wait3A_1344 = tpu.memref_squeeze %dma_wait3A_1343 : memref<1x128x16xf32, #tpu.memory_space<vmem>> -> memref<128x16xf32, #tpu.memory_space<vmem>>
    %dma_wait3A_1345 = arith.constant 0 : i32
    %dma_wait3A_1346 = tpu.memref_slice %arg7[%dma_wait3A_1339, %dma_wait3A_1345] : memref<40x128xi32, #tpu.memory_space<vmem>> -> memref<1x128xi32, #tpu.memory_space<vmem>>
    %dma_wait3A_1347 = tpu.memref_squeeze %dma_wait3A_1346 : memref<1x128xi32, #tpu.memory_space<vmem>> -> memref<128xi32, #tpu.memory_space<vmem>>
    %dma_wait3A_1348 = arith.constant 0 : i32
    %dma_wait3A_1349 = arith.constant 0 : i32
    %dma_wait3A_1350 = tpu.memref_slice %arg4[%dma_wait3A_1348, %dma_wait3A_1349] : memref<10240x16xf32, #tpu.memory_space<hbm>> -> memref<10240x16xf32, #tpu.memory_space<hbm>>
    tpu.wait_indirect_dma semaphore(%arg13 : memref<!tpu.dma_semaphore, #tpu.memory_space<semaphore_mem>>) src(%dma_wait3A_1350 : memref<10240x16xf32, #tpu.memory_space<hbm>>) dst(%dma_wait3A_1344 : memref<128x16xf32, #tpu.memory_space<vmem>>)
    %dma_wait3A_1351 = arith.constant 29 : i32
    %dma_wait3A_1352 = arith.constant 5 : i32
    %dma_wait3A_1353 = arith.constant 0 : i32
    %dma_wait3A_1354 = arith.constant 0 : i32
    %dma_wait3A_1355 = tpu.memref_slice %arg9[%dma_wait3A_1352, %dma_wait3A_1353, %dma_wait3A_1354] : memref<8x128x16xf32, #tpu.memory_space<vmem>> -> memref<1x128x16xf32, #tpu.memory_space<vmem>>
    %dma_wait3A_1356 = tpu.memref_squeeze %dma_wait3A_1355 : memref<1x128x16xf32, #tpu.memory_space<vmem>> -> memref<128x16xf32, #tpu.memory_space<vmem>>
    %dma_wait3A_1357 = arith.constant 0 : i32
    %dma_wait3A_1358 = tpu.memref_slice %arg7[%dma_wait3A_1351, %dma_wait3A_1357] : memref<40x128xi32, #tpu.memory_space<vmem>> -> memref<1x128xi32, #tpu.memory_space<vmem>>
    %dma_wait3A_1359 = tpu.memref_squeeze %dma_wait3A_1358 : memref<1x128xi32, #tpu.memory_space<vmem>> -> memref<128xi32, #tpu.memory_space<vmem>>
    %dma_wait3A_1360 = arith.constant 0 : i32
    %dma_wait3A_1361 = arith.constant 0 : i32
    %dma_wait3A_1362 = tpu.memref_slice %arg4[%dma_wait3A_1360, %dma_wait3A_1361] : memref<10240x16xf32, #tpu.memory_space<hbm>> -> memref<10240x16xf32, #tpu.memory_space<hbm>>
    tpu.wait_indirect_dma semaphore(%arg13 : memref<!tpu.dma_semaphore, #tpu.memory_space<semaphore_mem>>) src(%dma_wait3A_1362 : memref<10240x16xf32, #tpu.memory_space<hbm>>) dst(%dma_wait3A_1356 : memref<128x16xf32, #tpu.memory_space<vmem>>)
    %dma_wait3A_1363 = arith.constant 30 : i32
    %dma_wait3A_1364 = arith.constant 6 : i32
    %dma_wait3A_1365 = arith.constant 0 : i32
    %dma_wait3A_1366 = arith.constant 0 : i32
    %dma_wait3A_1367 = tpu.memref_slice %arg9[%dma_wait3A_1364, %dma_wait3A_1365, %dma_wait3A_1366] : memref<8x128x16xf32, #tpu.memory_space<vmem>> -> memref<1x128x16xf32, #tpu.memory_space<vmem>>
    %dma_wait3A_1368 = tpu.memref_squeeze %dma_wait3A_1367 : memref<1x128x16xf32, #tpu.memory_space<vmem>> -> memref<128x16xf32, #tpu.memory_space<vmem>>
    %dma_wait3A_1369 = arith.constant 0 : i32
    %dma_wait3A_1370 = tpu.memref_slice %arg7[%dma_wait3A_1363, %dma_wait3A_1369] : memref<40x128xi32, #tpu.memory_space<vmem>> -> memref<1x128xi32, #tpu.memory_space<vmem>>
    %dma_wait3A_1371 = tpu.memref_squeeze %dma_wait3A_1370 : memref<1x128xi32, #tpu.memory_space<vmem>> -> memref<128xi32, #tpu.memory_space<vmem>>
    %dma_wait3A_1372 = arith.constant 0 : i32
    %dma_wait3A_1373 = arith.constant 0 : i32
    %dma_wait3A_1374 = tpu.memref_slice %arg4[%dma_wait3A_1372, %dma_wait3A_1373] : memref<10240x16xf32, #tpu.memory_space<hbm>> -> memref<10240x16xf32, #tpu.memory_space<hbm>>
    tpu.wait_indirect_dma semaphore(%arg13 : memref<!tpu.dma_semaphore, #tpu.memory_space<semaphore_mem>>) src(%dma_wait3A_1374 : memref<10240x16xf32, #tpu.memory_space<hbm>>) dst(%dma_wait3A_1368 : memref<128x16xf32, #tpu.memory_space<vmem>>)
    %dma_wait3A_1375 = arith.constant 31 : i32
    %dma_wait3A_1376 = arith.constant 7 : i32
    %dma_wait3A_1377 = arith.constant 0 : i32
    %dma_wait3A_1378 = arith.constant 0 : i32
    %dma_wait3A_1379 = tpu.memref_slice %arg9[%dma_wait3A_1376, %dma_wait3A_1377, %dma_wait3A_1378] : memref<8x128x16xf32, #tpu.memory_space<vmem>> -> memref<1x128x16xf32, #tpu.memory_space<vmem>>
    %dma_wait3A_1380 = tpu.memref_squeeze %dma_wait3A_1379 : memref<1x128x16xf32, #tpu.memory_space<vmem>> -> memref<128x16xf32, #tpu.memory_space<vmem>>
    %dma_wait3A_1381 = arith.constant 0 : i32
    %dma_wait3A_1382 = tpu.memref_slice %arg7[%dma_wait3A_1375, %dma_wait3A_1381] : memref<40x128xi32, #tpu.memory_space<vmem>> -> memref<1x128xi32, #tpu.memory_space<vmem>>
    %dma_wait3A_1383 = tpu.memref_squeeze %dma_wait3A_1382 : memref<1x128xi32, #tpu.memory_space<vmem>> -> memref<128xi32, #tpu.memory_space<vmem>>
    %dma_wait3A_1384 = arith.constant 0 : i32
    %dma_wait3A_1385 = arith.constant 0 : i32
    %dma_wait3A_1386 = tpu.memref_slice %arg4[%dma_wait3A_1384, %dma_wait3A_1385] : memref<10240x16xf32, #tpu.memory_space<hbm>> -> memref<10240x16xf32, #tpu.memory_space<hbm>>
    tpu.wait_indirect_dma semaphore(%arg13 : memref<!tpu.dma_semaphore, #tpu.memory_space<semaphore_mem>>) src(%dma_wait3A_1386 : memref<10240x16xf32, #tpu.memory_space<hbm>>) dst(%dma_wait3A_1380 : memref<128x16xf32, #tpu.memory_space<vmem>>)
    %dma_start3A_1387 = arith.constant 0 : i32
    %dma_start3A_1388 = arith.constant 24 : i32
    %dma_start3A_1389 = arith.constant 0 : i32
    %dma_start3A_1390 = arith.constant 0 : i32
    %dma_start3A_1391 = tpu.memref_slice %arg9[%dma_start3A_1387, %dma_start3A_1389, %dma_start3A_1390] : memref<8x128x16xf32, #tpu.memory_space<vmem>> -> memref<1x128x16xf32, #tpu.memory_space<vmem>>
    %dma_start3A_1392 = tpu.memref_squeeze %dma_start3A_1391 : memref<1x128x16xf32, #tpu.memory_space<vmem>> -> memref<128x16xf32, #tpu.memory_space<vmem>>
    %dma_start3A_1393 = arith.constant 0 : i32
    %dma_start3A_1394 = tpu.memref_slice %arg8[%dma_start3A_1388, %dma_start3A_1393] : memref<40x128xi32, #tpu.memory_space<vmem>> -> memref<1x128xi32, #tpu.memory_space<vmem>>
    %dma_start3A_1395 = tpu.memref_squeeze %dma_start3A_1394 : memref<1x128xi32, #tpu.memory_space<vmem>> -> memref<128xi32, #tpu.memory_space<vmem>>
    %dma_start3A_1396 = arith.constant 0 : i32
    %dma_start3A_1397 = arith.constant 0 : i32
    %dma_start3A_1398 = tpu.memref_slice %arg6[%dma_start3A_1396, %dma_start3A_1397] : memref<10240x16xf32, #tpu.memory_space<vmem_shared>> -> memref<10240x16xf32, #tpu.memory_space<vmem_shared>>
    tpu.enqueue_indirect_dma source(%dma_start3A_1392 : memref<128x16xf32, #tpu.memory_space<vmem>>) target(%dma_start3A_1398 : memref<10240x16xf32, #tpu.memory_space<vmem_shared>>) offsets(%dma_start3A_1395 : memref<128xi32, #tpu.memory_space<vmem>>) semaphore(%arg14 : memref<!tpu.dma_semaphore, #tpu.memory_space<semaphore_mem>>) {add = true}
    %dma_start3A_1399 = arith.constant 1 : i32
    %dma_start3A_1400 = arith.constant 25 : i32
    %dma_start3A_1401 = arith.constant 0 : i32
    %dma_start3A_1402 = arith.constant 0 : i32
    %dma_start3A_1403 = tpu.memref_slice %arg9[%dma_start3A_1399, %dma_start3A_1401, %dma_start3A_1402] : memref<8x128x16xf32, #tpu.memory_space<vmem>> -> memref<1x128x16xf32, #tpu.memory_space<vmem>>
    %dma_start3A_1404 = tpu.memref_squeeze %dma_start3A_1403 : memref<1x128x16xf32, #tpu.memory_space<vmem>> -> memref<128x16xf32, #tpu.memory_space<vmem>>
    %dma_start3A_1405 = arith.constant 0 : i32
    %dma_start3A_1406 = tpu.memref_slice %arg8[%dma_start3A_1400, %dma_start3A_1405] : memref<40x128xi32, #tpu.memory_space<vmem>> -> memref<1x128xi32, #tpu.memory_space<vmem>>
    %dma_start3A_1407 = tpu.memref_squeeze %dma_start3A_1406 : memref<1x128xi32, #tpu.memory_space<vmem>> -> memref<128xi32, #tpu.memory_space<vmem>>
    %dma_start3A_1408 = arith.constant 0 : i32
    %dma_start3A_1409 = arith.constant 0 : i32
    %dma_start3A_1410 = tpu.memref_slice %arg6[%dma_start3A_1408, %dma_start3A_1409] : memref<10240x16xf32, #tpu.memory_space<vmem_shared>> -> memref<10240x16xf32, #tpu.memory_space<vmem_shared>>
    tpu.enqueue_indirect_dma source(%dma_start3A_1404 : memref<128x16xf32, #tpu.memory_space<vmem>>) target(%dma_start3A_1410 : memref<10240x16xf32, #tpu.memory_space<vmem_shared>>) offsets(%dma_start3A_1407 : memref<128xi32, #tpu.memory_space<vmem>>) semaphore(%arg14 : memref<!tpu.dma_semaphore, #tpu.memory_space<semaphore_mem>>) {add = true}
    %dma_start3A_1411 = arith.constant 2 : i32
    %dma_start3A_1412 = arith.constant 26 : i32
    %dma_start3A_1413 = arith.constant 0 : i32
    %dma_start3A_1414 = arith.constant 0 : i32
    %dma_start3A_1415 = tpu.memref_slice %arg9[%dma_start3A_1411, %dma_start3A_1413, %dma_start3A_1414] : memref<8x128x16xf32, #tpu.memory_space<vmem>> -> memref<1x128x16xf32, #tpu.memory_space<vmem>>
    %dma_start3A_1416 = tpu.memref_squeeze %dma_start3A_1415 : memref<1x128x16xf32, #tpu.memory_space<vmem>> -> memref<128x16xf32, #tpu.memory_space<vmem>>
    %dma_start3A_1417 = arith.constant 0 : i32
    %dma_start3A_1418 = tpu.memref_slice %arg8[%dma_start3A_1412, %dma_start3A_1417] : memref<40x128xi32, #tpu.memory_space<vmem>> -> memref<1x128xi32, #tpu.memory_space<vmem>>
    %dma_start3A_1419 = tpu.memref_squeeze %dma_start3A_1418 : memref<1x128xi32, #tpu.memory_space<vmem>> -> memref<128xi32, #tpu.memory_space<vmem>>
    %dma_start3A_1420 = arith.constant 0 : i32
    %dma_start3A_1421 = arith.constant 0 : i32
    %dma_start3A_1422 = tpu.memref_slice %arg6[%dma_start3A_1420, %dma_start3A_1421] : memref<10240x16xf32, #tpu.memory_space<vmem_shared>> -> memref<10240x16xf32, #tpu.memory_space<vmem_shared>>
    tpu.enqueue_indirect_dma source(%dma_start3A_1416 : memref<128x16xf32, #tpu.memory_space<vmem>>) target(%dma_start3A_1422 : memref<10240x16xf32, #tpu.memory_space<vmem_shared>>) offsets(%dma_start3A_1419 : memref<128xi32, #tpu.memory_space<vmem>>) semaphore(%arg14 : memref<!tpu.dma_semaphore, #tpu.memory_space<semaphore_mem>>) {add = true}
    %dma_start3A_1423 = arith.constant 3 : i32
    %dma_start3A_1424 = arith.constant 27 : i32
    %dma_start3A_1425 = arith.constant 0 : i32
    %dma_start3A_1426 = arith.constant 0 : i32
    %dma_start3A_1427 = tpu.memref_slice %arg9[%dma_start3A_1423, %dma_start3A_1425, %dma_start3A_1426] : memref<8x128x16xf32, #tpu.memory_space<vmem>> -> memref<1x128x16xf32, #tpu.memory_space<vmem>>
    %dma_start3A_1428 = tpu.memref_squeeze %dma_start3A_1427 : memref<1x128x16xf32, #tpu.memory_space<vmem>> -> memref<128x16xf32, #tpu.memory_space<vmem>>
    %dma_start3A_1429 = arith.constant 0 : i32
    %dma_start3A_1430 = tpu.memref_slice %arg8[%dma_start3A_1424, %dma_start3A_1429] : memref<40x128xi32, #tpu.memory_space<vmem>> -> memref<1x128xi32, #tpu.memory_space<vmem>>
    %dma_start3A_1431 = tpu.memref_squeeze %dma_start3A_1430 : memref<1x128xi32, #tpu.memory_space<vmem>> -> memref<128xi32, #tpu.memory_space<vmem>>
    %dma_start3A_1432 = arith.constant 0 : i32
    %dma_start3A_1433 = arith.constant 0 : i32
    %dma_start3A_1434 = tpu.memref_slice %arg6[%dma_start3A_1432, %dma_start3A_1433] : memref<10240x16xf32, #tpu.memory_space<vmem_shared>> -> memref<10240x16xf32, #tpu.memory_space<vmem_shared>>
    tpu.enqueue_indirect_dma source(%dma_start3A_1428 : memref<128x16xf32, #tpu.memory_space<vmem>>) target(%dma_start3A_1434 : memref<10240x16xf32, #tpu.memory_space<vmem_shared>>) offsets(%dma_start3A_1431 : memref<128xi32, #tpu.memory_space<vmem>>) semaphore(%arg14 : memref<!tpu.dma_semaphore, #tpu.memory_space<semaphore_mem>>) {add = true}
    %dma_wait3A_1435 = arith.constant 0 : i32
    %dma_wait3A_1436 = arith.constant 24 : i32
    %dma_wait3A_1437 = arith.constant 0 : i32
    %dma_wait3A_1438 = arith.constant 0 : i32
    %dma_wait3A_1439 = tpu.memref_slice %arg9[%dma_wait3A_1435, %dma_wait3A_1437, %dma_wait3A_1438] : memref<8x128x16xf32, #tpu.memory_space<vmem>> -> memref<1x128x16xf32, #tpu.memory_space<vmem>>
    %dma_wait3A_1440 = tpu.memref_squeeze %dma_wait3A_1439 : memref<1x128x16xf32, #tpu.memory_space<vmem>> -> memref<128x16xf32, #tpu.memory_space<vmem>>
    %dma_wait3A_1441 = arith.constant 0 : i32
    %dma_wait3A_1442 = tpu.memref_slice %arg8[%dma_wait3A_1436, %dma_wait3A_1441] : memref<40x128xi32, #tpu.memory_space<vmem>> -> memref<1x128xi32, #tpu.memory_space<vmem>>
    %dma_wait3A_1443 = tpu.memref_squeeze %dma_wait3A_1442 : memref<1x128xi32, #tpu.memory_space<vmem>> -> memref<128xi32, #tpu.memory_space<vmem>>
    %dma_wait3A_1444 = arith.constant 0 : i32
    %dma_wait3A_1445 = arith.constant 0 : i32
    %dma_wait3A_1446 = tpu.memref_slice %arg6[%dma_wait3A_1444, %dma_wait3A_1445] : memref<10240x16xf32, #tpu.memory_space<vmem_shared>> -> memref<10240x16xf32, #tpu.memory_space<vmem_shared>>
    tpu.wait_indirect_dma semaphore(%arg14 : memref<!tpu.dma_semaphore, #tpu.memory_space<semaphore_mem>>) src(%dma_wait3A_1440 : memref<128x16xf32, #tpu.memory_space<vmem>>) dst(%dma_wait3A_1446 : memref<10240x16xf32, #tpu.memory_space<vmem_shared>>)
    %dma_wait3A_1447 = arith.constant 1 : i32
    %dma_wait3A_1448 = arith.constant 25 : i32
    %dma_wait3A_1449 = arith.constant 0 : i32
    %dma_wait3A_1450 = arith.constant 0 : i32
    %dma_wait3A_1451 = tpu.memref_slice %arg9[%dma_wait3A_1447, %dma_wait3A_1449, %dma_wait3A_1450] : memref<8x128x16xf32, #tpu.memory_space<vmem>> -> memref<1x128x16xf32, #tpu.memory_space<vmem>>
    %dma_wait3A_1452 = tpu.memref_squeeze %dma_wait3A_1451 : memref<1x128x16xf32, #tpu.memory_space<vmem>> -> memref<128x16xf32, #tpu.memory_space<vmem>>
    %dma_wait3A_1453 = arith.constant 0 : i32
    %dma_wait3A_1454 = tpu.memref_slice %arg8[%dma_wait3A_1448, %dma_wait3A_1453] : memref<40x128xi32, #tpu.memory_space<vmem>> -> memref<1x128xi32, #tpu.memory_space<vmem>>
    %dma_wait3A_1455 = tpu.memref_squeeze %dma_wait3A_1454 : memref<1x128xi32, #tpu.memory_space<vmem>> -> memref<128xi32, #tpu.memory_space<vmem>>
    %dma_wait3A_1456 = arith.constant 0 : i32
    %dma_wait3A_1457 = arith.constant 0 : i32
    %dma_wait3A_1458 = tpu.memref_slice %arg6[%dma_wait3A_1456, %dma_wait3A_1457] : memref<10240x16xf32, #tpu.memory_space<vmem_shared>> -> memref<10240x16xf32, #tpu.memory_space<vmem_shared>>
    tpu.wait_indirect_dma semaphore(%arg14 : memref<!tpu.dma_semaphore, #tpu.memory_space<semaphore_mem>>) src(%dma_wait3A_1452 : memref<128x16xf32, #tpu.memory_space<vmem>>) dst(%dma_wait3A_1458 : memref<10240x16xf32, #tpu.memory_space<vmem_shared>>)
    %dma_wait3A_1459 = arith.constant 2 : i32
    %dma_wait3A_1460 = arith.constant 26 : i32
    %dma_wait3A_1461 = arith.constant 0 : i32
    %dma_wait3A_1462 = arith.constant 0 : i32
    %dma_wait3A_1463 = tpu.memref_slice %arg9[%dma_wait3A_1459, %dma_wait3A_1461, %dma_wait3A_1462] : memref<8x128x16xf32, #tpu.memory_space<vmem>> -> memref<1x128x16xf32, #tpu.memory_space<vmem>>
    %dma_wait3A_1464 = tpu.memref_squeeze %dma_wait3A_1463 : memref<1x128x16xf32, #tpu.memory_space<vmem>> -> memref<128x16xf32, #tpu.memory_space<vmem>>
    %dma_wait3A_1465 = arith.constant 0 : i32
    %dma_wait3A_1466 = tpu.memref_slice %arg8[%dma_wait3A_1460, %dma_wait3A_1465] : memref<40x128xi32, #tpu.memory_space<vmem>> -> memref<1x128xi32, #tpu.memory_space<vmem>>
    %dma_wait3A_1467 = tpu.memref_squeeze %dma_wait3A_1466 : memref<1x128xi32, #tpu.memory_space<vmem>> -> memref<128xi32, #tpu.memory_space<vmem>>
    %dma_wait3A_1468 = arith.constant 0 : i32
    %dma_wait3A_1469 = arith.constant 0 : i32
    %dma_wait3A_1470 = tpu.memref_slice %arg6[%dma_wait3A_1468, %dma_wait3A_1469] : memref<10240x16xf32, #tpu.memory_space<vmem_shared>> -> memref<10240x16xf32, #tpu.memory_space<vmem_shared>>
    tpu.wait_indirect_dma semaphore(%arg14 : memref<!tpu.dma_semaphore, #tpu.memory_space<semaphore_mem>>) src(%dma_wait3A_1464 : memref<128x16xf32, #tpu.memory_space<vmem>>) dst(%dma_wait3A_1470 : memref<10240x16xf32, #tpu.memory_space<vmem_shared>>)
    %dma_wait3A_1471 = arith.constant 3 : i32
    %dma_wait3A_1472 = arith.constant 27 : i32
    %dma_wait3A_1473 = arith.constant 0 : i32
    %dma_wait3A_1474 = arith.constant 0 : i32
    %dma_wait3A_1475 = tpu.memref_slice %arg9[%dma_wait3A_1471, %dma_wait3A_1473, %dma_wait3A_1474] : memref<8x128x16xf32, #tpu.memory_space<vmem>> -> memref<1x128x16xf32, #tpu.memory_space<vmem>>
    %dma_wait3A_1476 = tpu.memref_squeeze %dma_wait3A_1475 : memref<1x128x16xf32, #tpu.memory_space<vmem>> -> memref<128x16xf32, #tpu.memory_space<vmem>>
    %dma_wait3A_1477 = arith.constant 0 : i32
    %dma_wait3A_1478 = tpu.memref_slice %arg8[%dma_wait3A_1472, %dma_wait3A_1477] : memref<40x128xi32, #tpu.memory_space<vmem>> -> memref<1x128xi32, #tpu.memory_space<vmem>>
    %dma_wait3A_1479 = tpu.memref_squeeze %dma_wait3A_1478 : memref<1x128xi32, #tpu.memory_space<vmem>> -> memref<128xi32, #tpu.memory_space<vmem>>
    %dma_wait3A_1480 = arith.constant 0 : i32
    %dma_wait3A_1481 = arith.constant 0 : i32
    %dma_wait3A_1482 = tpu.memref_slice %arg6[%dma_wait3A_1480, %dma_wait3A_1481] : memref<10240x16xf32, #tpu.memory_space<vmem_shared>> -> memref<10240x16xf32, #tpu.memory_space<vmem_shared>>
    tpu.wait_indirect_dma semaphore(%arg14 : memref<!tpu.dma_semaphore, #tpu.memory_space<semaphore_mem>>) src(%dma_wait3A_1476 : memref<128x16xf32, #tpu.memory_space<vmem>>) dst(%dma_wait3A_1482 : memref<10240x16xf32, #tpu.memory_space<vmem_shared>>)
    %dma_start3A_1483 = arith.constant 4 : i32
    %dma_start3A_1484 = arith.constant 28 : i32
    %dma_start3A_1485 = arith.constant 0 : i32
    %dma_start3A_1486 = arith.constant 0 : i32
    %dma_start3A_1487 = tpu.memref_slice %arg9[%dma_start3A_1483, %dma_start3A_1485, %dma_start3A_1486] : memref<8x128x16xf32, #tpu.memory_space<vmem>> -> memref<1x128x16xf32, #tpu.memory_space<vmem>>
    %dma_start3A_1488 = tpu.memref_squeeze %dma_start3A_1487 : memref<1x128x16xf32, #tpu.memory_space<vmem>> -> memref<128x16xf32, #tpu.memory_space<vmem>>
    %dma_start3A_1489 = arith.constant 0 : i32
    %dma_start3A_1490 = tpu.memref_slice %arg8[%dma_start3A_1484, %dma_start3A_1489] : memref<40x128xi32, #tpu.memory_space<vmem>> -> memref<1x128xi32, #tpu.memory_space<vmem>>
    %dma_start3A_1491 = tpu.memref_squeeze %dma_start3A_1490 : memref<1x128xi32, #tpu.memory_space<vmem>> -> memref<128xi32, #tpu.memory_space<vmem>>
    %dma_start3A_1492 = arith.constant 0 : i32
    %dma_start3A_1493 = arith.constant 0 : i32
    %dma_start3A_1494 = tpu.memref_slice %arg6[%dma_start3A_1492, %dma_start3A_1493] : memref<10240x16xf32, #tpu.memory_space<vmem_shared>> -> memref<10240x16xf32, #tpu.memory_space<vmem_shared>>
    tpu.enqueue_indirect_dma source(%dma_start3A_1488 : memref<128x16xf32, #tpu.memory_space<vmem>>) target(%dma_start3A_1494 : memref<10240x16xf32, #tpu.memory_space<vmem_shared>>) offsets(%dma_start3A_1491 : memref<128xi32, #tpu.memory_space<vmem>>) semaphore(%arg14 : memref<!tpu.dma_semaphore, #tpu.memory_space<semaphore_mem>>) {add = true}
    %dma_start3A_1495 = arith.constant 5 : i32
    %dma_start3A_1496 = arith.constant 29 : i32
    %dma_start3A_1497 = arith.constant 0 : i32
    %dma_start3A_1498 = arith.constant 0 : i32
    %dma_start3A_1499 = tpu.memref_slice %arg9[%dma_start3A_1495, %dma_start3A_1497, %dma_start3A_1498] : memref<8x128x16xf32, #tpu.memory_space<vmem>> -> memref<1x128x16xf32, #tpu.memory_space<vmem>>
    %dma_start3A_1500 = tpu.memref_squeeze %dma_start3A_1499 : memref<1x128x16xf32, #tpu.memory_space<vmem>> -> memref<128x16xf32, #tpu.memory_space<vmem>>
    %dma_start3A_1501 = arith.constant 0 : i32
    %dma_start3A_1502 = tpu.memref_slice %arg8[%dma_start3A_1496, %dma_start3A_1501] : memref<40x128xi32, #tpu.memory_space<vmem>> -> memref<1x128xi32, #tpu.memory_space<vmem>>
    %dma_start3A_1503 = tpu.memref_squeeze %dma_start3A_1502 : memref<1x128xi32, #tpu.memory_space<vmem>> -> memref<128xi32, #tpu.memory_space<vmem>>
    %dma_start3A_1504 = arith.constant 0 : i32
    %dma_start3A_1505 = arith.constant 0 : i32
    %dma_start3A_1506 = tpu.memref_slice %arg6[%dma_start3A_1504, %dma_start3A_1505] : memref<10240x16xf32, #tpu.memory_space<vmem_shared>> -> memref<10240x16xf32, #tpu.memory_space<vmem_shared>>
    tpu.enqueue_indirect_dma source(%dma_start3A_1500 : memref<128x16xf32, #tpu.memory_space<vmem>>) target(%dma_start3A_1506 : memref<10240x16xf32, #tpu.memory_space<vmem_shared>>) offsets(%dma_start3A_1503 : memref<128xi32, #tpu.memory_space<vmem>>) semaphore(%arg14 : memref<!tpu.dma_semaphore, #tpu.memory_space<semaphore_mem>>) {add = true}
    %dma_start3A_1507 = arith.constant 6 : i32
    %dma_start3A_1508 = arith.constant 30 : i32
    %dma_start3A_1509 = arith.constant 0 : i32
    %dma_start3A_1510 = arith.constant 0 : i32
    %dma_start3A_1511 = tpu.memref_slice %arg9[%dma_start3A_1507, %dma_start3A_1509, %dma_start3A_1510] : memref<8x128x16xf32, #tpu.memory_space<vmem>> -> memref<1x128x16xf32, #tpu.memory_space<vmem>>
    %dma_start3A_1512 = tpu.memref_squeeze %dma_start3A_1511 : memref<1x128x16xf32, #tpu.memory_space<vmem>> -> memref<128x16xf32, #tpu.memory_space<vmem>>
    %dma_start3A_1513 = arith.constant 0 : i32
    %dma_start3A_1514 = tpu.memref_slice %arg8[%dma_start3A_1508, %dma_start3A_1513] : memref<40x128xi32, #tpu.memory_space<vmem>> -> memref<1x128xi32, #tpu.memory_space<vmem>>
    %dma_start3A_1515 = tpu.memref_squeeze %dma_start3A_1514 : memref<1x128xi32, #tpu.memory_space<vmem>> -> memref<128xi32, #tpu.memory_space<vmem>>
    %dma_start3A_1516 = arith.constant 0 : i32
    %dma_start3A_1517 = arith.constant 0 : i32
    %dma_start3A_1518 = tpu.memref_slice %arg6[%dma_start3A_1516, %dma_start3A_1517] : memref<10240x16xf32, #tpu.memory_space<vmem_shared>> -> memref<10240x16xf32, #tpu.memory_space<vmem_shared>>
    tpu.enqueue_indirect_dma source(%dma_start3A_1512 : memref<128x16xf32, #tpu.memory_space<vmem>>) target(%dma_start3A_1518 : memref<10240x16xf32, #tpu.memory_space<vmem_shared>>) offsets(%dma_start3A_1515 : memref<128xi32, #tpu.memory_space<vmem>>) semaphore(%arg14 : memref<!tpu.dma_semaphore, #tpu.memory_space<semaphore_mem>>) {add = true}
    %dma_start3A_1519 = arith.constant 7 : i32
    %dma_start3A_1520 = arith.constant 31 : i32
    %dma_start3A_1521 = arith.constant 0 : i32
    %dma_start3A_1522 = arith.constant 0 : i32
    %dma_start3A_1523 = tpu.memref_slice %arg9[%dma_start3A_1519, %dma_start3A_1521, %dma_start3A_1522] : memref<8x128x16xf32, #tpu.memory_space<vmem>> -> memref<1x128x16xf32, #tpu.memory_space<vmem>>
    %dma_start3A_1524 = tpu.memref_squeeze %dma_start3A_1523 : memref<1x128x16xf32, #tpu.memory_space<vmem>> -> memref<128x16xf32, #tpu.memory_space<vmem>>
    %dma_start3A_1525 = arith.constant 0 : i32
    %dma_start3A_1526 = tpu.memref_slice %arg8[%dma_start3A_1520, %dma_start3A_1525] : memref<40x128xi32, #tpu.memory_space<vmem>> -> memref<1x128xi32, #tpu.memory_space<vmem>>
    %dma_start3A_1527 = tpu.memref_squeeze %dma_start3A_1526 : memref<1x128xi32, #tpu.memory_space<vmem>> -> memref<128xi32, #tpu.memory_space<vmem>>
    %dma_start3A_1528 = arith.constant 0 : i32
    %dma_start3A_1529 = arith.constant 0 : i32
    %dma_start3A_1530 = tpu.memref_slice %arg6[%dma_start3A_1528, %dma_start3A_1529] : memref<10240x16xf32, #tpu.memory_space<vmem_shared>> -> memref<10240x16xf32, #tpu.memory_space<vmem_shared>>
    tpu.enqueue_indirect_dma source(%dma_start3A_1524 : memref<128x16xf32, #tpu.memory_space<vmem>>) target(%dma_start3A_1530 : memref<10240x16xf32, #tpu.memory_space<vmem_shared>>) offsets(%dma_start3A_1527 : memref<128xi32, #tpu.memory_space<vmem>>) semaphore(%arg14 : memref<!tpu.dma_semaphore, #tpu.memory_space<semaphore_mem>>) {add = true}
    %dma_wait3A_1531 = arith.constant 4 : i32
    %dma_wait3A_1532 = arith.constant 28 : i32
    %dma_wait3A_1533 = arith.constant 0 : i32
    %dma_wait3A_1534 = arith.constant 0 : i32
    %dma_wait3A_1535 = tpu.memref_slice %arg9[%dma_wait3A_1531, %dma_wait3A_1533, %dma_wait3A_1534] : memref<8x128x16xf32, #tpu.memory_space<vmem>> -> memref<1x128x16xf32, #tpu.memory_space<vmem>>
    %dma_wait3A_1536 = tpu.memref_squeeze %dma_wait3A_1535 : memref<1x128x16xf32, #tpu.memory_space<vmem>> -> memref<128x16xf32, #tpu.memory_space<vmem>>
    %dma_wait3A_1537 = arith.constant 0 : i32
    %dma_wait3A_1538 = tpu.memref_slice %arg8[%dma_wait3A_1532, %dma_wait3A_1537] : memref<40x128xi32, #tpu.memory_space<vmem>> -> memref<1x128xi32, #tpu.memory_space<vmem>>
    %dma_wait3A_1539 = tpu.memref_squeeze %dma_wait3A_1538 : memref<1x128xi32, #tpu.memory_space<vmem>> -> memref<128xi32, #tpu.memory_space<vmem>>
    %dma_wait3A_1540 = arith.constant 0 : i32
    %dma_wait3A_1541 = arith.constant 0 : i32
    %dma_wait3A_1542 = tpu.memref_slice %arg6[%dma_wait3A_1540, %dma_wait3A_1541] : memref<10240x16xf32, #tpu.memory_space<vmem_shared>> -> memref<10240x16xf32, #tpu.memory_space<vmem_shared>>
    tpu.wait_indirect_dma semaphore(%arg14 : memref<!tpu.dma_semaphore, #tpu.memory_space<semaphore_mem>>) src(%dma_wait3A_1536 : memref<128x16xf32, #tpu.memory_space<vmem>>) dst(%dma_wait3A_1542 : memref<10240x16xf32, #tpu.memory_space<vmem_shared>>)
    %dma_wait3A_1543 = arith.constant 5 : i32
    %dma_wait3A_1544 = arith.constant 29 : i32
    %dma_wait3A_1545 = arith.constant 0 : i32
    %dma_wait3A_1546 = arith.constant 0 : i32
    %dma_wait3A_1547 = tpu.memref_slice %arg9[%dma_wait3A_1543, %dma_wait3A_1545, %dma_wait3A_1546] : memref<8x128x16xf32, #tpu.memory_space<vmem>> -> memref<1x128x16xf32, #tpu.memory_space<vmem>>
    %dma_wait3A_1548 = tpu.memref_squeeze %dma_wait3A_1547 : memref<1x128x16xf32, #tpu.memory_space<vmem>> -> memref<128x16xf32, #tpu.memory_space<vmem>>
    %dma_wait3A_1549 = arith.constant 0 : i32
    %dma_wait3A_1550 = tpu.memref_slice %arg8[%dma_wait3A_1544, %dma_wait3A_1549] : memref<40x128xi32, #tpu.memory_space<vmem>> -> memref<1x128xi32, #tpu.memory_space<vmem>>
    %dma_wait3A_1551 = tpu.memref_squeeze %dma_wait3A_1550 : memref<1x128xi32, #tpu.memory_space<vmem>> -> memref<128xi32, #tpu.memory_space<vmem>>
    %dma_wait3A_1552 = arith.constant 0 : i32
    %dma_wait3A_1553 = arith.constant 0 : i32
    %dma_wait3A_1554 = tpu.memref_slice %arg6[%dma_wait3A_1552, %dma_wait3A_1553] : memref<10240x16xf32, #tpu.memory_space<vmem_shared>> -> memref<10240x16xf32, #tpu.memory_space<vmem_shared>>
    tpu.wait_indirect_dma semaphore(%arg14 : memref<!tpu.dma_semaphore, #tpu.memory_space<semaphore_mem>>) src(%dma_wait3A_1548 : memref<128x16xf32, #tpu.memory_space<vmem>>) dst(%dma_wait3A_1554 : memref<10240x16xf32, #tpu.memory_space<vmem_shared>>)
    %dma_wait3A_1555 = arith.constant 6 : i32
    %dma_wait3A_1556 = arith.constant 30 : i32
    %dma_wait3A_1557 = arith.constant 0 : i32
    %dma_wait3A_1558 = arith.constant 0 : i32
    %dma_wait3A_1559 = tpu.memref_slice %arg9[%dma_wait3A_1555, %dma_wait3A_1557, %dma_wait3A_1558] : memref<8x128x16xf32, #tpu.memory_space<vmem>> -> memref<1x128x16xf32, #tpu.memory_space<vmem>>
    %dma_wait3A_1560 = tpu.memref_squeeze %dma_wait3A_1559 : memref<1x128x16xf32, #tpu.memory_space<vmem>> -> memref<128x16xf32, #tpu.memory_space<vmem>>
    %dma_wait3A_1561 = arith.constant 0 : i32
    %dma_wait3A_1562 = tpu.memref_slice %arg8[%dma_wait3A_1556, %dma_wait3A_1561] : memref<40x128xi32, #tpu.memory_space<vmem>> -> memref<1x128xi32, #tpu.memory_space<vmem>>
    %dma_wait3A_1563 = tpu.memref_squeeze %dma_wait3A_1562 : memref<1x128xi32, #tpu.memory_space<vmem>> -> memref<128xi32, #tpu.memory_space<vmem>>
    %dma_wait3A_1564 = arith.constant 0 : i32
    %dma_wait3A_1565 = arith.constant 0 : i32
    %dma_wait3A_1566 = tpu.memref_slice %arg6[%dma_wait3A_1564, %dma_wait3A_1565] : memref<10240x16xf32, #tpu.memory_space<vmem_shared>> -> memref<10240x16xf32, #tpu.memory_space<vmem_shared>>
    tpu.wait_indirect_dma semaphore(%arg14 : memref<!tpu.dma_semaphore, #tpu.memory_space<semaphore_mem>>) src(%dma_wait3A_1560 : memref<128x16xf32, #tpu.memory_space<vmem>>) dst(%dma_wait3A_1566 : memref<10240x16xf32, #tpu.memory_space<vmem_shared>>)
    %dma_wait3A_1567 = arith.constant 7 : i32
    %dma_wait3A_1568 = arith.constant 31 : i32
    %dma_wait3A_1569 = arith.constant 0 : i32
    %dma_wait3A_1570 = arith.constant 0 : i32
    %dma_wait3A_1571 = tpu.memref_slice %arg9[%dma_wait3A_1567, %dma_wait3A_1569, %dma_wait3A_1570] : memref<8x128x16xf32, #tpu.memory_space<vmem>> -> memref<1x128x16xf32, #tpu.memory_space<vmem>>
    %dma_wait3A_1572 = tpu.memref_squeeze %dma_wait3A_1571 : memref<1x128x16xf32, #tpu.memory_space<vmem>> -> memref<128x16xf32, #tpu.memory_space<vmem>>
    %dma_wait3A_1573 = arith.constant 0 : i32
    %dma_wait3A_1574 = tpu.memref_slice %arg8[%dma_wait3A_1568, %dma_wait3A_1573] : memref<40x128xi32, #tpu.memory_space<vmem>> -> memref<1x128xi32, #tpu.memory_space<vmem>>
    %dma_wait3A_1575 = tpu.memref_squeeze %dma_wait3A_1574 : memref<1x128xi32, #tpu.memory_space<vmem>> -> memref<128xi32, #tpu.memory_space<vmem>>
    %dma_wait3A_1576 = arith.constant 0 : i32
    %dma_wait3A_1577 = arith.constant 0 : i32
    %dma_wait3A_1578 = tpu.memref_slice %arg6[%dma_wait3A_1576, %dma_wait3A_1577] : memref<10240x16xf32, #tpu.memory_space<vmem_shared>> -> memref<10240x16xf32, #tpu.memory_space<vmem_shared>>
    tpu.wait_indirect_dma semaphore(%arg14 : memref<!tpu.dma_semaphore, #tpu.memory_space<semaphore_mem>>) src(%dma_wait3A_1572 : memref<128x16xf32, #tpu.memory_space<vmem>>) dst(%dma_wait3A_1578 : memref<10240x16xf32, #tpu.memory_space<vmem_shared>>)
    %dma_start3A_1579 = arith.constant 32 : i32
    %dma_start3A_1580 = arith.constant 0 : i32
    %dma_start3A_1581 = arith.constant 0 : i32
    %dma_start3A_1582 = arith.constant 0 : i32
    %dma_start3A_1583 = tpu.memref_slice %arg9[%dma_start3A_1580, %dma_start3A_1581, %dma_start3A_1582] : memref<8x128x16xf32, #tpu.memory_space<vmem>> -> memref<1x128x16xf32, #tpu.memory_space<vmem>>
    %dma_start3A_1584 = tpu.memref_squeeze %dma_start3A_1583 : memref<1x128x16xf32, #tpu.memory_space<vmem>> -> memref<128x16xf32, #tpu.memory_space<vmem>>
    %dma_start3A_1585 = arith.constant 0 : i32
    %dma_start3A_1586 = tpu.memref_slice %arg7[%dma_start3A_1579, %dma_start3A_1585] : memref<40x128xi32, #tpu.memory_space<vmem>> -> memref<1x128xi32, #tpu.memory_space<vmem>>
    %dma_start3A_1587 = tpu.memref_squeeze %dma_start3A_1586 : memref<1x128xi32, #tpu.memory_space<vmem>> -> memref<128xi32, #tpu.memory_space<vmem>>
    %dma_start3A_1588 = arith.constant 0 : i32
    %dma_start3A_1589 = arith.constant 0 : i32
    %dma_start3A_1590 = tpu.memref_slice %arg4[%dma_start3A_1588, %dma_start3A_1589] : memref<10240x16xf32, #tpu.memory_space<hbm>> -> memref<10240x16xf32, #tpu.memory_space<hbm>>
    tpu.enqueue_indirect_dma source(%dma_start3A_1590 : memref<10240x16xf32, #tpu.memory_space<hbm>>) target(%dma_start3A_1584 : memref<128x16xf32, #tpu.memory_space<vmem>>) offsets(%dma_start3A_1587 : memref<128xi32, #tpu.memory_space<vmem>>) semaphore(%arg13 : memref<!tpu.dma_semaphore, #tpu.memory_space<semaphore_mem>>)
    %dma_start3A_1591 = arith.constant 33 : i32
    %dma_start3A_1592 = arith.constant 1 : i32
    %dma_start3A_1593 = arith.constant 0 : i32
    %dma_start3A_1594 = arith.constant 0 : i32
    %dma_start3A_1595 = tpu.memref_slice %arg9[%dma_start3A_1592, %dma_start3A_1593, %dma_start3A_1594] : memref<8x128x16xf32, #tpu.memory_space<vmem>> -> memref<1x128x16xf32, #tpu.memory_space<vmem>>
    %dma_start3A_1596 = tpu.memref_squeeze %dma_start3A_1595 : memref<1x128x16xf32, #tpu.memory_space<vmem>> -> memref<128x16xf32, #tpu.memory_space<vmem>>
    %dma_start3A_1597 = arith.constant 0 : i32
    %dma_start3A_1598 = tpu.memref_slice %arg7[%dma_start3A_1591, %dma_start3A_1597] : memref<40x128xi32, #tpu.memory_space<vmem>> -> memref<1x128xi32, #tpu.memory_space<vmem>>
    %dma_start3A_1599 = tpu.memref_squeeze %dma_start3A_1598 : memref<1x128xi32, #tpu.memory_space<vmem>> -> memref<128xi32, #tpu.memory_space<vmem>>
    %dma_start3A_1600 = arith.constant 0 : i32
    %dma_start3A_1601 = arith.constant 0 : i32
    %dma_start3A_1602 = tpu.memref_slice %arg4[%dma_start3A_1600, %dma_start3A_1601] : memref<10240x16xf32, #tpu.memory_space<hbm>> -> memref<10240x16xf32, #tpu.memory_space<hbm>>
    tpu.enqueue_indirect_dma source(%dma_start3A_1602 : memref<10240x16xf32, #tpu.memory_space<hbm>>) target(%dma_start3A_1596 : memref<128x16xf32, #tpu.memory_space<vmem>>) offsets(%dma_start3A_1599 : memref<128xi32, #tpu.memory_space<vmem>>) semaphore(%arg13 : memref<!tpu.dma_semaphore, #tpu.memory_space<semaphore_mem>>)
    %dma_start3A_1603 = arith.constant 34 : i32
    %dma_start3A_1604 = arith.constant 2 : i32
    %dma_start3A_1605 = arith.constant 0 : i32
    %dma_start3A_1606 = arith.constant 0 : i32
    %dma_start3A_1607 = tpu.memref_slice %arg9[%dma_start3A_1604, %dma_start3A_1605, %dma_start3A_1606] : memref<8x128x16xf32, #tpu.memory_space<vmem>> -> memref<1x128x16xf32, #tpu.memory_space<vmem>>
    %dma_start3A_1608 = tpu.memref_squeeze %dma_start3A_1607 : memref<1x128x16xf32, #tpu.memory_space<vmem>> -> memref<128x16xf32, #tpu.memory_space<vmem>>
    %dma_start3A_1609 = arith.constant 0 : i32
    %dma_start3A_1610 = tpu.memref_slice %arg7[%dma_start3A_1603, %dma_start3A_1609] : memref<40x128xi32, #tpu.memory_space<vmem>> -> memref<1x128xi32, #tpu.memory_space<vmem>>
    %dma_start3A_1611 = tpu.memref_squeeze %dma_start3A_1610 : memref<1x128xi32, #tpu.memory_space<vmem>> -> memref<128xi32, #tpu.memory_space<vmem>>
    %dma_start3A_1612 = arith.constant 0 : i32
    %dma_start3A_1613 = arith.constant 0 : i32
    %dma_start3A_1614 = tpu.memref_slice %arg4[%dma_start3A_1612, %dma_start3A_1613] : memref<10240x16xf32, #tpu.memory_space<hbm>> -> memref<10240x16xf32, #tpu.memory_space<hbm>>
    tpu.enqueue_indirect_dma source(%dma_start3A_1614 : memref<10240x16xf32, #tpu.memory_space<hbm>>) target(%dma_start3A_1608 : memref<128x16xf32, #tpu.memory_space<vmem>>) offsets(%dma_start3A_1611 : memref<128xi32, #tpu.memory_space<vmem>>) semaphore(%arg13 : memref<!tpu.dma_semaphore, #tpu.memory_space<semaphore_mem>>)
    %dma_start3A_1615 = arith.constant 35 : i32
    %dma_start3A_1616 = arith.constant 3 : i32
    %dma_start3A_1617 = arith.constant 0 : i32
    %dma_start3A_1618 = arith.constant 0 : i32
    %dma_start3A_1619 = tpu.memref_slice %arg9[%dma_start3A_1616, %dma_start3A_1617, %dma_start3A_1618] : memref<8x128x16xf32, #tpu.memory_space<vmem>> -> memref<1x128x16xf32, #tpu.memory_space<vmem>>
    %dma_start3A_1620 = tpu.memref_squeeze %dma_start3A_1619 : memref<1x128x16xf32, #tpu.memory_space<vmem>> -> memref<128x16xf32, #tpu.memory_space<vmem>>
    %dma_start3A_1621 = arith.constant 0 : i32
    %dma_start3A_1622 = tpu.memref_slice %arg7[%dma_start3A_1615, %dma_start3A_1621] : memref<40x128xi32, #tpu.memory_space<vmem>> -> memref<1x128xi32, #tpu.memory_space<vmem>>
    %dma_start3A_1623 = tpu.memref_squeeze %dma_start3A_1622 : memref<1x128xi32, #tpu.memory_space<vmem>> -> memref<128xi32, #tpu.memory_space<vmem>>
    %dma_start3A_1624 = arith.constant 0 : i32
    %dma_start3A_1625 = arith.constant 0 : i32
    %dma_start3A_1626 = tpu.memref_slice %arg4[%dma_start3A_1624, %dma_start3A_1625] : memref<10240x16xf32, #tpu.memory_space<hbm>> -> memref<10240x16xf32, #tpu.memory_space<hbm>>
    tpu.enqueue_indirect_dma source(%dma_start3A_1626 : memref<10240x16xf32, #tpu.memory_space<hbm>>) target(%dma_start3A_1620 : memref<128x16xf32, #tpu.memory_space<vmem>>) offsets(%dma_start3A_1623 : memref<128xi32, #tpu.memory_space<vmem>>) semaphore(%arg13 : memref<!tpu.dma_semaphore, #tpu.memory_space<semaphore_mem>>)
    %dma_start3A_1627 = arith.constant 36 : i32
    %dma_start3A_1628 = arith.constant 4 : i32
    %dma_start3A_1629 = arith.constant 0 : i32
    %dma_start3A_1630 = arith.constant 0 : i32
    %dma_start3A_1631 = tpu.memref_slice %arg9[%dma_start3A_1628, %dma_start3A_1629, %dma_start3A_1630] : memref<8x128x16xf32, #tpu.memory_space<vmem>> -> memref<1x128x16xf32, #tpu.memory_space<vmem>>
    %dma_start3A_1632 = tpu.memref_squeeze %dma_start3A_1631 : memref<1x128x16xf32, #tpu.memory_space<vmem>> -> memref<128x16xf32, #tpu.memory_space<vmem>>
    %dma_start3A_1633 = arith.constant 0 : i32
    %dma_start3A_1634 = tpu.memref_slice %arg7[%dma_start3A_1627, %dma_start3A_1633] : memref<40x128xi32, #tpu.memory_space<vmem>> -> memref<1x128xi32, #tpu.memory_space<vmem>>
    %dma_start3A_1635 = tpu.memref_squeeze %dma_start3A_1634 : memref<1x128xi32, #tpu.memory_space<vmem>> -> memref<128xi32, #tpu.memory_space<vmem>>
    %dma_start3A_1636 = arith.constant 0 : i32
    %dma_start3A_1637 = arith.constant 0 : i32
    %dma_start3A_1638 = tpu.memref_slice %arg4[%dma_start3A_1636, %dma_start3A_1637] : memref<10240x16xf32, #tpu.memory_space<hbm>> -> memref<10240x16xf32, #tpu.memory_space<hbm>>
    tpu.enqueue_indirect_dma source(%dma_start3A_1638 : memref<10240x16xf32, #tpu.memory_space<hbm>>) target(%dma_start3A_1632 : memref<128x16xf32, #tpu.memory_space<vmem>>) offsets(%dma_start3A_1635 : memref<128xi32, #tpu.memory_space<vmem>>) semaphore(%arg13 : memref<!tpu.dma_semaphore, #tpu.memory_space<semaphore_mem>>)
    %dma_start3A_1639 = arith.constant 37 : i32
    %dma_start3A_1640 = arith.constant 5 : i32
    %dma_start3A_1641 = arith.constant 0 : i32
    %dma_start3A_1642 = arith.constant 0 : i32
    %dma_start3A_1643 = tpu.memref_slice %arg9[%dma_start3A_1640, %dma_start3A_1641, %dma_start3A_1642] : memref<8x128x16xf32, #tpu.memory_space<vmem>> -> memref<1x128x16xf32, #tpu.memory_space<vmem>>
    %dma_start3A_1644 = tpu.memref_squeeze %dma_start3A_1643 : memref<1x128x16xf32, #tpu.memory_space<vmem>> -> memref<128x16xf32, #tpu.memory_space<vmem>>
    %dma_start3A_1645 = arith.constant 0 : i32
    %dma_start3A_1646 = tpu.memref_slice %arg7[%dma_start3A_1639, %dma_start3A_1645] : memref<40x128xi32, #tpu.memory_space<vmem>> -> memref<1x128xi32, #tpu.memory_space<vmem>>
    %dma_start3A_1647 = tpu.memref_squeeze %dma_start3A_1646 : memref<1x128xi32, #tpu.memory_space<vmem>> -> memref<128xi32, #tpu.memory_space<vmem>>
    %dma_start3A_1648 = arith.constant 0 : i32
    %dma_start3A_1649 = arith.constant 0 : i32
    %dma_start3A_1650 = tpu.memref_slice %arg4[%dma_start3A_1648, %dma_start3A_1649] : memref<10240x16xf32, #tpu.memory_space<hbm>> -> memref<10240x16xf32, #tpu.memory_space<hbm>>
    tpu.enqueue_indirect_dma source(%dma_start3A_1650 : memref<10240x16xf32, #tpu.memory_space<hbm>>) target(%dma_start3A_1644 : memref<128x16xf32, #tpu.memory_space<vmem>>) offsets(%dma_start3A_1647 : memref<128xi32, #tpu.memory_space<vmem>>) semaphore(%arg13 : memref<!tpu.dma_semaphore, #tpu.memory_space<semaphore_mem>>)
    %dma_start3A_1651 = arith.constant 38 : i32
    %dma_start3A_1652 = arith.constant 6 : i32
    %dma_start3A_1653 = arith.constant 0 : i32
    %dma_start3A_1654 = arith.constant 0 : i32
    %dma_start3A_1655 = tpu.memref_slice %arg9[%dma_start3A_1652, %dma_start3A_1653, %dma_start3A_1654] : memref<8x128x16xf32, #tpu.memory_space<vmem>> -> memref<1x128x16xf32, #tpu.memory_space<vmem>>
    %dma_start3A_1656 = tpu.memref_squeeze %dma_start3A_1655 : memref<1x128x16xf32, #tpu.memory_space<vmem>> -> memref<128x16xf32, #tpu.memory_space<vmem>>
    %dma_start3A_1657 = arith.constant 0 : i32
    %dma_start3A_1658 = tpu.memref_slice %arg7[%dma_start3A_1651, %dma_start3A_1657] : memref<40x128xi32, #tpu.memory_space<vmem>> -> memref<1x128xi32, #tpu.memory_space<vmem>>
    %dma_start3A_1659 = tpu.memref_squeeze %dma_start3A_1658 : memref<1x128xi32, #tpu.memory_space<vmem>> -> memref<128xi32, #tpu.memory_space<vmem>>
    %dma_start3A_1660 = arith.constant 0 : i32
    %dma_start3A_1661 = arith.constant 0 : i32
    %dma_start3A_1662 = tpu.memref_slice %arg4[%dma_start3A_1660, %dma_start3A_1661] : memref<10240x16xf32, #tpu.memory_space<hbm>> -> memref<10240x16xf32, #tpu.memory_space<hbm>>
    tpu.enqueue_indirect_dma source(%dma_start3A_1662 : memref<10240x16xf32, #tpu.memory_space<hbm>>) target(%dma_start3A_1656 : memref<128x16xf32, #tpu.memory_space<vmem>>) offsets(%dma_start3A_1659 : memref<128xi32, #tpu.memory_space<vmem>>) semaphore(%arg13 : memref<!tpu.dma_semaphore, #tpu.memory_space<semaphore_mem>>)
    %dma_start3A_1663 = arith.constant 39 : i32
    %dma_start3A_1664 = arith.constant 7 : i32
    %dma_start3A_1665 = arith.constant 0 : i32
    %dma_start3A_1666 = arith.constant 0 : i32
    %dma_start3A_1667 = tpu.memref_slice %arg9[%dma_start3A_1664, %dma_start3A_1665, %dma_start3A_1666] : memref<8x128x16xf32, #tpu.memory_space<vmem>> -> memref<1x128x16xf32, #tpu.memory_space<vmem>>
    %dma_start3A_1668 = tpu.memref_squeeze %dma_start3A_1667 : memref<1x128x16xf32, #tpu.memory_space<vmem>> -> memref<128x16xf32, #tpu.memory_space<vmem>>
    %dma_start3A_1669 = arith.constant 0 : i32
    %dma_start3A_1670 = tpu.memref_slice %arg7[%dma_start3A_1663, %dma_start3A_1669] : memref<40x128xi32, #tpu.memory_space<vmem>> -> memref<1x128xi32, #tpu.memory_space<vmem>>
    %dma_start3A_1671 = tpu.memref_squeeze %dma_start3A_1670 : memref<1x128xi32, #tpu.memory_space<vmem>> -> memref<128xi32, #tpu.memory_space<vmem>>
    %dma_start3A_1672 = arith.constant 0 : i32
    %dma_start3A_1673 = arith.constant 0 : i32
    %dma_start3A_1674 = tpu.memref_slice %arg4[%dma_start3A_1672, %dma_start3A_1673] : memref<10240x16xf32, #tpu.memory_space<hbm>> -> memref<10240x16xf32, #tpu.memory_space<hbm>>
    tpu.enqueue_indirect_dma source(%dma_start3A_1674 : memref<10240x16xf32, #tpu.memory_space<hbm>>) target(%dma_start3A_1668 : memref<128x16xf32, #tpu.memory_space<vmem>>) offsets(%dma_start3A_1671 : memref<128xi32, #tpu.memory_space<vmem>>) semaphore(%arg13 : memref<!tpu.dma_semaphore, #tpu.memory_space<semaphore_mem>>)
    %dma_wait3A_1675 = arith.constant 32 : i32
    %dma_wait3A_1676 = arith.constant 0 : i32
    %dma_wait3A_1677 = arith.constant 0 : i32
    %dma_wait3A_1678 = arith.constant 0 : i32
    %dma_wait3A_1679 = tpu.memref_slice %arg9[%dma_wait3A_1676, %dma_wait3A_1677, %dma_wait3A_1678] : memref<8x128x16xf32, #tpu.memory_space<vmem>> -> memref<1x128x16xf32, #tpu.memory_space<vmem>>
    %dma_wait3A_1680 = tpu.memref_squeeze %dma_wait3A_1679 : memref<1x128x16xf32, #tpu.memory_space<vmem>> -> memref<128x16xf32, #tpu.memory_space<vmem>>
    %dma_wait3A_1681 = arith.constant 0 : i32
    %dma_wait3A_1682 = tpu.memref_slice %arg7[%dma_wait3A_1675, %dma_wait3A_1681] : memref<40x128xi32, #tpu.memory_space<vmem>> -> memref<1x128xi32, #tpu.memory_space<vmem>>
    %dma_wait3A_1683 = tpu.memref_squeeze %dma_wait3A_1682 : memref<1x128xi32, #tpu.memory_space<vmem>> -> memref<128xi32, #tpu.memory_space<vmem>>
    %dma_wait3A_1684 = arith.constant 0 : i32
    %dma_wait3A_1685 = arith.constant 0 : i32
    %dma_wait3A_1686 = tpu.memref_slice %arg4[%dma_wait3A_1684, %dma_wait3A_1685] : memref<10240x16xf32, #tpu.memory_space<hbm>> -> memref<10240x16xf32, #tpu.memory_space<hbm>>
    tpu.wait_indirect_dma semaphore(%arg13 : memref<!tpu.dma_semaphore, #tpu.memory_space<semaphore_mem>>) src(%dma_wait3A_1686 : memref<10240x16xf32, #tpu.memory_space<hbm>>) dst(%dma_wait3A_1680 : memref<128x16xf32, #tpu.memory_space<vmem>>)
    %dma_wait3A_1687 = arith.constant 33 : i32
    %dma_wait3A_1688 = arith.constant 1 : i32
    %dma_wait3A_1689 = arith.constant 0 : i32
    %dma_wait3A_1690 = arith.constant 0 : i32
    %dma_wait3A_1691 = tpu.memref_slice %arg9[%dma_wait3A_1688, %dma_wait3A_1689, %dma_wait3A_1690] : memref<8x128x16xf32, #tpu.memory_space<vmem>> -> memref<1x128x16xf32, #tpu.memory_space<vmem>>
    %dma_wait3A_1692 = tpu.memref_squeeze %dma_wait3A_1691 : memref<1x128x16xf32, #tpu.memory_space<vmem>> -> memref<128x16xf32, #tpu.memory_space<vmem>>
    %dma_wait3A_1693 = arith.constant 0 : i32
    %dma_wait3A_1694 = tpu.memref_slice %arg7[%dma_wait3A_1687, %dma_wait3A_1693] : memref<40x128xi32, #tpu.memory_space<vmem>> -> memref<1x128xi32, #tpu.memory_space<vmem>>
    %dma_wait3A_1695 = tpu.memref_squeeze %dma_wait3A_1694 : memref<1x128xi32, #tpu.memory_space<vmem>> -> memref<128xi32, #tpu.memory_space<vmem>>
    %dma_wait3A_1696 = arith.constant 0 : i32
    %dma_wait3A_1697 = arith.constant 0 : i32
    %dma_wait3A_1698 = tpu.memref_slice %arg4[%dma_wait3A_1696, %dma_wait3A_1697] : memref<10240x16xf32, #tpu.memory_space<hbm>> -> memref<10240x16xf32, #tpu.memory_space<hbm>>
    tpu.wait_indirect_dma semaphore(%arg13 : memref<!tpu.dma_semaphore, #tpu.memory_space<semaphore_mem>>) src(%dma_wait3A_1698 : memref<10240x16xf32, #tpu.memory_space<hbm>>) dst(%dma_wait3A_1692 : memref<128x16xf32, #tpu.memory_space<vmem>>)
    %dma_wait3A_1699 = arith.constant 34 : i32
    %dma_wait3A_1700 = arith.constant 2 : i32
    %dma_wait3A_1701 = arith.constant 0 : i32
    %dma_wait3A_1702 = arith.constant 0 : i32
    %dma_wait3A_1703 = tpu.memref_slice %arg9[%dma_wait3A_1700, %dma_wait3A_1701, %dma_wait3A_1702] : memref<8x128x16xf32, #tpu.memory_space<vmem>> -> memref<1x128x16xf32, #tpu.memory_space<vmem>>
    %dma_wait3A_1704 = tpu.memref_squeeze %dma_wait3A_1703 : memref<1x128x16xf32, #tpu.memory_space<vmem>> -> memref<128x16xf32, #tpu.memory_space<vmem>>
    %dma_wait3A_1705 = arith.constant 0 : i32
    %dma_wait3A_1706 = tpu.memref_slice %arg7[%dma_wait3A_1699, %dma_wait3A_1705] : memref<40x128xi32, #tpu.memory_space<vmem>> -> memref<1x128xi32, #tpu.memory_space<vmem>>
    %dma_wait3A_1707 = tpu.memref_squeeze %dma_wait3A_1706 : memref<1x128xi32, #tpu.memory_space<vmem>> -> memref<128xi32, #tpu.memory_space<vmem>>
    %dma_wait3A_1708 = arith.constant 0 : i32
    %dma_wait3A_1709 = arith.constant 0 : i32
    %dma_wait3A_1710 = tpu.memref_slice %arg4[%dma_wait3A_1708, %dma_wait3A_1709] : memref<10240x16xf32, #tpu.memory_space<hbm>> -> memref<10240x16xf32, #tpu.memory_space<hbm>>
    tpu.wait_indirect_dma semaphore(%arg13 : memref<!tpu.dma_semaphore, #tpu.memory_space<semaphore_mem>>) src(%dma_wait3A_1710 : memref<10240x16xf32, #tpu.memory_space<hbm>>) dst(%dma_wait3A_1704 : memref<128x16xf32, #tpu.memory_space<vmem>>)
    %dma_wait3A_1711 = arith.constant 35 : i32
    %dma_wait3A_1712 = arith.constant 3 : i32
    %dma_wait3A_1713 = arith.constant 0 : i32
    %dma_wait3A_1714 = arith.constant 0 : i32
    %dma_wait3A_1715 = tpu.memref_slice %arg9[%dma_wait3A_1712, %dma_wait3A_1713, %dma_wait3A_1714] : memref<8x128x16xf32, #tpu.memory_space<vmem>> -> memref<1x128x16xf32, #tpu.memory_space<vmem>>
    %dma_wait3A_1716 = tpu.memref_squeeze %dma_wait3A_1715 : memref<1x128x16xf32, #tpu.memory_space<vmem>> -> memref<128x16xf32, #tpu.memory_space<vmem>>
    %dma_wait3A_1717 = arith.constant 0 : i32
    %dma_wait3A_1718 = tpu.memref_slice %arg7[%dma_wait3A_1711, %dma_wait3A_1717] : memref<40x128xi32, #tpu.memory_space<vmem>> -> memref<1x128xi32, #tpu.memory_space<vmem>>
    %dma_wait3A_1719 = tpu.memref_squeeze %dma_wait3A_1718 : memref<1x128xi32, #tpu.memory_space<vmem>> -> memref<128xi32, #tpu.memory_space<vmem>>
    %dma_wait3A_1720 = arith.constant 0 : i32
    %dma_wait3A_1721 = arith.constant 0 : i32
    %dma_wait3A_1722 = tpu.memref_slice %arg4[%dma_wait3A_1720, %dma_wait3A_1721] : memref<10240x16xf32, #tpu.memory_space<hbm>> -> memref<10240x16xf32, #tpu.memory_space<hbm>>
    tpu.wait_indirect_dma semaphore(%arg13 : memref<!tpu.dma_semaphore, #tpu.memory_space<semaphore_mem>>) src(%dma_wait3A_1722 : memref<10240x16xf32, #tpu.memory_space<hbm>>) dst(%dma_wait3A_1716 : memref<128x16xf32, #tpu.memory_space<vmem>>)
    %dma_wait3A_1723 = arith.constant 36 : i32
    %dma_wait3A_1724 = arith.constant 4 : i32
    %dma_wait3A_1725 = arith.constant 0 : i32
    %dma_wait3A_1726 = arith.constant 0 : i32
    %dma_wait3A_1727 = tpu.memref_slice %arg9[%dma_wait3A_1724, %dma_wait3A_1725, %dma_wait3A_1726] : memref<8x128x16xf32, #tpu.memory_space<vmem>> -> memref<1x128x16xf32, #tpu.memory_space<vmem>>
    %dma_wait3A_1728 = tpu.memref_squeeze %dma_wait3A_1727 : memref<1x128x16xf32, #tpu.memory_space<vmem>> -> memref<128x16xf32, #tpu.memory_space<vmem>>
    %dma_wait3A_1729 = arith.constant 0 : i32
    %dma_wait3A_1730 = tpu.memref_slice %arg7[%dma_wait3A_1723, %dma_wait3A_1729] : memref<40x128xi32, #tpu.memory_space<vmem>> -> memref<1x128xi32, #tpu.memory_space<vmem>>
    %dma_wait3A_1731 = tpu.memref_squeeze %dma_wait3A_1730 : memref<1x128xi32, #tpu.memory_space<vmem>> -> memref<128xi32, #tpu.memory_space<vmem>>
    %dma_wait3A_1732 = arith.constant 0 : i32
    %dma_wait3A_1733 = arith.constant 0 : i32
    %dma_wait3A_1734 = tpu.memref_slice %arg4[%dma_wait3A_1732, %dma_wait3A_1733] : memref<10240x16xf32, #tpu.memory_space<hbm>> -> memref<10240x16xf32, #tpu.memory_space<hbm>>
    tpu.wait_indirect_dma semaphore(%arg13 : memref<!tpu.dma_semaphore, #tpu.memory_space<semaphore_mem>>) src(%dma_wait3A_1734 : memref<10240x16xf32, #tpu.memory_space<hbm>>) dst(%dma_wait3A_1728 : memref<128x16xf32, #tpu.memory_space<vmem>>)
    %dma_wait3A_1735 = arith.constant 37 : i32
    %dma_wait3A_1736 = arith.constant 5 : i32
    %dma_wait3A_1737 = arith.constant 0 : i32
    %dma_wait3A_1738 = arith.constant 0 : i32
    %dma_wait3A_1739 = tpu.memref_slice %arg9[%dma_wait3A_1736, %dma_wait3A_1737, %dma_wait3A_1738] : memref<8x128x16xf32, #tpu.memory_space<vmem>> -> memref<1x128x16xf32, #tpu.memory_space<vmem>>
    %dma_wait3A_1740 = tpu.memref_squeeze %dma_wait3A_1739 : memref<1x128x16xf32, #tpu.memory_space<vmem>> -> memref<128x16xf32, #tpu.memory_space<vmem>>
    %dma_wait3A_1741 = arith.constant 0 : i32
    %dma_wait3A_1742 = tpu.memref_slice %arg7[%dma_wait3A_1735, %dma_wait3A_1741] : memref<40x128xi32, #tpu.memory_space<vmem>> -> memref<1x128xi32, #tpu.memory_space<vmem>>
    %dma_wait3A_1743 = tpu.memref_squeeze %dma_wait3A_1742 : memref<1x128xi32, #tpu.memory_space<vmem>> -> memref<128xi32, #tpu.memory_space<vmem>>
    %dma_wait3A_1744 = arith.constant 0 : i32
    %dma_wait3A_1745 = arith.constant 0 : i32
    %dma_wait3A_1746 = tpu.memref_slice %arg4[%dma_wait3A_1744, %dma_wait3A_1745] : memref<10240x16xf32, #tpu.memory_space<hbm>> -> memref<10240x16xf32, #tpu.memory_space<hbm>>
    tpu.wait_indirect_dma semaphore(%arg13 : memref<!tpu.dma_semaphore, #tpu.memory_space<semaphore_mem>>) src(%dma_wait3A_1746 : memref<10240x16xf32, #tpu.memory_space<hbm>>) dst(%dma_wait3A_1740 : memref<128x16xf32, #tpu.memory_space<vmem>>)
    %dma_wait3A_1747 = arith.constant 38 : i32
    %dma_wait3A_1748 = arith.constant 6 : i32
    %dma_wait3A_1749 = arith.constant 0 : i32
    %dma_wait3A_1750 = arith.constant 0 : i32
    %dma_wait3A_1751 = tpu.memref_slice %arg9[%dma_wait3A_1748, %dma_wait3A_1749, %dma_wait3A_1750] : memref<8x128x16xf32, #tpu.memory_space<vmem>> -> memref<1x128x16xf32, #tpu.memory_space<vmem>>
    %dma_wait3A_1752 = tpu.memref_squeeze %dma_wait3A_1751 : memref<1x128x16xf32, #tpu.memory_space<vmem>> -> memref<128x16xf32, #tpu.memory_space<vmem>>
    %dma_wait3A_1753 = arith.constant 0 : i32
    %dma_wait3A_1754 = tpu.memref_slice %arg7[%dma_wait3A_1747, %dma_wait3A_1753] : memref<40x128xi32, #tpu.memory_space<vmem>> -> memref<1x128xi32, #tpu.memory_space<vmem>>
    %dma_wait3A_1755 = tpu.memref_squeeze %dma_wait3A_1754 : memref<1x128xi32, #tpu.memory_space<vmem>> -> memref<128xi32, #tpu.memory_space<vmem>>
    %dma_wait3A_1756 = arith.constant 0 : i32
    %dma_wait3A_1757 = arith.constant 0 : i32
    %dma_wait3A_1758 = tpu.memref_slice %arg4[%dma_wait3A_1756, %dma_wait3A_1757] : memref<10240x16xf32, #tpu.memory_space<hbm>> -> memref<10240x16xf32, #tpu.memory_space<hbm>>
    tpu.wait_indirect_dma semaphore(%arg13 : memref<!tpu.dma_semaphore, #tpu.memory_space<semaphore_mem>>) src(%dma_wait3A_1758 : memref<10240x16xf32, #tpu.memory_space<hbm>>) dst(%dma_wait3A_1752 : memref<128x16xf32, #tpu.memory_space<vmem>>)
    %dma_wait3A_1759 = arith.constant 39 : i32
    %dma_wait3A_1760 = arith.constant 7 : i32
    %dma_wait3A_1761 = arith.constant 0 : i32
    %dma_wait3A_1762 = arith.constant 0 : i32
    %dma_wait3A_1763 = tpu.memref_slice %arg9[%dma_wait3A_1760, %dma_wait3A_1761, %dma_wait3A_1762] : memref<8x128x16xf32, #tpu.memory_space<vmem>> -> memref<1x128x16xf32, #tpu.memory_space<vmem>>
    %dma_wait3A_1764 = tpu.memref_squeeze %dma_wait3A_1763 : memref<1x128x16xf32, #tpu.memory_space<vmem>> -> memref<128x16xf32, #tpu.memory_space<vmem>>
    %dma_wait3A_1765 = arith.constant 0 : i32
    %dma_wait3A_1766 = tpu.memref_slice %arg7[%dma_wait3A_1759, %dma_wait3A_1765] : memref<40x128xi32, #tpu.memory_space<vmem>> -> memref<1x128xi32, #tpu.memory_space<vmem>>
    %dma_wait3A_1767 = tpu.memref_squeeze %dma_wait3A_1766 : memref<1x128xi32, #tpu.memory_space<vmem>> -> memref<128xi32, #tpu.memory_space<vmem>>
    %dma_wait3A_1768 = arith.constant 0 : i32
    %dma_wait3A_1769 = arith.constant 0 : i32
    %dma_wait3A_1770 = tpu.memref_slice %arg4[%dma_wait3A_1768, %dma_wait3A_1769] : memref<10240x16xf32, #tpu.memory_space<hbm>> -> memref<10240x16xf32, #tpu.memory_space<hbm>>
    tpu.wait_indirect_dma semaphore(%arg13 : memref<!tpu.dma_semaphore, #tpu.memory_space<semaphore_mem>>) src(%dma_wait3A_1770 : memref<10240x16xf32, #tpu.memory_space<hbm>>) dst(%dma_wait3A_1764 : memref<128x16xf32, #tpu.memory_space<vmem>>)
    %dma_start3A_1771 = arith.constant 0 : i32
    %dma_start3A_1772 = arith.constant 32 : i32
    %dma_start3A_1773 = arith.constant 0 : i32
    %dma_start3A_1774 = arith.constant 0 : i32
    %dma_start3A_1775 = tpu.memref_slice %arg9[%dma_start3A_1771, %dma_start3A_1773, %dma_start3A_1774] : memref<8x128x16xf32, #tpu.memory_space<vmem>> -> memref<1x128x16xf32, #tpu.memory_space<vmem>>
    %dma_start3A_1776 = tpu.memref_squeeze %dma_start3A_1775 : memref<1x128x16xf32, #tpu.memory_space<vmem>> -> memref<128x16xf32, #tpu.memory_space<vmem>>
    %dma_start3A_1777 = arith.constant 0 : i32
    %dma_start3A_1778 = tpu.memref_slice %arg8[%dma_start3A_1772, %dma_start3A_1777] : memref<40x128xi32, #tpu.memory_space<vmem>> -> memref<1x128xi32, #tpu.memory_space<vmem>>
    %dma_start3A_1779 = tpu.memref_squeeze %dma_start3A_1778 : memref<1x128xi32, #tpu.memory_space<vmem>> -> memref<128xi32, #tpu.memory_space<vmem>>
    %dma_start3A_1780 = arith.constant 0 : i32
    %dma_start3A_1781 = arith.constant 0 : i32
    %dma_start3A_1782 = tpu.memref_slice %arg6[%dma_start3A_1780, %dma_start3A_1781] : memref<10240x16xf32, #tpu.memory_space<vmem_shared>> -> memref<10240x16xf32, #tpu.memory_space<vmem_shared>>
    tpu.enqueue_indirect_dma source(%dma_start3A_1776 : memref<128x16xf32, #tpu.memory_space<vmem>>) target(%dma_start3A_1782 : memref<10240x16xf32, #tpu.memory_space<vmem_shared>>) offsets(%dma_start3A_1779 : memref<128xi32, #tpu.memory_space<vmem>>) semaphore(%arg14 : memref<!tpu.dma_semaphore, #tpu.memory_space<semaphore_mem>>) {add = true}
    %dma_start3A_1783 = arith.constant 1 : i32
    %dma_start3A_1784 = arith.constant 33 : i32
    %dma_start3A_1785 = arith.constant 0 : i32
    %dma_start3A_1786 = arith.constant 0 : i32
    %dma_start3A_1787 = tpu.memref_slice %arg9[%dma_start3A_1783, %dma_start3A_1785, %dma_start3A_1786] : memref<8x128x16xf32, #tpu.memory_space<vmem>> -> memref<1x128x16xf32, #tpu.memory_space<vmem>>
    %dma_start3A_1788 = tpu.memref_squeeze %dma_start3A_1787 : memref<1x128x16xf32, #tpu.memory_space<vmem>> -> memref<128x16xf32, #tpu.memory_space<vmem>>
    %dma_start3A_1789 = arith.constant 0 : i32
    %dma_start3A_1790 = tpu.memref_slice %arg8[%dma_start3A_1784, %dma_start3A_1789] : memref<40x128xi32, #tpu.memory_space<vmem>> -> memref<1x128xi32, #tpu.memory_space<vmem>>
    %dma_start3A_1791 = tpu.memref_squeeze %dma_start3A_1790 : memref<1x128xi32, #tpu.memory_space<vmem>> -> memref<128xi32, #tpu.memory_space<vmem>>
    %dma_start3A_1792 = arith.constant 0 : i32
    %dma_start3A_1793 = arith.constant 0 : i32
    %dma_start3A_1794 = tpu.memref_slice %arg6[%dma_start3A_1792, %dma_start3A_1793] : memref<10240x16xf32, #tpu.memory_space<vmem_shared>> -> memref<10240x16xf32, #tpu.memory_space<vmem_shared>>
    tpu.enqueue_indirect_dma source(%dma_start3A_1788 : memref<128x16xf32, #tpu.memory_space<vmem>>) target(%dma_start3A_1794 : memref<10240x16xf32, #tpu.memory_space<vmem_shared>>) offsets(%dma_start3A_1791 : memref<128xi32, #tpu.memory_space<vmem>>) semaphore(%arg14 : memref<!tpu.dma_semaphore, #tpu.memory_space<semaphore_mem>>) {add = true}
    %dma_start3A_1795 = arith.constant 2 : i32
    %dma_start3A_1796 = arith.constant 34 : i32
    %dma_start3A_1797 = arith.constant 0 : i32
    %dma_start3A_1798 = arith.constant 0 : i32
    %dma_start3A_1799 = tpu.memref_slice %arg9[%dma_start3A_1795, %dma_start3A_1797, %dma_start3A_1798] : memref<8x128x16xf32, #tpu.memory_space<vmem>> -> memref<1x128x16xf32, #tpu.memory_space<vmem>>
    %dma_start3A_1800 = tpu.memref_squeeze %dma_start3A_1799 : memref<1x128x16xf32, #tpu.memory_space<vmem>> -> memref<128x16xf32, #tpu.memory_space<vmem>>
    %dma_start3A_1801 = arith.constant 0 : i32
    %dma_start3A_1802 = tpu.memref_slice %arg8[%dma_start3A_1796, %dma_start3A_1801] : memref<40x128xi32, #tpu.memory_space<vmem>> -> memref<1x128xi32, #tpu.memory_space<vmem>>
    %dma_start3A_1803 = tpu.memref_squeeze %dma_start3A_1802 : memref<1x128xi32, #tpu.memory_space<vmem>> -> memref<128xi32, #tpu.memory_space<vmem>>
    %dma_start3A_1804 = arith.constant 0 : i32
    %dma_start3A_1805 = arith.constant 0 : i32
    %dma_start3A_1806 = tpu.memref_slice %arg6[%dma_start3A_1804, %dma_start3A_1805] : memref<10240x16xf32, #tpu.memory_space<vmem_shared>> -> memref<10240x16xf32, #tpu.memory_space<vmem_shared>>
    tpu.enqueue_indirect_dma source(%dma_start3A_1800 : memref<128x16xf32, #tpu.memory_space<vmem>>) target(%dma_start3A_1806 : memref<10240x16xf32, #tpu.memory_space<vmem_shared>>) offsets(%dma_start3A_1803 : memref<128xi32, #tpu.memory_space<vmem>>) semaphore(%arg14 : memref<!tpu.dma_semaphore, #tpu.memory_space<semaphore_mem>>) {add = true}
    %dma_start3A_1807 = arith.constant 3 : i32
    %dma_start3A_1808 = arith.constant 35 : i32
    %dma_start3A_1809 = arith.constant 0 : i32
    %dma_start3A_1810 = arith.constant 0 : i32
    %dma_start3A_1811 = tpu.memref_slice %arg9[%dma_start3A_1807, %dma_start3A_1809, %dma_start3A_1810] : memref<8x128x16xf32, #tpu.memory_space<vmem>> -> memref<1x128x16xf32, #tpu.memory_space<vmem>>
    %dma_start3A_1812 = tpu.memref_squeeze %dma_start3A_1811 : memref<1x128x16xf32, #tpu.memory_space<vmem>> -> memref<128x16xf32, #tpu.memory_space<vmem>>
    %dma_start3A_1813 = arith.constant 0 : i32
    %dma_start3A_1814 = tpu.memref_slice %arg8[%dma_start3A_1808, %dma_start3A_1813] : memref<40x128xi32, #tpu.memory_space<vmem>> -> memref<1x128xi32, #tpu.memory_space<vmem>>
    %dma_start3A_1815 = tpu.memref_squeeze %dma_start3A_1814 : memref<1x128xi32, #tpu.memory_space<vmem>> -> memref<128xi32, #tpu.memory_space<vmem>>
    %dma_start3A_1816 = arith.constant 0 : i32
    %dma_start3A_1817 = arith.constant 0 : i32
    %dma_start3A_1818 = tpu.memref_slice %arg6[%dma_start3A_1816, %dma_start3A_1817] : memref<10240x16xf32, #tpu.memory_space<vmem_shared>> -> memref<10240x16xf32, #tpu.memory_space<vmem_shared>>
    tpu.enqueue_indirect_dma source(%dma_start3A_1812 : memref<128x16xf32, #tpu.memory_space<vmem>>) target(%dma_start3A_1818 : memref<10240x16xf32, #tpu.memory_space<vmem_shared>>) offsets(%dma_start3A_1815 : memref<128xi32, #tpu.memory_space<vmem>>) semaphore(%arg14 : memref<!tpu.dma_semaphore, #tpu.memory_space<semaphore_mem>>) {add = true}
    %dma_wait3A_1819 = arith.constant 0 : i32
    %dma_wait3A_1820 = arith.constant 32 : i32
    %dma_wait3A_1821 = arith.constant 0 : i32
    %dma_wait3A_1822 = arith.constant 0 : i32
    %dma_wait3A_1823 = tpu.memref_slice %arg9[%dma_wait3A_1819, %dma_wait3A_1821, %dma_wait3A_1822] : memref<8x128x16xf32, #tpu.memory_space<vmem>> -> memref<1x128x16xf32, #tpu.memory_space<vmem>>
    %dma_wait3A_1824 = tpu.memref_squeeze %dma_wait3A_1823 : memref<1x128x16xf32, #tpu.memory_space<vmem>> -> memref<128x16xf32, #tpu.memory_space<vmem>>
    %dma_wait3A_1825 = arith.constant 0 : i32
    %dma_wait3A_1826 = tpu.memref_slice %arg8[%dma_wait3A_1820, %dma_wait3A_1825] : memref<40x128xi32, #tpu.memory_space<vmem>> -> memref<1x128xi32, #tpu.memory_space<vmem>>
    %dma_wait3A_1827 = tpu.memref_squeeze %dma_wait3A_1826 : memref<1x128xi32, #tpu.memory_space<vmem>> -> memref<128xi32, #tpu.memory_space<vmem>>
    %dma_wait3A_1828 = arith.constant 0 : i32
    %dma_wait3A_1829 = arith.constant 0 : i32
    %dma_wait3A_1830 = tpu.memref_slice %arg6[%dma_wait3A_1828, %dma_wait3A_1829] : memref<10240x16xf32, #tpu.memory_space<vmem_shared>> -> memref<10240x16xf32, #tpu.memory_space<vmem_shared>>
    tpu.wait_indirect_dma semaphore(%arg14 : memref<!tpu.dma_semaphore, #tpu.memory_space<semaphore_mem>>) src(%dma_wait3A_1824 : memref<128x16xf32, #tpu.memory_space<vmem>>) dst(%dma_wait3A_1830 : memref<10240x16xf32, #tpu.memory_space<vmem_shared>>)
    %dma_wait3A_1831 = arith.constant 1 : i32
    %dma_wait3A_1832 = arith.constant 33 : i32
    %dma_wait3A_1833 = arith.constant 0 : i32
    %dma_wait3A_1834 = arith.constant 0 : i32
    %dma_wait3A_1835 = tpu.memref_slice %arg9[%dma_wait3A_1831, %dma_wait3A_1833, %dma_wait3A_1834] : memref<8x128x16xf32, #tpu.memory_space<vmem>> -> memref<1x128x16xf32, #tpu.memory_space<vmem>>
    %dma_wait3A_1836 = tpu.memref_squeeze %dma_wait3A_1835 : memref<1x128x16xf32, #tpu.memory_space<vmem>> -> memref<128x16xf32, #tpu.memory_space<vmem>>
    %dma_wait3A_1837 = arith.constant 0 : i32
    %dma_wait3A_1838 = tpu.memref_slice %arg8[%dma_wait3A_1832, %dma_wait3A_1837] : memref<40x128xi32, #tpu.memory_space<vmem>> -> memref<1x128xi32, #tpu.memory_space<vmem>>
    %dma_wait3A_1839 = tpu.memref_squeeze %dma_wait3A_1838 : memref<1x128xi32, #tpu.memory_space<vmem>> -> memref<128xi32, #tpu.memory_space<vmem>>
    %dma_wait3A_1840 = arith.constant 0 : i32
    %dma_wait3A_1841 = arith.constant 0 : i32
    %dma_wait3A_1842 = tpu.memref_slice %arg6[%dma_wait3A_1840, %dma_wait3A_1841] : memref<10240x16xf32, #tpu.memory_space<vmem_shared>> -> memref<10240x16xf32, #tpu.memory_space<vmem_shared>>
    tpu.wait_indirect_dma semaphore(%arg14 : memref<!tpu.dma_semaphore, #tpu.memory_space<semaphore_mem>>) src(%dma_wait3A_1836 : memref<128x16xf32, #tpu.memory_space<vmem>>) dst(%dma_wait3A_1842 : memref<10240x16xf32, #tpu.memory_space<vmem_shared>>)
    %dma_wait3A_1843 = arith.constant 2 : i32
    %dma_wait3A_1844 = arith.constant 34 : i32
    %dma_wait3A_1845 = arith.constant 0 : i32
    %dma_wait3A_1846 = arith.constant 0 : i32
    %dma_wait3A_1847 = tpu.memref_slice %arg9[%dma_wait3A_1843, %dma_wait3A_1845, %dma_wait3A_1846] : memref<8x128x16xf32, #tpu.memory_space<vmem>> -> memref<1x128x16xf32, #tpu.memory_space<vmem>>
    %dma_wait3A_1848 = tpu.memref_squeeze %dma_wait3A_1847 : memref<1x128x16xf32, #tpu.memory_space<vmem>> -> memref<128x16xf32, #tpu.memory_space<vmem>>
    %dma_wait3A_1849 = arith.constant 0 : i32
    %dma_wait3A_1850 = tpu.memref_slice %arg8[%dma_wait3A_1844, %dma_wait3A_1849] : memref<40x128xi32, #tpu.memory_space<vmem>> -> memref<1x128xi32, #tpu.memory_space<vmem>>
    %dma_wait3A_1851 = tpu.memref_squeeze %dma_wait3A_1850 : memref<1x128xi32, #tpu.memory_space<vmem>> -> memref<128xi32, #tpu.memory_space<vmem>>
    %dma_wait3A_1852 = arith.constant 0 : i32
    %dma_wait3A_1853 = arith.constant 0 : i32
    %dma_wait3A_1854 = tpu.memref_slice %arg6[%dma_wait3A_1852, %dma_wait3A_1853] : memref<10240x16xf32, #tpu.memory_space<vmem_shared>> -> memref<10240x16xf32, #tpu.memory_space<vmem_shared>>
    tpu.wait_indirect_dma semaphore(%arg14 : memref<!tpu.dma_semaphore, #tpu.memory_space<semaphore_mem>>) src(%dma_wait3A_1848 : memref<128x16xf32, #tpu.memory_space<vmem>>) dst(%dma_wait3A_1854 : memref<10240x16xf32, #tpu.memory_space<vmem_shared>>)
    %dma_wait3A_1855 = arith.constant 3 : i32
    %dma_wait3A_1856 = arith.constant 35 : i32
    %dma_wait3A_1857 = arith.constant 0 : i32
    %dma_wait3A_1858 = arith.constant 0 : i32
    %dma_wait3A_1859 = tpu.memref_slice %arg9[%dma_wait3A_1855, %dma_wait3A_1857, %dma_wait3A_1858] : memref<8x128x16xf32, #tpu.memory_space<vmem>> -> memref<1x128x16xf32, #tpu.memory_space<vmem>>
    %dma_wait3A_1860 = tpu.memref_squeeze %dma_wait3A_1859 : memref<1x128x16xf32, #tpu.memory_space<vmem>> -> memref<128x16xf32, #tpu.memory_space<vmem>>
    %dma_wait3A_1861 = arith.constant 0 : i32
    %dma_wait3A_1862 = tpu.memref_slice %arg8[%dma_wait3A_1856, %dma_wait3A_1861] : memref<40x128xi32, #tpu.memory_space<vmem>> -> memref<1x128xi32, #tpu.memory_space<vmem>>
    %dma_wait3A_1863 = tpu.memref_squeeze %dma_wait3A_1862 : memref<1x128xi32, #tpu.memory_space<vmem>> -> memref<128xi32, #tpu.memory_space<vmem>>
    %dma_wait3A_1864 = arith.constant 0 : i32
    %dma_wait3A_1865 = arith.constant 0 : i32
    %dma_wait3A_1866 = tpu.memref_slice %arg6[%dma_wait3A_1864, %dma_wait3A_1865] : memref<10240x16xf32, #tpu.memory_space<vmem_shared>> -> memref<10240x16xf32, #tpu.memory_space<vmem_shared>>
    tpu.wait_indirect_dma semaphore(%arg14 : memref<!tpu.dma_semaphore, #tpu.memory_space<semaphore_mem>>) src(%dma_wait3A_1860 : memref<128x16xf32, #tpu.memory_space<vmem>>) dst(%dma_wait3A_1866 : memref<10240x16xf32, #tpu.memory_space<vmem_shared>>)
    %dma_start3A_1867 = arith.constant 4 : i32
    %dma_start3A_1868 = arith.constant 36 : i32
    %dma_start3A_1869 = arith.constant 0 : i32
    %dma_start3A_1870 = arith.constant 0 : i32
    %dma_start3A_1871 = tpu.memref_slice %arg9[%dma_start3A_1867, %dma_start3A_1869, %dma_start3A_1870] : memref<8x128x16xf32, #tpu.memory_space<vmem>> -> memref<1x128x16xf32, #tpu.memory_space<vmem>>
    %dma_start3A_1872 = tpu.memref_squeeze %dma_start3A_1871 : memref<1x128x16xf32, #tpu.memory_space<vmem>> -> memref<128x16xf32, #tpu.memory_space<vmem>>
    %dma_start3A_1873 = arith.constant 0 : i32
    %dma_start3A_1874 = tpu.memref_slice %arg8[%dma_start3A_1868, %dma_start3A_1873] : memref<40x128xi32, #tpu.memory_space<vmem>> -> memref<1x128xi32, #tpu.memory_space<vmem>>
    %dma_start3A_1875 = tpu.memref_squeeze %dma_start3A_1874 : memref<1x128xi32, #tpu.memory_space<vmem>> -> memref<128xi32, #tpu.memory_space<vmem>>
    %dma_start3A_1876 = arith.constant 0 : i32
    %dma_start3A_1877 = arith.constant 0 : i32
    %dma_start3A_1878 = tpu.memref_slice %arg6[%dma_start3A_1876, %dma_start3A_1877] : memref<10240x16xf32, #tpu.memory_space<vmem_shared>> -> memref<10240x16xf32, #tpu.memory_space<vmem_shared>>
    tpu.enqueue_indirect_dma source(%dma_start3A_1872 : memref<128x16xf32, #tpu.memory_space<vmem>>) target(%dma_start3A_1878 : memref<10240x16xf32, #tpu.memory_space<vmem_shared>>) offsets(%dma_start3A_1875 : memref<128xi32, #tpu.memory_space<vmem>>) semaphore(%arg14 : memref<!tpu.dma_semaphore, #tpu.memory_space<semaphore_mem>>) {add = true}
    %dma_start3A_1879 = arith.constant 5 : i32
    %dma_start3A_1880 = arith.constant 37 : i32
    %dma_start3A_1881 = arith.constant 0 : i32
    %dma_start3A_1882 = arith.constant 0 : i32
    %dma_start3A_1883 = tpu.memref_slice %arg9[%dma_start3A_1879, %dma_start3A_1881, %dma_start3A_1882] : memref<8x128x16xf32, #tpu.memory_space<vmem>> -> memref<1x128x16xf32, #tpu.memory_space<vmem>>
    %dma_start3A_1884 = tpu.memref_squeeze %dma_start3A_1883 : memref<1x128x16xf32, #tpu.memory_space<vmem>> -> memref<128x16xf32, #tpu.memory_space<vmem>>
    %dma_start3A_1885 = arith.constant 0 : i32
    %dma_start3A_1886 = tpu.memref_slice %arg8[%dma_start3A_1880, %dma_start3A_1885] : memref<40x128xi32, #tpu.memory_space<vmem>> -> memref<1x128xi32, #tpu.memory_space<vmem>>
    %dma_start3A_1887 = tpu.memref_squeeze %dma_start3A_1886 : memref<1x128xi32, #tpu.memory_space<vmem>> -> memref<128xi32, #tpu.memory_space<vmem>>
    %dma_start3A_1888 = arith.constant 0 : i32
    %dma_start3A_1889 = arith.constant 0 : i32
    %dma_start3A_1890 = tpu.memref_slice %arg6[%dma_start3A_1888, %dma_start3A_1889] : memref<10240x16xf32, #tpu.memory_space<vmem_shared>> -> memref<10240x16xf32, #tpu.memory_space<vmem_shared>>
    tpu.enqueue_indirect_dma source(%dma_start3A_1884 : memref<128x16xf32, #tpu.memory_space<vmem>>) target(%dma_start3A_1890 : memref<10240x16xf32, #tpu.memory_space<vmem_shared>>) offsets(%dma_start3A_1887 : memref<128xi32, #tpu.memory_space<vmem>>) semaphore(%arg14 : memref<!tpu.dma_semaphore, #tpu.memory_space<semaphore_mem>>) {add = true}
    %dma_start3A_1891 = arith.constant 6 : i32
    %dma_start3A_1892 = arith.constant 38 : i32
    %dma_start3A_1893 = arith.constant 0 : i32
    %dma_start3A_1894 = arith.constant 0 : i32
    %dma_start3A_1895 = tpu.memref_slice %arg9[%dma_start3A_1891, %dma_start3A_1893, %dma_start3A_1894] : memref<8x128x16xf32, #tpu.memory_space<vmem>> -> memref<1x128x16xf32, #tpu.memory_space<vmem>>
    %dma_start3A_1896 = tpu.memref_squeeze %dma_start3A_1895 : memref<1x128x16xf32, #tpu.memory_space<vmem>> -> memref<128x16xf32, #tpu.memory_space<vmem>>
    %dma_start3A_1897 = arith.constant 0 : i32
    %dma_start3A_1898 = tpu.memref_slice %arg8[%dma_start3A_1892, %dma_start3A_1897] : memref<40x128xi32, #tpu.memory_space<vmem>> -> memref<1x128xi32, #tpu.memory_space<vmem>>
    %dma_start3A_1899 = tpu.memref_squeeze %dma_start3A_1898 : memref<1x128xi32, #tpu.memory_space<vmem>> -> memref<128xi32, #tpu.memory_space<vmem>>
    %dma_start3A_1900 = arith.constant 0 : i32
    %dma_start3A_1901 = arith.constant 0 : i32
    %dma_start3A_1902 = tpu.memref_slice %arg6[%dma_start3A_1900, %dma_start3A_1901] : memref<10240x16xf32, #tpu.memory_space<vmem_shared>> -> memref<10240x16xf32, #tpu.memory_space<vmem_shared>>
    tpu.enqueue_indirect_dma source(%dma_start3A_1896 : memref<128x16xf32, #tpu.memory_space<vmem>>) target(%dma_start3A_1902 : memref<10240x16xf32, #tpu.memory_space<vmem_shared>>) offsets(%dma_start3A_1899 : memref<128xi32, #tpu.memory_space<vmem>>) semaphore(%arg14 : memref<!tpu.dma_semaphore, #tpu.memory_space<semaphore_mem>>) {add = true}
    %dma_start3A_1903 = arith.constant 7 : i32
    %dma_start3A_1904 = arith.constant 39 : i32
    %dma_start3A_1905 = arith.constant 0 : i32
    %dma_start3A_1906 = arith.constant 0 : i32
    %dma_start3A_1907 = tpu.memref_slice %arg9[%dma_start3A_1903, %dma_start3A_1905, %dma_start3A_1906] : memref<8x128x16xf32, #tpu.memory_space<vmem>> -> memref<1x128x16xf32, #tpu.memory_space<vmem>>
    %dma_start3A_1908 = tpu.memref_squeeze %dma_start3A_1907 : memref<1x128x16xf32, #tpu.memory_space<vmem>> -> memref<128x16xf32, #tpu.memory_space<vmem>>
    %dma_start3A_1909 = arith.constant 0 : i32
    %dma_start3A_1910 = tpu.memref_slice %arg8[%dma_start3A_1904, %dma_start3A_1909] : memref<40x128xi32, #tpu.memory_space<vmem>> -> memref<1x128xi32, #tpu.memory_space<vmem>>
    %dma_start3A_1911 = tpu.memref_squeeze %dma_start3A_1910 : memref<1x128xi32, #tpu.memory_space<vmem>> -> memref<128xi32, #tpu.memory_space<vmem>>
    %dma_start3A_1912 = arith.constant 0 : i32
    %dma_start3A_1913 = arith.constant 0 : i32
    %dma_start3A_1914 = tpu.memref_slice %arg6[%dma_start3A_1912, %dma_start3A_1913] : memref<10240x16xf32, #tpu.memory_space<vmem_shared>> -> memref<10240x16xf32, #tpu.memory_space<vmem_shared>>
    tpu.enqueue_indirect_dma source(%dma_start3A_1908 : memref<128x16xf32, #tpu.memory_space<vmem>>) target(%dma_start3A_1914 : memref<10240x16xf32, #tpu.memory_space<vmem_shared>>) offsets(%dma_start3A_1911 : memref<128xi32, #tpu.memory_space<vmem>>) semaphore(%arg14 : memref<!tpu.dma_semaphore, #tpu.memory_space<semaphore_mem>>) {add = true}
    %dma_wait3A_1915 = arith.constant 4 : i32
    %dma_wait3A_1916 = arith.constant 36 : i32
    %dma_wait3A_1917 = arith.constant 0 : i32
    %dma_wait3A_1918 = arith.constant 0 : i32
    %dma_wait3A_1919 = tpu.memref_slice %arg9[%dma_wait3A_1915, %dma_wait3A_1917, %dma_wait3A_1918] : memref<8x128x16xf32, #tpu.memory_space<vmem>> -> memref<1x128x16xf32, #tpu.memory_space<vmem>>
    %dma_wait3A_1920 = tpu.memref_squeeze %dma_wait3A_1919 : memref<1x128x16xf32, #tpu.memory_space<vmem>> -> memref<128x16xf32, #tpu.memory_space<vmem>>
    %dma_wait3A_1921 = arith.constant 0 : i32
    %dma_wait3A_1922 = tpu.memref_slice %arg8[%dma_wait3A_1916, %dma_wait3A_1921] : memref<40x128xi32, #tpu.memory_space<vmem>> -> memref<1x128xi32, #tpu.memory_space<vmem>>
    %dma_wait3A_1923 = tpu.memref_squeeze %dma_wait3A_1922 : memref<1x128xi32, #tpu.memory_space<vmem>> -> memref<128xi32, #tpu.memory_space<vmem>>
    %dma_wait3A_1924 = arith.constant 0 : i32
    %dma_wait3A_1925 = arith.constant 0 : i32
    %dma_wait3A_1926 = tpu.memref_slice %arg6[%dma_wait3A_1924, %dma_wait3A_1925] : memref<10240x16xf32, #tpu.memory_space<vmem_shared>> -> memref<10240x16xf32, #tpu.memory_space<vmem_shared>>
    tpu.wait_indirect_dma semaphore(%arg14 : memref<!tpu.dma_semaphore, #tpu.memory_space<semaphore_mem>>) src(%dma_wait3A_1920 : memref<128x16xf32, #tpu.memory_space<vmem>>) dst(%dma_wait3A_1926 : memref<10240x16xf32, #tpu.memory_space<vmem_shared>>)
    %dma_wait3A_1927 = arith.constant 5 : i32
    %dma_wait3A_1928 = arith.constant 37 : i32
    %dma_wait3A_1929 = arith.constant 0 : i32
    %dma_wait3A_1930 = arith.constant 0 : i32
    %dma_wait3A_1931 = tpu.memref_slice %arg9[%dma_wait3A_1927, %dma_wait3A_1929, %dma_wait3A_1930] : memref<8x128x16xf32, #tpu.memory_space<vmem>> -> memref<1x128x16xf32, #tpu.memory_space<vmem>>
    %dma_wait3A_1932 = tpu.memref_squeeze %dma_wait3A_1931 : memref<1x128x16xf32, #tpu.memory_space<vmem>> -> memref<128x16xf32, #tpu.memory_space<vmem>>
    %dma_wait3A_1933 = arith.constant 0 : i32
    %dma_wait3A_1934 = tpu.memref_slice %arg8[%dma_wait3A_1928, %dma_wait3A_1933] : memref<40x128xi32, #tpu.memory_space<vmem>> -> memref<1x128xi32, #tpu.memory_space<vmem>>
    %dma_wait3A_1935 = tpu.memref_squeeze %dma_wait3A_1934 : memref<1x128xi32, #tpu.memory_space<vmem>> -> memref<128xi32, #tpu.memory_space<vmem>>
    %dma_wait3A_1936 = arith.constant 0 : i32
    %dma_wait3A_1937 = arith.constant 0 : i32
    %dma_wait3A_1938 = tpu.memref_slice %arg6[%dma_wait3A_1936, %dma_wait3A_1937] : memref<10240x16xf32, #tpu.memory_space<vmem_shared>> -> memref<10240x16xf32, #tpu.memory_space<vmem_shared>>
    tpu.wait_indirect_dma semaphore(%arg14 : memref<!tpu.dma_semaphore, #tpu.memory_space<semaphore_mem>>) src(%dma_wait3A_1932 : memref<128x16xf32, #tpu.memory_space<vmem>>) dst(%dma_wait3A_1938 : memref<10240x16xf32, #tpu.memory_space<vmem_shared>>)
    %dma_wait3A_1939 = arith.constant 6 : i32
    %dma_wait3A_1940 = arith.constant 38 : i32
    %dma_wait3A_1941 = arith.constant 0 : i32
    %dma_wait3A_1942 = arith.constant 0 : i32
    %dma_wait3A_1943 = tpu.memref_slice %arg9[%dma_wait3A_1939, %dma_wait3A_1941, %dma_wait3A_1942] : memref<8x128x16xf32, #tpu.memory_space<vmem>> -> memref<1x128x16xf32, #tpu.memory_space<vmem>>
    %dma_wait3A_1944 = tpu.memref_squeeze %dma_wait3A_1943 : memref<1x128x16xf32, #tpu.memory_space<vmem>> -> memref<128x16xf32, #tpu.memory_space<vmem>>
    %dma_wait3A_1945 = arith.constant 0 : i32
    %dma_wait3A_1946 = tpu.memref_slice %arg8[%dma_wait3A_1940, %dma_wait3A_1945] : memref<40x128xi32, #tpu.memory_space<vmem>> -> memref<1x128xi32, #tpu.memory_space<vmem>>
    %dma_wait3A_1947 = tpu.memref_squeeze %dma_wait3A_1946 : memref<1x128xi32, #tpu.memory_space<vmem>> -> memref<128xi32, #tpu.memory_space<vmem>>
    %dma_wait3A_1948 = arith.constant 0 : i32
    %dma_wait3A_1949 = arith.constant 0 : i32
    %dma_wait3A_1950 = tpu.memref_slice %arg6[%dma_wait3A_1948, %dma_wait3A_1949] : memref<10240x16xf32, #tpu.memory_space<vmem_shared>> -> memref<10240x16xf32, #tpu.memory_space<vmem_shared>>
    tpu.wait_indirect_dma semaphore(%arg14 : memref<!tpu.dma_semaphore, #tpu.memory_space<semaphore_mem>>) src(%dma_wait3A_1944 : memref<128x16xf32, #tpu.memory_space<vmem>>) dst(%dma_wait3A_1950 : memref<10240x16xf32, #tpu.memory_space<vmem_shared>>)
    %dma_wait3A_1951 = arith.constant 7 : i32
    %dma_wait3A_1952 = arith.constant 39 : i32
    %dma_wait3A_1953 = arith.constant 0 : i32
    %dma_wait3A_1954 = arith.constant 0 : i32
    %dma_wait3A_1955 = tpu.memref_slice %arg9[%dma_wait3A_1951, %dma_wait3A_1953, %dma_wait3A_1954] : memref<8x128x16xf32, #tpu.memory_space<vmem>> -> memref<1x128x16xf32, #tpu.memory_space<vmem>>
    %dma_wait3A_1956 = tpu.memref_squeeze %dma_wait3A_1955 : memref<1x128x16xf32, #tpu.memory_space<vmem>> -> memref<128x16xf32, #tpu.memory_space<vmem>>
    %dma_wait3A_1957 = arith.constant 0 : i32
    %dma_wait3A_1958 = tpu.memref_slice %arg8[%dma_wait3A_1952, %dma_wait3A_1957] : memref<40x128xi32, #tpu.memory_space<vmem>> -> memref<1x128xi32, #tpu.memory_space<vmem>>
    %dma_wait3A_1959 = tpu.memref_squeeze %dma_wait3A_1958 : memref<1x128xi32, #tpu.memory_space<vmem>> -> memref<128xi32, #tpu.memory_space<vmem>>
    %dma_wait3A_1960 = arith.constant 0 : i32
    %dma_wait3A_1961 = arith.constant 0 : i32
    %dma_wait3A_1962 = tpu.memref_slice %arg6[%dma_wait3A_1960, %dma_wait3A_1961] : memref<10240x16xf32, #tpu.memory_space<vmem_shared>> -> memref<10240x16xf32, #tpu.memory_space<vmem_shared>>
    tpu.wait_indirect_dma semaphore(%arg14 : memref<!tpu.dma_semaphore, #tpu.memory_space<semaphore_mem>>) src(%dma_wait3A_1956 : memref<128x16xf32, #tpu.memory_space<vmem>>) dst(%dma_wait3A_1962 : memref<10240x16xf32, #tpu.memory_space<vmem_shared>>)
    %barrier3A_1963 = arith.constant 0 : index
    tpu.barrier barrier_id(%barrier3A_1963)
    %mul3A_1964 = arith.constant 640 : i32
    %mul3A_1965 = arith.muli %arg1, %mul3A_1964 : i32
    "tpu.region"() ({
      %run_scoped3A = tpu.sem_alloc : memref<!tpu.dma_semaphore, #tpu.memory_space<semaphore_mem>>
      %dma_start3A_1966 = arith.constant 0 : i32
      %dma_start3A_1967 = tpu.memref_slice %arg5[%arg0, %mul3A_1965, %dma_start3A_1966] : memref<2x10240x16xf32, #tpu.memory_space<hbm>> -> memref<1x640x16xf32, #tpu.memory_space<hbm>>
      %dma_start3A_1968 = tpu.memref_squeeze %dma_start3A_1967 : memref<1x640x16xf32, #tpu.memory_space<hbm>> -> memref<640x16xf32, #tpu.memory_space<hbm>>
      %dma_start3A_1969 = arith.constant 0 : i32
      %dma_start3A_1970 = tpu.memref_slice %arg6[%mul3A_1965, %dma_start3A_1969] : memref<10240x16xf32, #tpu.memory_space<vmem_shared>> -> memref<640x16xf32, #tpu.memory_space<vmem_shared>>
      tpu.enqueue_dma source(%dma_start3A_1970 : memref<640x16xf32, #tpu.memory_space<vmem_shared>>) target(%dma_start3A_1968 : memref<640x16xf32, #tpu.memory_space<hbm>>) target_semaphore(%run_scoped3A : memref<!tpu.dma_semaphore, #tpu.memory_space<semaphore_mem>>)
      %dma_wait3A_1971 = arith.constant 0 : i32
      %dma_wait3A_1972 = tpu.memref_slice %arg5[%arg0, %mul3A_1965, %dma_wait3A_1971] : memref<2x10240x16xf32, #tpu.memory_space<hbm>> -> memref<1x640x16xf32, #tpu.memory_space<hbm>>
      %dma_wait3A_1973 = tpu.memref_squeeze %dma_wait3A_1972 : memref<1x640x16xf32, #tpu.memory_space<hbm>> -> memref<640x16xf32, #tpu.memory_space<hbm>>
      %dma_wait3A_1974 = arith.constant 0 : i32
      %dma_wait3A_1975 = tpu.memref_slice %arg6[%mul3A_1965, %dma_wait3A_1974] : memref<10240x16xf32, #tpu.memory_space<vmem_shared>> -> memref<640x16xf32, #tpu.memory_space<vmem_shared>>
      tpu.wait_dma2 semaphore(%run_scoped3A : memref<!tpu.dma_semaphore, #tpu.memory_space<semaphore_mem>>) src(%dma_wait3A_1975 : memref<640x16xf32, #tpu.memory_space<vmem_shared>>) dst(%dma_wait3A_1973 : memref<640x16xf32, #tpu.memory_space<hbm>>)
      tpu.yield
    }) : () -> ()
    return
  }
}

#map = affine_map<(d0, d1) -> (0, 0)>
module attributes {stable_mosaic.version = 14 : i64} {
  func.func @_deg_body(%arg0: i32, %arg1: i32, %arg2: memref<1280x128xi32, #tpu.memory_space<hbm>>, %arg3: memref<2x10240xf32, #tpu.memory_space<hbm>>, %arg4: memref<10240xf32, #tpu.memory_space<vmem_shared>>, %arg5: memref<40x128xi32, #tpu.memory_space<vmem>>, %arg6: memref<128xf32, #tpu.memory_space<vmem>>, %arg7: memref<640xf32, #tpu.memory_space<vmem>>, %arg8: memref<!tpu.dma_semaphore, #tpu.memory_space<semaphore_mem>>, %arg9: memref<!tpu.dma_semaphore, #tpu.memory_space<semaphore_mem>>) attributes {dimension_semantics = [#tpu.dimension_semantics<core_parallel>, #tpu.dimension_semantics<subcore_parallel>], iteration_bounds = array<i64: 2, 16>, scalar_prefetch = 0 : i64, scratch_operands = 6 : i64, tpu.core_type = #tpu.core_type<sc_vector_subcore>, window_params = [{transform_indices = #map}, {transform_indices = #map}]} {
    %mul3A = arith.constant 16 : i32
    %mul3A_0 = arith.muli %arg0, %mul3A : i32
    %add3A = arith.addi %mul3A_0, %arg1 : i32
    %mul3A_1 = arith.constant 40 : i32
    %mul3A_2 = arith.muli %add3A, %mul3A_1 : i32
    %dma_start3A = arith.constant 0 : i32
    %dma_start3A_3 = tpu.memref_slice %arg2[%mul3A_2, %dma_start3A] : memref<1280x128xi32, #tpu.memory_space<hbm>> -> memref<40x128xi32, #tpu.memory_space<hbm>>
    %dma_start3A_4 = arith.constant 0 : i32
    %dma_start3A_5 = tpu.memref_slice %arg2[%mul3A_2, %dma_start3A_4] : memref<1280x128xi32, #tpu.memory_space<hbm>> -> memref<40x128xi32, #tpu.memory_space<hbm>>
    tpu.enqueue_dma source(%dma_start3A_5 : memref<40x128xi32, #tpu.memory_space<hbm>>) target(%arg5 : memref<40x128xi32, #tpu.memory_space<vmem>>) target_semaphore(%arg8 : memref<!tpu.dma_semaphore, #tpu.memory_space<semaphore_mem>>)
    %scan3A = arith.constant 0 : i32
    %scan3A_6 = arith.constant 40 : i32
    %scan3A_7 = arith.addi %scan3A, %scan3A_6 : i32
    %scan3A_8 = arith.constant 1 : i32
    scf.for %scan3A_503 = %scan3A to %scan3A_7 step %scan3A_8  : i32 {
      %mul3A_504 = arith.constant 16 : i32
      %mul3A_505 = arith.muli %scan3A_503, %mul3A_504 : i32
      %add3A_506 = arith.constant 0 : i32
      %add3A_507 = arith.addi %add3A_506, %mul3A_505 : i32
      %broadcast_in_dim3A = arith.constant 0.000000e+00 : f32
      %broadcast_in_dim3A_508 = vector.broadcast %broadcast_in_dim3A : f32 to vector<16xf32>
      %swap3A = arith.index_cast %add3A_507 : i32 to index
      %swap3A_509 = tpu.vector_load %arg7[%swap3A] {strides = array<i32>} : memref<640xf32, #tpu.memory_space<vmem>>, vector<16xf32>,
      %swap3A_510 = vector.shape_cast %swap3A_509 : vector<16xf32> to vector<16xf32>
      %swap3A_511 = vector.shape_cast %broadcast_in_dim3A_508 : vector<16xf32> to vector<16xf32>
      tpu.vector_store %arg7[%swap3A], %swap3A_511 {strides = array<i32>} : memref<640xf32, #tpu.memory_space<vmem>>, vector<16xf32>,
    }
    %scan3A_9 = arith.constant 40 : i32
    %scan3A_10 = arith.constant 0 : i32
    %scan3A_11 = arith.constant 8 : i32
    %scan3A_12 = arith.addi %scan3A_10, %scan3A_11 : i32
    %scan3A_13 = arith.constant 1 : i32
    scf.for %scan3A_503 = %scan3A_10 to %scan3A_12 step %scan3A_13  : i32 {
      %mul3A_504 = arith.constant 16 : i32
      %mul3A_505 = arith.muli %scan3A_503, %mul3A_504 : i32
      %add3A_506 = arith.constant 0 : i32
      %add3A_507 = arith.addi %add3A_506, %mul3A_505 : i32
      %broadcast_in_dim3A = arith.constant 1.000000e+00 : f32
      %broadcast_in_dim3A_508 = vector.broadcast %broadcast_in_dim3A : f32 to vector<16xf32>
      %swap3A = arith.index_cast %add3A_507 : i32 to index
      %swap3A_509 = tpu.vector_load %arg6[%swap3A] {strides = array<i32>} : memref<128xf32, #tpu.memory_space<vmem>>, vector<16xf32>,
      %swap3A_510 = vector.shape_cast %swap3A_509 : vector<16xf32> to vector<16xf32>
      %swap3A_511 = vector.shape_cast %broadcast_in_dim3A_508 : vector<16xf32> to vector<16xf32>
      tpu.vector_store %arg6[%swap3A], %swap3A_511 {strides = array<i32>} : memref<128xf32, #tpu.memory_space<vmem>>, vector<16xf32>,
    }
    %scan3A_14 = arith.constant 8 : i32
    %mul3A_15 = arith.constant 640 : i32
    %mul3A_16 = arith.muli %arg1, %mul3A_15 : i32
    "tpu.region"() ({
      %run_scoped3A = tpu.sem_alloc : memref<!tpu.dma_semaphore, #tpu.memory_space<semaphore_mem>>
      %dma_start3A_503 = tpu.memref_slice %arg4[%mul3A_16] : memref<10240xf32, #tpu.memory_space<vmem_shared>> -> memref<640xf32, #tpu.memory_space<vmem_shared>>
      %dma_start3A_504 = tpu.memref_slice %arg4[%mul3A_16] : memref<10240xf32, #tpu.memory_space<vmem_shared>> -> memref<640xf32, #tpu.memory_space<vmem_shared>>
      tpu.enqueue_dma source(%arg7 : memref<640xf32, #tpu.memory_space<vmem>>) target(%dma_start3A_504 : memref<640xf32, #tpu.memory_space<vmem_shared>>) target_semaphore(%run_scoped3A : memref<!tpu.dma_semaphore, #tpu.memory_space<semaphore_mem>>)
      %dma_wait3A_505 = tpu.memref_slice %arg4[%mul3A_16] : memref<10240xf32, #tpu.memory_space<vmem_shared>> -> memref<640xf32, #tpu.memory_space<vmem_shared>>
      %dma_wait3A_506 = tpu.memref_slice %arg4[%mul3A_16] : memref<10240xf32, #tpu.memory_space<vmem_shared>> -> memref<640xf32, #tpu.memory_space<vmem_shared>>
      tpu.wait_dma2 semaphore(%run_scoped3A : memref<!tpu.dma_semaphore, #tpu.memory_space<semaphore_mem>>) src(%arg7 : memref<640xf32, #tpu.memory_space<vmem>>) dst(%dma_wait3A_506 : memref<640xf32, #tpu.memory_space<vmem_shared>>)
      tpu.yield
    }) : () -> ()
    %dma_wait3A = arith.constant 0 : i32
    %dma_wait3A_17 = tpu.memref_slice %arg2[%mul3A_2, %dma_wait3A] : memref<1280x128xi32, #tpu.memory_space<hbm>> -> memref<40x128xi32, #tpu.memory_space<hbm>>
    %dma_wait3A_18 = arith.constant 0 : i32
    %dma_wait3A_19 = tpu.memref_slice %arg2[%mul3A_2, %dma_wait3A_18] : memref<1280x128xi32, #tpu.memory_space<hbm>> -> memref<40x128xi32, #tpu.memory_space<hbm>>
    tpu.wait_dma2 semaphore(%arg8 : memref<!tpu.dma_semaphore, #tpu.memory_space<semaphore_mem>>) src(%dma_wait3A_19 : memref<40x128xi32, #tpu.memory_space<hbm>>) dst(%arg5 : memref<40x128xi32, #tpu.memory_space<vmem>>)
    %barrier3A = arith.constant 0 : index
    tpu.barrier barrier_id(%barrier3A)
    %dma_start3A_20 = arith.constant 0 : i32
    %dma_start3A_21 = arith.constant 0 : i32
    %dma_start3A_22 = tpu.memref_slice %arg5[%dma_start3A_20, %dma_start3A_21] : memref<40x128xi32, #tpu.memory_space<vmem>> -> memref<1x128xi32, #tpu.memory_space<vmem>>
    %dma_start3A_23 = tpu.memref_squeeze %dma_start3A_22 : memref<1x128xi32, #tpu.memory_space<vmem>> -> memref<128xi32, #tpu.memory_space<vmem>>
    %dma_start3A_24 = arith.constant 0 : i32
    %dma_start3A_25 = tpu.memref_slice %arg4[%dma_start3A_24] : memref<10240xf32, #tpu.memory_space<vmem_shared>> -> memref<10240xf32, #tpu.memory_space<vmem_shared>>
    tpu.enqueue_indirect_dma source(%arg6 : memref<128xf32, #tpu.memory_space<vmem>>) target(%dma_start3A_25 : memref<10240xf32, #tpu.memory_space<vmem_shared>>) offsets(%dma_start3A_23 : memref<128xi32, #tpu.memory_space<vmem>>) semaphore(%arg9 : memref<!tpu.dma_semaphore, #tpu.memory_space<semaphore_mem>>) {add = true}
    %dma_start3A_26 = arith.constant 1 : i32
    %dma_start3A_27 = arith.constant 0 : i32
    %dma_start3A_28 = tpu.memref_slice %arg5[%dma_start3A_26, %dma_start3A_27] : memref<40x128xi32, #tpu.memory_space<vmem>> -> memref<1x128xi32, #tpu.memory_space<vmem>>
    %dma_start3A_29 = tpu.memref_squeeze %dma_start3A_28 : memref<1x128xi32, #tpu.memory_space<vmem>> -> memref<128xi32, #tpu.memory_space<vmem>>
    %dma_start3A_30 = arith.constant 0 : i32
    %dma_start3A_31 = tpu.memref_slice %arg4[%dma_start3A_30] : memref<10240xf32, #tpu.memory_space<vmem_shared>> -> memref<10240xf32, #tpu.memory_space<vmem_shared>>
    tpu.enqueue_indirect_dma source(%arg6 : memref<128xf32, #tpu.memory_space<vmem>>) target(%dma_start3A_31 : memref<10240xf32, #tpu.memory_space<vmem_shared>>) offsets(%dma_start3A_29 : memref<128xi32, #tpu.memory_space<vmem>>) semaphore(%arg9 : memref<!tpu.dma_semaphore, #tpu.memory_space<semaphore_mem>>) {add = true}
    %dma_start3A_32 = arith.constant 2 : i32
    %dma_start3A_33 = arith.constant 0 : i32
    %dma_start3A_34 = tpu.memref_slice %arg5[%dma_start3A_32, %dma_start3A_33] : memref<40x128xi32, #tpu.memory_space<vmem>> -> memref<1x128xi32, #tpu.memory_space<vmem>>
    %dma_start3A_35 = tpu.memref_squeeze %dma_start3A_34 : memref<1x128xi32, #tpu.memory_space<vmem>> -> memref<128xi32, #tpu.memory_space<vmem>>
    %dma_start3A_36 = arith.constant 0 : i32
    %dma_start3A_37 = tpu.memref_slice %arg4[%dma_start3A_36] : memref<10240xf32, #tpu.memory_space<vmem_shared>> -> memref<10240xf32, #tpu.memory_space<vmem_shared>>
    tpu.enqueue_indirect_dma source(%arg6 : memref<128xf32, #tpu.memory_space<vmem>>) target(%dma_start3A_37 : memref<10240xf32, #tpu.memory_space<vmem_shared>>) offsets(%dma_start3A_35 : memref<128xi32, #tpu.memory_space<vmem>>) semaphore(%arg9 : memref<!tpu.dma_semaphore, #tpu.memory_space<semaphore_mem>>) {add = true}
    %dma_start3A_38 = arith.constant 3 : i32
    %dma_start3A_39 = arith.constant 0 : i32
    %dma_start3A_40 = tpu.memref_slice %arg5[%dma_start3A_38, %dma_start3A_39] : memref<40x128xi32, #tpu.memory_space<vmem>> -> memref<1x128xi32, #tpu.memory_space<vmem>>
    %dma_start3A_41 = tpu.memref_squeeze %dma_start3A_40 : memref<1x128xi32, #tpu.memory_space<vmem>> -> memref<128xi32, #tpu.memory_space<vmem>>
    %dma_start3A_42 = arith.constant 0 : i32
    %dma_start3A_43 = tpu.memref_slice %arg4[%dma_start3A_42] : memref<10240xf32, #tpu.memory_space<vmem_shared>> -> memref<10240xf32, #tpu.memory_space<vmem_shared>>
    tpu.enqueue_indirect_dma source(%arg6 : memref<128xf32, #tpu.memory_space<vmem>>) target(%dma_start3A_43 : memref<10240xf32, #tpu.memory_space<vmem_shared>>) offsets(%dma_start3A_41 : memref<128xi32, #tpu.memory_space<vmem>>) semaphore(%arg9 : memref<!tpu.dma_semaphore, #tpu.memory_space<semaphore_mem>>) {add = true}
    %dma_wait3A_44 = arith.constant 0 : i32
    %dma_wait3A_45 = arith.constant 0 : i32
    %dma_wait3A_46 = tpu.memref_slice %arg5[%dma_wait3A_44, %dma_wait3A_45] : memref<40x128xi32, #tpu.memory_space<vmem>> -> memref<1x128xi32, #tpu.memory_space<vmem>>
    %dma_wait3A_47 = tpu.memref_squeeze %dma_wait3A_46 : memref<1x128xi32, #tpu.memory_space<vmem>> -> memref<128xi32, #tpu.memory_space<vmem>>
    %dma_wait3A_48 = arith.constant 0 : i32
    %dma_wait3A_49 = tpu.memref_slice %arg4[%dma_wait3A_48] : memref<10240xf32, #tpu.memory_space<vmem_shared>> -> memref<10240xf32, #tpu.memory_space<vmem_shared>>
    tpu.wait_indirect_dma semaphore(%arg9 : memref<!tpu.dma_semaphore, #tpu.memory_space<semaphore_mem>>) src(%arg6 : memref<128xf32, #tpu.memory_space<vmem>>) dst(%dma_wait3A_49 : memref<10240xf32, #tpu.memory_space<vmem_shared>>)
    %dma_wait3A_50 = arith.constant 1 : i32
    %dma_wait3A_51 = arith.constant 0 : i32
    %dma_wait3A_52 = tpu.memref_slice %arg5[%dma_wait3A_50, %dma_wait3A_51] : memref<40x128xi32, #tpu.memory_space<vmem>> -> memref<1x128xi32, #tpu.memory_space<vmem>>
    %dma_wait3A_53 = tpu.memref_squeeze %dma_wait3A_52 : memref<1x128xi32, #tpu.memory_space<vmem>> -> memref<128xi32, #tpu.memory_space<vmem>>
    %dma_wait3A_54 = arith.constant 0 : i32
    %dma_wait3A_55 = tpu.memref_slice %arg4[%dma_wait3A_54] : memref<10240xf32, #tpu.memory_space<vmem_shared>> -> memref<10240xf32, #tpu.memory_space<vmem_shared>>
    tpu.wait_indirect_dma semaphore(%arg9 : memref<!tpu.dma_semaphore, #tpu.memory_space<semaphore_mem>>) src(%arg6 : memref<128xf32, #tpu.memory_space<vmem>>) dst(%dma_wait3A_55 : memref<10240xf32, #tpu.memory_space<vmem_shared>>)
    %dma_wait3A_56 = arith.constant 2 : i32
    %dma_wait3A_57 = arith.constant 0 : i32
    %dma_wait3A_58 = tpu.memref_slice %arg5[%dma_wait3A_56, %dma_wait3A_57] : memref<40x128xi32, #tpu.memory_space<vmem>> -> memref<1x128xi32, #tpu.memory_space<vmem>>
    %dma_wait3A_59 = tpu.memref_squeeze %dma_wait3A_58 : memref<1x128xi32, #tpu.memory_space<vmem>> -> memref<128xi32, #tpu.memory_space<vmem>>
    %dma_wait3A_60 = arith.constant 0 : i32
    %dma_wait3A_61 = tpu.memref_slice %arg4[%dma_wait3A_60] : memref<10240xf32, #tpu.memory_space<vmem_shared>> -> memref<10240xf32, #tpu.memory_space<vmem_shared>>
    tpu.wait_indirect_dma semaphore(%arg9 : memref<!tpu.dma_semaphore, #tpu.memory_space<semaphore_mem>>) src(%arg6 : memref<128xf32, #tpu.memory_space<vmem>>) dst(%dma_wait3A_61 : memref<10240xf32, #tpu.memory_space<vmem_shared>>)
    %dma_wait3A_62 = arith.constant 3 : i32
    %dma_wait3A_63 = arith.constant 0 : i32
    %dma_wait3A_64 = tpu.memref_slice %arg5[%dma_wait3A_62, %dma_wait3A_63] : memref<40x128xi32, #tpu.memory_space<vmem>> -> memref<1x128xi32, #tpu.memory_space<vmem>>
    %dma_wait3A_65 = tpu.memref_squeeze %dma_wait3A_64 : memref<1x128xi32, #tpu.memory_space<vmem>> -> memref<128xi32, #tpu.memory_space<vmem>>
    %dma_wait3A_66 = arith.constant 0 : i32
    %dma_wait3A_67 = tpu.memref_slice %arg4[%dma_wait3A_66] : memref<10240xf32, #tpu.memory_space<vmem_shared>> -> memref<10240xf32, #tpu.memory_space<vmem_shared>>
    tpu.wait_indirect_dma semaphore(%arg9 : memref<!tpu.dma_semaphore, #tpu.memory_space<semaphore_mem>>) src(%arg6 : memref<128xf32, #tpu.memory_space<vmem>>) dst(%dma_wait3A_67 : memref<10240xf32, #tpu.memory_space<vmem_shared>>)
    %dma_start3A_68 = arith.constant 4 : i32
    %dma_start3A_69 = arith.constant 0 : i32
    %dma_start3A_70 = tpu.memref_slice %arg5[%dma_start3A_68, %dma_start3A_69] : memref<40x128xi32, #tpu.memory_space<vmem>> -> memref<1x128xi32, #tpu.memory_space<vmem>>
    %dma_start3A_71 = tpu.memref_squeeze %dma_start3A_70 : memref<1x128xi32, #tpu.memory_space<vmem>> -> memref<128xi32, #tpu.memory_space<vmem>>
    %dma_start3A_72 = arith.constant 0 : i32
    %dma_start3A_73 = tpu.memref_slice %arg4[%dma_start3A_72] : memref<10240xf32, #tpu.memory_space<vmem_shared>> -> memref<10240xf32, #tpu.memory_space<vmem_shared>>
    tpu.enqueue_indirect_dma source(%arg6 : memref<128xf32, #tpu.memory_space<vmem>>) target(%dma_start3A_73 : memref<10240xf32, #tpu.memory_space<vmem_shared>>) offsets(%dma_start3A_71 : memref<128xi32, #tpu.memory_space<vmem>>) semaphore(%arg9 : memref<!tpu.dma_semaphore, #tpu.memory_space<semaphore_mem>>) {add = true}
    %dma_start3A_74 = arith.constant 5 : i32
    %dma_start3A_75 = arith.constant 0 : i32
    %dma_start3A_76 = tpu.memref_slice %arg5[%dma_start3A_74, %dma_start3A_75] : memref<40x128xi32, #tpu.memory_space<vmem>> -> memref<1x128xi32, #tpu.memory_space<vmem>>
    %dma_start3A_77 = tpu.memref_squeeze %dma_start3A_76 : memref<1x128xi32, #tpu.memory_space<vmem>> -> memref<128xi32, #tpu.memory_space<vmem>>
    %dma_start3A_78 = arith.constant 0 : i32
    %dma_start3A_79 = tpu.memref_slice %arg4[%dma_start3A_78] : memref<10240xf32, #tpu.memory_space<vmem_shared>> -> memref<10240xf32, #tpu.memory_space<vmem_shared>>
    tpu.enqueue_indirect_dma source(%arg6 : memref<128xf32, #tpu.memory_space<vmem>>) target(%dma_start3A_79 : memref<10240xf32, #tpu.memory_space<vmem_shared>>) offsets(%dma_start3A_77 : memref<128xi32, #tpu.memory_space<vmem>>) semaphore(%arg9 : memref<!tpu.dma_semaphore, #tpu.memory_space<semaphore_mem>>) {add = true}
    %dma_start3A_80 = arith.constant 6 : i32
    %dma_start3A_81 = arith.constant 0 : i32
    %dma_start3A_82 = tpu.memref_slice %arg5[%dma_start3A_80, %dma_start3A_81] : memref<40x128xi32, #tpu.memory_space<vmem>> -> memref<1x128xi32, #tpu.memory_space<vmem>>
    %dma_start3A_83 = tpu.memref_squeeze %dma_start3A_82 : memref<1x128xi32, #tpu.memory_space<vmem>> -> memref<128xi32, #tpu.memory_space<vmem>>
    %dma_start3A_84 = arith.constant 0 : i32
    %dma_start3A_85 = tpu.memref_slice %arg4[%dma_start3A_84] : memref<10240xf32, #tpu.memory_space<vmem_shared>> -> memref<10240xf32, #tpu.memory_space<vmem_shared>>
    tpu.enqueue_indirect_dma source(%arg6 : memref<128xf32, #tpu.memory_space<vmem>>) target(%dma_start3A_85 : memref<10240xf32, #tpu.memory_space<vmem_shared>>) offsets(%dma_start3A_83 : memref<128xi32, #tpu.memory_space<vmem>>) semaphore(%arg9 : memref<!tpu.dma_semaphore, #tpu.memory_space<semaphore_mem>>) {add = true}
    %dma_start3A_86 = arith.constant 7 : i32
    %dma_start3A_87 = arith.constant 0 : i32
    %dma_start3A_88 = tpu.memref_slice %arg5[%dma_start3A_86, %dma_start3A_87] : memref<40x128xi32, #tpu.memory_space<vmem>> -> memref<1x128xi32, #tpu.memory_space<vmem>>
    %dma_start3A_89 = tpu.memref_squeeze %dma_start3A_88 : memref<1x128xi32, #tpu.memory_space<vmem>> -> memref<128xi32, #tpu.memory_space<vmem>>
    %dma_start3A_90 = arith.constant 0 : i32
    %dma_start3A_91 = tpu.memref_slice %arg4[%dma_start3A_90] : memref<10240xf32, #tpu.memory_space<vmem_shared>> -> memref<10240xf32, #tpu.memory_space<vmem_shared>>
    tpu.enqueue_indirect_dma source(%arg6 : memref<128xf32, #tpu.memory_space<vmem>>) target(%dma_start3A_91 : memref<10240xf32, #tpu.memory_space<vmem_shared>>) offsets(%dma_start3A_89 : memref<128xi32, #tpu.memory_space<vmem>>) semaphore(%arg9 : memref<!tpu.dma_semaphore, #tpu.memory_space<semaphore_mem>>) {add = true}
    %dma_wait3A_92 = arith.constant 4 : i32
    %dma_wait3A_93 = arith.constant 0 : i32
    %dma_wait3A_94 = tpu.memref_slice %arg5[%dma_wait3A_92, %dma_wait3A_93] : memref<40x128xi32, #tpu.memory_space<vmem>> -> memref<1x128xi32, #tpu.memory_space<vmem>>
    %dma_wait3A_95 = tpu.memref_squeeze %dma_wait3A_94 : memref<1x128xi32, #tpu.memory_space<vmem>> -> memref<128xi32, #tpu.memory_space<vmem>>
    %dma_wait3A_96 = arith.constant 0 : i32
    %dma_wait3A_97 = tpu.memref_slice %arg4[%dma_wait3A_96] : memref<10240xf32, #tpu.memory_space<vmem_shared>> -> memref<10240xf32, #tpu.memory_space<vmem_shared>>
    tpu.wait_indirect_dma semaphore(%arg9 : memref<!tpu.dma_semaphore, #tpu.memory_space<semaphore_mem>>) src(%arg6 : memref<128xf32, #tpu.memory_space<vmem>>) dst(%dma_wait3A_97 : memref<10240xf32, #tpu.memory_space<vmem_shared>>)
    %dma_wait3A_98 = arith.constant 5 : i32
    %dma_wait3A_99 = arith.constant 0 : i32
    %dma_wait3A_100 = tpu.memref_slice %arg5[%dma_wait3A_98, %dma_wait3A_99] : memref<40x128xi32, #tpu.memory_space<vmem>> -> memref<1x128xi32, #tpu.memory_space<vmem>>
    %dma_wait3A_101 = tpu.memref_squeeze %dma_wait3A_100 : memref<1x128xi32, #tpu.memory_space<vmem>> -> memref<128xi32, #tpu.memory_space<vmem>>
    %dma_wait3A_102 = arith.constant 0 : i32
    %dma_wait3A_103 = tpu.memref_slice %arg4[%dma_wait3A_102] : memref<10240xf32, #tpu.memory_space<vmem_shared>> -> memref<10240xf32, #tpu.memory_space<vmem_shared>>
    tpu.wait_indirect_dma semaphore(%arg9 : memref<!tpu.dma_semaphore, #tpu.memory_space<semaphore_mem>>) src(%arg6 : memref<128xf32, #tpu.memory_space<vmem>>) dst(%dma_wait3A_103 : memref<10240xf32, #tpu.memory_space<vmem_shared>>)
    %dma_wait3A_104 = arith.constant 6 : i32
    %dma_wait3A_105 = arith.constant 0 : i32
    %dma_wait3A_106 = tpu.memref_slice %arg5[%dma_wait3A_104, %dma_wait3A_105] : memref<40x128xi32, #tpu.memory_space<vmem>> -> memref<1x128xi32, #tpu.memory_space<vmem>>
    %dma_wait3A_107 = tpu.memref_squeeze %dma_wait3A_106 : memref<1x128xi32, #tpu.memory_space<vmem>> -> memref<128xi32, #tpu.memory_space<vmem>>
    %dma_wait3A_108 = arith.constant 0 : i32
    %dma_wait3A_109 = tpu.memref_slice %arg4[%dma_wait3A_108] : memref<10240xf32, #tpu.memory_space<vmem_shared>> -> memref<10240xf32, #tpu.memory_space<vmem_shared>>
    tpu.wait_indirect_dma semaphore(%arg9 : memref<!tpu.dma_semaphore, #tpu.memory_space<semaphore_mem>>) src(%arg6 : memref<128xf32, #tpu.memory_space<vmem>>) dst(%dma_wait3A_109 : memref<10240xf32, #tpu.memory_space<vmem_shared>>)
    %dma_wait3A_110 = arith.constant 7 : i32
    %dma_wait3A_111 = arith.constant 0 : i32
    %dma_wait3A_112 = tpu.memref_slice %arg5[%dma_wait3A_110, %dma_wait3A_111] : memref<40x128xi32, #tpu.memory_space<vmem>> -> memref<1x128xi32, #tpu.memory_space<vmem>>
    %dma_wait3A_113 = tpu.memref_squeeze %dma_wait3A_112 : memref<1x128xi32, #tpu.memory_space<vmem>> -> memref<128xi32, #tpu.memory_space<vmem>>
    %dma_wait3A_114 = arith.constant 0 : i32
    %dma_wait3A_115 = tpu.memref_slice %arg4[%dma_wait3A_114] : memref<10240xf32, #tpu.memory_space<vmem_shared>> -> memref<10240xf32, #tpu.memory_space<vmem_shared>>
    tpu.wait_indirect_dma semaphore(%arg9 : memref<!tpu.dma_semaphore, #tpu.memory_space<semaphore_mem>>) src(%arg6 : memref<128xf32, #tpu.memory_space<vmem>>) dst(%dma_wait3A_115 : memref<10240xf32, #tpu.memory_space<vmem_shared>>)
    %dma_start3A_116 = arith.constant 8 : i32
    %dma_start3A_117 = arith.constant 0 : i32
    %dma_start3A_118 = tpu.memref_slice %arg5[%dma_start3A_116, %dma_start3A_117] : memref<40x128xi32, #tpu.memory_space<vmem>> -> memref<1x128xi32, #tpu.memory_space<vmem>>
    %dma_start3A_119 = tpu.memref_squeeze %dma_start3A_118 : memref<1x128xi32, #tpu.memory_space<vmem>> -> memref<128xi32, #tpu.memory_space<vmem>>
    %dma_start3A_120 = arith.constant 0 : i32
    %dma_start3A_121 = tpu.memref_slice %arg4[%dma_start3A_120] : memref<10240xf32, #tpu.memory_space<vmem_shared>> -> memref<10240xf32, #tpu.memory_space<vmem_shared>>
    tpu.enqueue_indirect_dma source(%arg6 : memref<128xf32, #tpu.memory_space<vmem>>) target(%dma_start3A_121 : memref<10240xf32, #tpu.memory_space<vmem_shared>>) offsets(%dma_start3A_119 : memref<128xi32, #tpu.memory_space<vmem>>) semaphore(%arg9 : memref<!tpu.dma_semaphore, #tpu.memory_space<semaphore_mem>>) {add = true}
    %dma_start3A_122 = arith.constant 9 : i32
    %dma_start3A_123 = arith.constant 0 : i32
    %dma_start3A_124 = tpu.memref_slice %arg5[%dma_start3A_122, %dma_start3A_123] : memref<40x128xi32, #tpu.memory_space<vmem>> -> memref<1x128xi32, #tpu.memory_space<vmem>>
    %dma_start3A_125 = tpu.memref_squeeze %dma_start3A_124 : memref<1x128xi32, #tpu.memory_space<vmem>> -> memref<128xi32, #tpu.memory_space<vmem>>
    %dma_start3A_126 = arith.constant 0 : i32
    %dma_start3A_127 = tpu.memref_slice %arg4[%dma_start3A_126] : memref<10240xf32, #tpu.memory_space<vmem_shared>> -> memref<10240xf32, #tpu.memory_space<vmem_shared>>
    tpu.enqueue_indirect_dma source(%arg6 : memref<128xf32, #tpu.memory_space<vmem>>) target(%dma_start3A_127 : memref<10240xf32, #tpu.memory_space<vmem_shared>>) offsets(%dma_start3A_125 : memref<128xi32, #tpu.memory_space<vmem>>) semaphore(%arg9 : memref<!tpu.dma_semaphore, #tpu.memory_space<semaphore_mem>>) {add = true}
    %dma_start3A_128 = arith.constant 10 : i32
    %dma_start3A_129 = arith.constant 0 : i32
    %dma_start3A_130 = tpu.memref_slice %arg5[%dma_start3A_128, %dma_start3A_129] : memref<40x128xi32, #tpu.memory_space<vmem>> -> memref<1x128xi32, #tpu.memory_space<vmem>>
    %dma_start3A_131 = tpu.memref_squeeze %dma_start3A_130 : memref<1x128xi32, #tpu.memory_space<vmem>> -> memref<128xi32, #tpu.memory_space<vmem>>
    %dma_start3A_132 = arith.constant 0 : i32
    %dma_start3A_133 = tpu.memref_slice %arg4[%dma_start3A_132] : memref<10240xf32, #tpu.memory_space<vmem_shared>> -> memref<10240xf32, #tpu.memory_space<vmem_shared>>
    tpu.enqueue_indirect_dma source(%arg6 : memref<128xf32, #tpu.memory_space<vmem>>) target(%dma_start3A_133 : memref<10240xf32, #tpu.memory_space<vmem_shared>>) offsets(%dma_start3A_131 : memref<128xi32, #tpu.memory_space<vmem>>) semaphore(%arg9 : memref<!tpu.dma_semaphore, #tpu.memory_space<semaphore_mem>>) {add = true}
    %dma_start3A_134 = arith.constant 11 : i32
    %dma_start3A_135 = arith.constant 0 : i32
    %dma_start3A_136 = tpu.memref_slice %arg5[%dma_start3A_134, %dma_start3A_135] : memref<40x128xi32, #tpu.memory_space<vmem>> -> memref<1x128xi32, #tpu.memory_space<vmem>>
    %dma_start3A_137 = tpu.memref_squeeze %dma_start3A_136 : memref<1x128xi32, #tpu.memory_space<vmem>> -> memref<128xi32, #tpu.memory_space<vmem>>
    %dma_start3A_138 = arith.constant 0 : i32
    %dma_start3A_139 = tpu.memref_slice %arg4[%dma_start3A_138] : memref<10240xf32, #tpu.memory_space<vmem_shared>> -> memref<10240xf32, #tpu.memory_space<vmem_shared>>
    tpu.enqueue_indirect_dma source(%arg6 : memref<128xf32, #tpu.memory_space<vmem>>) target(%dma_start3A_139 : memref<10240xf32, #tpu.memory_space<vmem_shared>>) offsets(%dma_start3A_137 : memref<128xi32, #tpu.memory_space<vmem>>) semaphore(%arg9 : memref<!tpu.dma_semaphore, #tpu.memory_space<semaphore_mem>>) {add = true}
    %dma_wait3A_140 = arith.constant 8 : i32
    %dma_wait3A_141 = arith.constant 0 : i32
    %dma_wait3A_142 = tpu.memref_slice %arg5[%dma_wait3A_140, %dma_wait3A_141] : memref<40x128xi32, #tpu.memory_space<vmem>> -> memref<1x128xi32, #tpu.memory_space<vmem>>
    %dma_wait3A_143 = tpu.memref_squeeze %dma_wait3A_142 : memref<1x128xi32, #tpu.memory_space<vmem>> -> memref<128xi32, #tpu.memory_space<vmem>>
    %dma_wait3A_144 = arith.constant 0 : i32
    %dma_wait3A_145 = tpu.memref_slice %arg4[%dma_wait3A_144] : memref<10240xf32, #tpu.memory_space<vmem_shared>> -> memref<10240xf32, #tpu.memory_space<vmem_shared>>
    tpu.wait_indirect_dma semaphore(%arg9 : memref<!tpu.dma_semaphore, #tpu.memory_space<semaphore_mem>>) src(%arg6 : memref<128xf32, #tpu.memory_space<vmem>>) dst(%dma_wait3A_145 : memref<10240xf32, #tpu.memory_space<vmem_shared>>)
    %dma_wait3A_146 = arith.constant 9 : i32
    %dma_wait3A_147 = arith.constant 0 : i32
    %dma_wait3A_148 = tpu.memref_slice %arg5[%dma_wait3A_146, %dma_wait3A_147] : memref<40x128xi32, #tpu.memory_space<vmem>> -> memref<1x128xi32, #tpu.memory_space<vmem>>
    %dma_wait3A_149 = tpu.memref_squeeze %dma_wait3A_148 : memref<1x128xi32, #tpu.memory_space<vmem>> -> memref<128xi32, #tpu.memory_space<vmem>>
    %dma_wait3A_150 = arith.constant 0 : i32
    %dma_wait3A_151 = tpu.memref_slice %arg4[%dma_wait3A_150] : memref<10240xf32, #tpu.memory_space<vmem_shared>> -> memref<10240xf32, #tpu.memory_space<vmem_shared>>
    tpu.wait_indirect_dma semaphore(%arg9 : memref<!tpu.dma_semaphore, #tpu.memory_space<semaphore_mem>>) src(%arg6 : memref<128xf32, #tpu.memory_space<vmem>>) dst(%dma_wait3A_151 : memref<10240xf32, #tpu.memory_space<vmem_shared>>)
    %dma_wait3A_152 = arith.constant 10 : i32
    %dma_wait3A_153 = arith.constant 0 : i32
    %dma_wait3A_154 = tpu.memref_slice %arg5[%dma_wait3A_152, %dma_wait3A_153] : memref<40x128xi32, #tpu.memory_space<vmem>> -> memref<1x128xi32, #tpu.memory_space<vmem>>
    %dma_wait3A_155 = tpu.memref_squeeze %dma_wait3A_154 : memref<1x128xi32, #tpu.memory_space<vmem>> -> memref<128xi32, #tpu.memory_space<vmem>>
    %dma_wait3A_156 = arith.constant 0 : i32
    %dma_wait3A_157 = tpu.memref_slice %arg4[%dma_wait3A_156] : memref<10240xf32, #tpu.memory_space<vmem_shared>> -> memref<10240xf32, #tpu.memory_space<vmem_shared>>
    tpu.wait_indirect_dma semaphore(%arg9 : memref<!tpu.dma_semaphore, #tpu.memory_space<semaphore_mem>>) src(%arg6 : memref<128xf32, #tpu.memory_space<vmem>>) dst(%dma_wait3A_157 : memref<10240xf32, #tpu.memory_space<vmem_shared>>)
    %dma_wait3A_158 = arith.constant 11 : i32
    %dma_wait3A_159 = arith.constant 0 : i32
    %dma_wait3A_160 = tpu.memref_slice %arg5[%dma_wait3A_158, %dma_wait3A_159] : memref<40x128xi32, #tpu.memory_space<vmem>> -> memref<1x128xi32, #tpu.memory_space<vmem>>
    %dma_wait3A_161 = tpu.memref_squeeze %dma_wait3A_160 : memref<1x128xi32, #tpu.memory_space<vmem>> -> memref<128xi32, #tpu.memory_space<vmem>>
    %dma_wait3A_162 = arith.constant 0 : i32
    %dma_wait3A_163 = tpu.memref_slice %arg4[%dma_wait3A_162] : memref<10240xf32, #tpu.memory_space<vmem_shared>> -> memref<10240xf32, #tpu.memory_space<vmem_shared>>
    tpu.wait_indirect_dma semaphore(%arg9 : memref<!tpu.dma_semaphore, #tpu.memory_space<semaphore_mem>>) src(%arg6 : memref<128xf32, #tpu.memory_space<vmem>>) dst(%dma_wait3A_163 : memref<10240xf32, #tpu.memory_space<vmem_shared>>)
    %dma_start3A_164 = arith.constant 12 : i32
    %dma_start3A_165 = arith.constant 0 : i32
    %dma_start3A_166 = tpu.memref_slice %arg5[%dma_start3A_164, %dma_start3A_165] : memref<40x128xi32, #tpu.memory_space<vmem>> -> memref<1x128xi32, #tpu.memory_space<vmem>>
    %dma_start3A_167 = tpu.memref_squeeze %dma_start3A_166 : memref<1x128xi32, #tpu.memory_space<vmem>> -> memref<128xi32, #tpu.memory_space<vmem>>
    %dma_start3A_168 = arith.constant 0 : i32
    %dma_start3A_169 = tpu.memref_slice %arg4[%dma_start3A_168] : memref<10240xf32, #tpu.memory_space<vmem_shared>> -> memref<10240xf32, #tpu.memory_space<vmem_shared>>
    tpu.enqueue_indirect_dma source(%arg6 : memref<128xf32, #tpu.memory_space<vmem>>) target(%dma_start3A_169 : memref<10240xf32, #tpu.memory_space<vmem_shared>>) offsets(%dma_start3A_167 : memref<128xi32, #tpu.memory_space<vmem>>) semaphore(%arg9 : memref<!tpu.dma_semaphore, #tpu.memory_space<semaphore_mem>>) {add = true}
    %dma_start3A_170 = arith.constant 13 : i32
    %dma_start3A_171 = arith.constant 0 : i32
    %dma_start3A_172 = tpu.memref_slice %arg5[%dma_start3A_170, %dma_start3A_171] : memref<40x128xi32, #tpu.memory_space<vmem>> -> memref<1x128xi32, #tpu.memory_space<vmem>>
    %dma_start3A_173 = tpu.memref_squeeze %dma_start3A_172 : memref<1x128xi32, #tpu.memory_space<vmem>> -> memref<128xi32, #tpu.memory_space<vmem>>
    %dma_start3A_174 = arith.constant 0 : i32
    %dma_start3A_175 = tpu.memref_slice %arg4[%dma_start3A_174] : memref<10240xf32, #tpu.memory_space<vmem_shared>> -> memref<10240xf32, #tpu.memory_space<vmem_shared>>
    tpu.enqueue_indirect_dma source(%arg6 : memref<128xf32, #tpu.memory_space<vmem>>) target(%dma_start3A_175 : memref<10240xf32, #tpu.memory_space<vmem_shared>>) offsets(%dma_start3A_173 : memref<128xi32, #tpu.memory_space<vmem>>) semaphore(%arg9 : memref<!tpu.dma_semaphore, #tpu.memory_space<semaphore_mem>>) {add = true}
    %dma_start3A_176 = arith.constant 14 : i32
    %dma_start3A_177 = arith.constant 0 : i32
    %dma_start3A_178 = tpu.memref_slice %arg5[%dma_start3A_176, %dma_start3A_177] : memref<40x128xi32, #tpu.memory_space<vmem>> -> memref<1x128xi32, #tpu.memory_space<vmem>>
    %dma_start3A_179 = tpu.memref_squeeze %dma_start3A_178 : memref<1x128xi32, #tpu.memory_space<vmem>> -> memref<128xi32, #tpu.memory_space<vmem>>
    %dma_start3A_180 = arith.constant 0 : i32
    %dma_start3A_181 = tpu.memref_slice %arg4[%dma_start3A_180] : memref<10240xf32, #tpu.memory_space<vmem_shared>> -> memref<10240xf32, #tpu.memory_space<vmem_shared>>
    tpu.enqueue_indirect_dma source(%arg6 : memref<128xf32, #tpu.memory_space<vmem>>) target(%dma_start3A_181 : memref<10240xf32, #tpu.memory_space<vmem_shared>>) offsets(%dma_start3A_179 : memref<128xi32, #tpu.memory_space<vmem>>) semaphore(%arg9 : memref<!tpu.dma_semaphore, #tpu.memory_space<semaphore_mem>>) {add = true}
    %dma_start3A_182 = arith.constant 15 : i32
    %dma_start3A_183 = arith.constant 0 : i32
    %dma_start3A_184 = tpu.memref_slice %arg5[%dma_start3A_182, %dma_start3A_183] : memref<40x128xi32, #tpu.memory_space<vmem>> -> memref<1x128xi32, #tpu.memory_space<vmem>>
    %dma_start3A_185 = tpu.memref_squeeze %dma_start3A_184 : memref<1x128xi32, #tpu.memory_space<vmem>> -> memref<128xi32, #tpu.memory_space<vmem>>
    %dma_start3A_186 = arith.constant 0 : i32
    %dma_start3A_187 = tpu.memref_slice %arg4[%dma_start3A_186] : memref<10240xf32, #tpu.memory_space<vmem_shared>> -> memref<10240xf32, #tpu.memory_space<vmem_shared>>
    tpu.enqueue_indirect_dma source(%arg6 : memref<128xf32, #tpu.memory_space<vmem>>) target(%dma_start3A_187 : memref<10240xf32, #tpu.memory_space<vmem_shared>>) offsets(%dma_start3A_185 : memref<128xi32, #tpu.memory_space<vmem>>) semaphore(%arg9 : memref<!tpu.dma_semaphore, #tpu.memory_space<semaphore_mem>>) {add = true}
    %dma_wait3A_188 = arith.constant 12 : i32
    %dma_wait3A_189 = arith.constant 0 : i32
    %dma_wait3A_190 = tpu.memref_slice %arg5[%dma_wait3A_188, %dma_wait3A_189] : memref<40x128xi32, #tpu.memory_space<vmem>> -> memref<1x128xi32, #tpu.memory_space<vmem>>
    %dma_wait3A_191 = tpu.memref_squeeze %dma_wait3A_190 : memref<1x128xi32, #tpu.memory_space<vmem>> -> memref<128xi32, #tpu.memory_space<vmem>>
    %dma_wait3A_192 = arith.constant 0 : i32
    %dma_wait3A_193 = tpu.memref_slice %arg4[%dma_wait3A_192] : memref<10240xf32, #tpu.memory_space<vmem_shared>> -> memref<10240xf32, #tpu.memory_space<vmem_shared>>
    tpu.wait_indirect_dma semaphore(%arg9 : memref<!tpu.dma_semaphore, #tpu.memory_space<semaphore_mem>>) src(%arg6 : memref<128xf32, #tpu.memory_space<vmem>>) dst(%dma_wait3A_193 : memref<10240xf32, #tpu.memory_space<vmem_shared>>)
    %dma_wait3A_194 = arith.constant 13 : i32
    %dma_wait3A_195 = arith.constant 0 : i32
    %dma_wait3A_196 = tpu.memref_slice %arg5[%dma_wait3A_194, %dma_wait3A_195] : memref<40x128xi32, #tpu.memory_space<vmem>> -> memref<1x128xi32, #tpu.memory_space<vmem>>
    %dma_wait3A_197 = tpu.memref_squeeze %dma_wait3A_196 : memref<1x128xi32, #tpu.memory_space<vmem>> -> memref<128xi32, #tpu.memory_space<vmem>>
    %dma_wait3A_198 = arith.constant 0 : i32
    %dma_wait3A_199 = tpu.memref_slice %arg4[%dma_wait3A_198] : memref<10240xf32, #tpu.memory_space<vmem_shared>> -> memref<10240xf32, #tpu.memory_space<vmem_shared>>
    tpu.wait_indirect_dma semaphore(%arg9 : memref<!tpu.dma_semaphore, #tpu.memory_space<semaphore_mem>>) src(%arg6 : memref<128xf32, #tpu.memory_space<vmem>>) dst(%dma_wait3A_199 : memref<10240xf32, #tpu.memory_space<vmem_shared>>)
    %dma_wait3A_200 = arith.constant 14 : i32
    %dma_wait3A_201 = arith.constant 0 : i32
    %dma_wait3A_202 = tpu.memref_slice %arg5[%dma_wait3A_200, %dma_wait3A_201] : memref<40x128xi32, #tpu.memory_space<vmem>> -> memref<1x128xi32, #tpu.memory_space<vmem>>
    %dma_wait3A_203 = tpu.memref_squeeze %dma_wait3A_202 : memref<1x128xi32, #tpu.memory_space<vmem>> -> memref<128xi32, #tpu.memory_space<vmem>>
    %dma_wait3A_204 = arith.constant 0 : i32
    %dma_wait3A_205 = tpu.memref_slice %arg4[%dma_wait3A_204] : memref<10240xf32, #tpu.memory_space<vmem_shared>> -> memref<10240xf32, #tpu.memory_space<vmem_shared>>
    tpu.wait_indirect_dma semaphore(%arg9 : memref<!tpu.dma_semaphore, #tpu.memory_space<semaphore_mem>>) src(%arg6 : memref<128xf32, #tpu.memory_space<vmem>>) dst(%dma_wait3A_205 : memref<10240xf32, #tpu.memory_space<vmem_shared>>)
    %dma_wait3A_206 = arith.constant 15 : i32
    %dma_wait3A_207 = arith.constant 0 : i32
    %dma_wait3A_208 = tpu.memref_slice %arg5[%dma_wait3A_206, %dma_wait3A_207] : memref<40x128xi32, #tpu.memory_space<vmem>> -> memref<1x128xi32, #tpu.memory_space<vmem>>
    %dma_wait3A_209 = tpu.memref_squeeze %dma_wait3A_208 : memref<1x128xi32, #tpu.memory_space<vmem>> -> memref<128xi32, #tpu.memory_space<vmem>>
    %dma_wait3A_210 = arith.constant 0 : i32
    %dma_wait3A_211 = tpu.memref_slice %arg4[%dma_wait3A_210] : memref<10240xf32, #tpu.memory_space<vmem_shared>> -> memref<10240xf32, #tpu.memory_space<vmem_shared>>
    tpu.wait_indirect_dma semaphore(%arg9 : memref<!tpu.dma_semaphore, #tpu.memory_space<semaphore_mem>>) src(%arg6 : memref<128xf32, #tpu.memory_space<vmem>>) dst(%dma_wait3A_211 : memref<10240xf32, #tpu.memory_space<vmem_shared>>)
    %dma_start3A_212 = arith.constant 16 : i32
    %dma_start3A_213 = arith.constant 0 : i32
    %dma_start3A_214 = tpu.memref_slice %arg5[%dma_start3A_212, %dma_start3A_213] : memref<40x128xi32, #tpu.memory_space<vmem>> -> memref<1x128xi32, #tpu.memory_space<vmem>>
    %dma_start3A_215 = tpu.memref_squeeze %dma_start3A_214 : memref<1x128xi32, #tpu.memory_space<vmem>> -> memref<128xi32, #tpu.memory_space<vmem>>
    %dma_start3A_216 = arith.constant 0 : i32
    %dma_start3A_217 = tpu.memref_slice %arg4[%dma_start3A_216] : memref<10240xf32, #tpu.memory_space<vmem_shared>> -> memref<10240xf32, #tpu.memory_space<vmem_shared>>
    tpu.enqueue_indirect_dma source(%arg6 : memref<128xf32, #tpu.memory_space<vmem>>) target(%dma_start3A_217 : memref<10240xf32, #tpu.memory_space<vmem_shared>>) offsets(%dma_start3A_215 : memref<128xi32, #tpu.memory_space<vmem>>) semaphore(%arg9 : memref<!tpu.dma_semaphore, #tpu.memory_space<semaphore_mem>>) {add = true}
    %dma_start3A_218 = arith.constant 17 : i32
    %dma_start3A_219 = arith.constant 0 : i32
    %dma_start3A_220 = tpu.memref_slice %arg5[%dma_start3A_218, %dma_start3A_219] : memref<40x128xi32, #tpu.memory_space<vmem>> -> memref<1x128xi32, #tpu.memory_space<vmem>>
    %dma_start3A_221 = tpu.memref_squeeze %dma_start3A_220 : memref<1x128xi32, #tpu.memory_space<vmem>> -> memref<128xi32, #tpu.memory_space<vmem>>
    %dma_start3A_222 = arith.constant 0 : i32
    %dma_start3A_223 = tpu.memref_slice %arg4[%dma_start3A_222] : memref<10240xf32, #tpu.memory_space<vmem_shared>> -> memref<10240xf32, #tpu.memory_space<vmem_shared>>
    tpu.enqueue_indirect_dma source(%arg6 : memref<128xf32, #tpu.memory_space<vmem>>) target(%dma_start3A_223 : memref<10240xf32, #tpu.memory_space<vmem_shared>>) offsets(%dma_start3A_221 : memref<128xi32, #tpu.memory_space<vmem>>) semaphore(%arg9 : memref<!tpu.dma_semaphore, #tpu.memory_space<semaphore_mem>>) {add = true}
    %dma_start3A_224 = arith.constant 18 : i32
    %dma_start3A_225 = arith.constant 0 : i32
    %dma_start3A_226 = tpu.memref_slice %arg5[%dma_start3A_224, %dma_start3A_225] : memref<40x128xi32, #tpu.memory_space<vmem>> -> memref<1x128xi32, #tpu.memory_space<vmem>>
    %dma_start3A_227 = tpu.memref_squeeze %dma_start3A_226 : memref<1x128xi32, #tpu.memory_space<vmem>> -> memref<128xi32, #tpu.memory_space<vmem>>
    %dma_start3A_228 = arith.constant 0 : i32
    %dma_start3A_229 = tpu.memref_slice %arg4[%dma_start3A_228] : memref<10240xf32, #tpu.memory_space<vmem_shared>> -> memref<10240xf32, #tpu.memory_space<vmem_shared>>
    tpu.enqueue_indirect_dma source(%arg6 : memref<128xf32, #tpu.memory_space<vmem>>) target(%dma_start3A_229 : memref<10240xf32, #tpu.memory_space<vmem_shared>>) offsets(%dma_start3A_227 : memref<128xi32, #tpu.memory_space<vmem>>) semaphore(%arg9 : memref<!tpu.dma_semaphore, #tpu.memory_space<semaphore_mem>>) {add = true}
    %dma_start3A_230 = arith.constant 19 : i32
    %dma_start3A_231 = arith.constant 0 : i32
    %dma_start3A_232 = tpu.memref_slice %arg5[%dma_start3A_230, %dma_start3A_231] : memref<40x128xi32, #tpu.memory_space<vmem>> -> memref<1x128xi32, #tpu.memory_space<vmem>>
    %dma_start3A_233 = tpu.memref_squeeze %dma_start3A_232 : memref<1x128xi32, #tpu.memory_space<vmem>> -> memref<128xi32, #tpu.memory_space<vmem>>
    %dma_start3A_234 = arith.constant 0 : i32
    %dma_start3A_235 = tpu.memref_slice %arg4[%dma_start3A_234] : memref<10240xf32, #tpu.memory_space<vmem_shared>> -> memref<10240xf32, #tpu.memory_space<vmem_shared>>
    tpu.enqueue_indirect_dma source(%arg6 : memref<128xf32, #tpu.memory_space<vmem>>) target(%dma_start3A_235 : memref<10240xf32, #tpu.memory_space<vmem_shared>>) offsets(%dma_start3A_233 : memref<128xi32, #tpu.memory_space<vmem>>) semaphore(%arg9 : memref<!tpu.dma_semaphore, #tpu.memory_space<semaphore_mem>>) {add = true}
    %dma_wait3A_236 = arith.constant 16 : i32
    %dma_wait3A_237 = arith.constant 0 : i32
    %dma_wait3A_238 = tpu.memref_slice %arg5[%dma_wait3A_236, %dma_wait3A_237] : memref<40x128xi32, #tpu.memory_space<vmem>> -> memref<1x128xi32, #tpu.memory_space<vmem>>
    %dma_wait3A_239 = tpu.memref_squeeze %dma_wait3A_238 : memref<1x128xi32, #tpu.memory_space<vmem>> -> memref<128xi32, #tpu.memory_space<vmem>>
    %dma_wait3A_240 = arith.constant 0 : i32
    %dma_wait3A_241 = tpu.memref_slice %arg4[%dma_wait3A_240] : memref<10240xf32, #tpu.memory_space<vmem_shared>> -> memref<10240xf32, #tpu.memory_space<vmem_shared>>
    tpu.wait_indirect_dma semaphore(%arg9 : memref<!tpu.dma_semaphore, #tpu.memory_space<semaphore_mem>>) src(%arg6 : memref<128xf32, #tpu.memory_space<vmem>>) dst(%dma_wait3A_241 : memref<10240xf32, #tpu.memory_space<vmem_shared>>)
    %dma_wait3A_242 = arith.constant 17 : i32
    %dma_wait3A_243 = arith.constant 0 : i32
    %dma_wait3A_244 = tpu.memref_slice %arg5[%dma_wait3A_242, %dma_wait3A_243] : memref<40x128xi32, #tpu.memory_space<vmem>> -> memref<1x128xi32, #tpu.memory_space<vmem>>
    %dma_wait3A_245 = tpu.memref_squeeze %dma_wait3A_244 : memref<1x128xi32, #tpu.memory_space<vmem>> -> memref<128xi32, #tpu.memory_space<vmem>>
    %dma_wait3A_246 = arith.constant 0 : i32
    %dma_wait3A_247 = tpu.memref_slice %arg4[%dma_wait3A_246] : memref<10240xf32, #tpu.memory_space<vmem_shared>> -> memref<10240xf32, #tpu.memory_space<vmem_shared>>
    tpu.wait_indirect_dma semaphore(%arg9 : memref<!tpu.dma_semaphore, #tpu.memory_space<semaphore_mem>>) src(%arg6 : memref<128xf32, #tpu.memory_space<vmem>>) dst(%dma_wait3A_247 : memref<10240xf32, #tpu.memory_space<vmem_shared>>)
    %dma_wait3A_248 = arith.constant 18 : i32
    %dma_wait3A_249 = arith.constant 0 : i32
    %dma_wait3A_250 = tpu.memref_slice %arg5[%dma_wait3A_248, %dma_wait3A_249] : memref<40x128xi32, #tpu.memory_space<vmem>> -> memref<1x128xi32, #tpu.memory_space<vmem>>
    %dma_wait3A_251 = tpu.memref_squeeze %dma_wait3A_250 : memref<1x128xi32, #tpu.memory_space<vmem>> -> memref<128xi32, #tpu.memory_space<vmem>>
    %dma_wait3A_252 = arith.constant 0 : i32
    %dma_wait3A_253 = tpu.memref_slice %arg4[%dma_wait3A_252] : memref<10240xf32, #tpu.memory_space<vmem_shared>> -> memref<10240xf32, #tpu.memory_space<vmem_shared>>
    tpu.wait_indirect_dma semaphore(%arg9 : memref<!tpu.dma_semaphore, #tpu.memory_space<semaphore_mem>>) src(%arg6 : memref<128xf32, #tpu.memory_space<vmem>>) dst(%dma_wait3A_253 : memref<10240xf32, #tpu.memory_space<vmem_shared>>)
    %dma_wait3A_254 = arith.constant 19 : i32
    %dma_wait3A_255 = arith.constant 0 : i32
    %dma_wait3A_256 = tpu.memref_slice %arg5[%dma_wait3A_254, %dma_wait3A_255] : memref<40x128xi32, #tpu.memory_space<vmem>> -> memref<1x128xi32, #tpu.memory_space<vmem>>
    %dma_wait3A_257 = tpu.memref_squeeze %dma_wait3A_256 : memref<1x128xi32, #tpu.memory_space<vmem>> -> memref<128xi32, #tpu.memory_space<vmem>>
    %dma_wait3A_258 = arith.constant 0 : i32
    %dma_wait3A_259 = tpu.memref_slice %arg4[%dma_wait3A_258] : memref<10240xf32, #tpu.memory_space<vmem_shared>> -> memref<10240xf32, #tpu.memory_space<vmem_shared>>
    tpu.wait_indirect_dma semaphore(%arg9 : memref<!tpu.dma_semaphore, #tpu.memory_space<semaphore_mem>>) src(%arg6 : memref<128xf32, #tpu.memory_space<vmem>>) dst(%dma_wait3A_259 : memref<10240xf32, #tpu.memory_space<vmem_shared>>)
    %dma_start3A_260 = arith.constant 20 : i32
    %dma_start3A_261 = arith.constant 0 : i32
    %dma_start3A_262 = tpu.memref_slice %arg5[%dma_start3A_260, %dma_start3A_261] : memref<40x128xi32, #tpu.memory_space<vmem>> -> memref<1x128xi32, #tpu.memory_space<vmem>>
    %dma_start3A_263 = tpu.memref_squeeze %dma_start3A_262 : memref<1x128xi32, #tpu.memory_space<vmem>> -> memref<128xi32, #tpu.memory_space<vmem>>
    %dma_start3A_264 = arith.constant 0 : i32
    %dma_start3A_265 = tpu.memref_slice %arg4[%dma_start3A_264] : memref<10240xf32, #tpu.memory_space<vmem_shared>> -> memref<10240xf32, #tpu.memory_space<vmem_shared>>
    tpu.enqueue_indirect_dma source(%arg6 : memref<128xf32, #tpu.memory_space<vmem>>) target(%dma_start3A_265 : memref<10240xf32, #tpu.memory_space<vmem_shared>>) offsets(%dma_start3A_263 : memref<128xi32, #tpu.memory_space<vmem>>) semaphore(%arg9 : memref<!tpu.dma_semaphore, #tpu.memory_space<semaphore_mem>>) {add = true}
    %dma_start3A_266 = arith.constant 21 : i32
    %dma_start3A_267 = arith.constant 0 : i32
    %dma_start3A_268 = tpu.memref_slice %arg5[%dma_start3A_266, %dma_start3A_267] : memref<40x128xi32, #tpu.memory_space<vmem>> -> memref<1x128xi32, #tpu.memory_space<vmem>>
    %dma_start3A_269 = tpu.memref_squeeze %dma_start3A_268 : memref<1x128xi32, #tpu.memory_space<vmem>> -> memref<128xi32, #tpu.memory_space<vmem>>
    %dma_start3A_270 = arith.constant 0 : i32
    %dma_start3A_271 = tpu.memref_slice %arg4[%dma_start3A_270] : memref<10240xf32, #tpu.memory_space<vmem_shared>> -> memref<10240xf32, #tpu.memory_space<vmem_shared>>
    tpu.enqueue_indirect_dma source(%arg6 : memref<128xf32, #tpu.memory_space<vmem>>) target(%dma_start3A_271 : memref<10240xf32, #tpu.memory_space<vmem_shared>>) offsets(%dma_start3A_269 : memref<128xi32, #tpu.memory_space<vmem>>) semaphore(%arg9 : memref<!tpu.dma_semaphore, #tpu.memory_space<semaphore_mem>>) {add = true}
    %dma_start3A_272 = arith.constant 22 : i32
    %dma_start3A_273 = arith.constant 0 : i32
    %dma_start3A_274 = tpu.memref_slice %arg5[%dma_start3A_272, %dma_start3A_273] : memref<40x128xi32, #tpu.memory_space<vmem>> -> memref<1x128xi32, #tpu.memory_space<vmem>>
    %dma_start3A_275 = tpu.memref_squeeze %dma_start3A_274 : memref<1x128xi32, #tpu.memory_space<vmem>> -> memref<128xi32, #tpu.memory_space<vmem>>
    %dma_start3A_276 = arith.constant 0 : i32
    %dma_start3A_277 = tpu.memref_slice %arg4[%dma_start3A_276] : memref<10240xf32, #tpu.memory_space<vmem_shared>> -> memref<10240xf32, #tpu.memory_space<vmem_shared>>
    tpu.enqueue_indirect_dma source(%arg6 : memref<128xf32, #tpu.memory_space<vmem>>) target(%dma_start3A_277 : memref<10240xf32, #tpu.memory_space<vmem_shared>>) offsets(%dma_start3A_275 : memref<128xi32, #tpu.memory_space<vmem>>) semaphore(%arg9 : memref<!tpu.dma_semaphore, #tpu.memory_space<semaphore_mem>>) {add = true}
    %dma_start3A_278 = arith.constant 23 : i32
    %dma_start3A_279 = arith.constant 0 : i32
    %dma_start3A_280 = tpu.memref_slice %arg5[%dma_start3A_278, %dma_start3A_279] : memref<40x128xi32, #tpu.memory_space<vmem>> -> memref<1x128xi32, #tpu.memory_space<vmem>>
    %dma_start3A_281 = tpu.memref_squeeze %dma_start3A_280 : memref<1x128xi32, #tpu.memory_space<vmem>> -> memref<128xi32, #tpu.memory_space<vmem>>
    %dma_start3A_282 = arith.constant 0 : i32
    %dma_start3A_283 = tpu.memref_slice %arg4[%dma_start3A_282] : memref<10240xf32, #tpu.memory_space<vmem_shared>> -> memref<10240xf32, #tpu.memory_space<vmem_shared>>
    tpu.enqueue_indirect_dma source(%arg6 : memref<128xf32, #tpu.memory_space<vmem>>) target(%dma_start3A_283 : memref<10240xf32, #tpu.memory_space<vmem_shared>>) offsets(%dma_start3A_281 : memref<128xi32, #tpu.memory_space<vmem>>) semaphore(%arg9 : memref<!tpu.dma_semaphore, #tpu.memory_space<semaphore_mem>>) {add = true}
    %dma_wait3A_284 = arith.constant 20 : i32
    %dma_wait3A_285 = arith.constant 0 : i32
    %dma_wait3A_286 = tpu.memref_slice %arg5[%dma_wait3A_284, %dma_wait3A_285] : memref<40x128xi32, #tpu.memory_space<vmem>> -> memref<1x128xi32, #tpu.memory_space<vmem>>
    %dma_wait3A_287 = tpu.memref_squeeze %dma_wait3A_286 : memref<1x128xi32, #tpu.memory_space<vmem>> -> memref<128xi32, #tpu.memory_space<vmem>>
    %dma_wait3A_288 = arith.constant 0 : i32
    %dma_wait3A_289 = tpu.memref_slice %arg4[%dma_wait3A_288] : memref<10240xf32, #tpu.memory_space<vmem_shared>> -> memref<10240xf32, #tpu.memory_space<vmem_shared>>
    tpu.wait_indirect_dma semaphore(%arg9 : memref<!tpu.dma_semaphore, #tpu.memory_space<semaphore_mem>>) src(%arg6 : memref<128xf32, #tpu.memory_space<vmem>>) dst(%dma_wait3A_289 : memref<10240xf32, #tpu.memory_space<vmem_shared>>)
    %dma_wait3A_290 = arith.constant 21 : i32
    %dma_wait3A_291 = arith.constant 0 : i32
    %dma_wait3A_292 = tpu.memref_slice %arg5[%dma_wait3A_290, %dma_wait3A_291] : memref<40x128xi32, #tpu.memory_space<vmem>> -> memref<1x128xi32, #tpu.memory_space<vmem>>
    %dma_wait3A_293 = tpu.memref_squeeze %dma_wait3A_292 : memref<1x128xi32, #tpu.memory_space<vmem>> -> memref<128xi32, #tpu.memory_space<vmem>>
    %dma_wait3A_294 = arith.constant 0 : i32
    %dma_wait3A_295 = tpu.memref_slice %arg4[%dma_wait3A_294] : memref<10240xf32, #tpu.memory_space<vmem_shared>> -> memref<10240xf32, #tpu.memory_space<vmem_shared>>
    tpu.wait_indirect_dma semaphore(%arg9 : memref<!tpu.dma_semaphore, #tpu.memory_space<semaphore_mem>>) src(%arg6 : memref<128xf32, #tpu.memory_space<vmem>>) dst(%dma_wait3A_295 : memref<10240xf32, #tpu.memory_space<vmem_shared>>)
    %dma_wait3A_296 = arith.constant 22 : i32
    %dma_wait3A_297 = arith.constant 0 : i32
    %dma_wait3A_298 = tpu.memref_slice %arg5[%dma_wait3A_296, %dma_wait3A_297] : memref<40x128xi32, #tpu.memory_space<vmem>> -> memref<1x128xi32, #tpu.memory_space<vmem>>
    %dma_wait3A_299 = tpu.memref_squeeze %dma_wait3A_298 : memref<1x128xi32, #tpu.memory_space<vmem>> -> memref<128xi32, #tpu.memory_space<vmem>>
    %dma_wait3A_300 = arith.constant 0 : i32
    %dma_wait3A_301 = tpu.memref_slice %arg4[%dma_wait3A_300] : memref<10240xf32, #tpu.memory_space<vmem_shared>> -> memref<10240xf32, #tpu.memory_space<vmem_shared>>
    tpu.wait_indirect_dma semaphore(%arg9 : memref<!tpu.dma_semaphore, #tpu.memory_space<semaphore_mem>>) src(%arg6 : memref<128xf32, #tpu.memory_space<vmem>>) dst(%dma_wait3A_301 : memref<10240xf32, #tpu.memory_space<vmem_shared>>)
    %dma_wait3A_302 = arith.constant 23 : i32
    %dma_wait3A_303 = arith.constant 0 : i32
    %dma_wait3A_304 = tpu.memref_slice %arg5[%dma_wait3A_302, %dma_wait3A_303] : memref<40x128xi32, #tpu.memory_space<vmem>> -> memref<1x128xi32, #tpu.memory_space<vmem>>
    %dma_wait3A_305 = tpu.memref_squeeze %dma_wait3A_304 : memref<1x128xi32, #tpu.memory_space<vmem>> -> memref<128xi32, #tpu.memory_space<vmem>>
    %dma_wait3A_306 = arith.constant 0 : i32
    %dma_wait3A_307 = tpu.memref_slice %arg4[%dma_wait3A_306] : memref<10240xf32, #tpu.memory_space<vmem_shared>> -> memref<10240xf32, #tpu.memory_space<vmem_shared>>
    tpu.wait_indirect_dma semaphore(%arg9 : memref<!tpu.dma_semaphore, #tpu.memory_space<semaphore_mem>>) src(%arg6 : memref<128xf32, #tpu.memory_space<vmem>>) dst(%dma_wait3A_307 : memref<10240xf32, #tpu.memory_space<vmem_shared>>)
    %dma_start3A_308 = arith.constant 24 : i32
    %dma_start3A_309 = arith.constant 0 : i32
    %dma_start3A_310 = tpu.memref_slice %arg5[%dma_start3A_308, %dma_start3A_309] : memref<40x128xi32, #tpu.memory_space<vmem>> -> memref<1x128xi32, #tpu.memory_space<vmem>>
    %dma_start3A_311 = tpu.memref_squeeze %dma_start3A_310 : memref<1x128xi32, #tpu.memory_space<vmem>> -> memref<128xi32, #tpu.memory_space<vmem>>
    %dma_start3A_312 = arith.constant 0 : i32
    %dma_start3A_313 = tpu.memref_slice %arg4[%dma_start3A_312] : memref<10240xf32, #tpu.memory_space<vmem_shared>> -> memref<10240xf32, #tpu.memory_space<vmem_shared>>
    tpu.enqueue_indirect_dma source(%arg6 : memref<128xf32, #tpu.memory_space<vmem>>) target(%dma_start3A_313 : memref<10240xf32, #tpu.memory_space<vmem_shared>>) offsets(%dma_start3A_311 : memref<128xi32, #tpu.memory_space<vmem>>) semaphore(%arg9 : memref<!tpu.dma_semaphore, #tpu.memory_space<semaphore_mem>>) {add = true}
    %dma_start3A_314 = arith.constant 25 : i32
    %dma_start3A_315 = arith.constant 0 : i32
    %dma_start3A_316 = tpu.memref_slice %arg5[%dma_start3A_314, %dma_start3A_315] : memref<40x128xi32, #tpu.memory_space<vmem>> -> memref<1x128xi32, #tpu.memory_space<vmem>>
    %dma_start3A_317 = tpu.memref_squeeze %dma_start3A_316 : memref<1x128xi32, #tpu.memory_space<vmem>> -> memref<128xi32, #tpu.memory_space<vmem>>
    %dma_start3A_318 = arith.constant 0 : i32
    %dma_start3A_319 = tpu.memref_slice %arg4[%dma_start3A_318] : memref<10240xf32, #tpu.memory_space<vmem_shared>> -> memref<10240xf32, #tpu.memory_space<vmem_shared>>
    tpu.enqueue_indirect_dma source(%arg6 : memref<128xf32, #tpu.memory_space<vmem>>) target(%dma_start3A_319 : memref<10240xf32, #tpu.memory_space<vmem_shared>>) offsets(%dma_start3A_317 : memref<128xi32, #tpu.memory_space<vmem>>) semaphore(%arg9 : memref<!tpu.dma_semaphore, #tpu.memory_space<semaphore_mem>>) {add = true}
    %dma_start3A_320 = arith.constant 26 : i32
    %dma_start3A_321 = arith.constant 0 : i32
    %dma_start3A_322 = tpu.memref_slice %arg5[%dma_start3A_320, %dma_start3A_321] : memref<40x128xi32, #tpu.memory_space<vmem>> -> memref<1x128xi32, #tpu.memory_space<vmem>>
    %dma_start3A_323 = tpu.memref_squeeze %dma_start3A_322 : memref<1x128xi32, #tpu.memory_space<vmem>> -> memref<128xi32, #tpu.memory_space<vmem>>
    %dma_start3A_324 = arith.constant 0 : i32
    %dma_start3A_325 = tpu.memref_slice %arg4[%dma_start3A_324] : memref<10240xf32, #tpu.memory_space<vmem_shared>> -> memref<10240xf32, #tpu.memory_space<vmem_shared>>
    tpu.enqueue_indirect_dma source(%arg6 : memref<128xf32, #tpu.memory_space<vmem>>) target(%dma_start3A_325 : memref<10240xf32, #tpu.memory_space<vmem_shared>>) offsets(%dma_start3A_323 : memref<128xi32, #tpu.memory_space<vmem>>) semaphore(%arg9 : memref<!tpu.dma_semaphore, #tpu.memory_space<semaphore_mem>>) {add = true}
    %dma_start3A_326 = arith.constant 27 : i32
    %dma_start3A_327 = arith.constant 0 : i32
    %dma_start3A_328 = tpu.memref_slice %arg5[%dma_start3A_326, %dma_start3A_327] : memref<40x128xi32, #tpu.memory_space<vmem>> -> memref<1x128xi32, #tpu.memory_space<vmem>>
    %dma_start3A_329 = tpu.memref_squeeze %dma_start3A_328 : memref<1x128xi32, #tpu.memory_space<vmem>> -> memref<128xi32, #tpu.memory_space<vmem>>
    %dma_start3A_330 = arith.constant 0 : i32
    %dma_start3A_331 = tpu.memref_slice %arg4[%dma_start3A_330] : memref<10240xf32, #tpu.memory_space<vmem_shared>> -> memref<10240xf32, #tpu.memory_space<vmem_shared>>
    tpu.enqueue_indirect_dma source(%arg6 : memref<128xf32, #tpu.memory_space<vmem>>) target(%dma_start3A_331 : memref<10240xf32, #tpu.memory_space<vmem_shared>>) offsets(%dma_start3A_329 : memref<128xi32, #tpu.memory_space<vmem>>) semaphore(%arg9 : memref<!tpu.dma_semaphore, #tpu.memory_space<semaphore_mem>>) {add = true}
    %dma_wait3A_332 = arith.constant 24 : i32
    %dma_wait3A_333 = arith.constant 0 : i32
    %dma_wait3A_334 = tpu.memref_slice %arg5[%dma_wait3A_332, %dma_wait3A_333] : memref<40x128xi32, #tpu.memory_space<vmem>> -> memref<1x128xi32, #tpu.memory_space<vmem>>
    %dma_wait3A_335 = tpu.memref_squeeze %dma_wait3A_334 : memref<1x128xi32, #tpu.memory_space<vmem>> -> memref<128xi32, #tpu.memory_space<vmem>>
    %dma_wait3A_336 = arith.constant 0 : i32
    %dma_wait3A_337 = tpu.memref_slice %arg4[%dma_wait3A_336] : memref<10240xf32, #tpu.memory_space<vmem_shared>> -> memref<10240xf32, #tpu.memory_space<vmem_shared>>
    tpu.wait_indirect_dma semaphore(%arg9 : memref<!tpu.dma_semaphore, #tpu.memory_space<semaphore_mem>>) src(%arg6 : memref<128xf32, #tpu.memory_space<vmem>>) dst(%dma_wait3A_337 : memref<10240xf32, #tpu.memory_space<vmem_shared>>)
    %dma_wait3A_338 = arith.constant 25 : i32
    %dma_wait3A_339 = arith.constant 0 : i32
    %dma_wait3A_340 = tpu.memref_slice %arg5[%dma_wait3A_338, %dma_wait3A_339] : memref<40x128xi32, #tpu.memory_space<vmem>> -> memref<1x128xi32, #tpu.memory_space<vmem>>
    %dma_wait3A_341 = tpu.memref_squeeze %dma_wait3A_340 : memref<1x128xi32, #tpu.memory_space<vmem>> -> memref<128xi32, #tpu.memory_space<vmem>>
    %dma_wait3A_342 = arith.constant 0 : i32
    %dma_wait3A_343 = tpu.memref_slice %arg4[%dma_wait3A_342] : memref<10240xf32, #tpu.memory_space<vmem_shared>> -> memref<10240xf32, #tpu.memory_space<vmem_shared>>
    tpu.wait_indirect_dma semaphore(%arg9 : memref<!tpu.dma_semaphore, #tpu.memory_space<semaphore_mem>>) src(%arg6 : memref<128xf32, #tpu.memory_space<vmem>>) dst(%dma_wait3A_343 : memref<10240xf32, #tpu.memory_space<vmem_shared>>)
    %dma_wait3A_344 = arith.constant 26 : i32
    %dma_wait3A_345 = arith.constant 0 : i32
    %dma_wait3A_346 = tpu.memref_slice %arg5[%dma_wait3A_344, %dma_wait3A_345] : memref<40x128xi32, #tpu.memory_space<vmem>> -> memref<1x128xi32, #tpu.memory_space<vmem>>
    %dma_wait3A_347 = tpu.memref_squeeze %dma_wait3A_346 : memref<1x128xi32, #tpu.memory_space<vmem>> -> memref<128xi32, #tpu.memory_space<vmem>>
    %dma_wait3A_348 = arith.constant 0 : i32
    %dma_wait3A_349 = tpu.memref_slice %arg4[%dma_wait3A_348] : memref<10240xf32, #tpu.memory_space<vmem_shared>> -> memref<10240xf32, #tpu.memory_space<vmem_shared>>
    tpu.wait_indirect_dma semaphore(%arg9 : memref<!tpu.dma_semaphore, #tpu.memory_space<semaphore_mem>>) src(%arg6 : memref<128xf32, #tpu.memory_space<vmem>>) dst(%dma_wait3A_349 : memref<10240xf32, #tpu.memory_space<vmem_shared>>)
    %dma_wait3A_350 = arith.constant 27 : i32
    %dma_wait3A_351 = arith.constant 0 : i32
    %dma_wait3A_352 = tpu.memref_slice %arg5[%dma_wait3A_350, %dma_wait3A_351] : memref<40x128xi32, #tpu.memory_space<vmem>> -> memref<1x128xi32, #tpu.memory_space<vmem>>
    %dma_wait3A_353 = tpu.memref_squeeze %dma_wait3A_352 : memref<1x128xi32, #tpu.memory_space<vmem>> -> memref<128xi32, #tpu.memory_space<vmem>>
    %dma_wait3A_354 = arith.constant 0 : i32
    %dma_wait3A_355 = tpu.memref_slice %arg4[%dma_wait3A_354] : memref<10240xf32, #tpu.memory_space<vmem_shared>> -> memref<10240xf32, #tpu.memory_space<vmem_shared>>
    tpu.wait_indirect_dma semaphore(%arg9 : memref<!tpu.dma_semaphore, #tpu.memory_space<semaphore_mem>>) src(%arg6 : memref<128xf32, #tpu.memory_space<vmem>>) dst(%dma_wait3A_355 : memref<10240xf32, #tpu.memory_space<vmem_shared>>)
    %dma_start3A_356 = arith.constant 28 : i32
    %dma_start3A_357 = arith.constant 0 : i32
    %dma_start3A_358 = tpu.memref_slice %arg5[%dma_start3A_356, %dma_start3A_357] : memref<40x128xi32, #tpu.memory_space<vmem>> -> memref<1x128xi32, #tpu.memory_space<vmem>>
    %dma_start3A_359 = tpu.memref_squeeze %dma_start3A_358 : memref<1x128xi32, #tpu.memory_space<vmem>> -> memref<128xi32, #tpu.memory_space<vmem>>
    %dma_start3A_360 = arith.constant 0 : i32
    %dma_start3A_361 = tpu.memref_slice %arg4[%dma_start3A_360] : memref<10240xf32, #tpu.memory_space<vmem_shared>> -> memref<10240xf32, #tpu.memory_space<vmem_shared>>
    tpu.enqueue_indirect_dma source(%arg6 : memref<128xf32, #tpu.memory_space<vmem>>) target(%dma_start3A_361 : memref<10240xf32, #tpu.memory_space<vmem_shared>>) offsets(%dma_start3A_359 : memref<128xi32, #tpu.memory_space<vmem>>) semaphore(%arg9 : memref<!tpu.dma_semaphore, #tpu.memory_space<semaphore_mem>>) {add = true}
    %dma_start3A_362 = arith.constant 29 : i32
    %dma_start3A_363 = arith.constant 0 : i32
    %dma_start3A_364 = tpu.memref_slice %arg5[%dma_start3A_362, %dma_start3A_363] : memref<40x128xi32, #tpu.memory_space<vmem>> -> memref<1x128xi32, #tpu.memory_space<vmem>>
    %dma_start3A_365 = tpu.memref_squeeze %dma_start3A_364 : memref<1x128xi32, #tpu.memory_space<vmem>> -> memref<128xi32, #tpu.memory_space<vmem>>
    %dma_start3A_366 = arith.constant 0 : i32
    %dma_start3A_367 = tpu.memref_slice %arg4[%dma_start3A_366] : memref<10240xf32, #tpu.memory_space<vmem_shared>> -> memref<10240xf32, #tpu.memory_space<vmem_shared>>
    tpu.enqueue_indirect_dma source(%arg6 : memref<128xf32, #tpu.memory_space<vmem>>) target(%dma_start3A_367 : memref<10240xf32, #tpu.memory_space<vmem_shared>>) offsets(%dma_start3A_365 : memref<128xi32, #tpu.memory_space<vmem>>) semaphore(%arg9 : memref<!tpu.dma_semaphore, #tpu.memory_space<semaphore_mem>>) {add = true}
    %dma_start3A_368 = arith.constant 30 : i32
    %dma_start3A_369 = arith.constant 0 : i32
    %dma_start3A_370 = tpu.memref_slice %arg5[%dma_start3A_368, %dma_start3A_369] : memref<40x128xi32, #tpu.memory_space<vmem>> -> memref<1x128xi32, #tpu.memory_space<vmem>>
    %dma_start3A_371 = tpu.memref_squeeze %dma_start3A_370 : memref<1x128xi32, #tpu.memory_space<vmem>> -> memref<128xi32, #tpu.memory_space<vmem>>
    %dma_start3A_372 = arith.constant 0 : i32
    %dma_start3A_373 = tpu.memref_slice %arg4[%dma_start3A_372] : memref<10240xf32, #tpu.memory_space<vmem_shared>> -> memref<10240xf32, #tpu.memory_space<vmem_shared>>
    tpu.enqueue_indirect_dma source(%arg6 : memref<128xf32, #tpu.memory_space<vmem>>) target(%dma_start3A_373 : memref<10240xf32, #tpu.memory_space<vmem_shared>>) offsets(%dma_start3A_371 : memref<128xi32, #tpu.memory_space<vmem>>) semaphore(%arg9 : memref<!tpu.dma_semaphore, #tpu.memory_space<semaphore_mem>>) {add = true}
    %dma_start3A_374 = arith.constant 31 : i32
    %dma_start3A_375 = arith.constant 0 : i32
    %dma_start3A_376 = tpu.memref_slice %arg5[%dma_start3A_374, %dma_start3A_375] : memref<40x128xi32, #tpu.memory_space<vmem>> -> memref<1x128xi32, #tpu.memory_space<vmem>>
    %dma_start3A_377 = tpu.memref_squeeze %dma_start3A_376 : memref<1x128xi32, #tpu.memory_space<vmem>> -> memref<128xi32, #tpu.memory_space<vmem>>
    %dma_start3A_378 = arith.constant 0 : i32
    %dma_start3A_379 = tpu.memref_slice %arg4[%dma_start3A_378] : memref<10240xf32, #tpu.memory_space<vmem_shared>> -> memref<10240xf32, #tpu.memory_space<vmem_shared>>
    tpu.enqueue_indirect_dma source(%arg6 : memref<128xf32, #tpu.memory_space<vmem>>) target(%dma_start3A_379 : memref<10240xf32, #tpu.memory_space<vmem_shared>>) offsets(%dma_start3A_377 : memref<128xi32, #tpu.memory_space<vmem>>) semaphore(%arg9 : memref<!tpu.dma_semaphore, #tpu.memory_space<semaphore_mem>>) {add = true}
    %dma_wait3A_380 = arith.constant 28 : i32
    %dma_wait3A_381 = arith.constant 0 : i32
    %dma_wait3A_382 = tpu.memref_slice %arg5[%dma_wait3A_380, %dma_wait3A_381] : memref<40x128xi32, #tpu.memory_space<vmem>> -> memref<1x128xi32, #tpu.memory_space<vmem>>
    %dma_wait3A_383 = tpu.memref_squeeze %dma_wait3A_382 : memref<1x128xi32, #tpu.memory_space<vmem>> -> memref<128xi32, #tpu.memory_space<vmem>>
    %dma_wait3A_384 = arith.constant 0 : i32
    %dma_wait3A_385 = tpu.memref_slice %arg4[%dma_wait3A_384] : memref<10240xf32, #tpu.memory_space<vmem_shared>> -> memref<10240xf32, #tpu.memory_space<vmem_shared>>
    tpu.wait_indirect_dma semaphore(%arg9 : memref<!tpu.dma_semaphore, #tpu.memory_space<semaphore_mem>>) src(%arg6 : memref<128xf32, #tpu.memory_space<vmem>>) dst(%dma_wait3A_385 : memref<10240xf32, #tpu.memory_space<vmem_shared>>)
    %dma_wait3A_386 = arith.constant 29 : i32
    %dma_wait3A_387 = arith.constant 0 : i32
    %dma_wait3A_388 = tpu.memref_slice %arg5[%dma_wait3A_386, %dma_wait3A_387] : memref<40x128xi32, #tpu.memory_space<vmem>> -> memref<1x128xi32, #tpu.memory_space<vmem>>
    %dma_wait3A_389 = tpu.memref_squeeze %dma_wait3A_388 : memref<1x128xi32, #tpu.memory_space<vmem>> -> memref<128xi32, #tpu.memory_space<vmem>>
    %dma_wait3A_390 = arith.constant 0 : i32
    %dma_wait3A_391 = tpu.memref_slice %arg4[%dma_wait3A_390] : memref<10240xf32, #tpu.memory_space<vmem_shared>> -> memref<10240xf32, #tpu.memory_space<vmem_shared>>
    tpu.wait_indirect_dma semaphore(%arg9 : memref<!tpu.dma_semaphore, #tpu.memory_space<semaphore_mem>>) src(%arg6 : memref<128xf32, #tpu.memory_space<vmem>>) dst(%dma_wait3A_391 : memref<10240xf32, #tpu.memory_space<vmem_shared>>)
    %dma_wait3A_392 = arith.constant 30 : i32
    %dma_wait3A_393 = arith.constant 0 : i32
    %dma_wait3A_394 = tpu.memref_slice %arg5[%dma_wait3A_392, %dma_wait3A_393] : memref<40x128xi32, #tpu.memory_space<vmem>> -> memref<1x128xi32, #tpu.memory_space<vmem>>
    %dma_wait3A_395 = tpu.memref_squeeze %dma_wait3A_394 : memref<1x128xi32, #tpu.memory_space<vmem>> -> memref<128xi32, #tpu.memory_space<vmem>>
    %dma_wait3A_396 = arith.constant 0 : i32
    %dma_wait3A_397 = tpu.memref_slice %arg4[%dma_wait3A_396] : memref<10240xf32, #tpu.memory_space<vmem_shared>> -> memref<10240xf32, #tpu.memory_space<vmem_shared>>
    tpu.wait_indirect_dma semaphore(%arg9 : memref<!tpu.dma_semaphore, #tpu.memory_space<semaphore_mem>>) src(%arg6 : memref<128xf32, #tpu.memory_space<vmem>>) dst(%dma_wait3A_397 : memref<10240xf32, #tpu.memory_space<vmem_shared>>)
    %dma_wait3A_398 = arith.constant 31 : i32
    %dma_wait3A_399 = arith.constant 0 : i32
    %dma_wait3A_400 = tpu.memref_slice %arg5[%dma_wait3A_398, %dma_wait3A_399] : memref<40x128xi32, #tpu.memory_space<vmem>> -> memref<1x128xi32, #tpu.memory_space<vmem>>
    %dma_wait3A_401 = tpu.memref_squeeze %dma_wait3A_400 : memref<1x128xi32, #tpu.memory_space<vmem>> -> memref<128xi32, #tpu.memory_space<vmem>>
    %dma_wait3A_402 = arith.constant 0 : i32
    %dma_wait3A_403 = tpu.memref_slice %arg4[%dma_wait3A_402] : memref<10240xf32, #tpu.memory_space<vmem_shared>> -> memref<10240xf32, #tpu.memory_space<vmem_shared>>
    tpu.wait_indirect_dma semaphore(%arg9 : memref<!tpu.dma_semaphore, #tpu.memory_space<semaphore_mem>>) src(%arg6 : memref<128xf32, #tpu.memory_space<vmem>>) dst(%dma_wait3A_403 : memref<10240xf32, #tpu.memory_space<vmem_shared>>)
    %dma_start3A_404 = arith.constant 32 : i32
    %dma_start3A_405 = arith.constant 0 : i32
    %dma_start3A_406 = tpu.memref_slice %arg5[%dma_start3A_404, %dma_start3A_405] : memref<40x128xi32, #tpu.memory_space<vmem>> -> memref<1x128xi32, #tpu.memory_space<vmem>>
    %dma_start3A_407 = tpu.memref_squeeze %dma_start3A_406 : memref<1x128xi32, #tpu.memory_space<vmem>> -> memref<128xi32, #tpu.memory_space<vmem>>
    %dma_start3A_408 = arith.constant 0 : i32
    %dma_start3A_409 = tpu.memref_slice %arg4[%dma_start3A_408] : memref<10240xf32, #tpu.memory_space<vmem_shared>> -> memref<10240xf32, #tpu.memory_space<vmem_shared>>
    tpu.enqueue_indirect_dma source(%arg6 : memref<128xf32, #tpu.memory_space<vmem>>) target(%dma_start3A_409 : memref<10240xf32, #tpu.memory_space<vmem_shared>>) offsets(%dma_start3A_407 : memref<128xi32, #tpu.memory_space<vmem>>) semaphore(%arg9 : memref<!tpu.dma_semaphore, #tpu.memory_space<semaphore_mem>>) {add = true}
    %dma_start3A_410 = arith.constant 33 : i32
    %dma_start3A_411 = arith.constant 0 : i32
    %dma_start3A_412 = tpu.memref_slice %arg5[%dma_start3A_410, %dma_start3A_411] : memref<40x128xi32, #tpu.memory_space<vmem>> -> memref<1x128xi32, #tpu.memory_space<vmem>>
    %dma_start3A_413 = tpu.memref_squeeze %dma_start3A_412 : memref<1x128xi32, #tpu.memory_space<vmem>> -> memref<128xi32, #tpu.memory_space<vmem>>
    %dma_start3A_414 = arith.constant 0 : i32
    %dma_start3A_415 = tpu.memref_slice %arg4[%dma_start3A_414] : memref<10240xf32, #tpu.memory_space<vmem_shared>> -> memref<10240xf32, #tpu.memory_space<vmem_shared>>
    tpu.enqueue_indirect_dma source(%arg6 : memref<128xf32, #tpu.memory_space<vmem>>) target(%dma_start3A_415 : memref<10240xf32, #tpu.memory_space<vmem_shared>>) offsets(%dma_start3A_413 : memref<128xi32, #tpu.memory_space<vmem>>) semaphore(%arg9 : memref<!tpu.dma_semaphore, #tpu.memory_space<semaphore_mem>>) {add = true}
    %dma_start3A_416 = arith.constant 34 : i32
    %dma_start3A_417 = arith.constant 0 : i32
    %dma_start3A_418 = tpu.memref_slice %arg5[%dma_start3A_416, %dma_start3A_417] : memref<40x128xi32, #tpu.memory_space<vmem>> -> memref<1x128xi32, #tpu.memory_space<vmem>>
    %dma_start3A_419 = tpu.memref_squeeze %dma_start3A_418 : memref<1x128xi32, #tpu.memory_space<vmem>> -> memref<128xi32, #tpu.memory_space<vmem>>
    %dma_start3A_420 = arith.constant 0 : i32
    %dma_start3A_421 = tpu.memref_slice %arg4[%dma_start3A_420] : memref<10240xf32, #tpu.memory_space<vmem_shared>> -> memref<10240xf32, #tpu.memory_space<vmem_shared>>
    tpu.enqueue_indirect_dma source(%arg6 : memref<128xf32, #tpu.memory_space<vmem>>) target(%dma_start3A_421 : memref<10240xf32, #tpu.memory_space<vmem_shared>>) offsets(%dma_start3A_419 : memref<128xi32, #tpu.memory_space<vmem>>) semaphore(%arg9 : memref<!tpu.dma_semaphore, #tpu.memory_space<semaphore_mem>>) {add = true}
    %dma_start3A_422 = arith.constant 35 : i32
    %dma_start3A_423 = arith.constant 0 : i32
    %dma_start3A_424 = tpu.memref_slice %arg5[%dma_start3A_422, %dma_start3A_423] : memref<40x128xi32, #tpu.memory_space<vmem>> -> memref<1x128xi32, #tpu.memory_space<vmem>>
    %dma_start3A_425 = tpu.memref_squeeze %dma_start3A_424 : memref<1x128xi32, #tpu.memory_space<vmem>> -> memref<128xi32, #tpu.memory_space<vmem>>
    %dma_start3A_426 = arith.constant 0 : i32
    %dma_start3A_427 = tpu.memref_slice %arg4[%dma_start3A_426] : memref<10240xf32, #tpu.memory_space<vmem_shared>> -> memref<10240xf32, #tpu.memory_space<vmem_shared>>
    tpu.enqueue_indirect_dma source(%arg6 : memref<128xf32, #tpu.memory_space<vmem>>) target(%dma_start3A_427 : memref<10240xf32, #tpu.memory_space<vmem_shared>>) offsets(%dma_start3A_425 : memref<128xi32, #tpu.memory_space<vmem>>) semaphore(%arg9 : memref<!tpu.dma_semaphore, #tpu.memory_space<semaphore_mem>>) {add = true}
    %dma_wait3A_428 = arith.constant 32 : i32
    %dma_wait3A_429 = arith.constant 0 : i32
    %dma_wait3A_430 = tpu.memref_slice %arg5[%dma_wait3A_428, %dma_wait3A_429] : memref<40x128xi32, #tpu.memory_space<vmem>> -> memref<1x128xi32, #tpu.memory_space<vmem>>
    %dma_wait3A_431 = tpu.memref_squeeze %dma_wait3A_430 : memref<1x128xi32, #tpu.memory_space<vmem>> -> memref<128xi32, #tpu.memory_space<vmem>>
    %dma_wait3A_432 = arith.constant 0 : i32
    %dma_wait3A_433 = tpu.memref_slice %arg4[%dma_wait3A_432] : memref<10240xf32, #tpu.memory_space<vmem_shared>> -> memref<10240xf32, #tpu.memory_space<vmem_shared>>
    tpu.wait_indirect_dma semaphore(%arg9 : memref<!tpu.dma_semaphore, #tpu.memory_space<semaphore_mem>>) src(%arg6 : memref<128xf32, #tpu.memory_space<vmem>>) dst(%dma_wait3A_433 : memref<10240xf32, #tpu.memory_space<vmem_shared>>)
    %dma_wait3A_434 = arith.constant 33 : i32
    %dma_wait3A_435 = arith.constant 0 : i32
    %dma_wait3A_436 = tpu.memref_slice %arg5[%dma_wait3A_434, %dma_wait3A_435] : memref<40x128xi32, #tpu.memory_space<vmem>> -> memref<1x128xi32, #tpu.memory_space<vmem>>
    %dma_wait3A_437 = tpu.memref_squeeze %dma_wait3A_436 : memref<1x128xi32, #tpu.memory_space<vmem>> -> memref<128xi32, #tpu.memory_space<vmem>>
    %dma_wait3A_438 = arith.constant 0 : i32
    %dma_wait3A_439 = tpu.memref_slice %arg4[%dma_wait3A_438] : memref<10240xf32, #tpu.memory_space<vmem_shared>> -> memref<10240xf32, #tpu.memory_space<vmem_shared>>
    tpu.wait_indirect_dma semaphore(%arg9 : memref<!tpu.dma_semaphore, #tpu.memory_space<semaphore_mem>>) src(%arg6 : memref<128xf32, #tpu.memory_space<vmem>>) dst(%dma_wait3A_439 : memref<10240xf32, #tpu.memory_space<vmem_shared>>)
    %dma_wait3A_440 = arith.constant 34 : i32
    %dma_wait3A_441 = arith.constant 0 : i32
    %dma_wait3A_442 = tpu.memref_slice %arg5[%dma_wait3A_440, %dma_wait3A_441] : memref<40x128xi32, #tpu.memory_space<vmem>> -> memref<1x128xi32, #tpu.memory_space<vmem>>
    %dma_wait3A_443 = tpu.memref_squeeze %dma_wait3A_442 : memref<1x128xi32, #tpu.memory_space<vmem>> -> memref<128xi32, #tpu.memory_space<vmem>>
    %dma_wait3A_444 = arith.constant 0 : i32
    %dma_wait3A_445 = tpu.memref_slice %arg4[%dma_wait3A_444] : memref<10240xf32, #tpu.memory_space<vmem_shared>> -> memref<10240xf32, #tpu.memory_space<vmem_shared>>
    tpu.wait_indirect_dma semaphore(%arg9 : memref<!tpu.dma_semaphore, #tpu.memory_space<semaphore_mem>>) src(%arg6 : memref<128xf32, #tpu.memory_space<vmem>>) dst(%dma_wait3A_445 : memref<10240xf32, #tpu.memory_space<vmem_shared>>)
    %dma_wait3A_446 = arith.constant 35 : i32
    %dma_wait3A_447 = arith.constant 0 : i32
    %dma_wait3A_448 = tpu.memref_slice %arg5[%dma_wait3A_446, %dma_wait3A_447] : memref<40x128xi32, #tpu.memory_space<vmem>> -> memref<1x128xi32, #tpu.memory_space<vmem>>
    %dma_wait3A_449 = tpu.memref_squeeze %dma_wait3A_448 : memref<1x128xi32, #tpu.memory_space<vmem>> -> memref<128xi32, #tpu.memory_space<vmem>>
    %dma_wait3A_450 = arith.constant 0 : i32
    %dma_wait3A_451 = tpu.memref_slice %arg4[%dma_wait3A_450] : memref<10240xf32, #tpu.memory_space<vmem_shared>> -> memref<10240xf32, #tpu.memory_space<vmem_shared>>
    tpu.wait_indirect_dma semaphore(%arg9 : memref<!tpu.dma_semaphore, #tpu.memory_space<semaphore_mem>>) src(%arg6 : memref<128xf32, #tpu.memory_space<vmem>>) dst(%dma_wait3A_451 : memref<10240xf32, #tpu.memory_space<vmem_shared>>)
    %dma_start3A_452 = arith.constant 36 : i32
    %dma_start3A_453 = arith.constant 0 : i32
    %dma_start3A_454 = tpu.memref_slice %arg5[%dma_start3A_452, %dma_start3A_453] : memref<40x128xi32, #tpu.memory_space<vmem>> -> memref<1x128xi32, #tpu.memory_space<vmem>>
    %dma_start3A_455 = tpu.memref_squeeze %dma_start3A_454 : memref<1x128xi32, #tpu.memory_space<vmem>> -> memref<128xi32, #tpu.memory_space<vmem>>
    %dma_start3A_456 = arith.constant 0 : i32
    %dma_start3A_457 = tpu.memref_slice %arg4[%dma_start3A_456] : memref<10240xf32, #tpu.memory_space<vmem_shared>> -> memref<10240xf32, #tpu.memory_space<vmem_shared>>
    tpu.enqueue_indirect_dma source(%arg6 : memref<128xf32, #tpu.memory_space<vmem>>) target(%dma_start3A_457 : memref<10240xf32, #tpu.memory_space<vmem_shared>>) offsets(%dma_start3A_455 : memref<128xi32, #tpu.memory_space<vmem>>) semaphore(%arg9 : memref<!tpu.dma_semaphore, #tpu.memory_space<semaphore_mem>>) {add = true}
    %dma_start3A_458 = arith.constant 37 : i32
    %dma_start3A_459 = arith.constant 0 : i32
    %dma_start3A_460 = tpu.memref_slice %arg5[%dma_start3A_458, %dma_start3A_459] : memref<40x128xi32, #tpu.memory_space<vmem>> -> memref<1x128xi32, #tpu.memory_space<vmem>>
    %dma_start3A_461 = tpu.memref_squeeze %dma_start3A_460 : memref<1x128xi32, #tpu.memory_space<vmem>> -> memref<128xi32, #tpu.memory_space<vmem>>
    %dma_start3A_462 = arith.constant 0 : i32
    %dma_start3A_463 = tpu.memref_slice %arg4[%dma_start3A_462] : memref<10240xf32, #tpu.memory_space<vmem_shared>> -> memref<10240xf32, #tpu.memory_space<vmem_shared>>
    tpu.enqueue_indirect_dma source(%arg6 : memref<128xf32, #tpu.memory_space<vmem>>) target(%dma_start3A_463 : memref<10240xf32, #tpu.memory_space<vmem_shared>>) offsets(%dma_start3A_461 : memref<128xi32, #tpu.memory_space<vmem>>) semaphore(%arg9 : memref<!tpu.dma_semaphore, #tpu.memory_space<semaphore_mem>>) {add = true}
    %dma_start3A_464 = arith.constant 38 : i32
    %dma_start3A_465 = arith.constant 0 : i32
    %dma_start3A_466 = tpu.memref_slice %arg5[%dma_start3A_464, %dma_start3A_465] : memref<40x128xi32, #tpu.memory_space<vmem>> -> memref<1x128xi32, #tpu.memory_space<vmem>>
    %dma_start3A_467 = tpu.memref_squeeze %dma_start3A_466 : memref<1x128xi32, #tpu.memory_space<vmem>> -> memref<128xi32, #tpu.memory_space<vmem>>
    %dma_start3A_468 = arith.constant 0 : i32
    %dma_start3A_469 = tpu.memref_slice %arg4[%dma_start3A_468] : memref<10240xf32, #tpu.memory_space<vmem_shared>> -> memref<10240xf32, #tpu.memory_space<vmem_shared>>
    tpu.enqueue_indirect_dma source(%arg6 : memref<128xf32, #tpu.memory_space<vmem>>) target(%dma_start3A_469 : memref<10240xf32, #tpu.memory_space<vmem_shared>>) offsets(%dma_start3A_467 : memref<128xi32, #tpu.memory_space<vmem>>) semaphore(%arg9 : memref<!tpu.dma_semaphore, #tpu.memory_space<semaphore_mem>>) {add = true}
    %dma_start3A_470 = arith.constant 39 : i32
    %dma_start3A_471 = arith.constant 0 : i32
    %dma_start3A_472 = tpu.memref_slice %arg5[%dma_start3A_470, %dma_start3A_471] : memref<40x128xi32, #tpu.memory_space<vmem>> -> memref<1x128xi32, #tpu.memory_space<vmem>>
    %dma_start3A_473 = tpu.memref_squeeze %dma_start3A_472 : memref<1x128xi32, #tpu.memory_space<vmem>> -> memref<128xi32, #tpu.memory_space<vmem>>
    %dma_start3A_474 = arith.constant 0 : i32
    %dma_start3A_475 = tpu.memref_slice %arg4[%dma_start3A_474] : memref<10240xf32, #tpu.memory_space<vmem_shared>> -> memref<10240xf32, #tpu.memory_space<vmem_shared>>
    tpu.enqueue_indirect_dma source(%arg6 : memref<128xf32, #tpu.memory_space<vmem>>) target(%dma_start3A_475 : memref<10240xf32, #tpu.memory_space<vmem_shared>>) offsets(%dma_start3A_473 : memref<128xi32, #tpu.memory_space<vmem>>) semaphore(%arg9 : memref<!tpu.dma_semaphore, #tpu.memory_space<semaphore_mem>>) {add = true}
    %dma_wait3A_476 = arith.constant 36 : i32
    %dma_wait3A_477 = arith.constant 0 : i32
    %dma_wait3A_478 = tpu.memref_slice %arg5[%dma_wait3A_476, %dma_wait3A_477] : memref<40x128xi32, #tpu.memory_space<vmem>> -> memref<1x128xi32, #tpu.memory_space<vmem>>
    %dma_wait3A_479 = tpu.memref_squeeze %dma_wait3A_478 : memref<1x128xi32, #tpu.memory_space<vmem>> -> memref<128xi32, #tpu.memory_space<vmem>>
    %dma_wait3A_480 = arith.constant 0 : i32
    %dma_wait3A_481 = tpu.memref_slice %arg4[%dma_wait3A_480] : memref<10240xf32, #tpu.memory_space<vmem_shared>> -> memref<10240xf32, #tpu.memory_space<vmem_shared>>
    tpu.wait_indirect_dma semaphore(%arg9 : memref<!tpu.dma_semaphore, #tpu.memory_space<semaphore_mem>>) src(%arg6 : memref<128xf32, #tpu.memory_space<vmem>>) dst(%dma_wait3A_481 : memref<10240xf32, #tpu.memory_space<vmem_shared>>)
    %dma_wait3A_482 = arith.constant 37 : i32
    %dma_wait3A_483 = arith.constant 0 : i32
    %dma_wait3A_484 = tpu.memref_slice %arg5[%dma_wait3A_482, %dma_wait3A_483] : memref<40x128xi32, #tpu.memory_space<vmem>> -> memref<1x128xi32, #tpu.memory_space<vmem>>
    %dma_wait3A_485 = tpu.memref_squeeze %dma_wait3A_484 : memref<1x128xi32, #tpu.memory_space<vmem>> -> memref<128xi32, #tpu.memory_space<vmem>>
    %dma_wait3A_486 = arith.constant 0 : i32
    %dma_wait3A_487 = tpu.memref_slice %arg4[%dma_wait3A_486] : memref<10240xf32, #tpu.memory_space<vmem_shared>> -> memref<10240xf32, #tpu.memory_space<vmem_shared>>
    tpu.wait_indirect_dma semaphore(%arg9 : memref<!tpu.dma_semaphore, #tpu.memory_space<semaphore_mem>>) src(%arg6 : memref<128xf32, #tpu.memory_space<vmem>>) dst(%dma_wait3A_487 : memref<10240xf32, #tpu.memory_space<vmem_shared>>)
    %dma_wait3A_488 = arith.constant 38 : i32
    %dma_wait3A_489 = arith.constant 0 : i32
    %dma_wait3A_490 = tpu.memref_slice %arg5[%dma_wait3A_488, %dma_wait3A_489] : memref<40x128xi32, #tpu.memory_space<vmem>> -> memref<1x128xi32, #tpu.memory_space<vmem>>
    %dma_wait3A_491 = tpu.memref_squeeze %dma_wait3A_490 : memref<1x128xi32, #tpu.memory_space<vmem>> -> memref<128xi32, #tpu.memory_space<vmem>>
    %dma_wait3A_492 = arith.constant 0 : i32
    %dma_wait3A_493 = tpu.memref_slice %arg4[%dma_wait3A_492] : memref<10240xf32, #tpu.memory_space<vmem_shared>> -> memref<10240xf32, #tpu.memory_space<vmem_shared>>
    tpu.wait_indirect_dma semaphore(%arg9 : memref<!tpu.dma_semaphore, #tpu.memory_space<semaphore_mem>>) src(%arg6 : memref<128xf32, #tpu.memory_space<vmem>>) dst(%dma_wait3A_493 : memref<10240xf32, #tpu.memory_space<vmem_shared>>)
    %dma_wait3A_494 = arith.constant 39 : i32
    %dma_wait3A_495 = arith.constant 0 : i32
    %dma_wait3A_496 = tpu.memref_slice %arg5[%dma_wait3A_494, %dma_wait3A_495] : memref<40x128xi32, #tpu.memory_space<vmem>> -> memref<1x128xi32, #tpu.memory_space<vmem>>
    %dma_wait3A_497 = tpu.memref_squeeze %dma_wait3A_496 : memref<1x128xi32, #tpu.memory_space<vmem>> -> memref<128xi32, #tpu.memory_space<vmem>>
    %dma_wait3A_498 = arith.constant 0 : i32
    %dma_wait3A_499 = tpu.memref_slice %arg4[%dma_wait3A_498] : memref<10240xf32, #tpu.memory_space<vmem_shared>> -> memref<10240xf32, #tpu.memory_space<vmem_shared>>
    tpu.wait_indirect_dma semaphore(%arg9 : memref<!tpu.dma_semaphore, #tpu.memory_space<semaphore_mem>>) src(%arg6 : memref<128xf32, #tpu.memory_space<vmem>>) dst(%dma_wait3A_499 : memref<10240xf32, #tpu.memory_space<vmem_shared>>)
    %barrier3A_500 = arith.constant 0 : index
    tpu.barrier barrier_id(%barrier3A_500)
    %mul3A_501 = arith.constant 640 : i32
    %mul3A_502 = arith.muli %arg1, %mul3A_501 : i32
    "tpu.region"() ({
      %run_scoped3A = tpu.sem_alloc : memref<!tpu.dma_semaphore, #tpu.memory_space<semaphore_mem>>
      %dma_start3A_503 = tpu.memref_slice %arg3[%arg0, %mul3A_502] : memref<2x10240xf32, #tpu.memory_space<hbm>> -> memref<1x640xf32, #tpu.memory_space<hbm>>
      %dma_start3A_504 = tpu.memref_squeeze %dma_start3A_503 : memref<1x640xf32, #tpu.memory_space<hbm>> -> memref<640xf32, #tpu.memory_space<hbm>>
      %dma_start3A_505 = tpu.memref_slice %arg4[%mul3A_502] : memref<10240xf32, #tpu.memory_space<vmem_shared>> -> memref<640xf32, #tpu.memory_space<vmem_shared>>
      tpu.enqueue_dma source(%dma_start3A_505 : memref<640xf32, #tpu.memory_space<vmem_shared>>) target(%dma_start3A_504 : memref<640xf32, #tpu.memory_space<hbm>>) target_semaphore(%run_scoped3A : memref<!tpu.dma_semaphore, #tpu.memory_space<semaphore_mem>>)
      %dma_wait3A_506 = tpu.memref_slice %arg3[%arg0, %mul3A_502] : memref<2x10240xf32, #tpu.memory_space<hbm>> -> memref<1x640xf32, #tpu.memory_space<hbm>>
      %dma_wait3A_507 = tpu.memref_squeeze %dma_wait3A_506 : memref<1x640xf32, #tpu.memory_space<hbm>> -> memref<640xf32, #tpu.memory_space<hbm>>
      %dma_wait3A_508 = tpu.memref_slice %arg4[%mul3A_502] : memref<10240xf32, #tpu.memory_space<vmem_shared>> -> memref<640xf32, #tpu.memory_space<vmem_shared>>
      tpu.wait_dma2 semaphore(%run_scoped3A : memref<!tpu.dma_semaphore, #tpu.memory_space<semaphore_mem>>) src(%dma_wait3A_508 : memref<640xf32, #tpu.memory_space<vmem_shared>>) dst(%dma_wait3A_507 : memref<640xf32, #tpu.memory_space<hbm>>)
      tpu.yield
    }) : () -> ()
    return
  }
}

module attributes {stable_mosaic.version = 14 : i64} {
  func.func @_mm_scale_body(%arg0: i32, %arg1: memref<1280x256xf32, #tpu.memory_space<vmem>>, %arg2: memref<256x16xf32, #tpu.memory_space<vmem>>, %arg3: memref<1280x2xf32, #tpu.memory_space<vmem>>, %arg4: memref<1280x16xf32, #tpu.memory_space<vmem>>, %arg5: memref<1280x1xf32, #tpu.memory_space<vmem>>) attributes {dimension_semantics = [#tpu.dimension_semantics<arbitrary>], iteration_bounds = array<i64: 8>, scalar_prefetch = 0 : i64, scratch_operands = 0 : i64, tpu.core_type = #tpu.core_type<tc>, window_params = [{transform_indices = @transform_0, window_bounds = array<i64: 1280, 256>}, {pipeline_mode = #tpu.pipeline_mode<synchronous>, transform_indices = @transform_1, window_bounds = array<i64: 256, 16>}, {transform_indices = @transform_2, window_bounds = array<i64: 1280, 2>}, {transform_indices = @transform_3, window_bounds = array<i64: 1280, 16>}, {transform_indices = @transform_4, window_bounds = array<i64: 1280, 1>}]} {
    %get3A = arith.constant 0 : index
    %get3A_0 = arith.constant 0 : index
    %get3A_1 = vector.load %arg1[%get3A, %get3A_0] : memref<1280x256xf32, #tpu.memory_space<vmem>>, vector<1280x256xf32>
    %get3A_2 = arith.constant 0 : index
    %get3A_3 = arith.constant 0 : index
    %get3A_4 = vector.load %arg2[%get3A_2, %get3A_3] : memref<256x16xf32, #tpu.memory_space<vmem>>, vector<256x16xf32>
    %dot_general3A = arith.constant dense<0.000000e+00> : vector<1280x16xf32>
    %dot_general3A_5 = tpu.matmul %get3A_1, %get3A_4, %dot_general3A {dimension_numbers = #tpu.dot_dimension_numbers<[1], [0], [0], [1], [0, 0, 1, 1], [], []>, precision = #tpu.contract_precision<fp32>, transpose_lhs_hint = false} : vector<1280x256xf32>, vector<256x16xf32>, vector<1280x16xf32> -> vector<1280x16xf32>
    %mul3A = arith.constant 1280 : i32
    %mul3A_6 = arith.muli %arg0, %mul3A : i32
    %iota3A = tpu.iota {dimensions = array<i32: 0>} : vector<1280x1xi32>
    %add3A = vector.broadcast %mul3A_6 : i32 to vector<1280x1xi32>
    %add3A_7 = arith.addi %add3A, %iota3A : vector<1280x1xi32>
    %lt3A = arith.constant 10000 : i32
    %lt3A_8 = vector.broadcast %lt3A : i32 to vector<1280x1xi32>
    %lt3A_9 = arith.cmpi slt, %add3A_7, %lt3A_8 : vector<1280x1xi32>
    %jit3A = arith.constant 0.000000e+00 : f32
    %broadcast_in_dim3A = vector.shape_cast %lt3A_9 : vector<1280x1xi1> to vector<1280x1xi1>
    %broadcast_in_dim3A_10 = vector.broadcast %broadcast_in_dim3A : vector<1280x1xi1> to vector<1280x16xi1>
    %broadcast_in_dim3A_11 = vector.broadcast %jit3A : f32 to vector<1280x16xf32>
    %select_n3A = arith.select %broadcast_in_dim3A_10, %dot_general3A_5, %broadcast_in_dim3A_11 : vector<1280x16xi1>, vector<1280x16xf32>
    %get3A_12 = arith.constant 0 : index
    %get3A_13 = arith.constant 0 : index
    %get3A_14 = vector.load %arg3[%get3A_12, %get3A_13] : memref<1280x2xf32, #tpu.memory_space<vmem>>, vector<1280x1xf32>
    %get3A_15 = arith.constant 0 : index
    %get3A_16 = arith.constant 1 : index
    %get3A_17 = vector.load %arg3[%get3A_15, %get3A_16] : memref<1280x2xf32, #tpu.memory_space<vmem>>, vector<1280x1xf32>
    %add3A_18 = arith.addf %get3A_14, %get3A_17 : vector<1280x1xf32>
    %add3A_19 = arith.constant 1.000000e+00 : f32
    %add3A_20 = vector.broadcast %add3A_19 : f32 to vector<1280x1xf32>
    %add3A_21 = arith.addf %add3A_18, %add3A_20 : vector<1280x1xf32>
    %rsqrt3A = math.rsqrt %add3A_21 : vector<1280x1xf32>
    %swap3A = arith.constant 0 : index
    %swap3A_22 = arith.constant 0 : index
    %swap3A_23 = vector.load %arg5[%swap3A, %swap3A_22] : memref<1280x1xf32, #tpu.memory_space<vmem>>, vector<1280x1xf32>
    tpu.vector_store %arg5[%swap3A, %swap3A_22], %rsqrt3A {strides = array<i32>} : memref<1280x1xf32, #tpu.memory_space<vmem>>, vector<1280x1xf32>,
    %mul3A_24 = vector.broadcast %rsqrt3A : vector<1280x1xf32> to vector<1280x16xf32>
    %mul3A_25 = arith.mulf %select_n3A, %mul3A_24 : vector<1280x16xf32>
    %swap3A_26 = arith.constant 0 : index
    %swap3A_27 = arith.constant 0 : index
    %swap3A_28 = vector.load %arg4[%swap3A_26, %swap3A_27] : memref<1280x16xf32, #tpu.memory_space<vmem>>, vector<1280x16xf32>
    tpu.vector_store %arg4[%swap3A_26, %swap3A_27], %mul3A_25 {strides = array<i32>} : memref<1280x16xf32, #tpu.memory_space<vmem>>, vector<1280x16xf32>,
    return
  }
  func.func @transform_0(%arg0: i32) -> (i32, i32) {
    %c0_i32 = arith.constant 0 : i32
    %c0_i32_0 = arith.constant 0 : i32
    return %arg0, %c0_i32 : i32, i32
  }
  func.func @transform_1(%arg0: i32) -> (i32, i32) {
    %c0_i32 = arith.constant 0 : i32
    %c0_i32_0 = arith.constant 0 : i32
    %c0_i32_1 = arith.constant 0 : i32
    return %c0_i32, %c0_i32_0 : i32, i32
  }
  func.func @transform_2(%arg0: i32) -> (i32, i32) {
    %c0_i32 = arith.constant 0 : i32
    %c0_i32_0 = arith.constant 0 : i32
    return %arg0, %c0_i32 : i32, i32
  }
  func.func @transform_3(%arg0: i32) -> (i32, i32) {
    %c0_i32 = arith.constant 0 : i32
    %c0_i32_0 = arith.constant 0 : i32
    return %arg0, %c0_i32 : i32, i32
  }
  func.func @transform_4(%arg0: i32) -> (i32, i32) {
    %c0_i32 = arith.constant 0 : i32
    %c0_i32_0 = arith.constant 0 : i32
    return %arg0, %c0_i32 : i32, i32
  }
}

module attributes {stable_mosaic.version = 14 : i64} {
  func.func @_epilogue_body(%arg0: memref<10240x1xf32, #tpu.memory_space<vmem>>, %arg1: memref<10240x16xf32, #tpu.memory_space<vmem>>, %arg2: memref<10240x16xf32, #tpu.memory_space<vmem>>, %arg3: memref<10240x16xf32, #tpu.memory_space<vmem>>, %arg4: memref<1x16xf32, #tpu.memory_space<vmem>>, %arg5: memref<10000x16xf32, #tpu.memory_space<vmem>>) attributes {dimension_semantics = [], scalar_prefetch = 0 : i64, scratch_operands = 0 : i64, tpu.core_type = #tpu.core_type<tc>} {
    %get3A = arith.constant 0 : index
    %get3A_0 = arith.constant 0 : index
    %get3A_1 = vector.load %arg1[%get3A, %get3A_0] : memref<10240x16xf32, #tpu.memory_space<vmem>>, vector<10240x16xf32>
    %get3A_2 = arith.constant 0 : index
    %get3A_3 = arith.constant 0 : index
    %get3A_4 = vector.load %arg2[%get3A_2, %get3A_3] : memref<10240x16xf32, #tpu.memory_space<vmem>>, vector<10240x16xf32>
    %add3A = arith.addf %get3A_1, %get3A_4 : vector<10240x16xf32>
    %get3A_5 = arith.constant 0 : index
    %get3A_6 = arith.constant 0 : index
    %get3A_7 = vector.load %arg3[%get3A_5, %get3A_6] : memref<10240x16xf32, #tpu.memory_space<vmem>>, vector<10240x16xf32>
    %add3A_8 = arith.addf %add3A, %get3A_7 : vector<10240x16xf32>
    %get3A_9 = arith.constant 0 : index
    %get3A_10 = arith.constant 0 : index
    %get3A_11 = vector.load %arg0[%get3A_9, %get3A_10] : memref<10240x1xf32, #tpu.memory_space<vmem>>, vector<10240x1xf32>
    %mul3A = vector.broadcast %get3A_11 : vector<10240x1xf32> to vector<10240x16xf32>
    %mul3A_12 = arith.mulf %mul3A, %add3A_8 : vector<10240x16xf32>
    %get3A_13 = arith.constant 0 : index
    %get3A_14 = arith.constant 0 : index
    %get3A_15 = vector.load %arg4[%get3A_13, %get3A_14] : memref<1x16xf32, #tpu.memory_space<vmem>>, vector<1x16xf32>
    %add3A_16 = vector.broadcast %get3A_15 : vector<1x16xf32> to vector<10240x16xf32>
    %add3A_17 = arith.addf %mul3A_12, %add3A_16 : vector<10240x16xf32>
    %slice3A = vector.extract_strided_slice %add3A_17 {offsets = [0, 0], sizes = [10000, 16], strides = [1, 1]} : vector<10240x16xf32> to vector<10000x16xf32>
    %swap3A = arith.constant 0 : index
    %swap3A_18 = arith.constant 0 : index
    %swap3A_19 = vector.load %arg5[%swap3A, %swap3A_18] : memref<10000x16xf32, #tpu.memory_space<vmem>>, vector<10000x16xf32>
    tpu.vector_store %arg5[%swap3A, %swap3A_18], %slice3A {strides = array<i32>} : memref<10000x16xf32, #tpu.memory_space<vmem>>, vector<10000x16xf32>,
    return
  }
}

</mosaic_0001>

<sc_bundles>
// kernel: kernel.6.cloned.1.call-start
scs
__scs_entry_jumppad:
0x0: {  	(pc) =	sbr.rel $0x88, $3  }
0x1: {  	(tag) =	ssettag $0x0;
	lr =	simm.s32 $0x1  }
0x2: {  	[smem:$0x3F9D] =	sst lr;
	_ =	strace $0xD0000000  }
0x3: {  	_ = 	snop  }
0x4: {  	_ = 	snop  }
0x5: {  	_ = 	snop  }
0x6: {  	_ = 	snop  }
0x7: {  	_ = 	snop  }
__scs_overlays_trampoline_lowered:
0x8: {  	[smem:$0x3FAC] =	sst s0  }
0x9: {  	[smem:$0x3FAD] =	sst s1  }
0xa: {  	[smem:$0x3FAE] =	sst s2  }
0xb: {  	[smem:$0x3FAF] =	sst s3  }
0xc: {  	[smem:$0x3FB0] =	sst s4  }
0xd: {  	[smem:$0x3FB1] =	sst s5  }
0xe: {  	[smem:$0x3FB2] =	sst s6  }
0xf: {  	[smem:$0x3FB3] =	sst s7  }
0x10: {  	[smem:$0x3FB4] =	sst s8  }
0x11: {  	[smem:$0x3FB5] =	sst s9;
	s0 =	simm.s32 @!p0 $0x0  }
0x12: {  	s1 =	sld [smem:$0x3F9B];
	s0 =	simm.s32 @p0 $0x1  }
0x13: {  	[smem:$0x3FB6] =	sst s0;
	s0 =	simm.s32 @!p1 $0x0  }
0x14: {  	s2 =	sld [smem:$0x3F9A];
	s0 =	simm.s32 @p1 $0x1  }
0x15: {  	[smem:$0x3FB7] =	sst s0;
	s0 =	simm.s32 @!p2 $0x0  }
0x16: {  	s3 =	sld [smem:$0x3FDB];
	s0 =	simm.s32 @p2 $0x1  }
0x17: {  	s4 =	simm.s32 $0x1BF5;
	[smem:$0x3FB9] =	sst s0  }
0x18: {  	s0 =	sld [smem:$0x3F9C];
	_ =	swait.ge [sflag:s4], $0x0  }
0x19: {  	s7 =	sld [smem:$0x3F9D]  }
0x1a: {  	s8 =	sadd.s32 $0xFFFFE003, lr  }
0x1b: {  	s9 =	sadd.s32 $0xFFFFFEF7, lr;
	s5 =	simm.s32 $0xFFFFFFFF;
	p2 =	slt.u32 s8, $0xFFFFF086  }
0x1c: {  	p1 =	slt.u32 s9, $0xF7A;
	s5 =	simm.s32 @!p2 $0x0  }
0x1d: {  	s5 =	simm.s32 @p1 $0x1;
	p0 =	seq.s32 s7, s2  }
0x1e: {  	s7 =	smul.u32 @!p0 $0xF7A, s2;
	p2 =	seq.s32 @!p0 s5, $0x0  }
0x1f: {  	s9 =	smul.u32 $0xF7A, s1;
	s8 =	simm.s32 @!p0 $0x1BF5;
	p2 =	por !p2, p0  }
0x20: {  	[sflag:s8] =	ssyncset.s32 @!p0 $0xFFFFF086;
	s6 =	sadd.s32 @!p0 s3, s7;
	s7 =	simm.s32 @!p0 $0x108  }
0x21: {  	s3 =	sadd.s32 s3, s9;
	s6 =	sadd.s32 @!p0 $0x88, s6;
	s7 =	simm.s32 @p2 $0x1082  }
0x22: {  	[simem:s7], [sflag:s8] =	dma.local @!p0 [hbm:s6], $0xF7A  }
0x23: {  	s9 =	sor.u32 $0xD0000000, s2;
	s6 =	simm.s32 $0x108;
	_ =	swait.ge @!p0 [sflag:s8], $0x0  }
0x24: {  	s3 =	sadd.s32 $0x88, s3;
	s6 =	simm.s32 @!p1 $0x1082;
	[sflag:s4] =	ssyncset.s32 $0xFFFFF086  }
0x25: {  	[simem:s6], [sflag:s4] =	dma.local [hbm:s3], $0xF7A  }
0x26: {  	[smem:$0x3F9D] =	sst s1;
	(tag) =	ssettag s2;
	_ =	strace s9  }
0x27: {  	s1 =	sld [smem:$0x3FAD]  }
0x28: {  	s2 =	sld [smem:$0x3FAE]  }
0x29: {  	s4 =	sld [smem:$0x3FB0]  }
0x2a: {  	p0 =	seq.s32 s5, $0x0;
	s5 =	sld [smem:$0x3FB1]  }
0x2b: {  	s6 =	sld [smem:$0x3FB2]  }
0x2c: {  	s7 =	sld [smem:$0x3FB3]  }
0x2d: {  	s3 =	simm.s32 $0x108;
	s8 =	sld [smem:$0x3FB4]  }
0x2e: {  	s3 =	simm.s32 @!p0 $0x1082;
	s9 =	sld [smem:$0x3FB5]  }
0x2f: {  	lr =	sadd.s32 s0, s3;
	s0 =	sld [smem:$0x3FAC]  }
0x30: {  	s3 =	sld [smem:$0x3FAF]  }
0x31: {  	[smem:$0x3FB8] =	sst s10  }
0x32: {  	s10 =	sld [smem:$0x3FB6];
	_ =	sdelay $0x3  }
0x33: {  	p0 =	seq.s32 s10, $0x1;
	s10 =	sld [smem:$0x3FB8];
	_ =	sdelay $0x3  }
0x34: {  	[smem:$0x3FB8] =	sst s10  }
0x35: {  	s10 =	sld [smem:$0x3FB7];
	_ =	sdelay $0x3  }
0x36: {  	p1 =	seq.s32 s10, $0x1;
	s10 =	sld [smem:$0x3FB8];
	_ =	sdelay $0x3  }
0x37: {  	[smem:$0x3FB8] =	sst s10  }
0x38: {  	s10 =	sld [smem:$0x3FB9]  }
0x39: {  	_ = 	snop;
	(pc) =	sbr.ind lr, $3  }
0x3a: {  	_ = 	snop  }
0x3b: {  	_ = 	snop  }
0x3c: {  	p2 =	seq.s32 s10, $0x1;
	s10 =	sld [smem:$0x3FB8]  }
0x3d: {  	_ =	shalt  }
0x3e: {  	_ =	shalt  }
0x3f: {  	_ =	shalt  }
0x40: {  	_ =	shalt  }
0x41: {  	_ =	shalt  }
0x42: {  	_ =	shalt  }
0x43: {  	_ =	shalt  }
0x44: {  	_ =	shalt  }
0x45: {  	_ =	shalt  }
0x46: {  	_ =	shalt  }
0x47: {  	_ =	shalt  }
0x48: {  	_ =	shalt  }
0x49: {  	_ =	shalt  }
0x4a: {  	_ =	shalt  }
0x4b: {  	_ =	shalt  }
0x4c: {  	_ =	shalt  }
0x4d: {  	_ =	shalt  }
0x4e: {  	_ =	shalt  }
0x4f: {  	_ =	shalt  }
0x50: {  	_ =	shalt  }
0x51: {  	_ =	shalt  }
0x52: {  	_ =	shalt  }
0x53: {  	_ =	shalt  }
0x54: {  	_ =	shalt  }
0x55: {  	_ =	shalt  }
0x56: {  	_ =	shalt  }
0x57: {  	_ =	shalt  }
0x58: {  	_ =	shalt  }
0x59: {  	_ =	shalt  }
0x5a: {  	_ =	shalt  }
0x5b: {  	_ =	shalt  }
0x5c: {  	_ =	shalt  }
0x5d: {  	_ =	shalt  }
0x5e: {  	_ =	shalt  }
0x5f: {  	_ =	shalt  }
0x60: {  	_ =	shalt  }
0x61: {  	_ =	shalt  }
0x62: {  	_ =	shalt  }
0x63: {  	_ =	shalt  }
0x64: {  	_ =	shalt  }
0x65: {  	_ =	shalt  }
0x66: {  	_ =	shalt  }
0x67: {  	_ =	shalt  }
0x68: {  	_ =	shalt  }
0x69: {  	_ =	shalt  }
0x6a: {  	_ =	shalt  }
0x6b: {  	_ =	shalt  }
0x6c: {  	_ =	shalt  }
0x6d: {  	_ =	shalt  }
0x6e: {  	_ =	shalt  }
0x6f: {  	_ =	shalt  }
0x70: {  	_ =	shalt  }
0x71: {  	_ =	shalt  }
0x72: {  	_ =	shalt  }
0x73: {  	_ =	shalt  }
0x74: {  	_ =	shalt  }
0x75: {  	_ =	shalt  }
0x76: {  	_ =	shalt  }
0x77: {  	_ =	shalt  }
0x78: {  	_ =	shalt  }
0x79: {  	_ =	shalt  }
0x7a: {  	_ =	shalt  }
0x7b: {  	_ =	shalt  }
0x7c: {  	_ =	shalt  }
0x7d: {  	_ =	shalt  }
0x7e: {  	_ =	shalt  }
0x7f: {  	_ =	shalt  }
0x80: {  	_ =	shalt  }
0x81: {  	_ =	shalt  }
0x82: {  	_ =	shalt  }
0x83: {  	_ =	shalt  }
0x84: {  	_ =	shalt  }
0x85: {  	_ =	shalt  }
0x86: {  	_ =	shalt  }
0x87: {  	_ =	shalt  }
.Lfunc_end0:
.L_simem_size_0:
called_computation_lowered:
.L_overlay_start_0:
0x88: {  	s2 =	sld [smem:$0x3FD9]  }
0x89: {  	s3 =	sld [smem:$0x3FFE];
	_ =	sdelay $0x1  }
0x8a: {  	s1 =	srdreg.scid  }
0x8b: {  	s0 =	sand.u32 $0x1, s1  }
0x8c: {  	s17 =	sshll.u32 s0, $0xA;
	s2 =	sadd.s32 s3, s2  }
0x8d: {  	s2 =	sadd.s32 s2, s17  }
0x8e: {  	[smem:$0x3FC4] =	sst s2  }
0x8f: {  	_ = 	snop  }
0x90: {  	s2 =	sld [smem:$0x3FD0];
	(tm) =	ssettm $0x1  }
0x91: {  	s18 =	sld [smem:$0x3FFB];
	_ =	sdelay $0x3  }
0x92: {  	_ =	strace s18  }
0x93: {  	s3 =	sld [smem:$0x3FFC];
	_ =	sdelay $0x3  }
0x94: {  	_ =	strace s3  }
0x95: {  	s3 =	sld [smem:$0x3FFD];
	_ =	sdelay $0x3  }
0x96: {  	_ =	strace s3  }
0x97: {  	_ =	strace $0x8FFFFFFF  }
0x98: {  	s19 =	sld [smem:$0x3FDB];
	_ =	sdelay $0x1  }
0x99: {  	s4 =	simm.s32 $_scs_section_size  }
0x9a: {  	s5 =	simm.s32 $_size__tile_overlayer_lowered;
	s6 =	simm.s32 $_tile_overlayer_lowered  }
0x9b: {  	s22 =	simm.s32 $0x1BFF;
	s21 =	sshll.u32 s6, $0x1;
	s3 =	sadd.s32 s4, s19  }
0x9c: {  	s7 =	simm.s32 $0x0;
	s20 =	sshll.u32 s5, $0x1;
	s5 =	sadd.s32 s21, s3  }
0x9d: {  	[timem:s7], [sflag:s22] =	dma.local [hbm:s5], s20  }
0x9e: {  	_ =	swait.ge [sflag:s22], s20  }
0x9f: {  	s4 =	ssub.s32 $0x0, s20;
	[sflag:s22] =	ssyncset.done $0x0  }
0xa0: {  	[sflag:s22] =	ssyncadd.s32 s4;
	_ =	sdelay $0x1  }
0xa1: {  	s23 =	simm.s32 $0x1B8B  }
0xa2: {  	_ =	swait.ge [sflag:s23], $0x1  }
0xa3: {  	[sflag:s23] =	ssyncset.done $0x0  }
0xa4: {  	s25 =	simm.s32 $0x1B8E;
	s24 =	sld [smem:$0x3FFE];
	[sflag:s23] =	ssyncadd.s32 $0xFFFFFFFF  }
0xa5: {  	s26 =	simm.s32 $execute0_lowered;
	[smem:$0x3FD2] =	sst s25  }
0xa6: {  	s5 =	sshll.u32 s26, $0x1;
	_ =	strace $0x80000046;
	[dreg:$0x1] =	wrdreg $0xFFFFFFFF  }
0xa7: {  	s28 =	simm.s32 $_size_execute0_lowered;
	s3 =	sadd.s32 s3, s5;
	[dreg:$0x0] =	wrdreg $0x0  }
0xa8: {  	s5 =	sshll.u32 s28, $0x1;
	[dreg:$0x2] =	wrdreg s3  }
0xa9: {  	[dreg:$0x3] =	wrdreg s5  }
0xaa: {  	[dreg:$0x4] =	wrdreg $0xC0  }
0xab: {  	_ =	task [dreg:s7], $0x5FFFF  }
0xac: {  	[dreg:$0x1] =	wrdreg $0xFFFFFFFF  }
0xad: {  	[dreg:$0x0] =	wrdreg $0x60  }
0xae: {  	[dreg:$0x2] =	wrdreg s24  }
0xaf: {  	[dreg:$0x3] =	wrdreg s2  }
0xb0: {  	[dreg:$0x4] =	wrdreg $0x0  }
0xb1: {  	[dreg:$0x5] =	wrdreg $0x9  }
0xb2: {  	_ =	task.clear_ibuf [dreg:s7], $0x6FFFF;
	_ =	strace $0x90000046  }
0xb3: {  	s29 =	simm.s32 $0x9;
	_ =	strace $0x80000048  }
0xb4: {  	_ =	swait.ge [sflag:s29], $0x1  }
0xb5: {  	[sflag:s29] =	ssyncadd.s32 $0xFFFFFFFF  }
0xb6: {  	_ =	strace $0x90000048  }
0xb7: {  	_ =	sfence  }
0xb8: {  	s30 =	sld [smem:$0x0];
	_ =	sdelay $0x2  }
0xb9: {  	s31 =	sshll.u32 s1, $0xD;
	s1 =	sshrl.u32 s1, $0x2  }
0xba: {  	s3 =	sand.u32 $0x4000, s31;
	s1 =	sadd.s32 s1, s30  }
0xbb: {  	s0 =	sor.u32 s3, s0;
	s1 =	sshll.u32 s1, $0x11  }
0xbc: {  	s0 =	sor.u32 s1, s0  }
0xbd: {  	s0 =	sadd.s32 $0x8F2B, s0  }
0xbe: {  	[sflag:s0] =	ssyncadd.remote.s32 $0x1  }
0xbf: {  	_ =	sfence.sel $0xFFFF  }
0xc0: {  	[dreg:$0x0] =	wrdreg $0xFFFFFFFF;
	(pc) =	sbr.abs _section_cstart, $3  }
0xc1: {  	[dreg:$0x1] =	wrdreg $0xFFFFFFFF  }
0xc2: {  	_ =	task.clear_ibuf [dreg:s7], $0x2FFFF;
	_ =	strace $0x9FFFFFFF  }
0xc3: {  	(tm) =	ssettm $0x7FFFFFFF  }
tec
execute0_lowered:
.L_overlay_start_1:
0x0: {  	(tag) =	ssettag $0x1  }
0x1: {  	s5 =	rddreg [dreg:$0x0]  }
0x2: {  	s0 =	srdreg.scid;
	s7 =	rddreg [dreg:$0x1]  }
0x3: {  	s2 =	rddreg [dreg:$0x2];
	s4 =	sand.u32 $0x1, s0  }
0x4: {  	s3 =	simm.s32 $0x0;
	s0 =	stileid.u32;
	s1 =	sshll.u32 s4, $0x4  }
0x5: {  	[smem:$0x7FF] =	sst s3;
	s1 =	sor.u32 s0, s1  }
0x6: {  	s10 =	simm.s32 $0x380;
	s6 =	smul.u32 $0x280, s1;
	s1 =	rddreg [dreg:$0x3]  }
0x7: {  	s11 =	simm.s32 $0x400;
	_ =	strace $0x80000047;
	[dreg:$0x8] =	wrdreg s10  }
0x8: {  	s12 =	simm.s32 $0x480;
	[dreg:$0x9] =	wrdreg s11  }
0x9: {  	s13 =	simm.s32 $0x500;
	[dreg:$0xa] =	wrdreg s12  }
0xa: {  	s14 =	simm.s32 $0x580;
	[dreg:$0xb] =	wrdreg s13  }
0xb: {  	s15 =	simm.s32 $0x600;
	[dreg:$0xc] =	wrdreg s14  }
0xc: {  	s16 =	simm.s32 $0x680;
	[dreg:$0xd] =	wrdreg s15  }
0xd: {  	s17 =	simm.s32 $0x700;
	[dreg:$0xe] =	wrdreg s16  }
0xe: {  	s18 =	simm.s32 $0x780;
	[dreg:$0xf] =	wrdreg s17  }
0xf: {  	s19 =	simm.s32 $0x800;
	[dreg:$0x10] =	wrdreg s18  }
0x10: {  	s20 =	simm.s32 $0x880;
	[dreg:$0x11] =	wrdreg s19  }
0x11: {  	s21 =	simm.s32 $0x900;
	s22 =	simm.s32 $0x980;
	[dreg:$0x12] =	wrdreg s20  }
0x12: {  	s24 =	simm.s32 $0xA00;
	s25 =	simm.s32 $0xA80;
	[dreg:$0x13] =	wrdreg s21  }
0x13: {  	s26 =	simm.s32 $0xB00;
	s29 =	simm.s32 $0xB80;
	[dreg:$0x14] =	wrdreg s22  }
0x14: {  	s30 =	simm.s32 $0xC00;
	s8 =	smul.u32 $0x280, s0;
	[dreg:$0x15] =	wrdreg s24  }
0x15: {  	s9 =	smul.u32 $0x2800, s4;
	s4 =	ssub.s32 $0x2, s4;
	[dreg:$0x16] =	wrdreg s25  }
0x16: {  	s28 =	simm.s32 $0x1600;
	s23 =	sshrl.u32 s4, $0x1;
	[dreg:$0x17] =	wrdreg s26  }
0x17: {  	s31 =	sadd.s32 s8, s9;
	s9 =	simm.s32 $0x300;
	[dreg:$0x18] =	wrdreg s29  }
0x18: {  	[dreg:$0x19] =	wrdreg s30;
	s10 =	simm.s32 $0xD00;
	s11 =	simm.s32 $0xD80  }
0x19: {  	s12 =	simm.s32 $0xE00;
	s13 =	simm.s32 $0xF00;
	s14 =	simm.s32 $0xF80  }
0x1a: {  	s15 =	simm.s32 $0x1000;
	s16 =	simm.s32 $0x1080;
	s17 =	simm.s32 $0x1100  }
0x1b: {  	s18 =	simm.s32 $0x1180;
	s19 =	simm.s32 $0x1200;
	[dreg:$0x7] =	wrdreg s9  }
0x1c: {  	s20 =	simm.s32 $0x1280;
	s21 =	simm.s32 $0x1300;
	[dreg:$0x1b] =	wrdreg s10  }
0x1d: {  	s22 =	simm.s32 $0x1380;
	s24 =	simm.s32 $0x1480;
	[dreg:$0x1c] =	wrdreg s11  }
0x1e: {  	s25 =	simm.s32 $0x1500;
	s26 =	simm.s32 $0x1580;
	[dreg:$0x1d] =	wrdreg s12  }
0x1f: {  	s5 =	sadd.s32 s6, s5;
	s6 =	sshrl.u32 s31, $0x3;
	s31 =	simm.s32 $0xC80  }
0x20: {  	s9 =	simm.s32 $0x80;
	s5 =	sadd.s32 $0x800, s5;
	[dreg:$0x1a] =	wrdreg s31  }
0x21: {  	s10 =	simm.s32 $0x1680;
	s6 =	sadd.s32 s7, s6;
	[dreg:$0x4] =	wrdreg s5  }
0x22: {  	s11 =	simm.s32 $0x2;
	s7 =	simm.s32 $0x1700;
	[dreg:$0x5] =	wrdreg s6  }
0x23: {  	s12 =	simm.s32 $0xE80;
	[dreg:$0x6] =	wrdreg s7;
	s6 =	ssub.s32 s4, s23  }
0x24: {  	s4 =	sadd.s32 s8, s2;
	s7 =	simm.s32 $0x3;
	s8 =	simm.s32 $0x1  }
0x25: {  	v0 =	vimm.f32 $0.0e+00;
	v1 =	vimm.f32 $1.000000000e+00;
	s23 =	simm.s32 $0x1400;
	s5 =	smax.u32 s6, $0x1;
	s6 =	simm.s32 $0x280  }
.LBB2_1:
0x26: {  	s29 =	rddreg [dreg:$0x4]  }
0x27: {  	[tilespmem:s6], [sflag:$0x1] =	stream.linear.gather [hbm4b:s29+s3], $0x1400, $0x38;
	[tilespmem:$0x1980] =	vst v63  }
0x28: {  	[tilespmem:$0x1700] =	vst v0  }
0x29: {  	[tilespmem:$0x1710] =	vst v0  }
0x2a: {  	[tilespmem:$0x1720] =	vst v0  }
0x2b: {  	[tilespmem:$0x1730] =	vst v0  }
0x2c: {  	[tilespmem:$0x1740] =	vst v0  }
0x2d: {  	[tilespmem:$0x1750] =	vst v0  }
0x2e: {  	[tilespmem:$0x1760] =	vst v0  }
0x2f: {  	[tilespmem:$0x1770] =	vst v0  }
0x30: {  	[tilespmem:$0x1780] =	vst v0  }
0x31: {  	[tilespmem:$0x1790] =	vst v0  }
0x32: {  	[tilespmem:$0x17A0] =	vst v0  }
0x33: {  	[tilespmem:$0x17B0] =	vst v0  }
0x34: {  	[tilespmem:$0x17C0] =	vst v0  }
0x35: {  	[tilespmem:$0x17D0] =	vst v0  }
0x36: {  	[tilespmem:$0x17E0] =	vst v0  }
0x37: {  	[tilespmem:$0x17F0] =	vst v0  }
0x38: {  	[tilespmem:$0x1800] =	vst v0  }
0x39: {  	[tilespmem:$0x1810] =	vst v0  }
0x3a: {  	[tilespmem:$0x1820] =	vst v0  }
0x3b: {  	[tilespmem:$0x1830] =	vst v0  }
0x3c: {  	[tilespmem:$0x1840] =	vst v0  }
0x3d: {  	[tilespmem:$0x1850] =	vst v0  }
0x3e: {  	[tilespmem:$0x1860] =	vst v0  }
0x3f: {  	[tilespmem:$0x1870] =	vst v0  }
0x40: {  	[tilespmem:$0x1880] =	vst v0  }
0x41: {  	[tilespmem:$0x1890] =	vst v0  }
0x42: {  	[tilespmem:$0x18A0] =	vst v0  }
0x43: {  	[tilespmem:$0x18B0] =	vst v0  }
0x44: {  	[tilespmem:$0x18C0] =	vst v0  }
0x45: {  	[tilespmem:$0x18D0] =	vst v0  }
0x46: {  	[tilespmem:$0x18E0] =	vst v0  }
0x47: {  	[tilespmem:$0x18F0] =	vst v0  }
0x48: {  	[tilespmem:$0x1900] =	vst v0  }
0x49: {  	[tilespmem:$0x1910] =	vst v0  }
0x4a: {  	[tilespmem:$0x1920] =	vst v0  }
0x4b: {  	[tilespmem:$0x1930] =	vst v0  }
0x4c: {  	[tilespmem:$0x1940] =	vst v0  }
0x4d: {  	[tilespmem:$0x1950] =	vst v0  }
0x4e: {  	[tilespmem:$0x1960] =	vst v0  }
0x4f: {  	[tilespmem:$0x1970] =	vst v0  }
0x50: {  	[tilespmem:$0x1680] =	vst v1  }
0x51: {  	[tilespmem:$0x1690] =	vst v1  }
0x52: {  	[tilespmem:$0x16A0] =	vst v1  }
0x53: {  	[tilespmem:$0x16B0] =	vst v1  }
0x54: {  	[tilespmem:$0x16C0] =	vst v1  }
0x55: {  	[tilespmem:$0x16D0] =	vst v1  }
0x56: {  	[tilespmem:$0x16E0] =	vst v1  }
0x57: {  	s30 =	rddreg [dreg:$0x6];
	[tilespmem:$0x16F0] =	vst v1  }
0x58: {  	[spmem:s4] =	stream.linear.scatter [tilespmem:s30], [sflag:$0x3], $0x280, $0x38;
	[tilespmem:$0x1980] =	vst v63  }
0x59: {  	_ =	swait.ge [sflag:s7], $0x280  }
0x5a: {  	[sflag:s7] =	ssyncset.done $0x0  }
0x5b: {  	[sflag:s7] =	ssyncadd.s32 $0xFFFFFD80  }
0x5c: {  	_ =	swait.ge [sflag:s8], $0x1400  }
0x5d: {  	[sflag:s8] =	ssyncset.done $0x0  }
0x5e: {  	[sflag:s8] =	ssyncadd.s32 $0xFFFFEC00  }
0x5f: {  	[bflag:$0x0] =	sbarrier.arrive $0xFFFF  }
0x60: {  	[spmem:s2] =	stream.indirect.scatter.add.f32 [tilespmem:s10], [sflag:$0x2], $0x1, s6, s9, $0xb8;
	[tilespmem:$0x1980] =	vst v63  }
0x61: {  	s31 =	rddreg [dreg:$0x7]  }
0x62: {  	[spmem:s2] =	stream.indirect.scatter.add.f32 [tilespmem:s10], [sflag:$0x2], $0x1, s31, s9, $0xb8;
	[tilespmem:$0x1980] =	vst v63  }
0x63: {  	s30 =	rddreg [dreg:$0x8]  }
0x64: {  	[spmem:s2] =	stream.indirect.scatter.add.f32 [tilespmem:s10], [sflag:$0x2], $0x1, s30, s9, $0xb8;
	[tilespmem:$0x1980] =	vst v63  }
0x65: {  	s31 =	rddreg [dreg:$0x9]  }
0x66: {  	[spmem:s2] =	stream.indirect.scatter.add.f32 [tilespmem:s10], [sflag:$0x2], $0x1, s31, s9, $0xb8;
	[tilespmem:$0x1980] =	vst v63  }
0x67: {  	_ =	swait.ge [sflag:s11], $0x80  }
0x68: {  	[sflag:s11] =	ssyncset.done $0x0  }
0x69: {  	[sflag:s11] =	ssyncadd.s32 $0xFFFFFF80  }
0x6a: {  	_ =	swait.ge [sflag:s11], $0x80  }
0x6b: {  	[sflag:s11] =	ssyncset.done $0x0  }
0x6c: {  	[sflag:s11] =	ssyncadd.s32 $0xFFFFFF80  }
0x6d: {  	_ =	swait.ge [sflag:s11], $0x80  }
0x6e: {  	[sflag:s11] =	ssyncset.done $0x0  }
0x6f: {  	[sflag:s11] =	ssyncadd.s32 $0xFFFFFF80  }
0x70: {  	_ =	swait.ge [sflag:s11], $0x80  }
0x71: {  	[sflag:s11] =	ssyncset.done $0x0  }
0x72: {  	s29 =	rddreg [dreg:$0xa];
	[sflag:s11] =	ssyncadd.s32 $0xFFFFFF80  }
0x73: {  	[spmem:s2] =	stream.indirect.scatter.add.f32 [tilespmem:s10], [sflag:$0x2], $0x1, s29, s9, $0xb8;
	[tilespmem:$0x1980] =	vst v63  }
0x74: {  	s31 =	rddreg [dreg:$0xb]  }
0x75: {  	[spmem:s2] =	stream.indirect.scatter.add.f32 [tilespmem:s10], [sflag:$0x2], $0x1, s31, s9, $0xb8;
	[tilespmem:$0x1980] =	vst v63  }
0x76: {  	s29 =	rddreg [dreg:$0xc]  }
0x77: {  	[spmem:s2] =	stream.indirect.scatter.add.f32 [tilespmem:s10], [sflag:$0x2], $0x1, s29, s9, $0xb8;
	[tilespmem:$0x1980] =	vst v63  }
0x78: {  	s31 =	rddreg [dreg:$0xd]  }
0x79: {  	[spmem:s2] =	stream.indirect.scatter.add.f32 [tilespmem:s10], [sflag:$0x2], $0x1, s31, s9, $0xb8;
	[tilespmem:$0x1980] =	vst v63  }
0x7a: {  	_ =	swait.ge [sflag:s11], $0x80  }
0x7b: {  	[sflag:s11] =	ssyncset.done $0x0  }
0x7c: {  	[sflag:s11] =	ssyncadd.s32 $0xFFFFFF80  }
0x7d: {  	_ =	swait.ge [sflag:s11], $0x80  }
0x7e: {  	[sflag:s11] =	ssyncset.done $0x0  }
0x7f: {  	[sflag:s11] =	ssyncadd.s32 $0xFFFFFF80  }
0x80: {  	_ =	swait.ge [sflag:s11], $0x80  }
0x81: {  	[sflag:s11] =	ssyncset.done $0x0  }
0x82: {  	[sflag:s11] =	ssyncadd.s32 $0xFFFFFF80  }
0x83: {  	_ =	swait.ge [sflag:s11], $0x80  }
0x84: {  	[sflag:s11] =	ssyncset.done $0x0  }
0x85: {  	s29 =	rddreg [dreg:$0xe];
	[sflag:s11] =	ssyncadd.s32 $0xFFFFFF80  }
0x86: {  	[spmem:s2] =	stream.indirect.scatter.add.f32 [tilespmem:s10], [sflag:$0x2], $0x1, s29, s9, $0xb8;
	[tilespmem:$0x1980] =	vst v63  }
0x87: {  	s31 =	rddreg [dreg:$0xf]  }
0x88: {  	[spmem:s2] =	stream.indirect.scatter.add.f32 [tilespmem:s10], [sflag:$0x2], $0x1, s31, s9, $0xb8;
	[tilespmem:$0x1980] =	vst v63  }
0x89: {  	s29 =	rddreg [dreg:$0x10]  }
0x8a: {  	[spmem:s2] =	stream.indirect.scatter.add.f32 [tilespmem:s10], [sflag:$0x2], $0x1, s29, s9, $0xb8;
	[tilespmem:$0x1980] =	vst v63  }
0x8b: {  	s31 =	rddreg [dreg:$0x11]  }
0x8c: {  	[spmem:s2] =	stream.indirect.scatter.add.f32 [tilespmem:s10], [sflag:$0x2], $0x1, s31, s9, $0xb8;
	[tilespmem:$0x1980] =	vst v63  }
0x8d: {  	_ =	swait.ge [sflag:s11], $0x80  }
0x8e: {  	[sflag:s11] =	ssyncset.done $0x0  }
0x8f: {  	[sflag:s11] =	ssyncadd.s32 $0xFFFFFF80  }
0x90: {  	_ =	swait.ge [sflag:s11], $0x80  }
0x91: {  	[sflag:s11] =	ssyncset.done $0x0  }
0x92: {  	[sflag:s11] =	ssyncadd.s32 $0xFFFFFF80  }
0x93: {  	_ =	swait.ge [sflag:s11], $0x80  }
0x94: {  	[sflag:s11] =	ssyncset.done $0x0  }
0x95: {  	[sflag:s11] =	ssyncadd.s32 $0xFFFFFF80  }
0x96: {  	_ =	swait.ge [sflag:s11], $0x80  }
0x97: {  	[sflag:s11] =	ssyncset.done $0x0  }
0x98: {  	s29 =	rddreg [dreg:$0x12];
	[sflag:s11] =	ssyncadd.s32 $0xFFFFFF80  }
0x99: {  	[spmem:s2] =	stream.indirect.scatter.add.f32 [tilespmem:s10], [sflag:$0x2], $0x1, s29, s9, $0xb8;
	[tilespmem:$0x1980] =	vst v63  }
0x9a: {  	s31 =	rddreg [dreg:$0x13]  }
0x9b: {  	[spmem:s2] =	stream.indirect.scatter.add.f32 [tilespmem:s10], [sflag:$0x2], $0x1, s31, s9, $0xb8;
	[tilespmem:$0x1980] =	vst v63  }
0x9c: {  	s29 =	rddreg [dreg:$0x14]  }
0x9d: {  	[spmem:s2] =	stream.indirect.scatter.add.f32 [tilespmem:s10], [sflag:$0x2], $0x1, s29, s9, $0xb8;
	[tilespmem:$0x1980] =	vst v63  }
0x9e: {  	s31 =	rddreg [dreg:$0x15]  }
0x9f: {  	[spmem:s2] =	stream.indirect.scatter.add.f32 [tilespmem:s10], [sflag:$0x2], $0x1, s31, s9, $0xb8;
	[tilespmem:$0x1980] =	vst v63  }
0xa0: {  	_ =	swait.ge [sflag:s11], $0x80  }
0xa1: {  	[sflag:s11] =	ssyncset.done $0x0  }
0xa2: {  	[sflag:s11] =	ssyncadd.s32 $0xFFFFFF80  }
0xa3: {  	_ =	swait.ge [sflag:s11], $0x80  }
0xa4: {  	[sflag:s11] =	ssyncset.done $0x0  }
0xa5: {  	[sflag:s11] =	ssyncadd.s32 $0xFFFFFF80  }
0xa6: {  	_ =	swait.ge [sflag:s11], $0x80  }
0xa7: {  	[sflag:s11] =	ssyncset.done $0x0  }
0xa8: {  	[sflag:s11] =	ssyncadd.s32 $0xFFFFFF80  }
0xa9: {  	_ =	swait.ge [sflag:s11], $0x80  }
0xaa: {  	[sflag:s11] =	ssyncset.done $0x0  }
0xab: {  	s29 =	rddreg [dreg:$0x16];
	[sflag:s11] =	ssyncadd.s32 $0xFFFFFF80  }
0xac: {  	[spmem:s2] =	stream.indirect.scatter.add.f32 [tilespmem:s10], [sflag:$0x2], $0x1, s29, s9, $0xb8;
	[tilespmem:$0x1980] =	vst v63  }
0xad: {  	s31 =	rddreg [dreg:$0x17]  }
0xae: {  	[spmem:s2] =	stream.indirect.scatter.add.f32 [tilespmem:s10], [sflag:$0x2], $0x1, s31, s9, $0xb8;
	[tilespmem:$0x1980] =	vst v63  }
0xaf: {  	s29 =	rddreg [dreg:$0x18]  }
0xb0: {  	[spmem:s2] =	stream.indirect.scatter.add.f32 [tilespmem:s10], [sflag:$0x2], $0x1, s29, s9, $0xb8;
	[tilespmem:$0x1980] =	vst v63  }
0xb1: {  	s31 =	rddreg [dreg:$0x19]  }
0xb2: {  	[spmem:s2] =	stream.indirect.scatter.add.f32 [tilespmem:s10], [sflag:$0x2], $0x1, s31, s9, $0xb8;
	[tilespmem:$0x1980] =	vst v63  }
0xb3: {  	_ =	swait.ge [sflag:s11], $0x80  }
0xb4: {  	[sflag:s11] =	ssyncset.done $0x0  }
0xb5: {  	[sflag:s11] =	ssyncadd.s32 $0xFFFFFF80  }
0xb6: {  	_ =	swait.ge [sflag:s11], $0x80  }
0xb7: {  	[sflag:s11] =	ssyncset.done $0x0  }
0xb8: {  	[sflag:s11] =	ssyncadd.s32 $0xFFFFFF80  }
0xb9: {  	_ =	swait.ge [sflag:s11], $0x80  }
0xba: {  	[sflag:s11] =	ssyncset.done $0x0  }
0xbb: {  	[sflag:s11] =	ssyncadd.s32 $0xFFFFFF80  }
0xbc: {  	_ =	swait.ge [sflag:s11], $0x80  }
0xbd: {  	[sflag:s11] =	ssyncset.done $0x0  }
0xbe: {  	s29 =	rddreg [dreg:$0x1a];
	[sflag:s11] =	ssyncadd.s32 $0xFFFFFF80  }
0xbf: {  	[spmem:s2] =	stream.indirect.scatter.add.f32 [tilespmem:s10], [sflag:$0x2], $0x1, s29, s9, $0xb8;
	[tilespmem:$0x1980] =	vst v63  }
0xc0: {  	s31 =	rddreg [dreg:$0x1b]  }
0xc1: {  	[spmem:s2] =	stream.indirect.scatter.add.f32 [tilespmem:s10], [sflag:$0x2], $0x1, s31, s9, $0xb8;
	[tilespmem:$0x1980] =	vst v63  }
0xc2: {  	s29 =	rddreg [dreg:$0x1c]  }
0xc3: {  	[spmem:s2] =	stream.indirect.scatter.add.f32 [tilespmem:s10], [sflag:$0x2], $0x1, s29, s9, $0xb8;
	[tilespmem:$0x1980] =	vst v63  }
0xc4: {  	s31 =	rddreg [dreg:$0x1d]  }
0xc5: {  	[spmem:s2] =	stream.indirect.scatter.add.f32 [tilespmem:s10], [sflag:$0x2], $0x1, s31, s9, $0xb8;
	[tilespmem:$0x1980] =	vst v63  }
0xc6: {  	_ =	swait.ge [sflag:s11], $0x80  }
0xc7: {  	[sflag:s11] =	ssyncset.done $0x0  }
0xc8: {  	[sflag:s11] =	ssyncadd.s32 $0xFFFFFF80  }
0xc9: {  	_ =	swait.ge [sflag:s11], $0x80  }
0xca: {  	[sflag:s11] =	ssyncset.done $0x0  }
0xcb: {  	[sflag:s11] =	ssyncadd.s32 $0xFFFFFF80  }
0xcc: {  	_ =	swait.ge [sflag:s11], $0x80  }
0xcd: {  	[sflag:s11] =	ssyncset.done $0x0  }
0xce: {  	[sflag:s11] =	ssyncadd.s32 $0xFFFFFF80  }
0xcf: {  	_ =	swait.ge [sflag:s11], $0x80  }
0xd0: {  	[sflag:s11] =	ssyncset.done $0x0  }
0xd1: {  	[sflag:s11] =	ssyncadd.s32 $0xFFFFFF80  }
0xd2: {  	[spmem:s2] =	stream.indirect.scatter.add.f32 [tilespmem:s10], [sflag:$0x2], $0x1, s12, s9, $0xb8;
	[tilespmem:$0x1980] =	vst v63  }
0xd3: {  	_ = 	snop  }
0xd4: {  	[spmem:s2] =	stream.indirect.scatter.add.f32 [tilespmem:s10], [sflag:$0x2], $0x1, s13, s9, $0xb8;
	[tilespmem:$0x1980] =	vst v63  }
0xd5: {  	_ = 	snop  }
0xd6: {  	[spmem:s2] =	stream.indirect.scatter.add.f32 [tilespmem:s10], [sflag:$0x2], $0x1, s14, s9, $0xb8;
	[tilespmem:$0x1980] =	vst v63  }
0xd7: {  	_ = 	snop  }
0xd8: {  	[spmem:s2] =	stream.indirect.scatter.add.f32 [tilespmem:s10], [sflag:$0x2], $0x1, s15, s9, $0xb8;
	[tilespmem:$0x1980] =	vst v63  }
0xd9: {  	_ =	swait.ge [sflag:s11], $0x80  }
0xda: {  	[sflag:s11] =	ssyncset.done $0x0  }
0xdb: {  	[sflag:s11] =	ssyncadd.s32 $0xFFFFFF80  }
0xdc: {  	_ =	swait.ge [sflag:s11], $0x80  }
0xdd: {  	[sflag:s11] =	ssyncset.done $0x0  }
0xde: {  	[sflag:s11] =	ssyncadd.s32 $0xFFFFFF80  }
0xdf: {  	_ =	swait.ge [sflag:s11], $0x80  }
0xe0: {  	[sflag:s11] =	ssyncset.done $0x0  }
0xe1: {  	[sflag:s11] =	ssyncadd.s32 $0xFFFFFF80  }
0xe2: {  	_ =	swait.ge [sflag:s11], $0x80  }
0xe3: {  	[sflag:s11] =	ssyncset.done $0x0  }
0xe4: {  	[sflag:s11] =	ssyncadd.s32 $0xFFFFFF80  }
0xe5: {  	[spmem:s2] =	stream.indirect.scatter.add.f32 [tilespmem:s10], [sflag:$0x2], $0x1, s16, s9, $0xb8;
	[tilespmem:$0x1980] =	vst v63  }
0xe6: {  	_ = 	snop  }
0xe7: {  	[spmem:s2] =	stream.indirect.scatter.add.f32 [tilespmem:s10], [sflag:$0x2], $0x1, s17, s9, $0xb8;
	[tilespmem:$0x1980] =	vst v63  }
0xe8: {  	_ = 	snop  }
0xe9: {  	[spmem:s2] =	stream.indirect.scatter.add.f32 [tilespmem:s10], [sflag:$0x2], $0x1, s18, s9, $0xb8;
	[tilespmem:$0x1980] =	vst v63  }
0xea: {  	_ = 	snop  }
0xeb: {  	[spmem:s2] =	stream.indirect.scatter.add.f32 [tilespmem:s10], [sflag:$0x2], $0x1, s19, s9, $0xb8;
	[tilespmem:$0x1980] =	vst v63  }
0xec: {  	_ =	swait.ge [sflag:s11], $0x80  }
0xed: {  	[sflag:s11] =	ssyncset.done $0x0  }
0xee: {  	[sflag:s11] =	ssyncadd.s32 $0xFFFFFF80  }
0xef: {  	_ =	swait.ge [sflag:s11], $0x80  }
0xf0: {  	[sflag:s11] =	ssyncset.done $0x0  }
0xf1: {  	[sflag:s11] =	ssyncadd.s32 $0xFFFFFF80  }
0xf2: {  	_ =	swait.ge [sflag:s11], $0x80  }
0xf3: {  	[sflag:s11] =	ssyncset.done $0x0  }
0xf4: {  	[sflag:s11] =	ssyncadd.s32 $0xFFFFFF80  }
0xf5: {  	_ =	swait.ge [sflag:s11], $0x80  }
0xf6: {  	[sflag:s11] =	ssyncset.done $0x0  }
0xf7: {  	[sflag:s11] =	ssyncadd.s32 $0xFFFFFF80  }
0xf8: {  	[spmem:s2] =	stream.indirect.scatter.add.f32 [tilespmem:s10], [sflag:$0x2], $0x1, s20, s9, $0xb8;
	[tilespmem:$0x1980] =	vst v63  }
0xf9: {  	_ = 	snop  }
0xfa: {  	[spmem:s2] =	stream.indirect.scatter.add.f32 [tilespmem:s10], [sflag:$0x2], $0x1, s21, s9, $0xb8;
	[tilespmem:$0x1980] =	vst v63  }
0xfb: {  	_ = 	snop  }
0xfc: {  	[spmem:s2] =	stream.indirect.scatter.add.f32 [tilespmem:s10], [sflag:$0x2], $0x1, s22, s9, $0xb8;
	[tilespmem:$0x1980] =	vst v63  }
0xfd: {  	_ = 	snop  }
0xfe: {  	[spmem:s2] =	stream.indirect.scatter.add.f32 [tilespmem:s10], [sflag:$0x2], $0x1, s23, s9, $0xb8;
	[tilespmem:$0x1980] =	vst v63  }
0xff: {  	_ =	swait.ge [sflag:s11], $0x80  }
0x100: {  	[sflag:s11] =	ssyncset.done $0x0  }
0x101: {  	[sflag:s11] =	ssyncadd.s32 $0xFFFFFF80  }
0x102: {  	_ =	swait.ge [sflag:s11], $0x80  }
0x103: {  	[sflag:s11] =	ssyncset.done $0x0  }
0x104: {  	[sflag:s11] =	ssyncadd.s32 $0xFFFFFF80  }
0x105: {  	_ =	swait.ge [sflag:s11], $0x80  }
0x106: {  	[sflag:s11] =	ssyncset.done $0x0  }
0x107: {  	[sflag:s11] =	ssyncadd.s32 $0xFFFFFF80  }
0x108: {  	_ =	swait.ge [sflag:s11], $0x80  }
0x109: {  	[sflag:s11] =	ssyncset.done $0x0  }
0x10a: {  	[sflag:s11] =	ssyncadd.s32 $0xFFFFFF80  }
0x10b: {  	[spmem:s2] =	stream.indirect.scatter.add.f32 [tilespmem:s10], [sflag:$0x2], $0x1, s24, s9, $0xb8;
	[tilespmem:$0x1980] =	vst v63  }
0x10c: {  	_ = 	snop  }
0x10d: {  	[spmem:s2] =	stream.indirect.scatter.add.f32 [tilespmem:s10], [sflag:$0x2], $0x1, s25, s9, $0xb8;
	[tilespmem:$0x1980] =	vst v63  }
0x10e: {  	_ = 	snop  }
0x10f: {  	[spmem:s2] =	stream.indirect.scatter.add.f32 [tilespmem:s10], [sflag:$0x2], $0x1, s26, s9, $0xb8;
	[tilespmem:$0x1980] =	vst v63  }
0x110: {  	_ = 	snop  }
0x111: {  	[spmem:s2] =	stream.indirect.scatter.add.f32 [tilespmem:s10], [sflag:$0x2], $0x1, s28, s9, $0xb8;
	[tilespmem:$0x1980] =	vst v63  }
0x112: {  	_ =	swait.ge [sflag:s11], $0x80  }
0x113: {  	[sflag:s11] =	ssyncset.done $0x0  }
0x114: {  	[sflag:s11] =	ssyncadd.s32 $0xFFFFFF80  }
0x115: {  	_ =	swait.ge [sflag:s11], $0x80  }
0x116: {  	[sflag:s11] =	ssyncset.done $0x0  }
0x117: {  	[sflag:s11] =	ssyncadd.s32 $0xFFFFFF80  }
0x118: {  	_ =	swait.ge [sflag:s11], $0x80  }
0x119: {  	[sflag:s11] =	ssyncset.done $0x0  }
0x11a: {  	[sflag:s11] =	ssyncadd.s32 $0xFFFFFF80  }
0x11b: {  	_ =	swait.ge [sflag:s11], $0x80  }
0x11c: {  	[sflag:s11] =	ssyncset.done $0x0  }
0x11d: {  	s31 =	sshll.u32 s0, $0x6;
	[sflag:s11] =	ssyncadd.s32 $0xFFFFFF80  }
0x11e: {  	p0 =	sne.s32 s5, $0x1;
	s30 =	sor.u32 $0x1C03, s31;
	[bflag:$0x0] =	sbarrier.arrive $0xFFFF  }
.Ltmp0:
0x11f: {  	s31 =	sshrl.u32 s4, $0x3;
	s29 =	rddreg [dreg:$0x5];
	(pc) =	sbr.rel @p0 .LBB2_1-.Ltmp0, $4  }
0x120: {  	[hbm:s29], [sflag:s30] =	dma.local [spmem:s31], $0x50  }
0x121: {  	_ =	swait.ge [sflag:s7], $0x50  }
0x122: {  	[sflag:s7] =	ssyncset.done $0x0  }
0x123: {  	s5 =	sadd.s32 $0xFFFFFFFF, s5;
	[sflag:s7] =	ssyncadd.s32 $0xFFFFFFB0  }
0x124: {  	_ =	sfence.sel $0x180000  }
0x125: {  	[bflag:$0x0] =	sbarrier.arrive $0xFFFF  }
0x126: {  	p0 =	sne.s32 s0, $0x0;
	_ =	strace $0x90000047  }
0x127: {  	s0 =	sadd.s32 @!p0 $0x100000, s1;
	[bflag:$0x2] =	sbarrier.arrive $0xFFFF  }
0x128: {  	[sflag:s0] =	ssyncadd.tile.s32 @!p0 $0x1;
	_ =	shalt  }
.Lfunc_end2:
_tile_overlayer_lowered:
.L_overlay_start_2:
0x129: {  	(tag) =	ssettag $0x2  }
0x12a: {  	s0 =	rddreg [dreg:$0x0];
	s2 =	stileid.u32  }
0x12b: {  	s1 =	rddreg [dreg:$0x1];
	p0 =	sne.s32 s2, $0x0  }
0x12c: {  	s3 =	rddreg [dreg:$0x2];
	[bflag:$0x3] =	sbarrier.arrive $0xFFFF;
	s2 =	simm.s32 @!p0 $0x1C03  }
0x12d: {  	[timem:s3], [sflag:s2] =	dma.local @!p0 [hbm:s0], s1  }
0x12e: {  	s0 =	simm.s32 @!p0 $0x3  }
0x12f: {  	_ =	swait.ge @!p0 [sflag:s0], s1  }
0x130: {  	s1 =	ssub.s32 @!p0 $0x0, s1;
	[sflag:s0] =	ssyncset.done @!p0 $0x0  }
0x131: {  	[sflag:s0] =	ssyncadd.s32 @!p0 s1  }
0x132: {  	[bflag:$0x3] =	sbarrier.arrive $0xFFFF  }
0x133: {  	_ =	shalt  }

// kernel: kernel.9.cloned.1.call-start
scs
__scs_entry_jumppad:
0x0: {  	(pc) =	sbr.rel $0x88, $3  }
0x1: {  	(tag) =	ssettag $0x0;
	lr =	simm.s32 $0x1  }
0x2: {  	[smem:$0x3F9D] =	sst lr;
	_ =	strace $0xD0000000  }
0x3: {  	_ = 	snop  }
0x4: {  	_ = 	snop  }
0x5: {  	_ = 	snop  }
0x6: {  	_ = 	snop  }
0x7: {  	_ = 	snop  }
__scs_overlays_trampoline_lowered:
0x8: {  	[smem:$0x3FAC] =	sst s0  }
0x9: {  	[smem:$0x3FAD] =	sst s1  }
0xa: {  	[smem:$0x3FAE] =	sst s2  }
0xb: {  	[smem:$0x3FAF] =	sst s3  }
0xc: {  	[smem:$0x3FB0] =	sst s4  }
0xd: {  	[smem:$0x3FB1] =	sst s5  }
0xe: {  	[smem:$0x3FB2] =	sst s6  }
0xf: {  	[smem:$0x3FB3] =	sst s7  }
0x10: {  	[smem:$0x3FB4] =	sst s8  }
0x11: {  	[smem:$0x3FB5] =	sst s9;
	s0 =	simm.s32 @!p0 $0x0  }
0x12: {  	s1 =	sld [smem:$0x3F9B];
	s0 =	simm.s32 @p0 $0x1  }
0x13: {  	[smem:$0x3FB6] =	sst s0;
	s0 =	simm.s32 @!p1 $0x0  }
0x14: {  	s2 =	sld [smem:$0x3F9A];
	s0 =	simm.s32 @p1 $0x1  }
0x15: {  	[smem:$0x3FB7] =	sst s0;
	s0 =	simm.s32 @!p2 $0x0  }
0x16: {  	s3 =	sld [smem:$0x3FDB];
	s0 =	simm.s32 @p2 $0x1  }
0x17: {  	s4 =	simm.s32 $0x1BF5;
	[smem:$0x3FB9] =	sst s0  }
0x18: {  	s0 =	sld [smem:$0x3F9C];
	_ =	swait.ge [sflag:s4], $0x0  }
0x19: {  	s7 =	sld [smem:$0x3F9D]  }
0x1a: {  	s8 =	sadd.s32 $0xFFFFE003, lr  }
0x1b: {  	s9 =	sadd.s32 $0xFFFFFEF7, lr;
	s5 =	simm.s32 $0xFFFFFFFF;
	p2 =	slt.u32 s8, $0xFFFFF086  }
0x1c: {  	p1 =	slt.u32 s9, $0xF7A;
	s5 =	simm.s32 @!p2 $0x0  }
0x1d: {  	s5 =	simm.s32 @p1 $0x1;
	p0 =	seq.s32 s7, s2  }
0x1e: {  	s7 =	smul.u32 @!p0 $0xF7A, s2;
	p2 =	seq.s32 @!p0 s5, $0x0  }
0x1f: {  	s9 =	smul.u32 $0xF7A, s1;
	s8 =	simm.s32 @!p0 $0x1BF5;
	p2 =	por !p2, p0  }
0x20: {  	[sflag:s8] =	ssyncset.s32 @!p0 $0xFFFFF086;
	s6 =	sadd.s32 @!p0 s3, s7;
	s7 =	simm.s32 @!p0 $0x108  }
0x21: {  	s3 =	sadd.s32 s3, s9;
	s6 =	sadd.s32 @!p0 $0x88, s6;
	s7 =	simm.s32 @p2 $0x1082  }
0x22: {  	[simem:s7], [sflag:s8] =	dma.local @!p0 [hbm:s6], $0xF7A  }
0x23: {  	s9 =	sor.u32 $0xD0000000, s2;
	s6 =	simm.s32 $0x108;
	_ =	swait.ge @!p0 [sflag:s8], $0x0  }
0x24: {  	s3 =	sadd.s32 $0x88, s3;
	s6 =	simm.s32 @!p1 $0x1082;
	[sflag:s4] =	ssyncset.s32 $0xFFFFF086  }
0x25: {  	[simem:s6], [sflag:s4] =	dma.local [hbm:s3], $0xF7A  }
0x26: {  	[smem:$0x3F9D] =	sst s1;
	(tag) =	ssettag s2;
	_ =	strace s9  }
0x27: {  	s1 =	sld [smem:$0x3FAD]  }
0x28: {  	s2 =	sld [smem:$0x3FAE]  }
0x29: {  	s4 =	sld [smem:$0x3FB0]  }
0x2a: {  	p0 =	seq.s32 s5, $0x0;
	s5 =	sld [smem:$0x3FB1]  }
0x2b: {  	s6 =	sld [smem:$0x3FB2]  }
0x2c: {  	s7 =	sld [smem:$0x3FB3]  }
0x2d: {  	s3 =	simm.s32 $0x108;
	s8 =	sld [smem:$0x3FB4]  }
0x2e: {  	s3 =	simm.s32 @!p0 $0x1082;
	s9 =	sld [smem:$0x3FB5]  }
0x2f: {  	lr =	sadd.s32 s0, s3;
	s0 =	sld [smem:$0x3FAC]  }
0x30: {  	s3 =	sld [smem:$0x3FAF]  }
0x31: {  	[smem:$0x3FB8] =	sst s10  }
0x32: {  	s10 =	sld [smem:$0x3FB6];
	_ =	sdelay $0x3  }
0x33: {  	p0 =	seq.s32 s10, $0x1;
	s10 =	sld [smem:$0x3FB8];
	_ =	sdelay $0x3  }
0x34: {  	[smem:$0x3FB8] =	sst s10  }
0x35: {  	s10 =	sld [smem:$0x3FB7];
	_ =	sdelay $0x3  }
0x36: {  	p1 =	seq.s32 s10, $0x1;
	s10 =	sld [smem:$0x3FB8];
	_ =	sdelay $0x3  }
0x37: {  	[smem:$0x3FB8] =	sst s10  }
0x38: {  	s10 =	sld [smem:$0x3FB9]  }
0x39: {  	_ = 	snop;
	(pc) =	sbr.ind lr, $3  }
0x3a: {  	_ = 	snop  }
0x3b: {  	_ = 	snop  }
0x3c: {  	p2 =	seq.s32 s10, $0x1;
	s10 =	sld [smem:$0x3FB8]  }
0x3d: {  	_ =	shalt  }
0x3e: {  	_ =	shalt  }
0x3f: {  	_ =	shalt  }
0x40: {  	_ =	shalt  }
0x41: {  	_ =	shalt  }
0x42: {  	_ =	shalt  }
0x43: {  	_ =	shalt  }
0x44: {  	_ =	shalt  }
0x45: {  	_ =	shalt  }
0x46: {  	_ =	shalt  }
0x47: {  	_ =	shalt  }
0x48: {  	_ =	shalt  }
0x49: {  	_ =	shalt  }
0x4a: {  	_ =	shalt  }
0x4b: {  	_ =	shalt  }
0x4c: {  	_ =	shalt  }
0x4d: {  	_ =	shalt  }
0x4e: {  	_ =	shalt  }
0x4f: {  	_ =	shalt  }
0x50: {  	_ =	shalt  }
0x51: {  	_ =	shalt  }
0x52: {  	_ =	shalt  }
0x53: {  	_ =	shalt  }
0x54: {  	_ =	shalt  }
0x55: {  	_ =	shalt  }
0x56: {  	_ =	shalt  }
0x57: {  	_ =	shalt  }
0x58: {  	_ =	shalt  }
0x59: {  	_ =	shalt  }
0x5a: {  	_ =	shalt  }
0x5b: {  	_ =	shalt  }
0x5c: {  	_ =	shalt  }
0x5d: {  	_ =	shalt  }
0x5e: {  	_ =	shalt  }
0x5f: {  	_ =	shalt  }
0x60: {  	_ =	shalt  }
0x61: {  	_ =	shalt  }
0x62: {  	_ =	shalt  }
0x63: {  	_ =	shalt  }
0x64: {  	_ =	shalt  }
0x65: {  	_ =	shalt  }
0x66: {  	_ =	shalt  }
0x67: {  	_ =	shalt  }
0x68: {  	_ =	shalt  }
0x69: {  	_ =	shalt  }
0x6a: {  	_ =	shalt  }
0x6b: {  	_ =	shalt  }
0x6c: {  	_ =	shalt  }
0x6d: {  	_ =	shalt  }
0x6e: {  	_ =	shalt  }
0x6f: {  	_ =	shalt  }
0x70: {  	_ =	shalt  }
0x71: {  	_ =	shalt  }
0x72: {  	_ =	shalt  }
0x73: {  	_ =	shalt  }
0x74: {  	_ =	shalt  }
0x75: {  	_ =	shalt  }
0x76: {  	_ =	shalt  }
0x77: {  	_ =	shalt  }
0x78: {  	_ =	shalt  }
0x79: {  	_ =	shalt  }
0x7a: {  	_ =	shalt  }
0x7b: {  	_ =	shalt  }
0x7c: {  	_ =	shalt  }
0x7d: {  	_ =	shalt  }
0x7e: {  	_ =	shalt  }
0x7f: {  	_ =	shalt  }
0x80: {  	_ =	shalt  }
0x81: {  	_ =	shalt  }
0x82: {  	_ =	shalt  }
0x83: {  	_ =	shalt  }
0x84: {  	_ =	shalt  }
0x85: {  	_ =	shalt  }
0x86: {  	_ =	shalt  }
0x87: {  	_ =	shalt  }
.Lfunc_end0:
.L_simem_size_0:
called_computation.1_lowered:
.L_overlay_start_0:
0x88: {  	s2 =	sld [smem:$0x3FD9]  }
0x89: {  	s3 =	sld [smem:$0x3FFE];
	_ =	sdelay $0x1  }
0x8a: {  	s1 =	srdreg.scid  }
0x8b: {  	s0 =	sand.u32 $0x1, s1  }
0x8c: {  	s16 =	sshll.u32 s0, $0xA;
	s2 =	sadd.s32 s3, s2  }
0x8d: {  	s2 =	sadd.s32 s2, s16  }
0x8e: {  	[smem:$0x3FC4] =	sst s2  }
0x8f: {  	_ = 	snop  }
0x90: {  	(tm) =	ssettm $0x1  }
0x91: {  	s17 =	sld [smem:$0x3FFB];
	_ =	sdelay $0x3  }
0x92: {  	_ =	strace s17  }
0x93: {  	s2 =	sld [smem:$0x3FFC];
	_ =	sdelay $0x3  }
0x94: {  	_ =	strace s2  }
0x95: {  	s2 =	sld [smem:$0x3FFD];
	_ =	sdelay $0x3  }
0x96: {  	_ =	strace s2  }
0x97: {  	_ =	strace $0x8FFFFFFF  }
0x98: {  	s18 =	sld [smem:$0x3FDB];
	_ =	sdelay $0x1  }
0x99: {  	s19 =	simm.s32 $_scs_section_size  }
0x9a: {  	s4 =	simm.s32 $_size__tile_overlayer_lowered;
	s5 =	simm.s32 $_tile_overlayer_lowered  }
0x9b: {  	s22 =	simm.s32 $0x1BFF;
	s21 =	sshll.u32 s5, $0x1;
	s2 =	sadd.s32 s19, s18  }
0x9c: {  	s6 =	simm.s32 $0x0;
	s20 =	sshll.u32 s4, $0x1;
	s4 =	sadd.s32 s21, s2  }
0x9d: {  	[timem:s6], [sflag:s22] =	dma.local [hbm:s4], s20  }
0x9e: {  	_ =	swait.ge [sflag:s22], s20  }
0x9f: {  	s3 =	ssub.s32 $0x0, s20;
	[sflag:s22] =	ssyncset.done $0x0  }
0xa0: {  	[sflag:s22] =	ssyncadd.s32 s3;
	_ =	sdelay $0x1  }
0xa1: {  	s23 =	simm.s32 $0x1B8B  }
0xa2: {  	_ =	swait.ge [sflag:s23], $0x1  }
0xa3: {  	[sflag:s23] =	ssyncset.done $0x0  }
0xa4: {  	s25 =	simm.s32 $0x1B8E;
	s24 =	sld [smem:$0x3FFE];
	[sflag:s23] =	ssyncadd.s32 $0xFFFFFFFF  }
0xa5: {  	s26 =	simm.s32 $execute0_lowered;
	[smem:$0x3FD2] =	sst s25  }
0xa6: {  	s4 =	sshll.u32 s26, $0x1;
	_ =	strace $0x80000049;
	[dreg:$0x1] =	wrdreg $0xFFFFFFFF  }
0xa7: {  	s28 =	simm.s32 $_size_execute0_lowered;
	s2 =	sadd.s32 s2, s4;
	[dreg:$0x0] =	wrdreg $0x0  }
0xa8: {  	s4 =	sshll.u32 s28, $0x1;
	[dreg:$0x2] =	wrdreg s2  }
0xa9: {  	[dreg:$0x3] =	wrdreg s4  }
0xaa: {  	[dreg:$0x4] =	wrdreg $0xC0  }
0xab: {  	_ =	task [dreg:s6], $0x5FFFF  }
0xac: {  	[dreg:$0x1] =	wrdreg $0xFFFFFFFF  }
0xad: {  	[dreg:$0x0] =	wrdreg $0x60  }
0xae: {  	[dreg:$0x2] =	wrdreg s24  }
0xaf: {  	[dreg:$0x3] =	wrdreg $0x0  }
0xb0: {  	[dreg:$0x4] =	wrdreg $0x9  }
0xb1: {  	_ =	task.clear_ibuf [dreg:s6], $0x5FFFF;
	_ =	strace $0x90000049  }
0xb2: {  	s29 =	simm.s32 $0x9;
	_ =	strace $0x8000004B  }
0xb3: {  	_ =	swait.ge [sflag:s29], $0x1  }
0xb4: {  	[sflag:s29] =	ssyncadd.s32 $0xFFFFFFFF  }
0xb5: {  	_ =	strace $0x9000004B  }
0xb6: {  	_ =	sfence  }
0xb7: {  	s30 =	sld [smem:$0x0];
	_ =	sdelay $0x2  }
0xb8: {  	s31 =	sshll.u32 s1, $0xD;
	s1 =	sshrl.u32 s1, $0x2  }
0xb9: {  	s3 =	sand.u32 $0x4000, s31;
	s1 =	sadd.s32 s1, s30  }
0xba: {  	s0 =	sor.u32 s3, s0;
	s1 =	sshll.u32 s1, $0x11  }
0xbb: {  	s0 =	sor.u32 s1, s0  }
0xbc: {  	s0 =	sadd.s32 $0x8F2B, s0  }
0xbd: {  	[sflag:s0] =	ssyncadd.remote.s32 $0x1  }
0xbe: {  	_ =	sfence.sel $0xFFFF  }
0xbf: {  	[dreg:$0x0] =	wrdreg $0xFFFFFFFF;
	(pc) =	sbr.abs _section_cstart, $3  }
0xc0: {  	[dreg:$0x1] =	wrdreg $0xFFFFFFFF  }
0xc1: {  	_ =	task.clear_ibuf [dreg:s6], $0x2FFFF;
	_ =	strace $0x9FFFFFFF  }
0xc2: {  	(tm) =	ssettm $0x7FFFFFFF  }
0xc3: {  	_ =	shalt  }
tec
execute0_lowered:
.L_overlay_start_1:
0x0: {  	(tag) =	ssettag $0x1  }
0x1: {  	s0 =	srdreg.scid  }
0x2: {  	s6 =	stileid.u32;
	s3 =	rddreg [dreg:$0x0]  }
0x3: {  	s2 =	rddreg [dreg:$0x1];
	s5 =	simm.s32 $0x0;
	s14 =	simm.s32 $0x2800  }
0x4: {  	s15 =	simm.s32 $0x3C00;
	s16 =	simm.s32 $0x9000;
	s17 =	simm.s32 $0x5  }
0x5: {  	s18 =	simm.s32 $0x1;
	s19 =	simm.s32 $0x2;
	s20 =	simm.s32 $0x80  }
0x6: {  	s21 =	simm.s32 $0x5000;
	s23 =	simm.s32 $0x5800;
	s28 =	simm.s32 $0x6800  }
0x7: {  	s30 =	simm.s32 $0x7000;
	s29 =	simm.s32 $0x8800;
	s31 =	simm.s32 $0x3  }
0x8: {  	s22 =	simm.s32 $0x4;
	s0 =	sand.u32 $0x1, s0;
	s7 =	smul.u32 $0x2800, s6  }
0x9: {  	[smem:$0x7FF] =	sst s5;
	s1 =	sshll.u32 s0, $0x4;
	s4 =	smul.u32 $0x28000, s0  }
0xa: {  	s0 =	ssub.s32 $0x2, s0;
	s1 =	sor.u32 s6, s1;
	s6 =	smul.u32 $0xA000, s6  }
0xb: {  	_ =	strace $0x8000004A;
	s25 =	sshrl.u32 s0, $0x1;
	s1 =	smul.u32 $0x280, s1  }
0xc: {  	s4 =	sadd.s32 s7, s4;
	s0 =	ssub.s32 s0, s25;
	s7 =	sadd.s32 s7, s2  }
0xd: {  	s25 =	simm.s32 $0x6000;
	s24 =	sshrl.u32 s4, $0x3;
	s4 =	sadd.s32 $0xA800, s3  }
0xe: {  	s8 =	sshrl.u32 s6, $0x2;
	s13 =	smax.u32 s0, $0x1;
	s1 =	sadd.s32 s1, s3  }
0xf: {  	s3 =	sadd.s32 s24, s3;
	s26 =	sadd.s32 s8, s2;
	s24 =	simm.s32 $0x8000  }
0x10: {  	s5 =	sadd.s32 $0x5800, s1;
	s6 =	sadd.s32 $0x800, s1;
	s8 =	sadd.s32 $0x800, s26  }
0x11: {  	s9 =	sadd.s32 $0x1000, s26;
	s10 =	sadd.s32 $0x1800, s26;
	s11 =	sadd.s32 $0x2000, s26  }
0x12: {  	v0 =	vimm.f32 $0.0e+00;
	s12 =	sadd.s32 $0xF800, s3;
	s1 =	simm.s32 $0x7800;
	s26 =	simm.s32 $0x0  }
.LBB2_1:
0x13: {  	s0 =	simm.s32 $0x0  }
0x14: {  	[tilespmem:s14], [sflag:$0x1] =	stream.linear.gather [hbm4b:s5+s0], $0x1400, $0x38;
	[tilespmem:$0x9800] =	vst v63  }
0x15: {  	_ = 	snop  }
0x16: {  	[tilespmem:s15], [sflag:$0x2] =	stream.linear.gather [hbm4b:s6+s0], $0x1400, $0x38;
	[tilespmem:$0x9800] =	vst v63  }
0x17: {  	s3 =	simm.s32 $0x0;
	s0 =	simm.s32 $0x40  }
.LBB2_2:
0x18: {  	p0 =	sne.s32 s0, $0x1FC0;
	[tilespmem:s3+$0x9000] =	vst v0;
	s3 =	smov.u32 s0;
	s0 =	sadd.s32 $0x40, s0  }
.Ltmp0:
0x19: {  	(pc) =	sbr.rel @p0 .LBB2_2-.Ltmp0, $2  }
0x1a: {  	_ =	sdelay $0x2  }
0x1b: {  	s3 =	sshra.s32 s3, $0x2  }
0x1c: {  	[tilespmem:s3+$0x9000] =	vst v0  }
0x1d: {  	[spmem:s7] =	stream.linear.scatter [tilespmem:s16], [sflag:$0x5], $0x800, $0x38;
	[tilespmem:$0x9800] =	vst v63  }
0x1e: {  	_ =	swait.ge [sflag:s17], $0x800  }
0x1f: {  	[sflag:s17] =	ssyncset.done $0x0  }
0x20: {  	[sflag:s17] =	ssyncadd.s32 $0xFFFFF800  }
0x21: {  	[spmem:s8] =	stream.linear.scatter [tilespmem:s16], [sflag:$0x5], $0x800, $0x38;
	[tilespmem:$0x9800] =	vst v63  }
0x22: {  	_ =	swait.ge [sflag:s17], $0x800  }
0x23: {  	[sflag:s17] =	ssyncset.done $0x0  }
0x24: {  	[sflag:s17] =	ssyncadd.s32 $0xFFFFF800  }
0x25: {  	[spmem:s9] =	stream.linear.scatter [tilespmem:s16], [sflag:$0x5], $0x800, $0x38;
	[tilespmem:$0x9800] =	vst v63  }
0x26: {  	_ =	swait.ge [sflag:s17], $0x800  }
0x27: {  	[sflag:s17] =	ssyncset.done $0x0  }
0x28: {  	[sflag:s17] =	ssyncadd.s32 $0xFFFFF800  }
0x29: {  	[spmem:s10] =	stream.linear.scatter [tilespmem:s16], [sflag:$0x5], $0x800, $0x38;
	[tilespmem:$0x9800] =	vst v63  }
0x2a: {  	_ =	swait.ge [sflag:s17], $0x800  }
0x2b: {  	[sflag:s17] =	ssyncset.done $0x0  }
0x2c: {  	[sflag:s17] =	ssyncadd.s32 $0xFFFFF800  }
0x2d: {  	[spmem:s11] =	stream.linear.scatter [tilespmem:s16], [sflag:$0x5], $0x800, $0x38;
	[tilespmem:$0x9800] =	vst v63  }
0x2e: {  	_ =	swait.ge [sflag:s17], $0x800  }
0x2f: {  	[sflag:s17] =	ssyncset.done $0x0  }
0x30: {  	[sflag:s17] =	ssyncadd.s32 $0xFFFFF800  }
0x31: {  	_ =	swait.ge [sflag:s18], $0x1400  }
0x32: {  	[sflag:s18] =	ssyncset.done $0x0  }
0x33: {  	[sflag:s18] =	ssyncadd.s32 $0xFFFFEC00  }
0x34: {  	_ =	swait.ge [sflag:s19], $0x1400  }
0x35: {  	[sflag:s19] =	ssyncset.done $0x0  }
0x36: {  	[sflag:s19] =	ssyncadd.s32 $0xFFFFEC00  }
0x37: {  	[bflag:$0x0] =	sbarrier.arrive $0xFFFF  }
0x38: {  	[tilespmem:s21], [sflag:$0x3] =	stream.indirect.gather [hbm4b:s4+s20], $0x10, s14, s20, $0xb8;
	[tilespmem:$0x9800] =	vst v63  }
0x39: {  	s0 =	simm.s32 $0x2880  }
0x3a: {  	[tilespmem:s23], [sflag:$0x3] =	stream.indirect.gather [hbm4b:s4+s20], $0x10, s0, s20, $0xb8;
	[tilespmem:$0x9800] =	vst v63  }
0x3b: {  	s3 =	simm.s32 $0x2900  }
0x3c: {  	[tilespmem:s25], [sflag:$0x3] =	stream.indirect.gather [hbm4b:s4+s20], $0x10, s3, s20, $0xb8;
	[tilespmem:$0x9800] =	vst v63  }
0x3d: {  	s3 =	simm.s32 $0x2980  }
0x3e: {  	[tilespmem:s28], [sflag:$0x3] =	stream.indirect.gather [hbm4b:s4+s20], $0x10, s3, s20, $0xb8;
	[tilespmem:$0x9800] =	vst v63  }
0x3f: {  	s3 =	simm.s32 $0x2A00  }
0x40: {  	[tilespmem:s30], [sflag:$0x3] =	stream.indirect.gather [hbm4b:s4+s20], $0x10, s3, s20, $0xb8;
	[tilespmem:$0x9800] =	vst v63  }
0x41: {  	s3 =	simm.s32 $0x2A80  }
0x42: {  	[tilespmem:s1], [sflag:$0x3] =	stream.indirect.gather [hbm4b:s4+s20], $0x10, s3, s20, $0xb8;
	[tilespmem:$0x9800] =	vst v63  }
0x43: {  	s3 =	simm.s32 $0x2B00  }
0x44: {  	[tilespmem:s24], [sflag:$0x3] =	stream.indirect.gather [hbm4b:s4+s20], $0x10, s3, s20, $0xb8;
	[tilespmem:$0x9800] =	vst v63  }
0x45: {  	s3 =	simm.s32 $0x2B80  }
0x46: {  	[tilespmem:s29], [sflag:$0x3] =	stream.indirect.gather [hbm4b:s4+s20], $0x10, s3, s20, $0xb8;
	[tilespmem:$0x9800] =	vst v63  }
0x47: {  	_ =	swait.ge [sflag:s31], $0x800  }
0x48: {  	[sflag:s31] =	ssyncset.done $0x0  }
0x49: {  	[sflag:s31] =	ssyncadd.s32 $0xFFFFF800  }
0x4a: {  	_ =	swait.ge [sflag:s31], $0x800  }
0x4b: {  	[sflag:s31] =	ssyncset.done $0x0  }
0x4c: {  	[sflag:s31] =	ssyncadd.s32 $0xFFFFF800  }
0x4d: {  	_ =	swait.ge [sflag:s31], $0x800  }
0x4e: {  	[sflag:s31] =	ssyncset.done $0x0  }
0x4f: {  	[sflag:s31] =	ssyncadd.s32 $0xFFFFF800  }
0x50: {  	_ =	swait.ge [sflag:s31], $0x800  }
0x51: {  	[sflag:s31] =	ssyncset.done $0x0  }
0x52: {  	[sflag:s31] =	ssyncadd.s32 $0xFFFFF800  }
0x53: {  	_ =	swait.ge [sflag:s31], $0x800  }
0x54: {  	[sflag:s31] =	ssyncset.done $0x0  }
0x55: {  	[sflag:s31] =	ssyncadd.s32 $0xFFFFF800  }
0x56: {  	_ =	swait.ge [sflag:s31], $0x800  }
0x57: {  	[sflag:s31] =	ssyncset.done $0x0  }
0x58: {  	[sflag:s31] =	ssyncadd.s32 $0xFFFFF800  }
0x59: {  	_ =	swait.ge [sflag:s31], $0x800  }
0x5a: {  	[sflag:s31] =	ssyncset.done $0x0  }
0x5b: {  	[sflag:s31] =	ssyncadd.s32 $0xFFFFF800  }
0x5c: {  	_ =	swait.ge [sflag:s31], $0x800  }
0x5d: {  	[sflag:s31] =	ssyncset.done $0x0  }
0x5e: {  	[sflag:s31] =	ssyncadd.s32 $0xFFFFF800  }
0x5f: {  	[spmem:s2] =	stream.indirect.scatter.add.f32 [tilespmem:s21], [sflag:$0x4], $0x10, s15, s20, $0xb8;
	[tilespmem:$0x9800] =	vst v63  }
0x60: {  	s3 =	simm.s32 $0x3C80  }
0x61: {  	[spmem:s2] =	stream.indirect.scatter.add.f32 [tilespmem:s23], [sflag:$0x4], $0x10, s3, s20, $0xb8;
	[tilespmem:$0x9800] =	vst v63  }
0x62: {  	s3 =	simm.s32 $0x3D00  }
0x63: {  	[spmem:s2] =	stream.indirect.scatter.add.f32 [tilespmem:s25], [sflag:$0x4], $0x10, s3, s20, $0xb8;
	[tilespmem:$0x9800] =	vst v63  }
0x64: {  	s3 =	simm.s32 $0x3D80  }
0x65: {  	[spmem:s2] =	stream.indirect.scatter.add.f32 [tilespmem:s28], [sflag:$0x4], $0x10, s3, s20, $0xb8;
	[tilespmem:$0x9800] =	vst v63  }
0x66: {  	_ =	swait.ge [sflag:s22], $0x800  }
0x67: {  	[sflag:s22] =	ssyncset.done $0x0  }
0x68: {  	[sflag:s22] =	ssyncadd.s32 $0xFFFFF800  }
0x69: {  	_ =	swait.ge [sflag:s22], $0x800  }
0x6a: {  	[sflag:s22] =	ssyncset.done $0x0  }
0x6b: {  	[sflag:s22] =	ssyncadd.s32 $0xFFFFF800  }
0x6c: {  	_ =	swait.ge [sflag:s22], $0x800  }
0x6d: {  	[sflag:s22] =	ssyncset.done $0x0  }
0x6e: {  	[sflag:s22] =	ssyncadd.s32 $0xFFFFF800  }
0x6f: {  	_ =	swait.ge [sflag:s22], $0x800  }
0x70: {  	[sflag:s22] =	ssyncset.done $0x0  }
0x71: {  	s3 =	simm.s32 $0x3E00;
	[sflag:s22] =	ssyncadd.s32 $0xFFFFF800  }
0x72: {  	[spmem:s2] =	stream.indirect.scatter.add.f32 [tilespmem:s30], [sflag:$0x4], $0x10, s3, s20, $0xb8;
	[tilespmem:$0x9800] =	vst v63  }
0x73: {  	s3 =	simm.s32 $0x3E80  }
0x74: {  	[spmem:s2] =	stream.indirect.scatter.add.f32 [tilespmem:s1], [sflag:$0x4], $0x10, s3, s20, $0xb8;
	[tilespmem:$0x9800] =	vst v63  }
0x75: {  	s3 =	simm.s32 $0x3F00  }
0x76: {  	[spmem:s2] =	stream.indirect.scatter.add.f32 [tilespmem:s24], [sflag:$0x4], $0x10, s3, s20, $0xb8;
	[tilespmem:$0x9800] =	vst v63  }
0x77: {  	s3 =	simm.s32 $0x3F80  }
0x78: {  	[spmem:s2] =	stream.indirect.scatter.add.f32 [tilespmem:s29], [sflag:$0x4], $0x10, s3, s20, $0xb8;
	[tilespmem:$0x9800] =	vst v63  }
0x79: {  	_ =	swait.ge [sflag:s22], $0x800  }
0x7a: {  	[sflag:s22] =	ssyncset.done $0x0  }
0x7b: {  	[sflag:s22] =	ssyncadd.s32 $0xFFFFF800  }
0x7c: {  	_ =	swait.ge [sflag:s22], $0x800  }
0x7d: {  	[sflag:s22] =	ssyncset.done $0x0  }
0x7e: {  	[sflag:s22] =	ssyncadd.s32 $0xFFFFF800  }
0x7f: {  	_ =	swait.ge [sflag:s22], $0x800  }
0x80: {  	[sflag:s22] =	ssyncset.done $0x0  }
0x81: {  	[sflag:s22] =	ssyncadd.s32 $0xFFFFF800  }
0x82: {  	_ =	swait.ge [sflag:s22], $0x800  }
0x83: {  	[sflag:s22] =	ssyncset.done $0x0  }
0x84: {  	s3 =	simm.s32 $0x2C00;
	[sflag:s22] =	ssyncadd.s32 $0xFFFFF800  }
0x85: {  	[tilespmem:s21], [sflag:$0x3] =	stream.indirect.gather [hbm4b:s4+s20], $0x10, s3, s20, $0xb8;
	[tilespmem:$0x9800] =	vst v63  }
0x86: {  	s3 =	simm.s32 $0x2C80  }
0x87: {  	[tilespmem:s23], [sflag:$0x3] =	stream.indirect.gather [hbm4b:s4+s20], $0x10, s3, s20, $0xb8;
	[tilespmem:$0x9800] =	vst v63  }
0x88: {  	s3 =	simm.s32 $0x2D00  }
0x89: {  	[tilespmem:s25], [sflag:$0x3] =	stream.indirect.gather [hbm4b:s4+s20], $0x10, s3, s20, $0xb8;
	[tilespmem:$0x9800] =	vst v63  }
0x8a: {  	s3 =	simm.s32 $0x2D80  }
0x8b: {  	[tilespmem:s28], [sflag:$0x3] =	stream.indirect.gather [hbm4b:s4+s20], $0x10, s3, s20, $0xb8;
	[tilespmem:$0x9800] =	vst v63  }
0x8c: {  	s3 =	simm.s32 $0x2E00  }
0x8d: {  	[tilespmem:s30], [sflag:$0x3] =	stream.indirect.gather [hbm4b:s4+s20], $0x10, s3, s20, $0xb8;
	[tilespmem:$0x9800] =	vst v63  }
0x8e: {  	s3 =	simm.s32 $0x2E80  }
0x8f: {  	[tilespmem:s1], [sflag:$0x3] =	stream.indirect.gather [hbm4b:s4+s20], $0x10, s3, s20, $0xb8;
	[tilespmem:$0x9800] =	vst v63  }
0x90: {  	s3 =	simm.s32 $0x2F00  }
0x91: {  	[tilespmem:s24], [sflag:$0x3] =	stream.indirect.gather [hbm4b:s4+s20], $0x10, s3, s20, $0xb8;
	[tilespmem:$0x9800] =	vst v63  }
0x92: {  	s3 =	simm.s32 $0x2F80  }
0x93: {  	[tilespmem:s29], [sflag:$0x3] =	stream.indirect.gather [hbm4b:s4+s20], $0x10, s3, s20, $0xb8;
	[tilespmem:$0x9800] =	vst v63  }
0x94: {  	_ =	swait.ge [sflag:s31], $0x800  }
0x95: {  	[sflag:s31] =	ssyncset.done $0x0  }
0x96: {  	[sflag:s31] =	ssyncadd.s32 $0xFFFFF800  }
0x97: {  	_ =	swait.ge [sflag:s31], $0x800  }
0x98: {  	[sflag:s31] =	ssyncset.done $0x0  }
0x99: {  	[sflag:s31] =	ssyncadd.s32 $0xFFFFF800  }
0x9a: {  	_ =	swait.ge [sflag:s31], $0x800  }
0x9b: {  	[sflag:s31] =	ssyncset.done $0x0  }
0x9c: {  	[sflag:s31] =	ssyncadd.s32 $0xFFFFF800  }
0x9d: {  	_ =	swait.ge [sflag:s31], $0x800  }
0x9e: {  	[sflag:s31] =	ssyncset.done $0x0  }
0x9f: {  	[sflag:s31] =	ssyncadd.s32 $0xFFFFF800  }
0xa0: {  	_ =	swait.ge [sflag:s31], $0x800  }
0xa1: {  	[sflag:s31] =	ssyncset.done $0x0  }
0xa2: {  	[sflag:s31] =	ssyncadd.s32 $0xFFFFF800  }
0xa3: {  	_ =	swait.ge [sflag:s31], $0x800  }
0xa4: {  	[sflag:s31] =	ssyncset.done $0x0  }
0xa5: {  	[sflag:s31] =	ssyncadd.s32 $0xFFFFF800  }
0xa6: {  	_ =	swait.ge [sflag:s31], $0x800  }
0xa7: {  	[sflag:s31] =	ssyncset.done $0x0  }
0xa8: {  	[sflag:s31] =	ssyncadd.s32 $0xFFFFF800  }
0xa9: {  	_ =	swait.ge [sflag:s31], $0x800  }
0xaa: {  	[sflag:s31] =	ssyncset.done $0x0  }
0xab: {  	s3 =	simm.s32 $0x4000;
	[sflag:s31] =	ssyncadd.s32 $0xFFFFF800  }
0xac: {  	[spmem:s2] =	stream.indirect.scatter.add.f32 [tilespmem:s21], [sflag:$0x4], $0x10, s3, s20, $0xb8;
	[tilespmem:$0x9800] =	vst v63  }
0xad: {  	s3 =	simm.s32 $0x4080  }
0xae: {  	[spmem:s2] =	stream.indirect.scatter.add.f32 [tilespmem:s23], [sflag:$0x4], $0x10, s3, s20, $0xb8;
	[tilespmem:$0x9800] =	vst v63  }
0xaf: {  	s3 =	simm.s32 $0x4100  }
0xb0: {  	[spmem:s2] =	stream.indirect.scatter.add.f32 [tilespmem:s25], [sflag:$0x4], $0x10, s3, s20, $0xb8;
	[tilespmem:$0x9800] =	vst v63  }
0xb1: {  	s3 =	simm.s32 $0x4180  }
0xb2: {  	[spmem:s2] =	stream.indirect.scatter.add.f32 [tilespmem:s28], [sflag:$0x4], $0x10, s3, s20, $0xb8;
	[tilespmem:$0x9800] =	vst v63  }
0xb3: {  	_ =	swait.ge [sflag:s22], $0x800  }
0xb4: {  	[sflag:s22] =	ssyncset.done $0x0  }
0xb5: {  	[sflag:s22] =	ssyncadd.s32 $0xFFFFF800  }
0xb6: {  	_ =	swait.ge [sflag:s22], $0x800  }
0xb7: {  	[sflag:s22] =	ssyncset.done $0x0  }
0xb8: {  	[sflag:s22] =	ssyncadd.s32 $0xFFFFF800  }
0xb9: {  	_ =	swait.ge [sflag:s22], $0x800  }
0xba: {  	[sflag:s22] =	ssyncset.done $0x0  }
0xbb: {  	[sflag:s22] =	ssyncadd.s32 $0xFFFFF800  }
0xbc: {  	_ =	swait.ge [sflag:s22], $0x800  }
0xbd: {  	[sflag:s22] =	ssyncset.done $0x0  }
0xbe: {  	s3 =	simm.s32 $0x4200;
	[sflag:s22] =	ssyncadd.s32 $0xFFFFF800  }
0xbf: {  	[spmem:s2] =	stream.indirect.scatter.add.f32 [tilespmem:s30], [sflag:$0x4], $0x10, s3, s20, $0xb8;
	[tilespmem:$0x9800] =	vst v63  }
0xc0: {  	s3 =	simm.s32 $0x4280  }
0xc1: {  	[spmem:s2] =	stream.indirect.scatter.add.f32 [tilespmem:s1], [sflag:$0x4], $0x10, s3, s20, $0xb8;
	[tilespmem:$0x9800] =	vst v63  }
0xc2: {  	s3 =	simm.s32 $0x4300  }
0xc3: {  	[spmem:s2] =	stream.indirect.scatter.add.f32 [tilespmem:s24], [sflag:$0x4], $0x10, s3, s20, $0xb8;
	[tilespmem:$0x9800] =	vst v63  }
0xc4: {  	s3 =	simm.s32 $0x4380  }
0xc5: {  	[spmem:s2] =	stream.indirect.scatter.add.f32 [tilespmem:s29], [sflag:$0x4], $0x10, s3, s20, $0xb8;
	[tilespmem:$0x9800] =	vst v63  }
0xc6: {  	_ =	swait.ge [sflag:s22], $0x800  }
0xc7: {  	[sflag:s22] =	ssyncset.done $0x0  }
0xc8: {  	[sflag:s22] =	ssyncadd.s32 $0xFFFFF800  }
0xc9: {  	_ =	swait.ge [sflag:s22], $0x800  }
0xca: {  	[sflag:s22] =	ssyncset.done $0x0  }
0xcb: {  	[sflag:s22] =	ssyncadd.s32 $0xFFFFF800  }
0xcc: {  	_ =	swait.ge [sflag:s22], $0x800  }
0xcd: {  	[sflag:s22] =	ssyncset.done $0x0  }
0xce: {  	[sflag:s22] =	ssyncadd.s32 $0xFFFFF800  }
0xcf: {  	_ =	swait.ge [sflag:s22], $0x800  }
0xd0: {  	[sflag:s22] =	ssyncset.done $0x0  }
0xd1: {  	s3 =	simm.s32 $0x3000;
	[sflag:s22] =	ssyncadd.s32 $0xFFFFF800  }
0xd2: {  	[tilespmem:s21], [sflag:$0x3] =	stream.indirect.gather [hbm4b:s4+s20], $0x10, s3, s20, $0xb8;
	[tilespmem:$0x9800] =	vst v63  }
0xd3: {  	s3 =	simm.s32 $0x3080  }
0xd4: {  	[tilespmem:s23], [sflag:$0x3] =	stream.indirect.gather [hbm4b:s4+s20], $0x10, s3, s20, $0xb8;
	[tilespmem:$0x9800] =	vst v63  }
0xd5: {  	s3 =	simm.s32 $0x3100  }
0xd6: {  	[tilespmem:s25], [sflag:$0x3] =	stream.indirect.gather [hbm4b:s4+s20], $0x10, s3, s20, $0xb8;
	[tilespmem:$0x9800] =	vst v63  }
0xd7: {  	s3 =	simm.s32 $0x3180  }
0xd8: {  	[tilespmem:s28], [sflag:$0x3] =	stream.indirect.gather [hbm4b:s4+s20], $0x10, s3, s20, $0xb8;
	[tilespmem:$0x9800] =	vst v63  }
0xd9: {  	s3 =	simm.s32 $0x3200  }
0xda: {  	[tilespmem:s30], [sflag:$0x3] =	stream.indirect.gather [hbm4b:s4+s20], $0x10, s3, s20, $0xb8;
	[tilespmem:$0x9800] =	vst v63  }
0xdb: {  	s3 =	simm.s32 $0x3280  }
0xdc: {  	[tilespmem:s1], [sflag:$0x3] =	stream.indirect.gather [hbm4b:s4+s20], $0x10, s3, s20, $0xb8;
	[tilespmem:$0x9800] =	vst v63  }
0xdd: {  	s3 =	simm.s32 $0x3300  }
0xde: {  	[tilespmem:s24], [sflag:$0x3] =	stream.indirect.gather [hbm4b:s4+s20], $0x10, s3, s20, $0xb8;
	[tilespmem:$0x9800] =	vst v63  }
0xdf: {  	s3 =	simm.s32 $0x3380  }
0xe0: {  	[tilespmem:s29], [sflag:$0x3] =	stream.indirect.gather [hbm4b:s4+s20], $0x10, s3, s20, $0xb8;
	[tilespmem:$0x9800] =	vst v63  }
0xe1: {  	_ =	swait.ge [sflag:s31], $0x800  }
0xe2: {  	[sflag:s31] =	ssyncset.done $0x0  }
0xe3: {  	[sflag:s31] =	ssyncadd.s32 $0xFFFFF800  }
0xe4: {  	_ =	swait.ge [sflag:s31], $0x800  }
0xe5: {  	[sflag:s31] =	ssyncset.done $0x0  }
0xe6: {  	[sflag:s31] =	ssyncadd.s32 $0xFFFFF800  }
0xe7: {  	_ =	swait.ge [sflag:s31], $0x800  }
0xe8: {  	[sflag:s31] =	ssyncset.done $0x0  }
0xe9: {  	[sflag:s31] =	ssyncadd.s32 $0xFFFFF800  }
0xea: {  	_ =	swait.ge [sflag:s31], $0x800  }
0xeb: {  	[sflag:s31] =	ssyncset.done $0x0  }
0xec: {  	[sflag:s31] =	ssyncadd.s32 $0xFFFFF800  }
0xed: {  	_ =	swait.ge [sflag:s31], $0x800  }
0xee: {  	[sflag:s31] =	ssyncset.done $0x0  }
0xef: {  	[sflag:s31] =	ssyncadd.s32 $0xFFFFF800  }
0xf0: {  	_ =	swait.ge [sflag:s31], $0x800  }
0xf1: {  	[sflag:s31] =	ssyncset.done $0x0  }
0xf2: {  	[sflag:s31] =	ssyncadd.s32 $0xFFFFF800  }
0xf3: {  	_ =	swait.ge [sflag:s31], $0x800  }
0xf4: {  	[sflag:s31] =	ssyncset.done $0x0  }
0xf5: {  	[sflag:s31] =	ssyncadd.s32 $0xFFFFF800  }
0xf6: {  	_ =	swait.ge [sflag:s31], $0x800  }
0xf7: {  	[sflag:s31] =	ssyncset.done $0x0  }
0xf8: {  	s3 =	simm.s32 $0x4400;
	[sflag:s31] =	ssyncadd.s32 $0xFFFFF800  }
0xf9: {  	[spmem:s2] =	stream.indirect.scatter.add.f32 [tilespmem:s21], [sflag:$0x4], $0x10, s3, s20, $0xb8;
	[tilespmem:$0x9800] =	vst v63  }
0xfa: {  	s3 =	simm.s32 $0x4480  }
0xfb: {  	[spmem:s2] =	stream.indirect.scatter.add.f32 [tilespmem:s23], [sflag:$0x4], $0x10, s3, s20, $0xb8;
	[tilespmem:$0x9800] =	vst v63  }
0xfc: {  	s3 =	simm.s32 $0x4500  }
0xfd: {  	[spmem:s2] =	stream.indirect.scatter.add.f32 [tilespmem:s25], [sflag:$0x4], $0x10, s3, s20, $0xb8;
	[tilespmem:$0x9800] =	vst v63  }
0xfe: {  	s3 =	simm.s32 $0x4580  }
0xff: {  	[spmem:s2] =	stream.indirect.scatter.add.f32 [tilespmem:s28], [sflag:$0x4], $0x10, s3, s20, $0xb8;
	[tilespmem:$0x9800] =	vst v63  }
0x100: {  	_ =	swait.ge [sflag:s22], $0x800  }
0x101: {  	[sflag:s22] =	ssyncset.done $0x0  }
0x102: {  	[sflag:s22] =	ssyncadd.s32 $0xFFFFF800  }
0x103: {  	_ =	swait.ge [sflag:s22], $0x800  }
0x104: {  	[sflag:s22] =	ssyncset.done $0x0  }
0x105: {  	[sflag:s22] =	ssyncadd.s32 $0xFFFFF800  }
0x106: {  	_ =	swait.ge [sflag:s22], $0x800  }
0x107: {  	[sflag:s22] =	ssyncset.done $0x0  }
0x108: {  	[sflag:s22] =	ssyncadd.s32 $0xFFFFF800  }
0x109: {  	_ =	swait.ge [sflag:s22], $0x800  }
0x10a: {  	[sflag:s22] =	ssyncset.done $0x0  }
0x10b: {  	s3 =	simm.s32 $0x4600;
	[sflag:s22] =	ssyncadd.s32 $0xFFFFF800  }
0x10c: {  	[spmem:s2] =	stream.indirect.scatter.add.f32 [tilespmem:s30], [sflag:$0x4], $0x10, s3, s20, $0xb8;
	[tilespmem:$0x9800] =	vst v63  }
0x10d: {  	s3 =	simm.s32 $0x4680  }
0x10e: {  	[spmem:s2] =	stream.indirect.scatter.add.f32 [tilespmem:s1], [sflag:$0x4], $0x10, s3, s20, $0xb8;
	[tilespmem:$0x9800] =	vst v63  }
0x10f: {  	s3 =	simm.s32 $0x4700  }
0x110: {  	[spmem:s2] =	stream.indirect.scatter.add.f32 [tilespmem:s24], [sflag:$0x4], $0x10, s3, s20, $0xb8;
	[tilespmem:$0x9800] =	vst v63  }
0x111: {  	s3 =	simm.s32 $0x4780  }
0x112: {  	[spmem:s2] =	stream.indirect.scatter.add.f32 [tilespmem:s29], [sflag:$0x4], $0x10, s3, s20, $0xb8;
	[tilespmem:$0x9800] =	vst v63  }
0x113: {  	_ =	swait.ge [sflag:s22], $0x800  }
0x114: {  	[sflag:s22] =	ssyncset.done $0x0  }
0x115: {  	[sflag:s22] =	ssyncadd.s32 $0xFFFFF800  }
0x116: {  	_ =	swait.ge [sflag:s22], $0x800  }
0x117: {  	[sflag:s22] =	ssyncset.done $0x0  }
0x118: {  	[sflag:s22] =	ssyncadd.s32 $0xFFFFF800  }
0x119: {  	_ =	swait.ge [sflag:s22], $0x800  }
0x11a: {  	[sflag:s22] =	ssyncset.done $0x0  }
0x11b: {  	[sflag:s22] =	ssyncadd.s32 $0xFFFFF800  }
0x11c: {  	_ =	swait.ge [sflag:s22], $0x800  }
0x11d: {  	[sflag:s22] =	ssyncset.done $0x0  }
0x11e: {  	s3 =	simm.s32 $0x3400;
	[sflag:s22] =	ssyncadd.s32 $0xFFFFF800  }
0x11f: {  	[tilespmem:s21], [sflag:$0x3] =	stream.indirect.gather [hbm4b:s4+s20], $0x10, s3, s20, $0xb8;
	[tilespmem:$0x9800] =	vst v63  }
0x120: {  	s3 =	simm.s32 $0x3480  }
0x121: {  	[tilespmem:s23], [sflag:$0x3] =	stream.indirect.gather [hbm4b:s4+s20], $0x10, s3, s20, $0xb8;
	[tilespmem:$0x9800] =	vst v63  }
0x122: {  	s3 =	simm.s32 $0x3500  }
0x123: {  	[tilespmem:s25], [sflag:$0x3] =	stream.indirect.gather [hbm4b:s4+s20], $0x10, s3, s20, $0xb8;
	[tilespmem:$0x9800] =	vst v63  }
0x124: {  	s3 =	simm.s32 $0x3580  }
0x125: {  	[tilespmem:s28], [sflag:$0x3] =	stream.indirect.gather [hbm4b:s4+s20], $0x10, s3, s20, $0xb8;
	[tilespmem:$0x9800] =	vst v63  }
0x126: {  	s3 =	simm.s32 $0x3600  }
0x127: {  	[tilespmem:s30], [sflag:$0x3] =	stream.indirect.gather [hbm4b:s4+s20], $0x10, s3, s20, $0xb8;
	[tilespmem:$0x9800] =	vst v63  }
0x128: {  	s3 =	simm.s32 $0x3680  }
0x129: {  	[tilespmem:s1], [sflag:$0x3] =	stream.indirect.gather [hbm4b:s4+s20], $0x10, s3, s20, $0xb8;
	[tilespmem:$0x9800] =	vst v63  }
0x12a: {  	s3 =	simm.s32 $0x3700  }
0x12b: {  	[tilespmem:s24], [sflag:$0x3] =	stream.indirect.gather [hbm4b:s4+s20], $0x10, s3, s20, $0xb8;
	[tilespmem:$0x9800] =	vst v63  }
0x12c: {  	s3 =	simm.s32 $0x3780  }
0x12d: {  	[tilespmem:s29], [sflag:$0x3] =	stream.indirect.gather [hbm4b:s4+s20], $0x10, s3, s20, $0xb8;
	[tilespmem:$0x9800] =	vst v63  }
0x12e: {  	_ =	swait.ge [sflag:s31], $0x800  }
0x12f: {  	[sflag:s31] =	ssyncset.done $0x0  }
0x130: {  	[sflag:s31] =	ssyncadd.s32 $0xFFFFF800  }
0x131: {  	_ =	swait.ge [sflag:s31], $0x800  }
0x132: {  	[sflag:s31] =	ssyncset.done $0x0  }
0x133: {  	[sflag:s31] =	ssyncadd.s32 $0xFFFFF800  }
0x134: {  	_ =	swait.ge [sflag:s31], $0x800  }
0x135: {  	[sflag:s31] =	ssyncset.done $0x0  }
0x136: {  	[sflag:s31] =	ssyncadd.s32 $0xFFFFF800  }
0x137: {  	_ =	swait.ge [sflag:s31], $0x800  }
0x138: {  	[sflag:s31] =	ssyncset.done $0x0  }
0x139: {  	[sflag:s31] =	ssyncadd.s32 $0xFFFFF800  }
0x13a: {  	_ =	swait.ge [sflag:s31], $0x800  }
0x13b: {  	[sflag:s31] =	ssyncset.done $0x0  }
0x13c: {  	[sflag:s31] =	ssyncadd.s32 $0xFFFFF800  }
0x13d: {  	_ =	swait.ge [sflag:s31], $0x800  }
0x13e: {  	[sflag:s31] =	ssyncset.done $0x0  }
0x13f: {  	[sflag:s31] =	ssyncadd.s32 $0xFFFFF800  }
0x140: {  	_ =	swait.ge [sflag:s31], $0x800  }
0x141: {  	[sflag:s31] =	ssyncset.done $0x0  }
0x142: {  	[sflag:s31] =	ssyncadd.s32 $0xFFFFF800  }
0x143: {  	_ =	swait.ge [sflag:s31], $0x800  }
0x144: {  	[sflag:s31] =	ssyncset.done $0x0  }
0x145: {  	s3 =	simm.s32 $0x4800;
	[sflag:s31] =	ssyncadd.s32 $0xFFFFF800  }
0x146: {  	[spmem:s2] =	stream.indirect.scatter.add.f32 [tilespmem:s21], [sflag:$0x4], $0x10, s3, s20, $0xb8;
	[tilespmem:$0x9800] =	vst v63  }
0x147: {  	s3 =	simm.s32 $0x4880  }
0x148: {  	[spmem:s2] =	stream.indirect.scatter.add.f32 [tilespmem:s23], [sflag:$0x4], $0x10, s3, s20, $0xb8;
	[tilespmem:$0x9800] =	vst v63  }
0x149: {  	s3 =	simm.s32 $0x4900  }
0x14a: {  	[spmem:s2] =	stream.indirect.scatter.add.f32 [tilespmem:s25], [sflag:$0x4], $0x10, s3, s20, $0xb8;
	[tilespmem:$0x9800] =	vst v63  }
0x14b: {  	s3 =	simm.s32 $0x4980  }
0x14c: {  	[spmem:s2] =	stream.indirect.scatter.add.f32 [tilespmem:s28], [sflag:$0x4], $0x10, s3, s20, $0xb8;
	[tilespmem:$0x9800] =	vst v63  }
0x14d: {  	_ =	swait.ge [sflag:s22], $0x800  }
0x14e: {  	[sflag:s22] =	ssyncset.done $0x0  }
0x14f: {  	[sflag:s22] =	ssyncadd.s32 $0xFFFFF800  }
0x150: {  	_ =	swait.ge [sflag:s22], $0x800  }
0x151: {  	[sflag:s22] =	ssyncset.done $0x0  }
0x152: {  	[sflag:s22] =	ssyncadd.s32 $0xFFFFF800  }
0x153: {  	_ =	swait.ge [sflag:s22], $0x800  }
0x154: {  	[sflag:s22] =	ssyncset.done $0x0  }
0x155: {  	[sflag:s22] =	ssyncadd.s32 $0xFFFFF800  }
0x156: {  	_ =	swait.ge [sflag:s22], $0x800  }
0x157: {  	[sflag:s22] =	ssyncset.done $0x0  }
0x158: {  	s3 =	simm.s32 $0x4A00;
	[sflag:s22] =	ssyncadd.s32 $0xFFFFF800  }
0x159: {  	[spmem:s2] =	stream.indirect.scatter.add.f32 [tilespmem:s30], [sflag:$0x4], $0x10, s3, s20, $0xb8;
	[tilespmem:$0x9800] =	vst v63  }
0x15a: {  	s3 =	simm.s32 $0x4A80  }
0x15b: {  	[spmem:s2] =	stream.indirect.scatter.add.f32 [tilespmem:s1], [sflag:$0x4], $0x10, s3, s20, $0xb8;
	[tilespmem:$0x9800] =	vst v63  }
0x15c: {  	s3 =	simm.s32 $0x4B00  }
0x15d: {  	[spmem:s2] =	stream.indirect.scatter.add.f32 [tilespmem:s24], [sflag:$0x4], $0x10, s3, s20, $0xb8;
	[tilespmem:$0x9800] =	vst v63  }
0x15e: {  	s3 =	simm.s32 $0x4B80  }
0x15f: {  	[spmem:s2] =	stream.indirect.scatter.add.f32 [tilespmem:s29], [sflag:$0x4], $0x10, s3, s20, $0xb8;
	[tilespmem:$0x9800] =	vst v63  }
0x160: {  	_ =	swait.ge [sflag:s22], $0x800  }
0x161: {  	[sflag:s22] =	ssyncset.done $0x0  }
0x162: {  	[sflag:s22] =	ssyncadd.s32 $0xFFFFF800  }
0x163: {  	_ =	swait.ge [sflag:s22], $0x800  }
0x164: {  	[sflag:s22] =	ssyncset.done $0x0  }
0x165: {  	[sflag:s22] =	ssyncadd.s32 $0xFFFFF800  }
0x166: {  	_ =	swait.ge [sflag:s22], $0x800  }
0x167: {  	[sflag:s22] =	ssyncset.done $0x0  }
0x168: {  	[sflag:s22] =	ssyncadd.s32 $0xFFFFF800  }
0x169: {  	_ =	swait.ge [sflag:s22], $0x800  }
0x16a: {  	[sflag:s22] =	ssyncset.done $0x0  }
0x16b: {  	s3 =	simm.s32 $0x3800;
	[sflag:s22] =	ssyncadd.s32 $0xFFFFF800  }
0x16c: {  	[tilespmem:s21], [sflag:$0x3] =	stream.indirect.gather [hbm4b:s4+s20], $0x10, s3, s20, $0xb8;
	[tilespmem:$0x9800] =	vst v63  }
0x16d: {  	s3 =	simm.s32 $0x3880  }
0x16e: {  	[tilespmem:s23], [sflag:$0x3] =	stream.indirect.gather [hbm4b:s4+s20], $0x10, s3, s20, $0xb8;
	[tilespmem:$0x9800] =	vst v63  }
0x16f: {  	s3 =	simm.s32 $0x3900  }
0x170: {  	[tilespmem:s25], [sflag:$0x3] =	stream.indirect.gather [hbm4b:s4+s20], $0x10, s3, s20, $0xb8;
	[tilespmem:$0x9800] =	vst v63  }
0x171: {  	s3 =	simm.s32 $0x3980  }
0x172: {  	[tilespmem:s28], [sflag:$0x3] =	stream.indirect.gather [hbm4b:s4+s20], $0x10, s3, s20, $0xb8;
	[tilespmem:$0x9800] =	vst v63  }
0x173: {  	s3 =	simm.s32 $0x3A00  }
0x174: {  	[tilespmem:s30], [sflag:$0x3] =	stream.indirect.gather [hbm4b:s4+s20], $0x10, s3, s20, $0xb8;
	[tilespmem:$0x9800] =	vst v63  }
0x175: {  	s3 =	simm.s32 $0x3A80  }
0x176: {  	[tilespmem:s1], [sflag:$0x3] =	stream.indirect.gather [hbm4b:s4+s20], $0x10, s3, s20, $0xb8;
	[tilespmem:$0x9800] =	vst v63  }
0x177: {  	s3 =	simm.s32 $0x3B00  }
0x178: {  	[tilespmem:s24], [sflag:$0x3] =	stream.indirect.gather [hbm4b:s4+s20], $0x10, s3, s20, $0xb8;
	[tilespmem:$0x9800] =	vst v63  }
0x179: {  	s3 =	simm.s32 $0x3B80  }
0x17a: {  	[tilespmem:s29], [sflag:$0x3] =	stream.indirect.gather [hbm4b:s4+s20], $0x10, s3, s20, $0xb8;
	[tilespmem:$0x9800] =	vst v63  }
0x17b: {  	_ =	swait.ge [sflag:s31], $0x800  }
0x17c: {  	[sflag:s31] =	ssyncset.done $0x0  }
0x17d: {  	[sflag:s31] =	ssyncadd.s32 $0xFFFFF800  }
0x17e: {  	_ =	swait.ge [sflag:s31], $0x800  }
0x17f: {  	[sflag:s31] =	ssyncset.done $0x0  }
0x180: {  	[sflag:s31] =	ssyncadd.s32 $0xFFFFF800  }
0x181: {  	_ =	swait.ge [sflag:s31], $0x800  }
0x182: {  	[sflag:s31] =	ssyncset.done $0x0  }
0x183: {  	[sflag:s31] =	ssyncadd.s32 $0xFFFFF800  }
0x184: {  	_ =	swait.ge [sflag:s31], $0x800  }
0x185: {  	[sflag:s31] =	ssyncset.done $0x0  }
0x186: {  	[sflag:s31] =	ssyncadd.s32 $0xFFFFF800  }
0x187: {  	_ =	swait.ge [sflag:s31], $0x800  }
0x188: {  	[sflag:s31] =	ssyncset.done $0x0  }
0x189: {  	[sflag:s31] =	ssyncadd.s32 $0xFFFFF800  }
0x18a: {  	_ =	swait.ge [sflag:s31], $0x800  }
0x18b: {  	[sflag:s31] =	ssyncset.done $0x0  }
0x18c: {  	[sflag:s31] =	ssyncadd.s32 $0xFFFFF800  }
0x18d: {  	_ =	swait.ge [sflag:s31], $0x800  }
0x18e: {  	[sflag:s31] =	ssyncset.done $0x0  }
0x18f: {  	[sflag:s31] =	ssyncadd.s32 $0xFFFFF800  }
0x190: {  	_ =	swait.ge [sflag:s31], $0x800  }
0x191: {  	[sflag:s31] =	ssyncset.done $0x0  }
0x192: {  	s3 =	simm.s32 $0x4C00;
	[sflag:s31] =	ssyncadd.s32 $0xFFFFF800  }
0x193: {  	[spmem:s2] =	stream.indirect.scatter.add.f32 [tilespmem:s21], [sflag:$0x4], $0x10, s3, s20, $0xb8;
	[tilespmem:$0x9800] =	vst v63  }
0x194: {  	s3 =	simm.s32 $0x4C80  }
0x195: {  	[spmem:s2] =	stream.indirect.scatter.add.f32 [tilespmem:s23], [sflag:$0x4], $0x10, s3, s20, $0xb8;
	[tilespmem:$0x9800] =	vst v63  }
0x196: {  	s3 =	simm.s32 $0x4D00  }
0x197: {  	[spmem:s2] =	stream.indirect.scatter.add.f32 [tilespmem:s25], [sflag:$0x4], $0x10, s3, s20, $0xb8;
	[tilespmem:$0x9800] =	vst v63  }
0x198: {  	s3 =	simm.s32 $0x4D80  }
0x199: {  	[spmem:s2] =	stream.indirect.scatter.add.f32 [tilespmem:s28], [sflag:$0x4], $0x10, s3, s20, $0xb8;
	[tilespmem:$0x9800] =	vst v63  }
0x19a: {  	_ =	swait.ge [sflag:s22], $0x800  }
0x19b: {  	[sflag:s22] =	ssyncset.done $0x0  }
0x19c: {  	[sflag:s22] =	ssyncadd.s32 $0xFFFFF800  }
0x19d: {  	_ =	swait.ge [sflag:s22], $0x800  }
0x19e: {  	[sflag:s22] =	ssyncset.done $0x0  }
0x19f: {  	[sflag:s22] =	ssyncadd.s32 $0xFFFFF800  }
0x1a0: {  	_ =	swait.ge [sflag:s22], $0x800  }
0x1a1: {  	[sflag:s22] =	ssyncset.done $0x0  }
0x1a2: {  	[sflag:s22] =	ssyncadd.s32 $0xFFFFF800  }
0x1a3: {  	_ =	swait.ge [sflag:s22], $0x800  }
0x1a4: {  	[sflag:s22] =	ssyncset.done $0x0  }
0x1a5: {  	s3 =	simm.s32 $0x4E00;
	[sflag:s22] =	ssyncadd.s32 $0xFFFFF800  }
0x1a6: {  	[spmem:s2] =	stream.indirect.scatter.add.f32 [tilespmem:s30], [sflag:$0x4], $0x10, s3, s20, $0xb8;
	[tilespmem:$0x9800] =	vst v63  }
0x1a7: {  	s3 =	simm.s32 $0x4E80  }
0x1a8: {  	[spmem:s2] =	stream.indirect.scatter.add.f32 [tilespmem:s1], [sflag:$0x4], $0x10, s3, s20, $0xb8;
	[tilespmem:$0x9800] =	vst v63  }
0x1a9: {  	s3 =	simm.s32 $0x4F00  }
0x1aa: {  	[spmem:s2] =	stream.indirect.scatter.add.f32 [tilespmem:s24], [sflag:$0x4], $0x10, s3, s20, $0xb8;
	[tilespmem:$0x9800] =	vst v63  }
0x1ab: {  	s3 =	simm.s32 $0x4F80  }
0x1ac: {  	[spmem:s2] =	stream.indirect.scatter.add.f32 [tilespmem:s29], [sflag:$0x4], $0x10, s3, s20, $0xb8;
	[tilespmem:$0x9800] =	vst v63  }
0x1ad: {  	_ =	swait.ge [sflag:s22], $0x800  }
0x1ae: {  	[sflag:s22] =	ssyncset.done $0x0  }
0x1af: {  	[sflag:s22] =	ssyncadd.s32 $0xFFFFF800  }
0x1b0: {  	_ =	swait.ge [sflag:s22], $0x800  }
0x1b1: {  	[sflag:s22] =	ssyncset.done $0x0  }
0x1b2: {  	[sflag:s22] =	ssyncadd.s32 $0xFFFFF800  }
0x1b3: {  	_ =	swait.ge [sflag:s22], $0x800  }
0x1b4: {  	[sflag:s22] =	ssyncset.done $0x0  }
0x1b5: {  	[sflag:s22] =	ssyncadd.s32 $0xFFFFF800  }
0x1b6: {  	s26 =	sadd.s32 $0x1, s26;
	_ =	swait.ge [sflag:s22], $0x800  }
0x1b7: {  	p0 =	sne.s32 s26, s13;
	s3 =	stileid.u32;
	[sflag:s22] =	ssyncset.done $0x0  }
0x1b8: {  	s0 =	sshll.u32 s3, $0x6;
	s3 =	sshrl.u32 s7, $0x3;
	[sflag:s22] =	ssyncadd.s32 $0xFFFFF800  }
.Ltmp1:
0x1b9: {  	s0 =	sor.u32 $0x1C05, s0;
	[bflag:$0x0] =	sbarrier.arrive $0xFFFF;
	(pc) =	sbr.rel @p0 .LBB2_1-.Ltmp1, $4  }
0x1ba: {  	[hbm:s12], [sflag:s0] =	dma.local [spmem:s3], $0x500  }
0x1bb: {  	_ =	swait.ge [sflag:s17], $0x500  }
0x1bc: {  	[sflag:s17] =	ssyncset.done $0x0  }
0x1bd: {  	[sflag:s17] =	ssyncadd.s32 $0xFFFFFB00  }
0x1be: {  	_ =	sfence.sel $0x180000  }
0x1bf: {  	[bflag:$0x0] =	sbarrier.arrive $0xFFFF  }
0x1c0: {  	_ =	strace $0x9000004A  }
0x1c1: {  	s0 =	stileid.u32;
	[bflag:$0x2] =	sbarrier.arrive $0xFFFF  }
0x1c2: {  	p0 =	sne.s32 s0, $0x0;
	s0 =	rddreg [dreg:$0x2]  }
0x1c3: {  	s0 =	sadd.s32 @!p0 $0x100000, s0  }
0x1c4: {  	[sflag:s0] =	ssyncadd.tile.s32 @!p0 $0x1;
	_ =	shalt  }
.Lfunc_end2:
_tile_overlayer_lowered:
.L_overlay_start_2:
0x1c5: {  	(tag) =	ssettag $0x2  }
0x1c6: {  	s0 =	rddreg [dreg:$0x0];
	s2 =	stileid.u32  }
0x1c7: {  	s1 =	rddreg [dreg:$0x1];
	p0 =	sne.s32 s2, $0x0  }
0x1c8: {  	s3 =	rddreg [dreg:$0x2];
	[bflag:$0x3] =	sbarrier.arrive $0xFFFF;
	s2 =	simm.s32 @!p0 $0x1C05  }
0x1c9: {  	[timem:s3], [sflag:s2] =	dma.local @!p0 [hbm:s0], s1  }
0x1ca: {  	s0 =	simm.s32 @!p0 $0x5  }
0x1cb: {  	_ =	swait.ge @!p0 [sflag:s0], s1  }
0x1cc: {  	s1 =	ssub.s32 @!p0 $0x0, s1;
	[sflag:s0] =	ssyncset.done @!p0 $0x0  }
0x1cd: {  	[sflag:s0] =	ssyncadd.s32 @!p0 s1  }
0x1ce: {  	[bflag:$0x3] =	sbarrier.arrive $0xFFFF  }
0x1cf: {  	_ =	shalt  }

</sc_bundles>
